<compile_context>
chip_gen: v7x
topology: tpu7x:2x2x1
jax: 0.10.2.dev20260603
libtpu: 0.0.44.dev20260713+nightly
codegen_flags: <defaults>
</compile_context>

<pallas_src>
import functools

import jax
import jax.numpy as jnp
from jax import lax
from jax.experimental import pallas as pl
from jax.experimental.pallas import tpu as pltpu
from jax.experimental.pallas import tpu_sc as plsc

B, W, L, D, V = 4096, 50, 20, 32, 1000
DH = D // 2
NW = 32
WORDS = B * W
WPT = WORDS // NW
CH = 800
NCHUNK = WPT // CH
SB = 5
NBATCH = CH // SB
NBUF = 4
NMACRO = NBATCH // NBUF


def _tree_sum(vals):
    while len(vals) > 1:
        pairs = [vals[i] + vals[i + 1] for i in range(0, len(vals) - 1, 2)]
        if len(vals) % 2:
            pairs.append(vals[-1])
        vals = pairs
    return vals[0]


@functools.partial(
    pl.kernel,
    out_type=jax.ShapeDtypeStruct((WORDS * DH,), jnp.int32),
    mesh=plsc.VectorSubcoreMesh(core_axis_name="c", subcore_axis_name="s"),
    compiler_params=pltpu.CompilerParams(needs_layout_passes=False,
                                         use_tc_tiling_on_sc=False),
    scratch_types=[
        pltpu.VMEM((NBATCH, SB * L), jnp.int32),
        pltpu.VMEM((CH * DH,), jnp.int32),
    ]
    + [pltpu.VMEM((SB * L, DH), jnp.int32) for _ in range(NBUF)]
    + [pltpu.VMEM_SHARED((V, DH), jnp.int32)]
    + [pltpu.SemaphoreType.DMA for _ in range(NBUF)],
)
def _embed_sum(ids_hbm, table_hbm, out_hbm, ids_v, out_v, *bufs_and_sems):
    rows = bufs_and_sems[:NBUF]
    table_sh = bufs_and_sems[NBUF]
    sems = bufs_and_sems[NBUF + 1:]
    wid = lax.axis_index("s") * 2 + lax.axis_index("c")

    @pl.when(lax.axis_index("s") == 0)
    def _():
        pltpu.sync_copy(table_hbm, table_sh)

    plsc.subcore_barrier()

    def start(k, b):
        pltpu.async_copy(table_sh.at[ids_v.at[b]], rows[k], sems[k])

    def wait(k, b):
        pltpu.make_async_copy(table_sh.at[ids_v.at[b]], rows[k],
                              sems[k]).wait()

    def pool(k, b):
        for j in range(SB):
            acc = _tree_sum([
                plsc.bitcast(rows[k][j * L + l], jnp.bfloat16)
                for l in range(L)
            ])
            out_v[pl.ds((b * SB + j) * DH, DH)] = plsc.bitcast(acc, jnp.int32)

    def chunk_body(c, carry):
        base_word = wid * WPT + c * CH
        base_batch = pl.multiple_of(base_word // SB, 8)
        pltpu.sync_copy(ids_hbm.at[pl.ds(base_batch, NBATCH)], ids_v)
        for k in range(NBUF):
            start(k, k)

        def macro(m, carry2):
            b0 = m * NBUF
            for k in range(NBUF):
                wait(k, b0 + k)
                pool(k, b0 + k)
                start(k, b0 + k + NBUF)
            return carry2

        lax.fori_loop(0, NMACRO - 1, macro, 0)
        for k in range(NBUF):
            b = (NMACRO - 1) * NBUF + k
            wait(k, b)
            pool(k, b)
        pltpu.sync_copy(out_v, out_hbm.at[pl.ds(base_word * DH, CH * DH)])
        return carry

    lax.fori_loop(0, NCHUNK, chunk_body, 0)


def kernel(token_ids, table):
    ids = token_ids.astype(jnp.int32).reshape(-1, SB * L)
    table0 = table.at[0].set(0.0).astype(jnp.bfloat16)
    table_p = jax.lax.bitcast_convert_type(
        table0.reshape(V, DH, 2), jnp.int32)
    out = _embed_sum(ids, table_p)
    out = jax.lax.bitcast_convert_type(
        out.reshape(WORDS, DH), jnp.bfloat16)
    return out.astype(jnp.float32).reshape(B, W, D)

# --- scband reference (transcript-rebuilt; emitter-appended) ---
"""Pipeline reference for scband-character-level-word-embedding-17334488007266 (READ-ONLY COPY).

The authoritative reference and input builder live on the scoring server;
editing this copy changes nothing except your own understanding.
"""

import jax, jax.numpy as jnp
import numpy as np

NUM_EMBEDDINGS = 1000
EMBEDDING_DIM = 32
PADDING_IDX = 0


def setup_inputs(seed: int = 0) -> dict:
    key = jax.random.key(seed)
    k1, k2 = jax.random.split(key)
    token_ids = jax.random.randint(k1, (4096, 50, 20), 0, NUM_EMBEDDINGS, dtype=jnp.int64 if jax.config.jax_enable_x64 else jnp.int32)
    table = jax.random.normal(k2, (NUM_EMBEDDINGS, EMBEDDING_DIM), dtype=jnp.float32)
    return {"token_ids": token_ids, "table": table}


def reference(token_ids, table):
    # Embedding with padding_idx=0: row 0 is forced to zero (as in torch.nn.Embedding)
    table = table.at[PADDING_IDX].set(0.0)
    # gather: (B, W, L, D)
    word_vecs = jnp.take(table, token_ids, axis=0)
    # mode == 'sum': reduce over char dimension (dim=2)
    word_vecs = jnp.sum(word_vecs, axis=2)
    return word_vecs

if __name__ == "__main__":
    import jax
    _d = setup_inputs()
    print(jax.jit(kernel)(*tuple(_d.values())))

</pallas_src>

<mosaic_0001>
#map = affine_map<(d0, d1) -> (0, 0)>
#map1 = affine_map<(d0, d1) -> (0)>
module attributes {stable_mosaic.version = 14 : i64} {
  func.func @_embed_sum(%arg0: i32, %arg1: i32, %arg2: memref<40960x100xi32, #tpu.memory_space<hbm>>, %arg3: memref<1000x16xi32, #tpu.memory_space<hbm>>, %arg4: memref<3276800xi32, #tpu.memory_space<hbm>>, %arg5: memref<160x100xi32, #tpu.memory_space<vmem>>, %arg6: memref<12800xi32, #tpu.memory_space<vmem>>, %arg7: memref<100x16xi32, #tpu.memory_space<vmem>>, %arg8: memref<100x16xi32, #tpu.memory_space<vmem>>, %arg9: memref<100x16xi32, #tpu.memory_space<vmem>>, %arg10: memref<100x16xi32, #tpu.memory_space<vmem>>, %arg11: memref<1000x16xi32, #tpu.memory_space<vmem_shared>>, %arg12: memref<!tpu.dma_semaphore, #tpu.memory_space<semaphore_mem>>, %arg13: memref<!tpu.dma_semaphore, #tpu.memory_space<semaphore_mem>>, %arg14: memref<!tpu.dma_semaphore, #tpu.memory_space<semaphore_mem>>, %arg15: memref<!tpu.dma_semaphore, #tpu.memory_space<semaphore_mem>>) attributes {dimension_semantics = [#tpu.dimension_semantics<core_parallel>, #tpu.dimension_semantics<subcore_parallel>], iteration_bounds = array<i64: 2, 16>, scalar_prefetch = 0 : i64, scratch_operands = 11 : i64, tpu.core_type = #tpu.core_type<sc_vector_subcore>, window_params = [{transform_indices = #map}, {transform_indices = #map}, {transform_indices = #map1}]} {
    %mul3A = arith.constant 2 : i32
    %mul3A_0 = arith.muli %arg1, %mul3A : i32
    %add3A = arith.addi %mul3A_0, %arg0 : i32
    %eq3A = arith.constant 0 : i32
    %eq3A_1 = arith.cmpi eq, %arg1, %eq3A : i32
    %convert_element_type3A = arith.extui %eq3A_1 : i1 to i32
    %cond3A = arith.constant 0 : i32
    %cond3A_2 = arith.cmpi ne, %convert_element_type3A, %cond3A : i32
    scf.if %cond3A_2 {
      "tpu.region"() ({
        %run_scoped3A = tpu.sem_alloc : memref<!tpu.dma_semaphore, #tpu.memory_space<semaphore_mem>>
        tpu.enqueue_dma source(%arg3 : memref<1000x16xi32, #tpu.memory_space<hbm>>) target(%arg11 : memref<1000x16xi32, #tpu.memory_space<vmem_shared>>) target_semaphore(%run_scoped3A : memref<!tpu.dma_semaphore, #tpu.memory_space<semaphore_mem>>)
        tpu.wait_dma2 semaphore(%run_scoped3A : memref<!tpu.dma_semaphore, #tpu.memory_space<semaphore_mem>>) src(%arg3 : memref<1000x16xi32, #tpu.memory_space<hbm>>) dst(%arg11 : memref<1000x16xi32, #tpu.memory_space<vmem_shared>>)
        tpu.yield
      }) : () -> ()
    } else {
    }
    %barrier3A = arith.constant 0 : index
    tpu.barrier barrier_id(%barrier3A)
    %scan3A = arith.constant 0 : i32
    %scan3A_3 = arith.constant 0 : i32
    %scan3A_4 = arith.constant 8 : i32
    %scan3A_5 = arith.addi %scan3A_3, %scan3A_4 : i32
    %scan3A_6 = arith.constant 1 : i32
    scf.for %scan3A_8 = %scan3A_3 to %scan3A_5 step %scan3A_6  : i32 {
      %mul3A_9 = arith.constant 6400 : i32
      %mul3A_10 = arith.muli %add3A, %mul3A_9 : i32
      %mul3A_11 = arith.constant 800 : i32
      %mul3A_12 = arith.muli %scan3A_8, %mul3A_11 : i32
      %add3A_13 = arith.addi %mul3A_10, %mul3A_12 : i32
      %jit3A = arith.constant 5 : i32
      %div3A = arith.divsi %add3A_13, %jit3A : i32
      %sign3A = arith.constant 0 : i32
      %sign3A_14 = arith.cmpi sgt, %add3A_13, %sign3A : i32
      %sign3A_15 = arith.extui %sign3A_14 : i1 to i32
      %sign3A_16 = arith.constant 0 : i32
      %sign3A_17 = arith.cmpi slt, %add3A_13, %sign3A_16 : i32
      %sign3A_18 = arith.extui %sign3A_17 : i1 to i32
      %sign3A_19 = arith.subi %sign3A_15, %sign3A_18 : i32
      %sign3A_20 = arith.constant 0 : i32
      %sign3A_21 = arith.cmpi sgt, %jit3A, %sign3A_20 : i32
      %sign3A_22 = arith.extui %sign3A_21 : i1 to i32
      %sign3A_23 = arith.constant 0 : i32
      %sign3A_24 = arith.cmpi slt, %jit3A, %sign3A_23 : i32
      %sign3A_25 = arith.extui %sign3A_24 : i1 to i32
      %sign3A_26 = arith.subi %sign3A_22, %sign3A_25 : i32
      %ne3A = arith.cmpi ne, %sign3A_19, %sign3A_26 : i32
      %rem3A = arith.remsi %add3A_13, %jit3A : i32
      %ne3A_27 = arith.constant 0 : i32
      %ne3A_28 = arith.cmpi ne, %rem3A, %ne3A_27 : i32
      %and3A = arith.andi %ne3A, %ne3A_28 : i1
      %sub3A = arith.constant 1 : i32
      %sub3A_29 = arith.subi %div3A, %sub3A : i32
      %select_n3A = arith.select %and3A, %sub3A_29, %div3A : i32
      %multiple_of3A = tpu.assume_multiple %select_n3A, 8 : i32
      "tpu.region"() ({
        %run_scoped3A = tpu.sem_alloc : memref<!tpu.dma_semaphore, #tpu.memory_space<semaphore_mem>>
        %dma_start3A_2529 = arith.constant 0 : i32
        %dma_start3A_2530 = tpu.memref_slice %arg2[%multiple_of3A, %dma_start3A_2529] : memref<40960x100xi32, #tpu.memory_space<hbm>> -> memref<160x100xi32, #tpu.memory_space<hbm>>
        %dma_start3A_2531 = arith.constant 0 : i32
        %dma_start3A_2532 = tpu.memref_slice %arg2[%multiple_of3A, %dma_start3A_2531] : memref<40960x100xi32, #tpu.memory_space<hbm>> -> memref<160x100xi32, #tpu.memory_space<hbm>>
        tpu.enqueue_dma source(%dma_start3A_2532 : memref<160x100xi32, #tpu.memory_space<hbm>>) target(%arg5 : memref<160x100xi32, #tpu.memory_space<vmem>>) target_semaphore(%run_scoped3A : memref<!tpu.dma_semaphore, #tpu.memory_space<semaphore_mem>>)
        %dma_wait3A_2533 = arith.constant 0 : i32
        %dma_wait3A_2534 = tpu.memref_slice %arg2[%multiple_of3A, %dma_wait3A_2533] : memref<40960x100xi32, #tpu.memory_space<hbm>> -> memref<160x100xi32, #tpu.memory_space<hbm>>
        %dma_wait3A_2535 = arith.constant 0 : i32
        %dma_wait3A_2536 = tpu.memref_slice %arg2[%multiple_of3A, %dma_wait3A_2535] : memref<40960x100xi32, #tpu.memory_space<hbm>> -> memref<160x100xi32, #tpu.memory_space<hbm>>
        tpu.wait_dma2 semaphore(%run_scoped3A : memref<!tpu.dma_semaphore, #tpu.memory_space<semaphore_mem>>) src(%dma_wait3A_2536 : memref<160x100xi32, #tpu.memory_space<hbm>>) dst(%arg5 : memref<160x100xi32, #tpu.memory_space<vmem>>)
        tpu.yield
      }) : () -> ()
      %dma_start3A = arith.constant 0 : i32
      %dma_start3A_30 = arith.constant 0 : i32
      %dma_start3A_31 = tpu.memref_slice %arg5[%dma_start3A, %dma_start3A_30] : memref<160x100xi32, #tpu.memory_space<vmem>> -> memref<1x100xi32, #tpu.memory_space<vmem>>
      %dma_start3A_32 = tpu.memref_squeeze %dma_start3A_31 : memref<1x100xi32, #tpu.memory_space<vmem>> -> memref<100xi32, #tpu.memory_space<vmem>>
      %dma_start3A_33 = arith.constant 0 : i32
      %dma_start3A_34 = arith.constant 0 : i32
      %dma_start3A_35 = tpu.memref_slice %arg11[%dma_start3A_33, %dma_start3A_34] : memref<1000x16xi32, #tpu.memory_space<vmem_shared>> -> memref<1000x16xi32, #tpu.memory_space<vmem_shared>>
      tpu.enqueue_indirect_dma source(%dma_start3A_35 : memref<1000x16xi32, #tpu.memory_space<vmem_shared>>) target(%arg7 : memref<100x16xi32, #tpu.memory_space<vmem>>) offsets(%dma_start3A_32 : memref<100xi32, #tpu.memory_space<vmem>>) semaphore(%arg12 : memref<!tpu.dma_semaphore, #tpu.memory_space<semaphore_mem>>)
      %dma_start3A_36 = arith.constant 1 : i32
      %dma_start3A_37 = arith.constant 0 : i32
      %dma_start3A_38 = tpu.memref_slice %arg5[%dma_start3A_36, %dma_start3A_37] : memref<160x100xi32, #tpu.memory_space<vmem>> -> memref<1x100xi32, #tpu.memory_space<vmem>>
      %dma_start3A_39 = tpu.memref_squeeze %dma_start3A_38 : memref<1x100xi32, #tpu.memory_space<vmem>> -> memref<100xi32, #tpu.memory_space<vmem>>
      %dma_start3A_40 = arith.constant 0 : i32
      %dma_start3A_41 = arith.constant 0 : i32
      %dma_start3A_42 = tpu.memref_slice %arg11[%dma_start3A_40, %dma_start3A_41] : memref<1000x16xi32, #tpu.memory_space<vmem_shared>> -> memref<1000x16xi32, #tpu.memory_space<vmem_shared>>
      tpu.enqueue_indirect_dma source(%dma_start3A_42 : memref<1000x16xi32, #tpu.memory_space<vmem_shared>>) target(%arg8 : memref<100x16xi32, #tpu.memory_space<vmem>>) offsets(%dma_start3A_39 : memref<100xi32, #tpu.memory_space<vmem>>) semaphore(%arg13 : memref<!tpu.dma_semaphore, #tpu.memory_space<semaphore_mem>>)
      %dma_start3A_43 = arith.constant 2 : i32
      %dma_start3A_44 = arith.constant 0 : i32
      %dma_start3A_45 = tpu.memref_slice %arg5[%dma_start3A_43, %dma_start3A_44] : memref<160x100xi32, #tpu.memory_space<vmem>> -> memref<1x100xi32, #tpu.memory_space<vmem>>
      %dma_start3A_46 = tpu.memref_squeeze %dma_start3A_45 : memref<1x100xi32, #tpu.memory_space<vmem>> -> memref<100xi32, #tpu.memory_space<vmem>>
      %dma_start3A_47 = arith.constant 0 : i32
      %dma_start3A_48 = arith.constant 0 : i32
      %dma_start3A_49 = tpu.memref_slice %arg11[%dma_start3A_47, %dma_start3A_48] : memref<1000x16xi32, #tpu.memory_space<vmem_shared>> -> memref<1000x16xi32, #tpu.memory_space<vmem_shared>>
      tpu.enqueue_indirect_dma source(%dma_start3A_49 : memref<1000x16xi32, #tpu.memory_space<vmem_shared>>) target(%arg9 : memref<100x16xi32, #tpu.memory_space<vmem>>) offsets(%dma_start3A_46 : memref<100xi32, #tpu.memory_space<vmem>>) semaphore(%arg14 : memref<!tpu.dma_semaphore, #tpu.memory_space<semaphore_mem>>)
      %dma_start3A_50 = arith.constant 3 : i32
      %dma_start3A_51 = arith.constant 0 : i32
      %dma_start3A_52 = tpu.memref_slice %arg5[%dma_start3A_50, %dma_start3A_51] : memref<160x100xi32, #tpu.memory_space<vmem>> -> memref<1x100xi32, #tpu.memory_space<vmem>>
      %dma_start3A_53 = tpu.memref_squeeze %dma_start3A_52 : memref<1x100xi32, #tpu.memory_space<vmem>> -> memref<100xi32, #tpu.memory_space<vmem>>
      %dma_start3A_54 = arith.constant 0 : i32
      %dma_start3A_55 = arith.constant 0 : i32
      %dma_start3A_56 = tpu.memref_slice %arg11[%dma_start3A_54, %dma_start3A_55] : memref<1000x16xi32, #tpu.memory_space<vmem_shared>> -> memref<1000x16xi32, #tpu.memory_space<vmem_shared>>
      tpu.enqueue_indirect_dma source(%dma_start3A_56 : memref<1000x16xi32, #tpu.memory_space<vmem_shared>>) target(%arg10 : memref<100x16xi32, #tpu.memory_space<vmem>>) offsets(%dma_start3A_53 : memref<100xi32, #tpu.memory_space<vmem>>) semaphore(%arg15 : memref<!tpu.dma_semaphore, #tpu.memory_space<semaphore_mem>>)
      %scan3A_57 = arith.constant 0 : i32
      %scan3A_58 = arith.constant 0 : i32
      %scan3A_59 = arith.constant 39 : i32
      %scan3A_60 = arith.addi %scan3A_58, %scan3A_59 : i32
      %scan3A_61 = arith.constant 1 : i32
      scf.for %scan3A_2529 = %scan3A_58 to %scan3A_60 step %scan3A_61  : i32 {
        %mul3A_2530 = arith.constant 4 : i32
        %mul3A_2531 = arith.muli %scan3A_2529, %mul3A_2530 : i32
        %add3A_2532 = arith.constant 0 : i32
        %add3A_2533 = arith.addi %mul3A_2531, %add3A_2532 : i32
        %dma_wait3A_2534 = arith.constant 0 : i32
        %dma_wait3A_2535 = tpu.memref_slice %arg5[%add3A_2533, %dma_wait3A_2534] : memref<160x100xi32, #tpu.memory_space<vmem>> -> memref<1x100xi32, #tpu.memory_space<vmem>>
        %dma_wait3A_2536 = tpu.memref_squeeze %dma_wait3A_2535 : memref<1x100xi32, #tpu.memory_space<vmem>> -> memref<100xi32, #tpu.memory_space<vmem>>
        %dma_wait3A_2537 = arith.constant 0 : i32
        %dma_wait3A_2538 = arith.constant 0 : i32
        %dma_wait3A_2539 = tpu.memref_slice %arg11[%dma_wait3A_2537, %dma_wait3A_2538] : memref<1000x16xi32, #tpu.memory_space<vmem_shared>> -> memref<1000x16xi32, #tpu.memory_space<vmem_shared>>
        tpu.wait_indirect_dma semaphore(%arg12 : memref<!tpu.dma_semaphore, #tpu.memory_space<semaphore_mem>>) src(%dma_wait3A_2539 : memref<1000x16xi32, #tpu.memory_space<vmem_shared>>) dst(%arg7 : memref<100x16xi32, #tpu.memory_space<vmem>>)
        %add3A_2540 = arith.constant 0 : i32
        %add3A_2541 = arith.addi %mul3A_2531, %add3A_2540 : i32
        %get3A_2542 = arith.constant 0 : i32
        %get3A_2543 = arith.index_cast %get3A_2542 : i32 to index
        %get3A_2544 = arith.constant 0 : index
        %get3A_2545 = tpu.vector_load %arg7[%get3A_2543, %get3A_2544] {strides = array<i32>} : memref<100x16xi32, #tpu.memory_space<vmem>>, vector<16xi32>,
        %bitcast3A_2546 = vector.bitcast %get3A_2545 : vector<16xi32> to vector<32xbf16>
        %get3A_2547 = arith.constant 1 : i32
        %get3A_2548 = arith.index_cast %get3A_2547 : i32 to index
        %get3A_2549 = arith.constant 0 : index
        %get3A_2550 = tpu.vector_load %arg7[%get3A_2548, %get3A_2549] {strides = array<i32>} : memref<100x16xi32, #tpu.memory_space<vmem>>, vector<16xi32>,
        %bitcast3A_2551 = vector.bitcast %get3A_2550 : vector<16xi32> to vector<32xbf16>
        %get3A_2552 = arith.constant 2 : i32
        %get3A_2553 = arith.index_cast %get3A_2552 : i32 to index
        %get3A_2554 = arith.constant 0 : index
        %get3A_2555 = tpu.vector_load %arg7[%get3A_2553, %get3A_2554] {strides = array<i32>} : memref<100x16xi32, #tpu.memory_space<vmem>>, vector<16xi32>,
        %bitcast3A_2556 = vector.bitcast %get3A_2555 : vector<16xi32> to vector<32xbf16>
        %get3A_2557 = arith.constant 3 : i32
        %get3A_2558 = arith.index_cast %get3A_2557 : i32 to index
        %get3A_2559 = arith.constant 0 : index
        %get3A_2560 = tpu.vector_load %arg7[%get3A_2558, %get3A_2559] {strides = array<i32>} : memref<100x16xi32, #tpu.memory_space<vmem>>, vector<16xi32>,
        %bitcast3A_2561 = vector.bitcast %get3A_2560 : vector<16xi32> to vector<32xbf16>
        %get3A_2562 = arith.constant 4 : i32
        %get3A_2563 = arith.index_cast %get3A_2562 : i32 to index
        %get3A_2564 = arith.constant 0 : index
        %get3A_2565 = tpu.vector_load %arg7[%get3A_2563, %get3A_2564] {strides = array<i32>} : memref<100x16xi32, #tpu.memory_space<vmem>>, vector<16xi32>,
        %bitcast3A_2566 = vector.bitcast %get3A_2565 : vector<16xi32> to vector<32xbf16>
        %get3A_2567 = arith.constant 5 : i32
        %get3A_2568 = arith.index_cast %get3A_2567 : i32 to index
        %get3A_2569 = arith.constant 0 : index
        %get3A_2570 = tpu.vector_load %arg7[%get3A_2568, %get3A_2569] {strides = array<i32>} : memref<100x16xi32, #tpu.memory_space<vmem>>, vector<16xi32>,
        %bitcast3A_2571 = vector.bitcast %get3A_2570 : vector<16xi32> to vector<32xbf16>
        %get3A_2572 = arith.constant 6 : i32
        %get3A_2573 = arith.index_cast %get3A_2572 : i32 to index
        %get3A_2574 = arith.constant 0 : index
        %get3A_2575 = tpu.vector_load %arg7[%get3A_2573, %get3A_2574] {strides = array<i32>} : memref<100x16xi32, #tpu.memory_space<vmem>>, vector<16xi32>,
        %bitcast3A_2576 = vector.bitcast %get3A_2575 : vector<16xi32> to vector<32xbf16>
        %get3A_2577 = arith.constant 7 : i32
        %get3A_2578 = arith.index_cast %get3A_2577 : i32 to index
        %get3A_2579 = arith.constant 0 : index
        %get3A_2580 = tpu.vector_load %arg7[%get3A_2578, %get3A_2579] {strides = array<i32>} : memref<100x16xi32, #tpu.memory_space<vmem>>, vector<16xi32>,
        %bitcast3A_2581 = vector.bitcast %get3A_2580 : vector<16xi32> to vector<32xbf16>
        %get3A_2582 = arith.constant 8 : i32
        %get3A_2583 = arith.index_cast %get3A_2582 : i32 to index
        %get3A_2584 = arith.constant 0 : index
        %get3A_2585 = tpu.vector_load %arg7[%get3A_2583, %get3A_2584] {strides = array<i32>} : memref<100x16xi32, #tpu.memory_space<vmem>>, vector<16xi32>,
        %bitcast3A_2586 = vector.bitcast %get3A_2585 : vector<16xi32> to vector<32xbf16>
        %get3A_2587 = arith.constant 9 : i32
        %get3A_2588 = arith.index_cast %get3A_2587 : i32 to index
        %get3A_2589 = arith.constant 0 : index
        %get3A_2590 = tpu.vector_load %arg7[%get3A_2588, %get3A_2589] {strides = array<i32>} : memref<100x16xi32, #tpu.memory_space<vmem>>, vector<16xi32>,
        %bitcast3A_2591 = vector.bitcast %get3A_2590 : vector<16xi32> to vector<32xbf16>
        %get3A_2592 = arith.constant 10 : i32
        %get3A_2593 = arith.index_cast %get3A_2592 : i32 to index
        %get3A_2594 = arith.constant 0 : index
        %get3A_2595 = tpu.vector_load %arg7[%get3A_2593, %get3A_2594] {strides = array<i32>} : memref<100x16xi32, #tpu.memory_space<vmem>>, vector<16xi32>,
        %bitcast3A_2596 = vector.bitcast %get3A_2595 : vector<16xi32> to vector<32xbf16>
        %get3A_2597 = arith.constant 11 : i32
        %get3A_2598 = arith.index_cast %get3A_2597 : i32 to index
        %get3A_2599 = arith.constant 0 : index
        %get3A_2600 = tpu.vector_load %arg7[%get3A_2598, %get3A_2599] {strides = array<i32>} : memref<100x16xi32, #tpu.memory_space<vmem>>, vector<16xi32>,
        %bitcast3A_2601 = vector.bitcast %get3A_2600 : vector<16xi32> to vector<32xbf16>
        %get3A_2602 = arith.constant 12 : i32
        %get3A_2603 = arith.index_cast %get3A_2602 : i32 to index
        %get3A_2604 = arith.constant 0 : index
        %get3A_2605 = tpu.vector_load %arg7[%get3A_2603, %get3A_2604] {strides = array<i32>} : memref<100x16xi32, #tpu.memory_space<vmem>>, vector<16xi32>,
        %bitcast3A_2606 = vector.bitcast %get3A_2605 : vector<16xi32> to vector<32xbf16>
        %get3A_2607 = arith.constant 13 : i32
        %get3A_2608 = arith.index_cast %get3A_2607 : i32 to index
        %get3A_2609 = arith.constant 0 : index
        %get3A_2610 = tpu.vector_load %arg7[%get3A_2608, %get3A_2609] {strides = array<i32>} : memref<100x16xi32, #tpu.memory_space<vmem>>, vector<16xi32>,
        %bitcast3A_2611 = vector.bitcast %get3A_2610 : vector<16xi32> to vector<32xbf16>
        %get3A_2612 = arith.constant 14 : i32
        %get3A_2613 = arith.index_cast %get3A_2612 : i32 to index
        %get3A_2614 = arith.constant 0 : index
        %get3A_2615 = tpu.vector_load %arg7[%get3A_2613, %get3A_2614] {strides = array<i32>} : memref<100x16xi32, #tpu.memory_space<vmem>>, vector<16xi32>,
        %bitcast3A_2616 = vector.bitcast %get3A_2615 : vector<16xi32> to vector<32xbf16>
        %get3A_2617 = arith.constant 15 : i32
        %get3A_2618 = arith.index_cast %get3A_2617 : i32 to index
        %get3A_2619 = arith.constant 0 : index
        %get3A_2620 = tpu.vector_load %arg7[%get3A_2618, %get3A_2619] {strides = array<i32>} : memref<100x16xi32, #tpu.memory_space<vmem>>, vector<16xi32>,
        %bitcast3A_2621 = vector.bitcast %get3A_2620 : vector<16xi32> to vector<32xbf16>
        %get3A_2622 = arith.constant 16 : i32
        %get3A_2623 = arith.index_cast %get3A_2622 : i32 to index
        %get3A_2624 = arith.constant 0 : index
        %get3A_2625 = tpu.vector_load %arg7[%get3A_2623, %get3A_2624] {strides = array<i32>} : memref<100x16xi32, #tpu.memory_space<vmem>>, vector<16xi32>,
        %bitcast3A_2626 = vector.bitcast %get3A_2625 : vector<16xi32> to vector<32xbf16>
        %get3A_2627 = arith.constant 17 : i32
        %get3A_2628 = arith.index_cast %get3A_2627 : i32 to index
        %get3A_2629 = arith.constant 0 : index
        %get3A_2630 = tpu.vector_load %arg7[%get3A_2628, %get3A_2629] {strides = array<i32>} : memref<100x16xi32, #tpu.memory_space<vmem>>, vector<16xi32>,
        %bitcast3A_2631 = vector.bitcast %get3A_2630 : vector<16xi32> to vector<32xbf16>
        %get3A_2632 = arith.constant 18 : i32
        %get3A_2633 = arith.index_cast %get3A_2632 : i32 to index
        %get3A_2634 = arith.constant 0 : index
        %get3A_2635 = tpu.vector_load %arg7[%get3A_2633, %get3A_2634] {strides = array<i32>} : memref<100x16xi32, #tpu.memory_space<vmem>>, vector<16xi32>,
        %bitcast3A_2636 = vector.bitcast %get3A_2635 : vector<16xi32> to vector<32xbf16>
        %get3A_2637 = arith.constant 19 : i32
        %get3A_2638 = arith.index_cast %get3A_2637 : i32 to index
        %get3A_2639 = arith.constant 0 : index
        %get3A_2640 = tpu.vector_load %arg7[%get3A_2638, %get3A_2639] {strides = array<i32>} : memref<100x16xi32, #tpu.memory_space<vmem>>, vector<16xi32>,
        %bitcast3A_2641 = vector.bitcast %get3A_2640 : vector<16xi32> to vector<32xbf16>
        %add3A_2642 = arith.addf %bitcast3A_2546, %bitcast3A_2551 : vector<32xbf16>
        %add3A_2643 = arith.addf %bitcast3A_2556, %bitcast3A_2561 : vector<32xbf16>
        %add3A_2644 = arith.addf %bitcast3A_2566, %bitcast3A_2571 : vector<32xbf16>
        %add3A_2645 = arith.addf %bitcast3A_2576, %bitcast3A_2581 : vector<32xbf16>
        %add3A_2646 = arith.addf %bitcast3A_2586, %bitcast3A_2591 : vector<32xbf16>
        %add3A_2647 = arith.addf %bitcast3A_2596, %bitcast3A_2601 : vector<32xbf16>
        %add3A_2648 = arith.addf %bitcast3A_2606, %bitcast3A_2611 : vector<32xbf16>
        %add3A_2649 = arith.addf %bitcast3A_2616, %bitcast3A_2621 : vector<32xbf16>
        %add3A_2650 = arith.addf %bitcast3A_2626, %bitcast3A_2631 : vector<32xbf16>
        %add3A_2651 = arith.addf %bitcast3A_2636, %bitcast3A_2641 : vector<32xbf16>
        %add3A_2652 = arith.addf %add3A_2642, %add3A_2643 : vector<32xbf16>
        %add3A_2653 = arith.addf %add3A_2644, %add3A_2645 : vector<32xbf16>
        %add3A_2654 = arith.addf %add3A_2646, %add3A_2647 : vector<32xbf16>
        %add3A_2655 = arith.addf %add3A_2648, %add3A_2649 : vector<32xbf16>
        %add3A_2656 = arith.addf %add3A_2650, %add3A_2651 : vector<32xbf16>
        %add3A_2657 = arith.addf %add3A_2652, %add3A_2653 : vector<32xbf16>
        %add3A_2658 = arith.addf %add3A_2654, %add3A_2655 : vector<32xbf16>
        %add3A_2659 = arith.addf %add3A_2657, %add3A_2658 : vector<32xbf16>
        %add3A_2660 = arith.addf %add3A_2659, %add3A_2656 : vector<32xbf16>
        %bitcast3A_2661 = vector.bitcast %add3A_2660 : vector<32xbf16> to vector<16xi32>
        %mul3A_2662 = arith.constant 5 : i32
        %mul3A_2663 = arith.muli %add3A_2541, %mul3A_2662 : i32
        %add3A_2664 = arith.constant 0 : i32
        %add3A_2665 = arith.addi %mul3A_2663, %add3A_2664 : i32
        %mul3A_2666 = arith.constant 16 : i32
        %mul3A_2667 = arith.muli %add3A_2665, %mul3A_2666 : i32
        %swap3A_2668 = arith.index_cast %mul3A_2667 : i32 to index
        %swap3A_2669 = tpu.vector_load %arg6[%swap3A_2668] {strides = array<i32>} : memref<12800xi32, #tpu.memory_space<vmem>>, vector<16xi32>,
        tpu.vector_store %arg6[%swap3A_2668], %bitcast3A_2661 {strides = array<i32>} : memref<12800xi32, #tpu.memory_space<vmem>>, vector<16xi32>,
        %get3A_2670 = arith.constant 20 : i32
        %get3A_2671 = arith.index_cast %get3A_2670 : i32 to index
        %get3A_2672 = arith.constant 0 : index
        %get3A_2673 = tpu.vector_load %arg7[%get3A_2671, %get3A_2672] {strides = array<i32>} : memref<100x16xi32, #tpu.memory_space<vmem>>, vector<16xi32>,
        %bitcast3A_2674 = vector.bitcast %get3A_2673 : vector<16xi32> to vector<32xbf16>
        %get3A_2675 = arith.constant 21 : i32
        %get3A_2676 = arith.index_cast %get3A_2675 : i32 to index
        %get3A_2677 = arith.constant 0 : index
        %get3A_2678 = tpu.vector_load %arg7[%get3A_2676, %get3A_2677] {strides = array<i32>} : memref<100x16xi32, #tpu.memory_space<vmem>>, vector<16xi32>,
        %bitcast3A_2679 = vector.bitcast %get3A_2678 : vector<16xi32> to vector<32xbf16>
        %get3A_2680 = arith.constant 22 : i32
        %get3A_2681 = arith.index_cast %get3A_2680 : i32 to index
        %get3A_2682 = arith.constant 0 : index
        %get3A_2683 = tpu.vector_load %arg7[%get3A_2681, %get3A_2682] {strides = array<i32>} : memref<100x16xi32, #tpu.memory_space<vmem>>, vector<16xi32>,
        %bitcast3A_2684 = vector.bitcast %get3A_2683 : vector<16xi32> to vector<32xbf16>
        %get3A_2685 = arith.constant 23 : i32
        %get3A_2686 = arith.index_cast %get3A_2685 : i32 to index
        %get3A_2687 = arith.constant 0 : index
        %get3A_2688 = tpu.vector_load %arg7[%get3A_2686, %get3A_2687] {strides = array<i32>} : memref<100x16xi32, #tpu.memory_space<vmem>>, vector<16xi32>,
        %bitcast3A_2689 = vector.bitcast %get3A_2688 : vector<16xi32> to vector<32xbf16>
        %get3A_2690 = arith.constant 24 : i32
        %get3A_2691 = arith.index_cast %get3A_2690 : i32 to index
        %get3A_2692 = arith.constant 0 : index
        %get3A_2693 = tpu.vector_load %arg7[%get3A_2691, %get3A_2692] {strides = array<i32>} : memref<100x16xi32, #tpu.memory_space<vmem>>, vector<16xi32>,
        %bitcast3A_2694 = vector.bitcast %get3A_2693 : vector<16xi32> to vector<32xbf16>
        %get3A_2695 = arith.constant 25 : i32
        %get3A_2696 = arith.index_cast %get3A_2695 : i32 to index
        %get3A_2697 = arith.constant 0 : index
        %get3A_2698 = tpu.vector_load %arg7[%get3A_2696, %get3A_2697] {strides = array<i32>} : memref<100x16xi32, #tpu.memory_space<vmem>>, vector<16xi32>,
        %bitcast3A_2699 = vector.bitcast %get3A_2698 : vector<16xi32> to vector<32xbf16>
        %get3A_2700 = arith.constant 26 : i32
        %get3A_2701 = arith.index_cast %get3A_2700 : i32 to index
        %get3A_2702 = arith.constant 0 : index
        %get3A_2703 = tpu.vector_load %arg7[%get3A_2701, %get3A_2702] {strides = array<i32>} : memref<100x16xi32, #tpu.memory_space<vmem>>, vector<16xi32>,
        %bitcast3A_2704 = vector.bitcast %get3A_2703 : vector<16xi32> to vector<32xbf16>
        %get3A_2705 = arith.constant 27 : i32
        %get3A_2706 = arith.index_cast %get3A_2705 : i32 to index
        %get3A_2707 = arith.constant 0 : index
        %get3A_2708 = tpu.vector_load %arg7[%get3A_2706, %get3A_2707] {strides = array<i32>} : memref<100x16xi32, #tpu.memory_space<vmem>>, vector<16xi32>,
        %bitcast3A_2709 = vector.bitcast %get3A_2708 : vector<16xi32> to vector<32xbf16>
        %get3A_2710 = arith.constant 28 : i32
        %get3A_2711 = arith.index_cast %get3A_2710 : i32 to index
        %get3A_2712 = arith.constant 0 : index
        %get3A_2713 = tpu.vector_load %arg7[%get3A_2711, %get3A_2712] {strides = array<i32>} : memref<100x16xi32, #tpu.memory_space<vmem>>, vector<16xi32>,
        %bitcast3A_2714 = vector.bitcast %get3A_2713 : vector<16xi32> to vector<32xbf16>
        %get3A_2715 = arith.constant 29 : i32
        %get3A_2716 = arith.index_cast %get3A_2715 : i32 to index
        %get3A_2717 = arith.constant 0 : index
        %get3A_2718 = tpu.vector_load %arg7[%get3A_2716, %get3A_2717] {strides = array<i32>} : memref<100x16xi32, #tpu.memory_space<vmem>>, vector<16xi32>,
        %bitcast3A_2719 = vector.bitcast %get3A_2718 : vector<16xi32> to vector<32xbf16>
        %get3A_2720 = arith.constant 30 : i32
        %get3A_2721 = arith.index_cast %get3A_2720 : i32 to index
        %get3A_2722 = arith.constant 0 : index
        %get3A_2723 = tpu.vector_load %arg7[%get3A_2721, %get3A_2722] {strides = array<i32>} : memref<100x16xi32, #tpu.memory_space<vmem>>, vector<16xi32>,
        %bitcast3A_2724 = vector.bitcast %get3A_2723 : vector<16xi32> to vector<32xbf16>
        %get3A_2725 = arith.constant 31 : i32
        %get3A_2726 = arith.index_cast %get3A_2725 : i32 to index
        %get3A_2727 = arith.constant 0 : index
        %get3A_2728 = tpu.vector_load %arg7[%get3A_2726, %get3A_2727] {strides = array<i32>} : memref<100x16xi32, #tpu.memory_space<vmem>>, vector<16xi32>,
        %bitcast3A_2729 = vector.bitcast %get3A_2728 : vector<16xi32> to vector<32xbf16>
        %get3A_2730 = arith.constant 32 : i32
        %get3A_2731 = arith.index_cast %get3A_2730 : i32 to index
        %get3A_2732 = arith.constant 0 : index
        %get3A_2733 = tpu.vector_load %arg7[%get3A_2731, %get3A_2732] {strides = array<i32>} : memref<100x16xi32, #tpu.memory_space<vmem>>, vector<16xi32>,
        %bitcast3A_2734 = vector.bitcast %get3A_2733 : vector<16xi32> to vector<32xbf16>
        %get3A_2735 = arith.constant 33 : i32
        %get3A_2736 = arith.index_cast %get3A_2735 : i32 to index
        %get3A_2737 = arith.constant 0 : index
        %get3A_2738 = tpu.vector_load %arg7[%get3A_2736, %get3A_2737] {strides = array<i32>} : memref<100x16xi32, #tpu.memory_space<vmem>>, vector<16xi32>,
        %bitcast3A_2739 = vector.bitcast %get3A_2738 : vector<16xi32> to vector<32xbf16>
        %get3A_2740 = arith.constant 34 : i32
        %get3A_2741 = arith.index_cast %get3A_2740 : i32 to index
        %get3A_2742 = arith.constant 0 : index
        %get3A_2743 = tpu.vector_load %arg7[%get3A_2741, %get3A_2742] {strides = array<i32>} : memref<100x16xi32, #tpu.memory_space<vmem>>, vector<16xi32>,
        %bitcast3A_2744 = vector.bitcast %get3A_2743 : vector<16xi32> to vector<32xbf16>
        %get3A_2745 = arith.constant 35 : i32
        %get3A_2746 = arith.index_cast %get3A_2745 : i32 to index
        %get3A_2747 = arith.constant 0 : index
        %get3A_2748 = tpu.vector_load %arg7[%get3A_2746, %get3A_2747] {strides = array<i32>} : memref<100x16xi32, #tpu.memory_space<vmem>>, vector<16xi32>,
        %bitcast3A_2749 = vector.bitcast %get3A_2748 : vector<16xi32> to vector<32xbf16>
        %get3A_2750 = arith.constant 36 : i32
        %get3A_2751 = arith.index_cast %get3A_2750 : i32 to index
        %get3A_2752 = arith.constant 0 : index
        %get3A_2753 = tpu.vector_load %arg7[%get3A_2751, %get3A_2752] {strides = array<i32>} : memref<100x16xi32, #tpu.memory_space<vmem>>, vector<16xi32>,
        %bitcast3A_2754 = vector.bitcast %get3A_2753 : vector<16xi32> to vector<32xbf16>
        %get3A_2755 = arith.constant 37 : i32
        %get3A_2756 = arith.index_cast %get3A_2755 : i32 to index
        %get3A_2757 = arith.constant 0 : index
        %get3A_2758 = tpu.vector_load %arg7[%get3A_2756, %get3A_2757] {strides = array<i32>} : memref<100x16xi32, #tpu.memory_space<vmem>>, vector<16xi32>,
        %bitcast3A_2759 = vector.bitcast %get3A_2758 : vector<16xi32> to vector<32xbf16>
        %get3A_2760 = arith.constant 38 : i32
        %get3A_2761 = arith.index_cast %get3A_2760 : i32 to index
        %get3A_2762 = arith.constant 0 : index
        %get3A_2763 = tpu.vector_load %arg7[%get3A_2761, %get3A_2762] {strides = array<i32>} : memref<100x16xi32, #tpu.memory_space<vmem>>, vector<16xi32>,
        %bitcast3A_2764 = vector.bitcast %get3A_2763 : vector<16xi32> to vector<32xbf16>
        %get3A_2765 = arith.constant 39 : i32
        %get3A_2766 = arith.index_cast %get3A_2765 : i32 to index
        %get3A_2767 = arith.constant 0 : index
        %get3A_2768 = tpu.vector_load %arg7[%get3A_2766, %get3A_2767] {strides = array<i32>} : memref<100x16xi32, #tpu.memory_space<vmem>>, vector<16xi32>,
        %bitcast3A_2769 = vector.bitcast %get3A_2768 : vector<16xi32> to vector<32xbf16>
        %add3A_2770 = arith.addf %bitcast3A_2674, %bitcast3A_2679 : vector<32xbf16>
        %add3A_2771 = arith.addf %bitcast3A_2684, %bitcast3A_2689 : vector<32xbf16>
        %add3A_2772 = arith.addf %bitcast3A_2694, %bitcast3A_2699 : vector<32xbf16>
        %add3A_2773 = arith.addf %bitcast3A_2704, %bitcast3A_2709 : vector<32xbf16>
        %add3A_2774 = arith.addf %bitcast3A_2714, %bitcast3A_2719 : vector<32xbf16>
        %add3A_2775 = arith.addf %bitcast3A_2724, %bitcast3A_2729 : vector<32xbf16>
        %add3A_2776 = arith.addf %bitcast3A_2734, %bitcast3A_2739 : vector<32xbf16>
        %add3A_2777 = arith.addf %bitcast3A_2744, %bitcast3A_2749 : vector<32xbf16>
        %add3A_2778 = arith.addf %bitcast3A_2754, %bitcast3A_2759 : vector<32xbf16>
        %add3A_2779 = arith.addf %bitcast3A_2764, %bitcast3A_2769 : vector<32xbf16>
        %add3A_2780 = arith.addf %add3A_2770, %add3A_2771 : vector<32xbf16>
        %add3A_2781 = arith.addf %add3A_2772, %add3A_2773 : vector<32xbf16>
        %add3A_2782 = arith.addf %add3A_2774, %add3A_2775 : vector<32xbf16>
        %add3A_2783 = arith.addf %add3A_2776, %add3A_2777 : vector<32xbf16>
        %add3A_2784 = arith.addf %add3A_2778, %add3A_2779 : vector<32xbf16>
        %add3A_2785 = arith.addf %add3A_2780, %add3A_2781 : vector<32xbf16>
        %add3A_2786 = arith.addf %add3A_2782, %add3A_2783 : vector<32xbf16>
        %add3A_2787 = arith.addf %add3A_2785, %add3A_2786 : vector<32xbf16>
        %add3A_2788 = arith.addf %add3A_2787, %add3A_2784 : vector<32xbf16>
        %bitcast3A_2789 = vector.bitcast %add3A_2788 : vector<32xbf16> to vector<16xi32>
        %mul3A_2790 = arith.constant 5 : i32
        %mul3A_2791 = arith.muli %add3A_2541, %mul3A_2790 : i32
        %add3A_2792 = arith.constant 1 : i32
        %add3A_2793 = arith.addi %mul3A_2791, %add3A_2792 : i32
        %mul3A_2794 = arith.constant 16 : i32
        %mul3A_2795 = arith.muli %add3A_2793, %mul3A_2794 : i32
        %swap3A_2796 = arith.index_cast %mul3A_2795 : i32 to index
        %swap3A_2797 = tpu.vector_load %arg6[%swap3A_2796] {strides = array<i32>} : memref<12800xi32, #tpu.memory_space<vmem>>, vector<16xi32>,
        tpu.vector_store %arg6[%swap3A_2796], %bitcast3A_2789 {strides = array<i32>} : memref<12800xi32, #tpu.memory_space<vmem>>, vector<16xi32>,
        %get3A_2798 = arith.constant 40 : i32
        %get3A_2799 = arith.index_cast %get3A_2798 : i32 to index
        %get3A_2800 = arith.constant 0 : index
        %get3A_2801 = tpu.vector_load %arg7[%get3A_2799, %get3A_2800] {strides = array<i32>} : memref<100x16xi32, #tpu.memory_space<vmem>>, vector<16xi32>,
        %bitcast3A_2802 = vector.bitcast %get3A_2801 : vector<16xi32> to vector<32xbf16>
        %get3A_2803 = arith.constant 41 : i32
        %get3A_2804 = arith.index_cast %get3A_2803 : i32 to index
        %get3A_2805 = arith.constant 0 : index
        %get3A_2806 = tpu.vector_load %arg7[%get3A_2804, %get3A_2805] {strides = array<i32>} : memref<100x16xi32, #tpu.memory_space<vmem>>, vector<16xi32>,
        %bitcast3A_2807 = vector.bitcast %get3A_2806 : vector<16xi32> to vector<32xbf16>
        %get3A_2808 = arith.constant 42 : i32
        %get3A_2809 = arith.index_cast %get3A_2808 : i32 to index
        %get3A_2810 = arith.constant 0 : index
        %get3A_2811 = tpu.vector_load %arg7[%get3A_2809, %get3A_2810] {strides = array<i32>} : memref<100x16xi32, #tpu.memory_space<vmem>>, vector<16xi32>,
        %bitcast3A_2812 = vector.bitcast %get3A_2811 : vector<16xi32> to vector<32xbf16>
        %get3A_2813 = arith.constant 43 : i32
        %get3A_2814 = arith.index_cast %get3A_2813 : i32 to index
        %get3A_2815 = arith.constant 0 : index
        %get3A_2816 = tpu.vector_load %arg7[%get3A_2814, %get3A_2815] {strides = array<i32>} : memref<100x16xi32, #tpu.memory_space<vmem>>, vector<16xi32>,
        %bitcast3A_2817 = vector.bitcast %get3A_2816 : vector<16xi32> to vector<32xbf16>
        %get3A_2818 = arith.constant 44 : i32
        %get3A_2819 = arith.index_cast %get3A_2818 : i32 to index
        %get3A_2820 = arith.constant 0 : index
        %get3A_2821 = tpu.vector_load %arg7[%get3A_2819, %get3A_2820] {strides = array<i32>} : memref<100x16xi32, #tpu.memory_space<vmem>>, vector<16xi32>,
        %bitcast3A_2822 = vector.bitcast %get3A_2821 : vector<16xi32> to vector<32xbf16>
        %get3A_2823 = arith.constant 45 : i32
        %get3A_2824 = arith.index_cast %get3A_2823 : i32 to index
        %get3A_2825 = arith.constant 0 : index
        %get3A_2826 = tpu.vector_load %arg7[%get3A_2824, %get3A_2825] {strides = array<i32>} : memref<100x16xi32, #tpu.memory_space<vmem>>, vector<16xi32>,
        %bitcast3A_2827 = vector.bitcast %get3A_2826 : vector<16xi32> to vector<32xbf16>
        %get3A_2828 = arith.constant 46 : i32
        %get3A_2829 = arith.index_cast %get3A_2828 : i32 to index
        %get3A_2830 = arith.constant 0 : index
        %get3A_2831 = tpu.vector_load %arg7[%get3A_2829, %get3A_2830] {strides = array<i32>} : memref<100x16xi32, #tpu.memory_space<vmem>>, vector<16xi32>,
        %bitcast3A_2832 = vector.bitcast %get3A_2831 : vector<16xi32> to vector<32xbf16>
        %get3A_2833 = arith.constant 47 : i32
        %get3A_2834 = arith.index_cast %get3A_2833 : i32 to index
        %get3A_2835 = arith.constant 0 : index
        %get3A_2836 = tpu.vector_load %arg7[%get3A_2834, %get3A_2835] {strides = array<i32>} : memref<100x16xi32, #tpu.memory_space<vmem>>, vector<16xi32>,
        %bitcast3A_2837 = vector.bitcast %get3A_2836 : vector<16xi32> to vector<32xbf16>
        %get3A_2838 = arith.constant 48 : i32
        %get3A_2839 = arith.index_cast %get3A_2838 : i32 to index
        %get3A_2840 = arith.constant 0 : index
        %get3A_2841 = tpu.vector_load %arg7[%get3A_2839, %get3A_2840] {strides = array<i32>} : memref<100x16xi32, #tpu.memory_space<vmem>>, vector<16xi32>,
        %bitcast3A_2842 = vector.bitcast %get3A_2841 : vector<16xi32> to vector<32xbf16>
        %get3A_2843 = arith.constant 49 : i32
        %get3A_2844 = arith.index_cast %get3A_2843 : i32 to index
        %get3A_2845 = arith.constant 0 : index
        %get3A_2846 = tpu.vector_load %arg7[%get3A_2844, %get3A_2845] {strides = array<i32>} : memref<100x16xi32, #tpu.memory_space<vmem>>, vector<16xi32>,
        %bitcast3A_2847 = vector.bitcast %get3A_2846 : vector<16xi32> to vector<32xbf16>
        %get3A_2848 = arith.constant 50 : i32
        %get3A_2849 = arith.index_cast %get3A_2848 : i32 to index
        %get3A_2850 = arith.constant 0 : index
        %get3A_2851 = tpu.vector_load %arg7[%get3A_2849, %get3A_2850] {strides = array<i32>} : memref<100x16xi32, #tpu.memory_space<vmem>>, vector<16xi32>,
        %bitcast3A_2852 = vector.bitcast %get3A_2851 : vector<16xi32> to vector<32xbf16>
        %get3A_2853 = arith.constant 51 : i32
        %get3A_2854 = arith.index_cast %get3A_2853 : i32 to index
        %get3A_2855 = arith.constant 0 : index
        %get3A_2856 = tpu.vector_load %arg7[%get3A_2854, %get3A_2855] {strides = array<i32>} : memref<100x16xi32, #tpu.memory_space<vmem>>, vector<16xi32>,
        %bitcast3A_2857 = vector.bitcast %get3A_2856 : vector<16xi32> to vector<32xbf16>
        %get3A_2858 = arith.constant 52 : i32
        %get3A_2859 = arith.index_cast %get3A_2858 : i32 to index
        %get3A_2860 = arith.constant 0 : index
        %get3A_2861 = tpu.vector_load %arg7[%get3A_2859, %get3A_2860] {strides = array<i32>} : memref<100x16xi32, #tpu.memory_space<vmem>>, vector<16xi32>,
        %bitcast3A_2862 = vector.bitcast %get3A_2861 : vector<16xi32> to vector<32xbf16>
        %get3A_2863 = arith.constant 53 : i32
        %get3A_2864 = arith.index_cast %get3A_2863 : i32 to index
        %get3A_2865 = arith.constant 0 : index
        %get3A_2866 = tpu.vector_load %arg7[%get3A_2864, %get3A_2865] {strides = array<i32>} : memref<100x16xi32, #tpu.memory_space<vmem>>, vector<16xi32>,
        %bitcast3A_2867 = vector.bitcast %get3A_2866 : vector<16xi32> to vector<32xbf16>
        %get3A_2868 = arith.constant 54 : i32
        %get3A_2869 = arith.index_cast %get3A_2868 : i32 to index
        %get3A_2870 = arith.constant 0 : index
        %get3A_2871 = tpu.vector_load %arg7[%get3A_2869, %get3A_2870] {strides = array<i32>} : memref<100x16xi32, #tpu.memory_space<vmem>>, vector<16xi32>,
        %bitcast3A_2872 = vector.bitcast %get3A_2871 : vector<16xi32> to vector<32xbf16>
        %get3A_2873 = arith.constant 55 : i32
        %get3A_2874 = arith.index_cast %get3A_2873 : i32 to index
        %get3A_2875 = arith.constant 0 : index
        %get3A_2876 = tpu.vector_load %arg7[%get3A_2874, %get3A_2875] {strides = array<i32>} : memref<100x16xi32, #tpu.memory_space<vmem>>, vector<16xi32>,
        %bitcast3A_2877 = vector.bitcast %get3A_2876 : vector<16xi32> to vector<32xbf16>
        %get3A_2878 = arith.constant 56 : i32
        %get3A_2879 = arith.index_cast %get3A_2878 : i32 to index
        %get3A_2880 = arith.constant 0 : index
        %get3A_2881 = tpu.vector_load %arg7[%get3A_2879, %get3A_2880] {strides = array<i32>} : memref<100x16xi32, #tpu.memory_space<vmem>>, vector<16xi32>,
        %bitcast3A_2882 = vector.bitcast %get3A_2881 : vector<16xi32> to vector<32xbf16>
        %get3A_2883 = arith.constant 57 : i32
        %get3A_2884 = arith.index_cast %get3A_2883 : i32 to index
        %get3A_2885 = arith.constant 0 : index
        %get3A_2886 = tpu.vector_load %arg7[%get3A_2884, %get3A_2885] {strides = array<i32>} : memref<100x16xi32, #tpu.memory_space<vmem>>, vector<16xi32>,
        %bitcast3A_2887 = vector.bitcast %get3A_2886 : vector<16xi32> to vector<32xbf16>
        %get3A_2888 = arith.constant 58 : i32
        %get3A_2889 = arith.index_cast %get3A_2888 : i32 to index
        %get3A_2890 = arith.constant 0 : index
        %get3A_2891 = tpu.vector_load %arg7[%get3A_2889, %get3A_2890] {strides = array<i32>} : memref<100x16xi32, #tpu.memory_space<vmem>>, vector<16xi32>,
        %bitcast3A_2892 = vector.bitcast %get3A_2891 : vector<16xi32> to vector<32xbf16>
        %get3A_2893 = arith.constant 59 : i32
        %get3A_2894 = arith.index_cast %get3A_2893 : i32 to index
        %get3A_2895 = arith.constant 0 : index
        %get3A_2896 = tpu.vector_load %arg7[%get3A_2894, %get3A_2895] {strides = array<i32>} : memref<100x16xi32, #tpu.memory_space<vmem>>, vector<16xi32>,
        %bitcast3A_2897 = vector.bitcast %get3A_2896 : vector<16xi32> to vector<32xbf16>
        %add3A_2898 = arith.addf %bitcast3A_2802, %bitcast3A_2807 : vector<32xbf16>
        %add3A_2899 = arith.addf %bitcast3A_2812, %bitcast3A_2817 : vector<32xbf16>
        %add3A_2900 = arith.addf %bitcast3A_2822, %bitcast3A_2827 : vector<32xbf16>
        %add3A_2901 = arith.addf %bitcast3A_2832, %bitcast3A_2837 : vector<32xbf16>
        %add3A_2902 = arith.addf %bitcast3A_2842, %bitcast3A_2847 : vector<32xbf16>
        %add3A_2903 = arith.addf %bitcast3A_2852, %bitcast3A_2857 : vector<32xbf16>
        %add3A_2904 = arith.addf %bitcast3A_2862, %bitcast3A_2867 : vector<32xbf16>
        %add3A_2905 = arith.addf %bitcast3A_2872, %bitcast3A_2877 : vector<32xbf16>
        %add3A_2906 = arith.addf %bitcast3A_2882, %bitcast3A_2887 : vector<32xbf16>
        %add3A_2907 = arith.addf %bitcast3A_2892, %bitcast3A_2897 : vector<32xbf16>
        %add3A_2908 = arith.addf %add3A_2898, %add3A_2899 : vector<32xbf16>
        %add3A_2909 = arith.addf %add3A_2900, %add3A_2901 : vector<32xbf16>
        %add3A_2910 = arith.addf %add3A_2902, %add3A_2903 : vector<32xbf16>
        %add3A_2911 = arith.addf %add3A_2904, %add3A_2905 : vector<32xbf16>
        %add3A_2912 = arith.addf %add3A_2906, %add3A_2907 : vector<32xbf16>
        %add3A_2913 = arith.addf %add3A_2908, %add3A_2909 : vector<32xbf16>
        %add3A_2914 = arith.addf %add3A_2910, %add3A_2911 : vector<32xbf16>
        %add3A_2915 = arith.addf %add3A_2913, %add3A_2914 : vector<32xbf16>
        %add3A_2916 = arith.addf %add3A_2915, %add3A_2912 : vector<32xbf16>
        %bitcast3A_2917 = vector.bitcast %add3A_2916 : vector<32xbf16> to vector<16xi32>
        %mul3A_2918 = arith.constant 5 : i32
        %mul3A_2919 = arith.muli %add3A_2541, %mul3A_2918 : i32
        %add3A_2920 = arith.constant 2 : i32
        %add3A_2921 = arith.addi %mul3A_2919, %add3A_2920 : i32
        %mul3A_2922 = arith.constant 16 : i32
        %mul3A_2923 = arith.muli %add3A_2921, %mul3A_2922 : i32
        %swap3A_2924 = arith.index_cast %mul3A_2923 : i32 to index
        %swap3A_2925 = tpu.vector_load %arg6[%swap3A_2924] {strides = array<i32>} : memref<12800xi32, #tpu.memory_space<vmem>>, vector<16xi32>,
        tpu.vector_store %arg6[%swap3A_2924], %bitcast3A_2917 {strides = array<i32>} : memref<12800xi32, #tpu.memory_space<vmem>>, vector<16xi32>,
        %get3A_2926 = arith.constant 60 : i32
        %get3A_2927 = arith.index_cast %get3A_2926 : i32 to index
        %get3A_2928 = arith.constant 0 : index
        %get3A_2929 = tpu.vector_load %arg7[%get3A_2927, %get3A_2928] {strides = array<i32>} : memref<100x16xi32, #tpu.memory_space<vmem>>, vector<16xi32>,
        %bitcast3A_2930 = vector.bitcast %get3A_2929 : vector<16xi32> to vector<32xbf16>
        %get3A_2931 = arith.constant 61 : i32
        %get3A_2932 = arith.index_cast %get3A_2931 : i32 to index
        %get3A_2933 = arith.constant 0 : index
        %get3A_2934 = tpu.vector_load %arg7[%get3A_2932, %get3A_2933] {strides = array<i32>} : memref<100x16xi32, #tpu.memory_space<vmem>>, vector<16xi32>,
        %bitcast3A_2935 = vector.bitcast %get3A_2934 : vector<16xi32> to vector<32xbf16>
        %get3A_2936 = arith.constant 62 : i32
        %get3A_2937 = arith.index_cast %get3A_2936 : i32 to index
        %get3A_2938 = arith.constant 0 : index
        %get3A_2939 = tpu.vector_load %arg7[%get3A_2937, %get3A_2938] {strides = array<i32>} : memref<100x16xi32, #tpu.memory_space<vmem>>, vector<16xi32>,
        %bitcast3A_2940 = vector.bitcast %get3A_2939 : vector<16xi32> to vector<32xbf16>
        %get3A_2941 = arith.constant 63 : i32
        %get3A_2942 = arith.index_cast %get3A_2941 : i32 to index
        %get3A_2943 = arith.constant 0 : index
        %get3A_2944 = tpu.vector_load %arg7[%get3A_2942, %get3A_2943] {strides = array<i32>} : memref<100x16xi32, #tpu.memory_space<vmem>>, vector<16xi32>,
        %bitcast3A_2945 = vector.bitcast %get3A_2944 : vector<16xi32> to vector<32xbf16>
        %get3A_2946 = arith.constant 64 : i32
        %get3A_2947 = arith.index_cast %get3A_2946 : i32 to index
        %get3A_2948 = arith.constant 0 : index
        %get3A_2949 = tpu.vector_load %arg7[%get3A_2947, %get3A_2948] {strides = array<i32>} : memref<100x16xi32, #tpu.memory_space<vmem>>, vector<16xi32>,
        %bitcast3A_2950 = vector.bitcast %get3A_2949 : vector<16xi32> to vector<32xbf16>
        %get3A_2951 = arith.constant 65 : i32
        %get3A_2952 = arith.index_cast %get3A_2951 : i32 to index
        %get3A_2953 = arith.constant 0 : index
        %get3A_2954 = tpu.vector_load %arg7[%get3A_2952, %get3A_2953] {strides = array<i32>} : memref<100x16xi32, #tpu.memory_space<vmem>>, vector<16xi32>,
        %bitcast3A_2955 = vector.bitcast %get3A_2954 : vector<16xi32> to vector<32xbf16>
        %get3A_2956 = arith.constant 66 : i32
        %get3A_2957 = arith.index_cast %get3A_2956 : i32 to index
        %get3A_2958 = arith.constant 0 : index
        %get3A_2959 = tpu.vector_load %arg7[%get3A_2957, %get3A_2958] {strides = array<i32>} : memref<100x16xi32, #tpu.memory_space<vmem>>, vector<16xi32>,
        %bitcast3A_2960 = vector.bitcast %get3A_2959 : vector<16xi32> to vector<32xbf16>
        %get3A_2961 = arith.constant 67 : i32
        %get3A_2962 = arith.index_cast %get3A_2961 : i32 to index
        %get3A_2963 = arith.constant 0 : index
        %get3A_2964 = tpu.vector_load %arg7[%get3A_2962, %get3A_2963] {strides = array<i32>} : memref<100x16xi32, #tpu.memory_space<vmem>>, vector<16xi32>,
        %bitcast3A_2965 = vector.bitcast %get3A_2964 : vector<16xi32> to vector<32xbf16>
        %get3A_2966 = arith.constant 68 : i32
        %get3A_2967 = arith.index_cast %get3A_2966 : i32 to index
        %get3A_2968 = arith.constant 0 : index
        %get3A_2969 = tpu.vector_load %arg7[%get3A_2967, %get3A_2968] {strides = array<i32>} : memref<100x16xi32, #tpu.memory_space<vmem>>, vector<16xi32>,
        %bitcast3A_2970 = vector.bitcast %get3A_2969 : vector<16xi32> to vector<32xbf16>
        %get3A_2971 = arith.constant 69 : i32
        %get3A_2972 = arith.index_cast %get3A_2971 : i32 to index
        %get3A_2973 = arith.constant 0 : index
        %get3A_2974 = tpu.vector_load %arg7[%get3A_2972, %get3A_2973] {strides = array<i32>} : memref<100x16xi32, #tpu.memory_space<vmem>>, vector<16xi32>,
        %bitcast3A_2975 = vector.bitcast %get3A_2974 : vector<16xi32> to vector<32xbf16>
        %get3A_2976 = arith.constant 70 : i32
        %get3A_2977 = arith.index_cast %get3A_2976 : i32 to index
        %get3A_2978 = arith.constant 0 : index
        %get3A_2979 = tpu.vector_load %arg7[%get3A_2977, %get3A_2978] {strides = array<i32>} : memref<100x16xi32, #tpu.memory_space<vmem>>, vector<16xi32>,
        %bitcast3A_2980 = vector.bitcast %get3A_2979 : vector<16xi32> to vector<32xbf16>
        %get3A_2981 = arith.constant 71 : i32
        %get3A_2982 = arith.index_cast %get3A_2981 : i32 to index
        %get3A_2983 = arith.constant 0 : index
        %get3A_2984 = tpu.vector_load %arg7[%get3A_2982, %get3A_2983] {strides = array<i32>} : memref<100x16xi32, #tpu.memory_space<vmem>>, vector<16xi32>,
        %bitcast3A_2985 = vector.bitcast %get3A_2984 : vector<16xi32> to vector<32xbf16>
        %get3A_2986 = arith.constant 72 : i32
        %get3A_2987 = arith.index_cast %get3A_2986 : i32 to index
        %get3A_2988 = arith.constant 0 : index
        %get3A_2989 = tpu.vector_load %arg7[%get3A_2987, %get3A_2988] {strides = array<i32>} : memref<100x16xi32, #tpu.memory_space<vmem>>, vector<16xi32>,
        %bitcast3A_2990 = vector.bitcast %get3A_2989 : vector<16xi32> to vector<32xbf16>
        %get3A_2991 = arith.constant 73 : i32
        %get3A_2992 = arith.index_cast %get3A_2991 : i32 to index
        %get3A_2993 = arith.constant 0 : index
        %get3A_2994 = tpu.vector_load %arg7[%get3A_2992, %get3A_2993] {strides = array<i32>} : memref<100x16xi32, #tpu.memory_space<vmem>>, vector<16xi32>,
        %bitcast3A_2995 = vector.bitcast %get3A_2994 : vector<16xi32> to vector<32xbf16>
        %get3A_2996 = arith.constant 74 : i32
        %get3A_2997 = arith.index_cast %get3A_2996 : i32 to index
        %get3A_2998 = arith.constant 0 : index
        %get3A_2999 = tpu.vector_load %arg7[%get3A_2997, %get3A_2998] {strides = array<i32>} : memref<100x16xi32, #tpu.memory_space<vmem>>, vector<16xi32>,
        %bitcast3A_3000 = vector.bitcast %get3A_2999 : vector<16xi32> to vector<32xbf16>
        %get3A_3001 = arith.constant 75 : i32
        %get3A_3002 = arith.index_cast %get3A_3001 : i32 to index
        %get3A_3003 = arith.constant 0 : index
        %get3A_3004 = tpu.vector_load %arg7[%get3A_3002, %get3A_3003] {strides = array<i32>} : memref<100x16xi32, #tpu.memory_space<vmem>>, vector<16xi32>,
        %bitcast3A_3005 = vector.bitcast %get3A_3004 : vector<16xi32> to vector<32xbf16>
        %get3A_3006 = arith.constant 76 : i32
        %get3A_3007 = arith.index_cast %get3A_3006 : i32 to index
        %get3A_3008 = arith.constant 0 : index
        %get3A_3009 = tpu.vector_load %arg7[%get3A_3007, %get3A_3008] {strides = array<i32>} : memref<100x16xi32, #tpu.memory_space<vmem>>, vector<16xi32>,
        %bitcast3A_3010 = vector.bitcast %get3A_3009 : vector<16xi32> to vector<32xbf16>
        %get3A_3011 = arith.constant 77 : i32
        %get3A_3012 = arith.index_cast %get3A_3011 : i32 to index
        %get3A_3013 = arith.constant 0 : index
        %get3A_3014 = tpu.vector_load %arg7[%get3A_3012, %get3A_3013] {strides = array<i32>} : memref<100x16xi32, #tpu.memory_space<vmem>>, vector<16xi32>,
        %bitcast3A_3015 = vector.bitcast %get3A_3014 : vector<16xi32> to vector<32xbf16>
        %get3A_3016 = arith.constant 78 : i32
        %get3A_3017 = arith.index_cast %get3A_3016 : i32 to index
        %get3A_3018 = arith.constant 0 : index
        %get3A_3019 = tpu.vector_load %arg7[%get3A_3017, %get3A_3018] {strides = array<i32>} : memref<100x16xi32, #tpu.memory_space<vmem>>, vector<16xi32>,
        %bitcast3A_3020 = vector.bitcast %get3A_3019 : vector<16xi32> to vector<32xbf16>
        %get3A_3021 = arith.constant 79 : i32
        %get3A_3022 = arith.index_cast %get3A_3021 : i32 to index
        %get3A_3023 = arith.constant 0 : index
        %get3A_3024 = tpu.vector_load %arg7[%get3A_3022, %get3A_3023] {strides = array<i32>} : memref<100x16xi32, #tpu.memory_space<vmem>>, vector<16xi32>,
        %bitcast3A_3025 = vector.bitcast %get3A_3024 : vector<16xi32> to vector<32xbf16>
        %add3A_3026 = arith.addf %bitcast3A_2930, %bitcast3A_2935 : vector<32xbf16>
        %add3A_3027 = arith.addf %bitcast3A_2940, %bitcast3A_2945 : vector<32xbf16>
        %add3A_3028 = arith.addf %bitcast3A_2950, %bitcast3A_2955 : vector<32xbf16>
        %add3A_3029 = arith.addf %bitcast3A_2960, %bitcast3A_2965 : vector<32xbf16>
        %add3A_3030 = arith.addf %bitcast3A_2970, %bitcast3A_2975 : vector<32xbf16>
        %add3A_3031 = arith.addf %bitcast3A_2980, %bitcast3A_2985 : vector<32xbf16>
        %add3A_3032 = arith.addf %bitcast3A_2990, %bitcast3A_2995 : vector<32xbf16>
        %add3A_3033 = arith.addf %bitcast3A_3000, %bitcast3A_3005 : vector<32xbf16>
        %add3A_3034 = arith.addf %bitcast3A_3010, %bitcast3A_3015 : vector<32xbf16>
        %add3A_3035 = arith.addf %bitcast3A_3020, %bitcast3A_3025 : vector<32xbf16>
        %add3A_3036 = arith.addf %add3A_3026, %add3A_3027 : vector<32xbf16>
        %add3A_3037 = arith.addf %add3A_3028, %add3A_3029 : vector<32xbf16>
        %add3A_3038 = arith.addf %add3A_3030, %add3A_3031 : vector<32xbf16>
        %add3A_3039 = arith.addf %add3A_3032, %add3A_3033 : vector<32xbf16>
        %add3A_3040 = arith.addf %add3A_3034, %add3A_3035 : vector<32xbf16>
        %add3A_3041 = arith.addf %add3A_3036, %add3A_3037 : vector<32xbf16>
        %add3A_3042 = arith.addf %add3A_3038, %add3A_3039 : vector<32xbf16>
        %add3A_3043 = arith.addf %add3A_3041, %add3A_3042 : vector<32xbf16>
        %add3A_3044 = arith.addf %add3A_3043, %add3A_3040 : vector<32xbf16>
        %bitcast3A_3045 = vector.bitcast %add3A_3044 : vector<32xbf16> to vector<16xi32>
        %mul3A_3046 = arith.constant 5 : i32
        %mul3A_3047 = arith.muli %add3A_2541, %mul3A_3046 : i32
        %add3A_3048 = arith.constant 3 : i32
        %add3A_3049 = arith.addi %mul3A_3047, %add3A_3048 : i32
        %mul3A_3050 = arith.constant 16 : i32
        %mul3A_3051 = arith.muli %add3A_3049, %mul3A_3050 : i32
        %swap3A_3052 = arith.index_cast %mul3A_3051 : i32 to index
        %swap3A_3053 = tpu.vector_load %arg6[%swap3A_3052] {strides = array<i32>} : memref<12800xi32, #tpu.memory_space<vmem>>, vector<16xi32>,
        tpu.vector_store %arg6[%swap3A_3052], %bitcast3A_3045 {strides = array<i32>} : memref<12800xi32, #tpu.memory_space<vmem>>, vector<16xi32>,
        %get3A_3054 = arith.constant 80 : i32
        %get3A_3055 = arith.index_cast %get3A_3054 : i32 to index
        %get3A_3056 = arith.constant 0 : index
        %get3A_3057 = tpu.vector_load %arg7[%get3A_3055, %get3A_3056] {strides = array<i32>} : memref<100x16xi32, #tpu.memory_space<vmem>>, vector<16xi32>,
        %bitcast3A_3058 = vector.bitcast %get3A_3057 : vector<16xi32> to vector<32xbf16>
        %get3A_3059 = arith.constant 81 : i32
        %get3A_3060 = arith.index_cast %get3A_3059 : i32 to index
        %get3A_3061 = arith.constant 0 : index
        %get3A_3062 = tpu.vector_load %arg7[%get3A_3060, %get3A_3061] {strides = array<i32>} : memref<100x16xi32, #tpu.memory_space<vmem>>, vector<16xi32>,
        %bitcast3A_3063 = vector.bitcast %get3A_3062 : vector<16xi32> to vector<32xbf16>
        %get3A_3064 = arith.constant 82 : i32
        %get3A_3065 = arith.index_cast %get3A_3064 : i32 to index
        %get3A_3066 = arith.constant 0 : index
        %get3A_3067 = tpu.vector_load %arg7[%get3A_3065, %get3A_3066] {strides = array<i32>} : memref<100x16xi32, #tpu.memory_space<vmem>>, vector<16xi32>,
        %bitcast3A_3068 = vector.bitcast %get3A_3067 : vector<16xi32> to vector<32xbf16>
        %get3A_3069 = arith.constant 83 : i32
        %get3A_3070 = arith.index_cast %get3A_3069 : i32 to index
        %get3A_3071 = arith.constant 0 : index
        %get3A_3072 = tpu.vector_load %arg7[%get3A_3070, %get3A_3071] {strides = array<i32>} : memref<100x16xi32, #tpu.memory_space<vmem>>, vector<16xi32>,
        %bitcast3A_3073 = vector.bitcast %get3A_3072 : vector<16xi32> to vector<32xbf16>
        %get3A_3074 = arith.constant 84 : i32
        %get3A_3075 = arith.index_cast %get3A_3074 : i32 to index
        %get3A_3076 = arith.constant 0 : index
        %get3A_3077 = tpu.vector_load %arg7[%get3A_3075, %get3A_3076] {strides = array<i32>} : memref<100x16xi32, #tpu.memory_space<vmem>>, vector<16xi32>,
        %bitcast3A_3078 = vector.bitcast %get3A_3077 : vector<16xi32> to vector<32xbf16>
        %get3A_3079 = arith.constant 85 : i32
        %get3A_3080 = arith.index_cast %get3A_3079 : i32 to index
        %get3A_3081 = arith.constant 0 : index
        %get3A_3082 = tpu.vector_load %arg7[%get3A_3080, %get3A_3081] {strides = array<i32>} : memref<100x16xi32, #tpu.memory_space<vmem>>, vector<16xi32>,
        %bitcast3A_3083 = vector.bitcast %get3A_3082 : vector<16xi32> to vector<32xbf16>
        %get3A_3084 = arith.constant 86 : i32
        %get3A_3085 = arith.index_cast %get3A_3084 : i32 to index
        %get3A_3086 = arith.constant 0 : index
        %get3A_3087 = tpu.vector_load %arg7[%get3A_3085, %get3A_3086] {strides = array<i32>} : memref<100x16xi32, #tpu.memory_space<vmem>>, vector<16xi32>,
        %bitcast3A_3088 = vector.bitcast %get3A_3087 : vector<16xi32> to vector<32xbf16>
        %get3A_3089 = arith.constant 87 : i32
        %get3A_3090 = arith.index_cast %get3A_3089 : i32 to index
        %get3A_3091 = arith.constant 0 : index
        %get3A_3092 = tpu.vector_load %arg7[%get3A_3090, %get3A_3091] {strides = array<i32>} : memref<100x16xi32, #tpu.memory_space<vmem>>, vector<16xi32>,
        %bitcast3A_3093 = vector.bitcast %get3A_3092 : vector<16xi32> to vector<32xbf16>
        %get3A_3094 = arith.constant 88 : i32
        %get3A_3095 = arith.index_cast %get3A_3094 : i32 to index
        %get3A_3096 = arith.constant 0 : index
        %get3A_3097 = tpu.vector_load %arg7[%get3A_3095, %get3A_3096] {strides = array<i32>} : memref<100x16xi32, #tpu.memory_space<vmem>>, vector<16xi32>,
        %bitcast3A_3098 = vector.bitcast %get3A_3097 : vector<16xi32> to vector<32xbf16>
        %get3A_3099 = arith.constant 89 : i32
        %get3A_3100 = arith.index_cast %get3A_3099 : i32 to index
        %get3A_3101 = arith.constant 0 : index
        %get3A_3102 = tpu.vector_load %arg7[%get3A_3100, %get3A_3101] {strides = array<i32>} : memref<100x16xi32, #tpu.memory_space<vmem>>, vector<16xi32>,
        %bitcast3A_3103 = vector.bitcast %get3A_3102 : vector<16xi32> to vector<32xbf16>
        %get3A_3104 = arith.constant 90 : i32
        %get3A_3105 = arith.index_cast %get3A_3104 : i32 to index
        %get3A_3106 = arith.constant 0 : index
        %get3A_3107 = tpu.vector_load %arg7[%get3A_3105, %get3A_3106] {strides = array<i32>} : memref<100x16xi32, #tpu.memory_space<vmem>>, vector<16xi32>,
        %bitcast3A_3108 = vector.bitcast %get3A_3107 : vector<16xi32> to vector<32xbf16>
        %get3A_3109 = arith.constant 91 : i32
        %get3A_3110 = arith.index_cast %get3A_3109 : i32 to index
        %get3A_3111 = arith.constant 0 : index
        %get3A_3112 = tpu.vector_load %arg7[%get3A_3110, %get3A_3111] {strides = array<i32>} : memref<100x16xi32, #tpu.memory_space<vmem>>, vector<16xi32>,
        %bitcast3A_3113 = vector.bitcast %get3A_3112 : vector<16xi32> to vector<32xbf16>
        %get3A_3114 = arith.constant 92 : i32
        %get3A_3115 = arith.index_cast %get3A_3114 : i32 to index
        %get3A_3116 = arith.constant 0 : index
        %get3A_3117 = tpu.vector_load %arg7[%get3A_3115, %get3A_3116] {strides = array<i32>} : memref<100x16xi32, #tpu.memory_space<vmem>>, vector<16xi32>,
        %bitcast3A_3118 = vector.bitcast %get3A_3117 : vector<16xi32> to vector<32xbf16>
        %get3A_3119 = arith.constant 93 : i32
        %get3A_3120 = arith.index_cast %get3A_3119 : i32 to index
        %get3A_3121 = arith.constant 0 : index
        %get3A_3122 = tpu.vector_load %arg7[%get3A_3120, %get3A_3121] {strides = array<i32>} : memref<100x16xi32, #tpu.memory_space<vmem>>, vector<16xi32>,
        %bitcast3A_3123 = vector.bitcast %get3A_3122 : vector<16xi32> to vector<32xbf16>
        %get3A_3124 = arith.constant 94 : i32
        %get3A_3125 = arith.index_cast %get3A_3124 : i32 to index
        %get3A_3126 = arith.constant 0 : index
        %get3A_3127 = tpu.vector_load %arg7[%get3A_3125, %get3A_3126] {strides = array<i32>} : memref<100x16xi32, #tpu.memory_space<vmem>>, vector<16xi32>,
        %bitcast3A_3128 = vector.bitcast %get3A_3127 : vector<16xi32> to vector<32xbf16>
        %get3A_3129 = arith.constant 95 : i32
        %get3A_3130 = arith.index_cast %get3A_3129 : i32 to index
        %get3A_3131 = arith.constant 0 : index
        %get3A_3132 = tpu.vector_load %arg7[%get3A_3130, %get3A_3131] {strides = array<i32>} : memref<100x16xi32, #tpu.memory_space<vmem>>, vector<16xi32>,
        %bitcast3A_3133 = vector.bitcast %get3A_3132 : vector<16xi32> to vector<32xbf16>
        %get3A_3134 = arith.constant 96 : i32
        %get3A_3135 = arith.index_cast %get3A_3134 : i32 to index
        %get3A_3136 = arith.constant 0 : index
        %get3A_3137 = tpu.vector_load %arg7[%get3A_3135, %get3A_3136] {strides = array<i32>} : memref<100x16xi32, #tpu.memory_space<vmem>>, vector<16xi32>,
        %bitcast3A_3138 = vector.bitcast %get3A_3137 : vector<16xi32> to vector<32xbf16>
        %get3A_3139 = arith.constant 97 : i32
        %get3A_3140 = arith.index_cast %get3A_3139 : i32 to index
        %get3A_3141 = arith.constant 0 : index
        %get3A_3142 = tpu.vector_load %arg7[%get3A_3140, %get3A_3141] {strides = array<i32>} : memref<100x16xi32, #tpu.memory_space<vmem>>, vector<16xi32>,
        %bitcast3A_3143 = vector.bitcast %get3A_3142 : vector<16xi32> to vector<32xbf16>
        %get3A_3144 = arith.constant 98 : i32
        %get3A_3145 = arith.index_cast %get3A_3144 : i32 to index
        %get3A_3146 = arith.constant 0 : index
        %get3A_3147 = tpu.vector_load %arg7[%get3A_3145, %get3A_3146] {strides = array<i32>} : memref<100x16xi32, #tpu.memory_space<vmem>>, vector<16xi32>,
        %bitcast3A_3148 = vector.bitcast %get3A_3147 : vector<16xi32> to vector<32xbf16>
        %get3A_3149 = arith.constant 99 : i32
        %get3A_3150 = arith.index_cast %get3A_3149 : i32 to index
        %get3A_3151 = arith.constant 0 : index
        %get3A_3152 = tpu.vector_load %arg7[%get3A_3150, %get3A_3151] {strides = array<i32>} : memref<100x16xi32, #tpu.memory_space<vmem>>, vector<16xi32>,
        %bitcast3A_3153 = vector.bitcast %get3A_3152 : vector<16xi32> to vector<32xbf16>
        %add3A_3154 = arith.addf %bitcast3A_3058, %bitcast3A_3063 : vector<32xbf16>
        %add3A_3155 = arith.addf %bitcast3A_3068, %bitcast3A_3073 : vector<32xbf16>
        %add3A_3156 = arith.addf %bitcast3A_3078, %bitcast3A_3083 : vector<32xbf16>
        %add3A_3157 = arith.addf %bitcast3A_3088, %bitcast3A_3093 : vector<32xbf16>
        %add3A_3158 = arith.addf %bitcast3A_3098, %bitcast3A_3103 : vector<32xbf16>
        %add3A_3159 = arith.addf %bitcast3A_3108, %bitcast3A_3113 : vector<32xbf16>
        %add3A_3160 = arith.addf %bitcast3A_3118, %bitcast3A_3123 : vector<32xbf16>
        %add3A_3161 = arith.addf %bitcast3A_3128, %bitcast3A_3133 : vector<32xbf16>
        %add3A_3162 = arith.addf %bitcast3A_3138, %bitcast3A_3143 : vector<32xbf16>
        %add3A_3163 = arith.addf %bitcast3A_3148, %bitcast3A_3153 : vector<32xbf16>
        %add3A_3164 = arith.addf %add3A_3154, %add3A_3155 : vector<32xbf16>
        %add3A_3165 = arith.addf %add3A_3156, %add3A_3157 : vector<32xbf16>
        %add3A_3166 = arith.addf %add3A_3158, %add3A_3159 : vector<32xbf16>
        %add3A_3167 = arith.addf %add3A_3160, %add3A_3161 : vector<32xbf16>
        %add3A_3168 = arith.addf %add3A_3162, %add3A_3163 : vector<32xbf16>
        %add3A_3169 = arith.addf %add3A_3164, %add3A_3165 : vector<32xbf16>
        %add3A_3170 = arith.addf %add3A_3166, %add3A_3167 : vector<32xbf16>
        %add3A_3171 = arith.addf %add3A_3169, %add3A_3170 : vector<32xbf16>
        %add3A_3172 = arith.addf %add3A_3171, %add3A_3168 : vector<32xbf16>
        %bitcast3A_3173 = vector.bitcast %add3A_3172 : vector<32xbf16> to vector<16xi32>
        %mul3A_3174 = arith.constant 5 : i32
        %mul3A_3175 = arith.muli %add3A_2541, %mul3A_3174 : i32
        %add3A_3176 = arith.constant 4 : i32
        %add3A_3177 = arith.addi %mul3A_3175, %add3A_3176 : i32
        %mul3A_3178 = arith.constant 16 : i32
        %mul3A_3179 = arith.muli %add3A_3177, %mul3A_3178 : i32
        %swap3A_3180 = arith.index_cast %mul3A_3179 : i32 to index
        %swap3A_3181 = tpu.vector_load %arg6[%swap3A_3180] {strides = array<i32>} : memref<12800xi32, #tpu.memory_space<vmem>>, vector<16xi32>,
        tpu.vector_store %arg6[%swap3A_3180], %bitcast3A_3173 {strides = array<i32>} : memref<12800xi32, #tpu.memory_space<vmem>>, vector<16xi32>,
        %add3A_3182 = arith.constant 0 : i32
        %add3A_3183 = arith.addi %mul3A_2531, %add3A_3182 : i32
        %add3A_3184 = arith.constant 4 : i32
        %add3A_3185 = arith.addi %add3A_3183, %add3A_3184 : i32
        %dma_start3A_3186 = arith.constant 0 : i32
        %dma_start3A_3187 = tpu.memref_slice %arg5[%add3A_3185, %dma_start3A_3186] : memref<160x100xi32, #tpu.memory_space<vmem>> -> memref<1x100xi32, #tpu.memory_space<vmem>>
        %dma_start3A_3188 = tpu.memref_squeeze %dma_start3A_3187 : memref<1x100xi32, #tpu.memory_space<vmem>> -> memref<100xi32, #tpu.memory_space<vmem>>
        %dma_start3A_3189 = arith.constant 0 : i32
        %dma_start3A_3190 = arith.constant 0 : i32
        %dma_start3A_3191 = tpu.memref_slice %arg11[%dma_start3A_3189, %dma_start3A_3190] : memref<1000x16xi32, #tpu.memory_space<vmem_shared>> -> memref<1000x16xi32, #tpu.memory_space<vmem_shared>>
        tpu.enqueue_indirect_dma source(%dma_start3A_3191 : memref<1000x16xi32, #tpu.memory_space<vmem_shared>>) target(%arg7 : memref<100x16xi32, #tpu.memory_space<vmem>>) offsets(%dma_start3A_3188 : memref<100xi32, #tpu.memory_space<vmem>>) semaphore(%arg12 : memref<!tpu.dma_semaphore, #tpu.memory_space<semaphore_mem>>)
        %add3A_3192 = arith.constant 1 : i32
        %add3A_3193 = arith.addi %mul3A_2531, %add3A_3192 : i32
        %dma_wait3A_3194 = arith.constant 0 : i32
        %dma_wait3A_3195 = tpu.memref_slice %arg5[%add3A_3193, %dma_wait3A_3194] : memref<160x100xi32, #tpu.memory_space<vmem>> -> memref<1x100xi32, #tpu.memory_space<vmem>>
        %dma_wait3A_3196 = tpu.memref_squeeze %dma_wait3A_3195 : memref<1x100xi32, #tpu.memory_space<vmem>> -> memref<100xi32, #tpu.memory_space<vmem>>
        %dma_wait3A_3197 = arith.constant 0 : i32
        %dma_wait3A_3198 = arith.constant 0 : i32
        %dma_wait3A_3199 = tpu.memref_slice %arg11[%dma_wait3A_3197, %dma_wait3A_3198] : memref<1000x16xi32, #tpu.memory_space<vmem_shared>> -> memref<1000x16xi32, #tpu.memory_space<vmem_shared>>
        tpu.wait_indirect_dma semaphore(%arg13 : memref<!tpu.dma_semaphore, #tpu.memory_space<semaphore_mem>>) src(%dma_wait3A_3199 : memref<1000x16xi32, #tpu.memory_space<vmem_shared>>) dst(%arg8 : memref<100x16xi32, #tpu.memory_space<vmem>>)
        %add3A_3200 = arith.constant 1 : i32
        %add3A_3201 = arith.addi %mul3A_2531, %add3A_3200 : i32
        %get3A_3202 = arith.constant 0 : i32
        %get3A_3203 = arith.index_cast %get3A_3202 : i32 to index
        %get3A_3204 = arith.constant 0 : index
        %get3A_3205 = tpu.vector_load %arg8[%get3A_3203, %get3A_3204] {strides = array<i32>} : memref<100x16xi32, #tpu.memory_space<vmem>>, vector<16xi32>,
        %bitcast3A_3206 = vector.bitcast %get3A_3205 : vector<16xi32> to vector<32xbf16>
        %get3A_3207 = arith.constant 1 : i32
        %get3A_3208 = arith.index_cast %get3A_3207 : i32 to index
        %get3A_3209 = arith.constant 0 : index
        %get3A_3210 = tpu.vector_load %arg8[%get3A_3208, %get3A_3209] {strides = array<i32>} : memref<100x16xi32, #tpu.memory_space<vmem>>, vector<16xi32>,
        %bitcast3A_3211 = vector.bitcast %get3A_3210 : vector<16xi32> to vector<32xbf16>
        %get3A_3212 = arith.constant 2 : i32
        %get3A_3213 = arith.index_cast %get3A_3212 : i32 to index
        %get3A_3214 = arith.constant 0 : index
        %get3A_3215 = tpu.vector_load %arg8[%get3A_3213, %get3A_3214] {strides = array<i32>} : memref<100x16xi32, #tpu.memory_space<vmem>>, vector<16xi32>,
        %bitcast3A_3216 = vector.bitcast %get3A_3215 : vector<16xi32> to vector<32xbf16>
        %get3A_3217 = arith.constant 3 : i32
        %get3A_3218 = arith.index_cast %get3A_3217 : i32 to index
        %get3A_3219 = arith.constant 0 : index
        %get3A_3220 = tpu.vector_load %arg8[%get3A_3218, %get3A_3219] {strides = array<i32>} : memref<100x16xi32, #tpu.memory_space<vmem>>, vector<16xi32>,
        %bitcast3A_3221 = vector.bitcast %get3A_3220 : vector<16xi32> to vector<32xbf16>
        %get3A_3222 = arith.constant 4 : i32
        %get3A_3223 = arith.index_cast %get3A_3222 : i32 to index
        %get3A_3224 = arith.constant 0 : index
        %get3A_3225 = tpu.vector_load %arg8[%get3A_3223, %get3A_3224] {strides = array<i32>} : memref<100x16xi32, #tpu.memory_space<vmem>>, vector<16xi32>,
        %bitcast3A_3226 = vector.bitcast %get3A_3225 : vector<16xi32> to vector<32xbf16>
        %get3A_3227 = arith.constant 5 : i32
        %get3A_3228 = arith.index_cast %get3A_3227 : i32 to index
        %get3A_3229 = arith.constant 0 : index
        %get3A_3230 = tpu.vector_load %arg8[%get3A_3228, %get3A_3229] {strides = array<i32>} : memref<100x16xi32, #tpu.memory_space<vmem>>, vector<16xi32>,
        %bitcast3A_3231 = vector.bitcast %get3A_3230 : vector<16xi32> to vector<32xbf16>
        %get3A_3232 = arith.constant 6 : i32
        %get3A_3233 = arith.index_cast %get3A_3232 : i32 to index
        %get3A_3234 = arith.constant 0 : index
        %get3A_3235 = tpu.vector_load %arg8[%get3A_3233, %get3A_3234] {strides = array<i32>} : memref<100x16xi32, #tpu.memory_space<vmem>>, vector<16xi32>,
        %bitcast3A_3236 = vector.bitcast %get3A_3235 : vector<16xi32> to vector<32xbf16>
        %get3A_3237 = arith.constant 7 : i32
        %get3A_3238 = arith.index_cast %get3A_3237 : i32 to index
        %get3A_3239 = arith.constant 0 : index
        %get3A_3240 = tpu.vector_load %arg8[%get3A_3238, %get3A_3239] {strides = array<i32>} : memref<100x16xi32, #tpu.memory_space<vmem>>, vector<16xi32>,
        %bitcast3A_3241 = vector.bitcast %get3A_3240 : vector<16xi32> to vector<32xbf16>
        %get3A_3242 = arith.constant 8 : i32
        %get3A_3243 = arith.index_cast %get3A_3242 : i32 to index
        %get3A_3244 = arith.constant 0 : index
        %get3A_3245 = tpu.vector_load %arg8[%get3A_3243, %get3A_3244] {strides = array<i32>} : memref<100x16xi32, #tpu.memory_space<vmem>>, vector<16xi32>,
        %bitcast3A_3246 = vector.bitcast %get3A_3245 : vector<16xi32> to vector<32xbf16>
        %get3A_3247 = arith.constant 9 : i32
        %get3A_3248 = arith.index_cast %get3A_3247 : i32 to index
        %get3A_3249 = arith.constant 0 : index
        %get3A_3250 = tpu.vector_load %arg8[%get3A_3248, %get3A_3249] {strides = array<i32>} : memref<100x16xi32, #tpu.memory_space<vmem>>, vector<16xi32>,
        %bitcast3A_3251 = vector.bitcast %get3A_3250 : vector<16xi32> to vector<32xbf16>
        %get3A_3252 = arith.constant 10 : i32
        %get3A_3253 = arith.index_cast %get3A_3252 : i32 to index
        %get3A_3254 = arith.constant 0 : index
        %get3A_3255 = tpu.vector_load %arg8[%get3A_3253, %get3A_3254] {strides = array<i32>} : memref<100x16xi32, #tpu.memory_space<vmem>>, vector<16xi32>,
        %bitcast3A_3256 = vector.bitcast %get3A_3255 : vector<16xi32> to vector<32xbf16>
        %get3A_3257 = arith.constant 11 : i32
        %get3A_3258 = arith.index_cast %get3A_3257 : i32 to index
        %get3A_3259 = arith.constant 0 : index
        %get3A_3260 = tpu.vector_load %arg8[%get3A_3258, %get3A_3259] {strides = array<i32>} : memref<100x16xi32, #tpu.memory_space<vmem>>, vector<16xi32>,
        %bitcast3A_3261 = vector.bitcast %get3A_3260 : vector<16xi32> to vector<32xbf16>
        %get3A_3262 = arith.constant 12 : i32
        %get3A_3263 = arith.index_cast %get3A_3262 : i32 to index
        %get3A_3264 = arith.constant 0 : index
        %get3A_3265 = tpu.vector_load %arg8[%get3A_3263, %get3A_3264] {strides = array<i32>} : memref<100x16xi32, #tpu.memory_space<vmem>>, vector<16xi32>,
        %bitcast3A_3266 = vector.bitcast %get3A_3265 : vector<16xi32> to vector<32xbf16>
        %get3A_3267 = arith.constant 13 : i32
        %get3A_3268 = arith.index_cast %get3A_3267 : i32 to index
        %get3A_3269 = arith.constant 0 : index
        %get3A_3270 = tpu.vector_load %arg8[%get3A_3268, %get3A_3269] {strides = array<i32>} : memref<100x16xi32, #tpu.memory_space<vmem>>, vector<16xi32>,
        %bitcast3A_3271 = vector.bitcast %get3A_3270 : vector<16xi32> to vector<32xbf16>
        %get3A_3272 = arith.constant 14 : i32
        %get3A_3273 = arith.index_cast %get3A_3272 : i32 to index
        %get3A_3274 = arith.constant 0 : index
        %get3A_3275 = tpu.vector_load %arg8[%get3A_3273, %get3A_3274] {strides = array<i32>} : memref<100x16xi32, #tpu.memory_space<vmem>>, vector<16xi32>,
        %bitcast3A_3276 = vector.bitcast %get3A_3275 : vector<16xi32> to vector<32xbf16>
        %get3A_3277 = arith.constant 15 : i32
        %get3A_3278 = arith.index_cast %get3A_3277 : i32 to index
        %get3A_3279 = arith.constant 0 : index
        %get3A_3280 = tpu.vector_load %arg8[%get3A_3278, %get3A_3279] {strides = array<i32>} : memref<100x16xi32, #tpu.memory_space<vmem>>, vector<16xi32>,
        %bitcast3A_3281 = vector.bitcast %get3A_3280 : vector<16xi32> to vector<32xbf16>
        %get3A_3282 = arith.constant 16 : i32
        %get3A_3283 = arith.index_cast %get3A_3282 : i32 to index
        %get3A_3284 = arith.constant 0 : index
        %get3A_3285 = tpu.vector_load %arg8[%get3A_3283, %get3A_3284] {strides = array<i32>} : memref<100x16xi32, #tpu.memory_space<vmem>>, vector<16xi32>,
        %bitcast3A_3286 = vector.bitcast %get3A_3285 : vector<16xi32> to vector<32xbf16>
        %get3A_3287 = arith.constant 17 : i32
        %get3A_3288 = arith.index_cast %get3A_3287 : i32 to index
        %get3A_3289 = arith.constant 0 : index
        %get3A_3290 = tpu.vector_load %arg8[%get3A_3288, %get3A_3289] {strides = array<i32>} : memref<100x16xi32, #tpu.memory_space<vmem>>, vector<16xi32>,
        %bitcast3A_3291 = vector.bitcast %get3A_3290 : vector<16xi32> to vector<32xbf16>
        %get3A_3292 = arith.constant 18 : i32
        %get3A_3293 = arith.index_cast %get3A_3292 : i32 to index
        %get3A_3294 = arith.constant 0 : index
        %get3A_3295 = tpu.vector_load %arg8[%get3A_3293, %get3A_3294] {strides = array<i32>} : memref<100x16xi32, #tpu.memory_space<vmem>>, vector<16xi32>,
        %bitcast3A_3296 = vector.bitcast %get3A_3295 : vector<16xi32> to vector<32xbf16>
        %get3A_3297 = arith.constant 19 : i32
        %get3A_3298 = arith.index_cast %get3A_3297 : i32 to index
        %get3A_3299 = arith.constant 0 : index
        %get3A_3300 = tpu.vector_load %arg8[%get3A_3298, %get3A_3299] {strides = array<i32>} : memref<100x16xi32, #tpu.memory_space<vmem>>, vector<16xi32>,
        %bitcast3A_3301 = vector.bitcast %get3A_3300 : vector<16xi32> to vector<32xbf16>
        %add3A_3302 = arith.addf %bitcast3A_3206, %bitcast3A_3211 : vector<32xbf16>
        %add3A_3303 = arith.addf %bitcast3A_3216, %bitcast3A_3221 : vector<32xbf16>
        %add3A_3304 = arith.addf %bitcast3A_3226, %bitcast3A_3231 : vector<32xbf16>
        %add3A_3305 = arith.addf %bitcast3A_3236, %bitcast3A_3241 : vector<32xbf16>
        %add3A_3306 = arith.addf %bitcast3A_3246, %bitcast3A_3251 : vector<32xbf16>
        %add3A_3307 = arith.addf %bitcast3A_3256, %bitcast3A_3261 : vector<32xbf16>
        %add3A_3308 = arith.addf %bitcast3A_3266, %bitcast3A_3271 : vector<32xbf16>
        %add3A_3309 = arith.addf %bitcast3A_3276, %bitcast3A_3281 : vector<32xbf16>
        %add3A_3310 = arith.addf %bitcast3A_3286, %bitcast3A_3291 : vector<32xbf16>
        %add3A_3311 = arith.addf %bitcast3A_3296, %bitcast3A_3301 : vector<32xbf16>
        %add3A_3312 = arith.addf %add3A_3302, %add3A_3303 : vector<32xbf16>
        %add3A_3313 = arith.addf %add3A_3304, %add3A_3305 : vector<32xbf16>
        %add3A_3314 = arith.addf %add3A_3306, %add3A_3307 : vector<32xbf16>
        %add3A_3315 = arith.addf %add3A_3308, %add3A_3309 : vector<32xbf16>
        %add3A_3316 = arith.addf %add3A_3310, %add3A_3311 : vector<32xbf16>
        %add3A_3317 = arith.addf %add3A_3312, %add3A_3313 : vector<32xbf16>
        %add3A_3318 = arith.addf %add3A_3314, %add3A_3315 : vector<32xbf16>
        %add3A_3319 = arith.addf %add3A_3317, %add3A_3318 : vector<32xbf16>
        %add3A_3320 = arith.addf %add3A_3319, %add3A_3316 : vector<32xbf16>
        %bitcast3A_3321 = vector.bitcast %add3A_3320 : vector<32xbf16> to vector<16xi32>
        %mul3A_3322 = arith.constant 5 : i32
        %mul3A_3323 = arith.muli %add3A_3201, %mul3A_3322 : i32
        %add3A_3324 = arith.constant 0 : i32
        %add3A_3325 = arith.addi %mul3A_3323, %add3A_3324 : i32
        %mul3A_3326 = arith.constant 16 : i32
        %mul3A_3327 = arith.muli %add3A_3325, %mul3A_3326 : i32
        %swap3A_3328 = arith.index_cast %mul3A_3327 : i32 to index
        %swap3A_3329 = tpu.vector_load %arg6[%swap3A_3328] {strides = array<i32>} : memref<12800xi32, #tpu.memory_space<vmem>>, vector<16xi32>,
        tpu.vector_store %arg6[%swap3A_3328], %bitcast3A_3321 {strides = array<i32>} : memref<12800xi32, #tpu.memory_space<vmem>>, vector<16xi32>,
        %get3A_3330 = arith.constant 20 : i32
        %get3A_3331 = arith.index_cast %get3A_3330 : i32 to index
        %get3A_3332 = arith.constant 0 : index
        %get3A_3333 = tpu.vector_load %arg8[%get3A_3331, %get3A_3332] {strides = array<i32>} : memref<100x16xi32, #tpu.memory_space<vmem>>, vector<16xi32>,
        %bitcast3A_3334 = vector.bitcast %get3A_3333 : vector<16xi32> to vector<32xbf16>
        %get3A_3335 = arith.constant 21 : i32
        %get3A_3336 = arith.index_cast %get3A_3335 : i32 to index
        %get3A_3337 = arith.constant 0 : index
        %get3A_3338 = tpu.vector_load %arg8[%get3A_3336, %get3A_3337] {strides = array<i32>} : memref<100x16xi32, #tpu.memory_space<vmem>>, vector<16xi32>,
        %bitcast3A_3339 = vector.bitcast %get3A_3338 : vector<16xi32> to vector<32xbf16>
        %get3A_3340 = arith.constant 22 : i32
        %get3A_3341 = arith.index_cast %get3A_3340 : i32 to index
        %get3A_3342 = arith.constant 0 : index
        %get3A_3343 = tpu.vector_load %arg8[%get3A_3341, %get3A_3342] {strides = array<i32>} : memref<100x16xi32, #tpu.memory_space<vmem>>, vector<16xi32>,
        %bitcast3A_3344 = vector.bitcast %get3A_3343 : vector<16xi32> to vector<32xbf16>
        %get3A_3345 = arith.constant 23 : i32
        %get3A_3346 = arith.index_cast %get3A_3345 : i32 to index
        %get3A_3347 = arith.constant 0 : index
        %get3A_3348 = tpu.vector_load %arg8[%get3A_3346, %get3A_3347] {strides = array<i32>} : memref<100x16xi32, #tpu.memory_space<vmem>>, vector<16xi32>,
        %bitcast3A_3349 = vector.bitcast %get3A_3348 : vector<16xi32> to vector<32xbf16>
        %get3A_3350 = arith.constant 24 : i32
        %get3A_3351 = arith.index_cast %get3A_3350 : i32 to index
        %get3A_3352 = arith.constant 0 : index
        %get3A_3353 = tpu.vector_load %arg8[%get3A_3351, %get3A_3352] {strides = array<i32>} : memref<100x16xi32, #tpu.memory_space<vmem>>, vector<16xi32>,
        %bitcast3A_3354 = vector.bitcast %get3A_3353 : vector<16xi32> to vector<32xbf16>
        %get3A_3355 = arith.constant 25 : i32
        %get3A_3356 = arith.index_cast %get3A_3355 : i32 to index
        %get3A_3357 = arith.constant 0 : index
        %get3A_3358 = tpu.vector_load %arg8[%get3A_3356, %get3A_3357] {strides = array<i32>} : memref<100x16xi32, #tpu.memory_space<vmem>>, vector<16xi32>,
        %bitcast3A_3359 = vector.bitcast %get3A_3358 : vector<16xi32> to vector<32xbf16>
        %get3A_3360 = arith.constant 26 : i32
        %get3A_3361 = arith.index_cast %get3A_3360 : i32 to index
        %get3A_3362 = arith.constant 0 : index
        %get3A_3363 = tpu.vector_load %arg8[%get3A_3361, %get3A_3362] {strides = array<i32>} : memref<100x16xi32, #tpu.memory_space<vmem>>, vector<16xi32>,
        %bitcast3A_3364 = vector.bitcast %get3A_3363 : vector<16xi32> to vector<32xbf16>
        %get3A_3365 = arith.constant 27 : i32
        %get3A_3366 = arith.index_cast %get3A_3365 : i32 to index
        %get3A_3367 = arith.constant 0 : index
        %get3A_3368 = tpu.vector_load %arg8[%get3A_3366, %get3A_3367] {strides = array<i32>} : memref<100x16xi32, #tpu.memory_space<vmem>>, vector<16xi32>,
        %bitcast3A_3369 = vector.bitcast %get3A_3368 : vector<16xi32> to vector<32xbf16>
        %get3A_3370 = arith.constant 28 : i32
        %get3A_3371 = arith.index_cast %get3A_3370 : i32 to index
        %get3A_3372 = arith.constant 0 : index
        %get3A_3373 = tpu.vector_load %arg8[%get3A_3371, %get3A_3372] {strides = array<i32>} : memref<100x16xi32, #tpu.memory_space<vmem>>, vector<16xi32>,
        %bitcast3A_3374 = vector.bitcast %get3A_3373 : vector<16xi32> to vector<32xbf16>
        %get3A_3375 = arith.constant 29 : i32
        %get3A_3376 = arith.index_cast %get3A_3375 : i32 to index
        %get3A_3377 = arith.constant 0 : index
        %get3A_3378 = tpu.vector_load %arg8[%get3A_3376, %get3A_3377] {strides = array<i32>} : memref<100x16xi32, #tpu.memory_space<vmem>>, vector<16xi32>,
        %bitcast3A_3379 = vector.bitcast %get3A_3378 : vector<16xi32> to vector<32xbf16>
        %get3A_3380 = arith.constant 30 : i32
        %get3A_3381 = arith.index_cast %get3A_3380 : i32 to index
        %get3A_3382 = arith.constant 0 : index
        %get3A_3383 = tpu.vector_load %arg8[%get3A_3381, %get3A_3382] {strides = array<i32>} : memref<100x16xi32, #tpu.memory_space<vmem>>, vector<16xi32>,
        %bitcast3A_3384 = vector.bitcast %get3A_3383 : vector<16xi32> to vector<32xbf16>
        %get3A_3385 = arith.constant 31 : i32
        %get3A_3386 = arith.index_cast %get3A_3385 : i32 to index
        %get3A_3387 = arith.constant 0 : index
        %get3A_3388 = tpu.vector_load %arg8[%get3A_3386, %get3A_3387] {strides = array<i32>} : memref<100x16xi32, #tpu.memory_space<vmem>>, vector<16xi32>,
        %bitcast3A_3389 = vector.bitcast %get3A_3388 : vector<16xi32> to vector<32xbf16>
        %get3A_3390 = arith.constant 32 : i32
        %get3A_3391 = arith.index_cast %get3A_3390 : i32 to index
        %get3A_3392 = arith.constant 0 : index
        %get3A_3393 = tpu.vector_load %arg8[%get3A_3391, %get3A_3392] {strides = array<i32>} : memref<100x16xi32, #tpu.memory_space<vmem>>, vector<16xi32>,
        %bitcast3A_3394 = vector.bitcast %get3A_3393 : vector<16xi32> to vector<32xbf16>
        %get3A_3395 = arith.constant 33 : i32
        %get3A_3396 = arith.index_cast %get3A_3395 : i32 to index
        %get3A_3397 = arith.constant 0 : index
        %get3A_3398 = tpu.vector_load %arg8[%get3A_3396, %get3A_3397] {strides = array<i32>} : memref<100x16xi32, #tpu.memory_space<vmem>>, vector<16xi32>,
        %bitcast3A_3399 = vector.bitcast %get3A_3398 : vector<16xi32> to vector<32xbf16>
        %get3A_3400 = arith.constant 34 : i32
        %get3A_3401 = arith.index_cast %get3A_3400 : i32 to index
        %get3A_3402 = arith.constant 0 : index
        %get3A_3403 = tpu.vector_load %arg8[%get3A_3401, %get3A_3402] {strides = array<i32>} : memref<100x16xi32, #tpu.memory_space<vmem>>, vector<16xi32>,
        %bitcast3A_3404 = vector.bitcast %get3A_3403 : vector<16xi32> to vector<32xbf16>
        %get3A_3405 = arith.constant 35 : i32
        %get3A_3406 = arith.index_cast %get3A_3405 : i32 to index
        %get3A_3407 = arith.constant 0 : index
        %get3A_3408 = tpu.vector_load %arg8[%get3A_3406, %get3A_3407] {strides = array<i32>} : memref<100x16xi32, #tpu.memory_space<vmem>>, vector<16xi32>,
        %bitcast3A_3409 = vector.bitcast %get3A_3408 : vector<16xi32> to vector<32xbf16>
        %get3A_3410 = arith.constant 36 : i32
        %get3A_3411 = arith.index_cast %get3A_3410 : i32 to index
        %get3A_3412 = arith.constant 0 : index
        %get3A_3413 = tpu.vector_load %arg8[%get3A_3411, %get3A_3412] {strides = array<i32>} : memref<100x16xi32, #tpu.memory_space<vmem>>, vector<16xi32>,
        %bitcast3A_3414 = vector.bitcast %get3A_3413 : vector<16xi32> to vector<32xbf16>
        %get3A_3415 = arith.constant 37 : i32
        %get3A_3416 = arith.index_cast %get3A_3415 : i32 to index
        %get3A_3417 = arith.constant 0 : index
        %get3A_3418 = tpu.vector_load %arg8[%get3A_3416, %get3A_3417] {strides = array<i32>} : memref<100x16xi32, #tpu.memory_space<vmem>>, vector<16xi32>,
        %bitcast3A_3419 = vector.bitcast %get3A_3418 : vector<16xi32> to vector<32xbf16>
        %get3A_3420 = arith.constant 38 : i32
        %get3A_3421 = arith.index_cast %get3A_3420 : i32 to index
        %get3A_3422 = arith.constant 0 : index
        %get3A_3423 = tpu.vector_load %arg8[%get3A_3421, %get3A_3422] {strides = array<i32>} : memref<100x16xi32, #tpu.memory_space<vmem>>, vector<16xi32>,
        %bitcast3A_3424 = vector.bitcast %get3A_3423 : vector<16xi32> to vector<32xbf16>
        %get3A_3425 = arith.constant 39 : i32
        %get3A_3426 = arith.index_cast %get3A_3425 : i32 to index
        %get3A_3427 = arith.constant 0 : index
        %get3A_3428 = tpu.vector_load %arg8[%get3A_3426, %get3A_3427] {strides = array<i32>} : memref<100x16xi32, #tpu.memory_space<vmem>>, vector<16xi32>,
        %bitcast3A_3429 = vector.bitcast %get3A_3428 : vector<16xi32> to vector<32xbf16>
        %add3A_3430 = arith.addf %bitcast3A_3334, %bitcast3A_3339 : vector<32xbf16>
        %add3A_3431 = arith.addf %bitcast3A_3344, %bitcast3A_3349 : vector<32xbf16>
        %add3A_3432 = arith.addf %bitcast3A_3354, %bitcast3A_3359 : vector<32xbf16>
        %add3A_3433 = arith.addf %bitcast3A_3364, %bitcast3A_3369 : vector<32xbf16>
        %add3A_3434 = arith.addf %bitcast3A_3374, %bitcast3A_3379 : vector<32xbf16>
        %add3A_3435 = arith.addf %bitcast3A_3384, %bitcast3A_3389 : vector<32xbf16>
        %add3A_3436 = arith.addf %bitcast3A_3394, %bitcast3A_3399 : vector<32xbf16>
        %add3A_3437 = arith.addf %bitcast3A_3404, %bitcast3A_3409 : vector<32xbf16>
        %add3A_3438 = arith.addf %bitcast3A_3414, %bitcast3A_3419 : vector<32xbf16>
        %add3A_3439 = arith.addf %bitcast3A_3424, %bitcast3A_3429 : vector<32xbf16>
        %add3A_3440 = arith.addf %add3A_3430, %add3A_3431 : vector<32xbf16>
        %add3A_3441 = arith.addf %add3A_3432, %add3A_3433 : vector<32xbf16>
        %add3A_3442 = arith.addf %add3A_3434, %add3A_3435 : vector<32xbf16>
        %add3A_3443 = arith.addf %add3A_3436, %add3A_3437 : vector<32xbf16>
        %add3A_3444 = arith.addf %add3A_3438, %add3A_3439 : vector<32xbf16>
        %add3A_3445 = arith.addf %add3A_3440, %add3A_3441 : vector<32xbf16>
        %add3A_3446 = arith.addf %add3A_3442, %add3A_3443 : vector<32xbf16>
        %add3A_3447 = arith.addf %add3A_3445, %add3A_3446 : vector<32xbf16>
        %add3A_3448 = arith.addf %add3A_3447, %add3A_3444 : vector<32xbf16>
        %bitcast3A_3449 = vector.bitcast %add3A_3448 : vector<32xbf16> to vector<16xi32>
        %mul3A_3450 = arith.constant 5 : i32
        %mul3A_3451 = arith.muli %add3A_3201, %mul3A_3450 : i32
        %add3A_3452 = arith.constant 1 : i32
        %add3A_3453 = arith.addi %mul3A_3451, %add3A_3452 : i32
        %mul3A_3454 = arith.constant 16 : i32
        %mul3A_3455 = arith.muli %add3A_3453, %mul3A_3454 : i32
        %swap3A_3456 = arith.index_cast %mul3A_3455 : i32 to index
        %swap3A_3457 = tpu.vector_load %arg6[%swap3A_3456] {strides = array<i32>} : memref<12800xi32, #tpu.memory_space<vmem>>, vector<16xi32>,
        tpu.vector_store %arg6[%swap3A_3456], %bitcast3A_3449 {strides = array<i32>} : memref<12800xi32, #tpu.memory_space<vmem>>, vector<16xi32>,
        %get3A_3458 = arith.constant 40 : i32
        %get3A_3459 = arith.index_cast %get3A_3458 : i32 to index
        %get3A_3460 = arith.constant 0 : index
        %get3A_3461 = tpu.vector_load %arg8[%get3A_3459, %get3A_3460] {strides = array<i32>} : memref<100x16xi32, #tpu.memory_space<vmem>>, vector<16xi32>,
        %bitcast3A_3462 = vector.bitcast %get3A_3461 : vector<16xi32> to vector<32xbf16>
        %get3A_3463 = arith.constant 41 : i32
        %get3A_3464 = arith.index_cast %get3A_3463 : i32 to index
        %get3A_3465 = arith.constant 0 : index
        %get3A_3466 = tpu.vector_load %arg8[%get3A_3464, %get3A_3465] {strides = array<i32>} : memref<100x16xi32, #tpu.memory_space<vmem>>, vector<16xi32>,
        %bitcast3A_3467 = vector.bitcast %get3A_3466 : vector<16xi32> to vector<32xbf16>
        %get3A_3468 = arith.constant 42 : i32
        %get3A_3469 = arith.index_cast %get3A_3468 : i32 to index
        %get3A_3470 = arith.constant 0 : index
        %get3A_3471 = tpu.vector_load %arg8[%get3A_3469, %get3A_3470] {strides = array<i32>} : memref<100x16xi32, #tpu.memory_space<vmem>>, vector<16xi32>,
        %bitcast3A_3472 = vector.bitcast %get3A_3471 : vector<16xi32> to vector<32xbf16>
        %get3A_3473 = arith.constant 43 : i32
        %get3A_3474 = arith.index_cast %get3A_3473 : i32 to index
        %get3A_3475 = arith.constant 0 : index
        %get3A_3476 = tpu.vector_load %arg8[%get3A_3474, %get3A_3475] {strides = array<i32>} : memref<100x16xi32, #tpu.memory_space<vmem>>, vector<16xi32>,
        %bitcast3A_3477 = vector.bitcast %get3A_3476 : vector<16xi32> to vector<32xbf16>
        %get3A_3478 = arith.constant 44 : i32
        %get3A_3479 = arith.index_cast %get3A_3478 : i32 to index
        %get3A_3480 = arith.constant 0 : index
        %get3A_3481 = tpu.vector_load %arg8[%get3A_3479, %get3A_3480] {strides = array<i32>} : memref<100x16xi32, #tpu.memory_space<vmem>>, vector<16xi32>,
        %bitcast3A_3482 = vector.bitcast %get3A_3481 : vector<16xi32> to vector<32xbf16>
        %get3A_3483 = arith.constant 45 : i32
        %get3A_3484 = arith.index_cast %get3A_3483 : i32 to index
        %get3A_3485 = arith.constant 0 : index
        %get3A_3486 = tpu.vector_load %arg8[%get3A_3484, %get3A_3485] {strides = array<i32>} : memref<100x16xi32, #tpu.memory_space<vmem>>, vector<16xi32>,
        %bitcast3A_3487 = vector.bitcast %get3A_3486 : vector<16xi32> to vector<32xbf16>
        %get3A_3488 = arith.constant 46 : i32
        %get3A_3489 = arith.index_cast %get3A_3488 : i32 to index
        %get3A_3490 = arith.constant 0 : index
        %get3A_3491 = tpu.vector_load %arg8[%get3A_3489, %get3A_3490] {strides = array<i32>} : memref<100x16xi32, #tpu.memory_space<vmem>>, vector<16xi32>,
        %bitcast3A_3492 = vector.bitcast %get3A_3491 : vector<16xi32> to vector<32xbf16>
        %get3A_3493 = arith.constant 47 : i32
        %get3A_3494 = arith.index_cast %get3A_3493 : i32 to index
        %get3A_3495 = arith.constant 0 : index
        %get3A_3496 = tpu.vector_load %arg8[%get3A_3494, %get3A_3495] {strides = array<i32>} : memref<100x16xi32, #tpu.memory_space<vmem>>, vector<16xi32>,
        %bitcast3A_3497 = vector.bitcast %get3A_3496 : vector<16xi32> to vector<32xbf16>
        %get3A_3498 = arith.constant 48 : i32
        %get3A_3499 = arith.index_cast %get3A_3498 : i32 to index
        %get3A_3500 = arith.constant 0 : index
        %get3A_3501 = tpu.vector_load %arg8[%get3A_3499, %get3A_3500] {strides = array<i32>} : memref<100x16xi32, #tpu.memory_space<vmem>>, vector<16xi32>,
        %bitcast3A_3502 = vector.bitcast %get3A_3501 : vector<16xi32> to vector<32xbf16>
        %get3A_3503 = arith.constant 49 : i32
        %get3A_3504 = arith.index_cast %get3A_3503 : i32 to index
        %get3A_3505 = arith.constant 0 : index
        %get3A_3506 = tpu.vector_load %arg8[%get3A_3504, %get3A_3505] {strides = array<i32>} : memref<100x16xi32, #tpu.memory_space<vmem>>, vector<16xi32>,
        %bitcast3A_3507 = vector.bitcast %get3A_3506 : vector<16xi32> to vector<32xbf16>
        %get3A_3508 = arith.constant 50 : i32
        %get3A_3509 = arith.index_cast %get3A_3508 : i32 to index
        %get3A_3510 = arith.constant 0 : index
        %get3A_3511 = tpu.vector_load %arg8[%get3A_3509, %get3A_3510] {strides = array<i32>} : memref<100x16xi32, #tpu.memory_space<vmem>>, vector<16xi32>,
        %bitcast3A_3512 = vector.bitcast %get3A_3511 : vector<16xi32> to vector<32xbf16>
        %get3A_3513 = arith.constant 51 : i32
        %get3A_3514 = arith.index_cast %get3A_3513 : i32 to index
        %get3A_3515 = arith.constant 0 : index
        %get3A_3516 = tpu.vector_load %arg8[%get3A_3514, %get3A_3515] {strides = array<i32>} : memref<100x16xi32, #tpu.memory_space<vmem>>, vector<16xi32>,
        %bitcast3A_3517 = vector.bitcast %get3A_3516 : vector<16xi32> to vector<32xbf16>
        %get3A_3518 = arith.constant 52 : i32
        %get3A_3519 = arith.index_cast %get3A_3518 : i32 to index
        %get3A_3520 = arith.constant 0 : index
        %get3A_3521 = tpu.vector_load %arg8[%get3A_3519, %get3A_3520] {strides = array<i32>} : memref<100x16xi32, #tpu.memory_space<vmem>>, vector<16xi32>,
        %bitcast3A_3522 = vector.bitcast %get3A_3521 : vector<16xi32> to vector<32xbf16>
        %get3A_3523 = arith.constant 53 : i32
        %get3A_3524 = arith.index_cast %get3A_3523 : i32 to index
        %get3A_3525 = arith.constant 0 : index
        %get3A_3526 = tpu.vector_load %arg8[%get3A_3524, %get3A_3525] {strides = array<i32>} : memref<100x16xi32, #tpu.memory_space<vmem>>, vector<16xi32>,
        %bitcast3A_3527 = vector.bitcast %get3A_3526 : vector<16xi32> to vector<32xbf16>
        %get3A_3528 = arith.constant 54 : i32
        %get3A_3529 = arith.index_cast %get3A_3528 : i32 to index
        %get3A_3530 = arith.constant 0 : index
        %get3A_3531 = tpu.vector_load %arg8[%get3A_3529, %get3A_3530] {strides = array<i32>} : memref<100x16xi32, #tpu.memory_space<vmem>>, vector<16xi32>,
        %bitcast3A_3532 = vector.bitcast %get3A_3531 : vector<16xi32> to vector<32xbf16>
        %get3A_3533 = arith.constant 55 : i32
        %get3A_3534 = arith.index_cast %get3A_3533 : i32 to index
        %get3A_3535 = arith.constant 0 : index
        %get3A_3536 = tpu.vector_load %arg8[%get3A_3534, %get3A_3535] {strides = array<i32>} : memref<100x16xi32, #tpu.memory_space<vmem>>, vector<16xi32>,
        %bitcast3A_3537 = vector.bitcast %get3A_3536 : vector<16xi32> to vector<32xbf16>
        %get3A_3538 = arith.constant 56 : i32
        %get3A_3539 = arith.index_cast %get3A_3538 : i32 to index
        %get3A_3540 = arith.constant 0 : index
        %get3A_3541 = tpu.vector_load %arg8[%get3A_3539, %get3A_3540] {strides = array<i32>} : memref<100x16xi32, #tpu.memory_space<vmem>>, vector<16xi32>,
        %bitcast3A_3542 = vector.bitcast %get3A_3541 : vector<16xi32> to vector<32xbf16>
        %get3A_3543 = arith.constant 57 : i32
        %get3A_3544 = arith.index_cast %get3A_3543 : i32 to index
        %get3A_3545 = arith.constant 0 : index
        %get3A_3546 = tpu.vector_load %arg8[%get3A_3544, %get3A_3545] {strides = array<i32>} : memref<100x16xi32, #tpu.memory_space<vmem>>, vector<16xi32>,
        %bitcast3A_3547 = vector.bitcast %get3A_3546 : vector<16xi32> to vector<32xbf16>
        %get3A_3548 = arith.constant 58 : i32
        %get3A_3549 = arith.index_cast %get3A_3548 : i32 to index
        %get3A_3550 = arith.constant 0 : index
        %get3A_3551 = tpu.vector_load %arg8[%get3A_3549, %get3A_3550] {strides = array<i32>} : memref<100x16xi32, #tpu.memory_space<vmem>>, vector<16xi32>,
        %bitcast3A_3552 = vector.bitcast %get3A_3551 : vector<16xi32> to vector<32xbf16>
        %get3A_3553 = arith.constant 59 : i32
        %get3A_3554 = arith.index_cast %get3A_3553 : i32 to index
        %get3A_3555 = arith.constant 0 : index
        %get3A_3556 = tpu.vector_load %arg8[%get3A_3554, %get3A_3555] {strides = array<i32>} : memref<100x16xi32, #tpu.memory_space<vmem>>, vector<16xi32>,
        %bitcast3A_3557 = vector.bitcast %get3A_3556 : vector<16xi32> to vector<32xbf16>
        %add3A_3558 = arith.addf %bitcast3A_3462, %bitcast3A_3467 : vector<32xbf16>
        %add3A_3559 = arith.addf %bitcast3A_3472, %bitcast3A_3477 : vector<32xbf16>
        %add3A_3560 = arith.addf %bitcast3A_3482, %bitcast3A_3487 : vector<32xbf16>
        %add3A_3561 = arith.addf %bitcast3A_3492, %bitcast3A_3497 : vector<32xbf16>
        %add3A_3562 = arith.addf %bitcast3A_3502, %bitcast3A_3507 : vector<32xbf16>
        %add3A_3563 = arith.addf %bitcast3A_3512, %bitcast3A_3517 : vector<32xbf16>
        %add3A_3564 = arith.addf %bitcast3A_3522, %bitcast3A_3527 : vector<32xbf16>
        %add3A_3565 = arith.addf %bitcast3A_3532, %bitcast3A_3537 : vector<32xbf16>
        %add3A_3566 = arith.addf %bitcast3A_3542, %bitcast3A_3547 : vector<32xbf16>
        %add3A_3567 = arith.addf %bitcast3A_3552, %bitcast3A_3557 : vector<32xbf16>
        %add3A_3568 = arith.addf %add3A_3558, %add3A_3559 : vector<32xbf16>
        %add3A_3569 = arith.addf %add3A_3560, %add3A_3561 : vector<32xbf16>
        %add3A_3570 = arith.addf %add3A_3562, %add3A_3563 : vector<32xbf16>
        %add3A_3571 = arith.addf %add3A_3564, %add3A_3565 : vector<32xbf16>
        %add3A_3572 = arith.addf %add3A_3566, %add3A_3567 : vector<32xbf16>
        %add3A_3573 = arith.addf %add3A_3568, %add3A_3569 : vector<32xbf16>
        %add3A_3574 = arith.addf %add3A_3570, %add3A_3571 : vector<32xbf16>
        %add3A_3575 = arith.addf %add3A_3573, %add3A_3574 : vector<32xbf16>
        %add3A_3576 = arith.addf %add3A_3575, %add3A_3572 : vector<32xbf16>
        %bitcast3A_3577 = vector.bitcast %add3A_3576 : vector<32xbf16> to vector<16xi32>
        %mul3A_3578 = arith.constant 5 : i32
        %mul3A_3579 = arith.muli %add3A_3201, %mul3A_3578 : i32
        %add3A_3580 = arith.constant 2 : i32
        %add3A_3581 = arith.addi %mul3A_3579, %add3A_3580 : i32
        %mul3A_3582 = arith.constant 16 : i32
        %mul3A_3583 = arith.muli %add3A_3581, %mul3A_3582 : i32
        %swap3A_3584 = arith.index_cast %mul3A_3583 : i32 to index
        %swap3A_3585 = tpu.vector_load %arg6[%swap3A_3584] {strides = array<i32>} : memref<12800xi32, #tpu.memory_space<vmem>>, vector<16xi32>,
        tpu.vector_store %arg6[%swap3A_3584], %bitcast3A_3577 {strides = array<i32>} : memref<12800xi32, #tpu.memory_space<vmem>>, vector<16xi32>,
        %get3A_3586 = arith.constant 60 : i32
        %get3A_3587 = arith.index_cast %get3A_3586 : i32 to index
        %get3A_3588 = arith.constant 0 : index
        %get3A_3589 = tpu.vector_load %arg8[%get3A_3587, %get3A_3588] {strides = array<i32>} : memref<100x16xi32, #tpu.memory_space<vmem>>, vector<16xi32>,
        %bitcast3A_3590 = vector.bitcast %get3A_3589 : vector<16xi32> to vector<32xbf16>
        %get3A_3591 = arith.constant 61 : i32
        %get3A_3592 = arith.index_cast %get3A_3591 : i32 to index
        %get3A_3593 = arith.constant 0 : index
        %get3A_3594 = tpu.vector_load %arg8[%get3A_3592, %get3A_3593] {strides = array<i32>} : memref<100x16xi32, #tpu.memory_space<vmem>>, vector<16xi32>,
        %bitcast3A_3595 = vector.bitcast %get3A_3594 : vector<16xi32> to vector<32xbf16>
        %get3A_3596 = arith.constant 62 : i32
        %get3A_3597 = arith.index_cast %get3A_3596 : i32 to index
        %get3A_3598 = arith.constant 0 : index
        %get3A_3599 = tpu.vector_load %arg8[%get3A_3597, %get3A_3598] {strides = array<i32>} : memref<100x16xi32, #tpu.memory_space<vmem>>, vector<16xi32>,
        %bitcast3A_3600 = vector.bitcast %get3A_3599 : vector<16xi32> to vector<32xbf16>
        %get3A_3601 = arith.constant 63 : i32
        %get3A_3602 = arith.index_cast %get3A_3601 : i32 to index
        %get3A_3603 = arith.constant 0 : index
        %get3A_3604 = tpu.vector_load %arg8[%get3A_3602, %get3A_3603] {strides = array<i32>} : memref<100x16xi32, #tpu.memory_space<vmem>>, vector<16xi32>,
        %bitcast3A_3605 = vector.bitcast %get3A_3604 : vector<16xi32> to vector<32xbf16>
        %get3A_3606 = arith.constant 64 : i32
        %get3A_3607 = arith.index_cast %get3A_3606 : i32 to index
        %get3A_3608 = arith.constant 0 : index
        %get3A_3609 = tpu.vector_load %arg8[%get3A_3607, %get3A_3608] {strides = array<i32>} : memref<100x16xi32, #tpu.memory_space<vmem>>, vector<16xi32>,
        %bitcast3A_3610 = vector.bitcast %get3A_3609 : vector<16xi32> to vector<32xbf16>
        %get3A_3611 = arith.constant 65 : i32
        %get3A_3612 = arith.index_cast %get3A_3611 : i32 to index
        %get3A_3613 = arith.constant 0 : index
        %get3A_3614 = tpu.vector_load %arg8[%get3A_3612, %get3A_3613] {strides = array<i32>} : memref<100x16xi32, #tpu.memory_space<vmem>>, vector<16xi32>,
        %bitcast3A_3615 = vector.bitcast %get3A_3614 : vector<16xi32> to vector<32xbf16>
        %get3A_3616 = arith.constant 66 : i32
        %get3A_3617 = arith.index_cast %get3A_3616 : i32 to index
        %get3A_3618 = arith.constant 0 : index
        %get3A_3619 = tpu.vector_load %arg8[%get3A_3617, %get3A_3618] {strides = array<i32>} : memref<100x16xi32, #tpu.memory_space<vmem>>, vector<16xi32>,
        %bitcast3A_3620 = vector.bitcast %get3A_3619 : vector<16xi32> to vector<32xbf16>
        %get3A_3621 = arith.constant 67 : i32
        %get3A_3622 = arith.index_cast %get3A_3621 : i32 to index
        %get3A_3623 = arith.constant 0 : index
        %get3A_3624 = tpu.vector_load %arg8[%get3A_3622, %get3A_3623] {strides = array<i32>} : memref<100x16xi32, #tpu.memory_space<vmem>>, vector<16xi32>,
        %bitcast3A_3625 = vector.bitcast %get3A_3624 : vector<16xi32> to vector<32xbf16>
        %get3A_3626 = arith.constant 68 : i32
        %get3A_3627 = arith.index_cast %get3A_3626 : i32 to index
        %get3A_3628 = arith.constant 0 : index
        %get3A_3629 = tpu.vector_load %arg8[%get3A_3627, %get3A_3628] {strides = array<i32>} : memref<100x16xi32, #tpu.memory_space<vmem>>, vector<16xi32>,
        %bitcast3A_3630 = vector.bitcast %get3A_3629 : vector<16xi32> to vector<32xbf16>
        %get3A_3631 = arith.constant 69 : i32
        %get3A_3632 = arith.index_cast %get3A_3631 : i32 to index
        %get3A_3633 = arith.constant 0 : index
        %get3A_3634 = tpu.vector_load %arg8[%get3A_3632, %get3A_3633] {strides = array<i32>} : memref<100x16xi32, #tpu.memory_space<vmem>>, vector<16xi32>,
        %bitcast3A_3635 = vector.bitcast %get3A_3634 : vector<16xi32> to vector<32xbf16>
        %get3A_3636 = arith.constant 70 : i32
        %get3A_3637 = arith.index_cast %get3A_3636 : i32 to index
        %get3A_3638 = arith.constant 0 : index
        %get3A_3639 = tpu.vector_load %arg8[%get3A_3637, %get3A_3638] {strides = array<i32>} : memref<100x16xi32, #tpu.memory_space<vmem>>, vector<16xi32>,
        %bitcast3A_3640 = vector.bitcast %get3A_3639 : vector<16xi32> to vector<32xbf16>
        %get3A_3641 = arith.constant 71 : i32
        %get3A_3642 = arith.index_cast %get3A_3641 : i32 to index
        %get3A_3643 = arith.constant 0 : index
        %get3A_3644 = tpu.vector_load %arg8[%get3A_3642, %get3A_3643] {strides = array<i32>} : memref<100x16xi32, #tpu.memory_space<vmem>>, vector<16xi32>,
        %bitcast3A_3645 = vector.bitcast %get3A_3644 : vector<16xi32> to vector<32xbf16>
        %get3A_3646 = arith.constant 72 : i32
        %get3A_3647 = arith.index_cast %get3A_3646 : i32 to index
        %get3A_3648 = arith.constant 0 : index
        %get3A_3649 = tpu.vector_load %arg8[%get3A_3647, %get3A_3648] {strides = array<i32>} : memref<100x16xi32, #tpu.memory_space<vmem>>, vector<16xi32>,
        %bitcast3A_3650 = vector.bitcast %get3A_3649 : vector<16xi32> to vector<32xbf16>
        %get3A_3651 = arith.constant 73 : i32
        %get3A_3652 = arith.index_cast %get3A_3651 : i32 to index
        %get3A_3653 = arith.constant 0 : index
        %get3A_3654 = tpu.vector_load %arg8[%get3A_3652, %get3A_3653] {strides = array<i32>} : memref<100x16xi32, #tpu.memory_space<vmem>>, vector<16xi32>,
        %bitcast3A_3655 = vector.bitcast %get3A_3654 : vector<16xi32> to vector<32xbf16>
        %get3A_3656 = arith.constant 74 : i32
        %get3A_3657 = arith.index_cast %get3A_3656 : i32 to index
        %get3A_3658 = arith.constant 0 : index
        %get3A_3659 = tpu.vector_load %arg8[%get3A_3657, %get3A_3658] {strides = array<i32>} : memref<100x16xi32, #tpu.memory_space<vmem>>, vector<16xi32>,
        %bitcast3A_3660 = vector.bitcast %get3A_3659 : vector<16xi32> to vector<32xbf16>
        %get3A_3661 = arith.constant 75 : i32
        %get3A_3662 = arith.index_cast %get3A_3661 : i32 to index
        %get3A_3663 = arith.constant 0 : index
        %get3A_3664 = tpu.vector_load %arg8[%get3A_3662, %get3A_3663] {strides = array<i32>} : memref<100x16xi32, #tpu.memory_space<vmem>>, vector<16xi32>,
        %bitcast3A_3665 = vector.bitcast %get3A_3664 : vector<16xi32> to vector<32xbf16>
        %get3A_3666 = arith.constant 76 : i32
        %get3A_3667 = arith.index_cast %get3A_3666 : i32 to index
        %get3A_3668 = arith.constant 0 : index
        %get3A_3669 = tpu.vector_load %arg8[%get3A_3667, %get3A_3668] {strides = array<i32>} : memref<100x16xi32, #tpu.memory_space<vmem>>, vector<16xi32>,
        %bitcast3A_3670 = vector.bitcast %get3A_3669 : vector<16xi32> to vector<32xbf16>
        %get3A_3671 = arith.constant 77 : i32
        %get3A_3672 = arith.index_cast %get3A_3671 : i32 to index
        %get3A_3673 = arith.constant 0 : index
        %get3A_3674 = tpu.vector_load %arg8[%get3A_3672, %get3A_3673] {strides = array<i32>} : memref<100x16xi32, #tpu.memory_space<vmem>>, vector<16xi32>,
        %bitcast3A_3675 = vector.bitcast %get3A_3674 : vector<16xi32> to vector<32xbf16>
        %get3A_3676 = arith.constant 78 : i32
        %get3A_3677 = arith.index_cast %get3A_3676 : i32 to index
        %get3A_3678 = arith.constant 0 : index
        %get3A_3679 = tpu.vector_load %arg8[%get3A_3677, %get3A_3678] {strides = array<i32>} : memref<100x16xi32, #tpu.memory_space<vmem>>, vector<16xi32>,
        %bitcast3A_3680 = vector.bitcast %get3A_3679 : vector<16xi32> to vector<32xbf16>
        %get3A_3681 = arith.constant 79 : i32
        %get3A_3682 = arith.index_cast %get3A_3681 : i32 to index
        %get3A_3683 = arith.constant 0 : index
        %get3A_3684 = tpu.vector_load %arg8[%get3A_3682, %get3A_3683] {strides = array<i32>} : memref<100x16xi32, #tpu.memory_space<vmem>>, vector<16xi32>,
        %bitcast3A_3685 = vector.bitcast %get3A_3684 : vector<16xi32> to vector<32xbf16>
        %add3A_3686 = arith.addf %bitcast3A_3590, %bitcast3A_3595 : vector<32xbf16>
        %add3A_3687 = arith.addf %bitcast3A_3600, %bitcast3A_3605 : vector<32xbf16>
        %add3A_3688 = arith.addf %bitcast3A_3610, %bitcast3A_3615 : vector<32xbf16>
        %add3A_3689 = arith.addf %bitcast3A_3620, %bitcast3A_3625 : vector<32xbf16>
        %add3A_3690 = arith.addf %bitcast3A_3630, %bitcast3A_3635 : vector<32xbf16>
        %add3A_3691 = arith.addf %bitcast3A_3640, %bitcast3A_3645 : vector<32xbf16>
        %add3A_3692 = arith.addf %bitcast3A_3650, %bitcast3A_3655 : vector<32xbf16>
        %add3A_3693 = arith.addf %bitcast3A_3660, %bitcast3A_3665 : vector<32xbf16>
        %add3A_3694 = arith.addf %bitcast3A_3670, %bitcast3A_3675 : vector<32xbf16>
        %add3A_3695 = arith.addf %bitcast3A_3680, %bitcast3A_3685 : vector<32xbf16>
        %add3A_3696 = arith.addf %add3A_3686, %add3A_3687 : vector<32xbf16>
        %add3A_3697 = arith.addf %add3A_3688, %add3A_3689 : vector<32xbf16>
        %add3A_3698 = arith.addf %add3A_3690, %add3A_3691 : vector<32xbf16>
        %add3A_3699 = arith.addf %add3A_3692, %add3A_3693 : vector<32xbf16>
        %add3A_3700 = arith.addf %add3A_3694, %add3A_3695 : vector<32xbf16>
        %add3A_3701 = arith.addf %add3A_3696, %add3A_3697 : vector<32xbf16>
        %add3A_3702 = arith.addf %add3A_3698, %add3A_3699 : vector<32xbf16>
        %add3A_3703 = arith.addf %add3A_3701, %add3A_3702 : vector<32xbf16>
        %add3A_3704 = arith.addf %add3A_3703, %add3A_3700 : vector<32xbf16>
        %bitcast3A_3705 = vector.bitcast %add3A_3704 : vector<32xbf16> to vector<16xi32>
        %mul3A_3706 = arith.constant 5 : i32
        %mul3A_3707 = arith.muli %add3A_3201, %mul3A_3706 : i32
        %add3A_3708 = arith.constant 3 : i32
        %add3A_3709 = arith.addi %mul3A_3707, %add3A_3708 : i32
        %mul3A_3710 = arith.constant 16 : i32
        %mul3A_3711 = arith.muli %add3A_3709, %mul3A_3710 : i32
        %swap3A_3712 = arith.index_cast %mul3A_3711 : i32 to index
        %swap3A_3713 = tpu.vector_load %arg6[%swap3A_3712] {strides = array<i32>} : memref<12800xi32, #tpu.memory_space<vmem>>, vector<16xi32>,
        tpu.vector_store %arg6[%swap3A_3712], %bitcast3A_3705 {strides = array<i32>} : memref<12800xi32, #tpu.memory_space<vmem>>, vector<16xi32>,
        %get3A_3714 = arith.constant 80 : i32
        %get3A_3715 = arith.index_cast %get3A_3714 : i32 to index
        %get3A_3716 = arith.constant 0 : index
        %get3A_3717 = tpu.vector_load %arg8[%get3A_3715, %get3A_3716] {strides = array<i32>} : memref<100x16xi32, #tpu.memory_space<vmem>>, vector<16xi32>,
        %bitcast3A_3718 = vector.bitcast %get3A_3717 : vector<16xi32> to vector<32xbf16>
        %get3A_3719 = arith.constant 81 : i32
        %get3A_3720 = arith.index_cast %get3A_3719 : i32 to index
        %get3A_3721 = arith.constant 0 : index
        %get3A_3722 = tpu.vector_load %arg8[%get3A_3720, %get3A_3721] {strides = array<i32>} : memref<100x16xi32, #tpu.memory_space<vmem>>, vector<16xi32>,
        %bitcast3A_3723 = vector.bitcast %get3A_3722 : vector<16xi32> to vector<32xbf16>
        %get3A_3724 = arith.constant 82 : i32
        %get3A_3725 = arith.index_cast %get3A_3724 : i32 to index
        %get3A_3726 = arith.constant 0 : index
        %get3A_3727 = tpu.vector_load %arg8[%get3A_3725, %get3A_3726] {strides = array<i32>} : memref<100x16xi32, #tpu.memory_space<vmem>>, vector<16xi32>,
        %bitcast3A_3728 = vector.bitcast %get3A_3727 : vector<16xi32> to vector<32xbf16>
        %get3A_3729 = arith.constant 83 : i32
        %get3A_3730 = arith.index_cast %get3A_3729 : i32 to index
        %get3A_3731 = arith.constant 0 : index
        %get3A_3732 = tpu.vector_load %arg8[%get3A_3730, %get3A_3731] {strides = array<i32>} : memref<100x16xi32, #tpu.memory_space<vmem>>, vector<16xi32>,
        %bitcast3A_3733 = vector.bitcast %get3A_3732 : vector<16xi32> to vector<32xbf16>
        %get3A_3734 = arith.constant 84 : i32
        %get3A_3735 = arith.index_cast %get3A_3734 : i32 to index
        %get3A_3736 = arith.constant 0 : index
        %get3A_3737 = tpu.vector_load %arg8[%get3A_3735, %get3A_3736] {strides = array<i32>} : memref<100x16xi32, #tpu.memory_space<vmem>>, vector<16xi32>,
        %bitcast3A_3738 = vector.bitcast %get3A_3737 : vector<16xi32> to vector<32xbf16>
        %get3A_3739 = arith.constant 85 : i32
        %get3A_3740 = arith.index_cast %get3A_3739 : i32 to index
        %get3A_3741 = arith.constant 0 : index
        %get3A_3742 = tpu.vector_load %arg8[%get3A_3740, %get3A_3741] {strides = array<i32>} : memref<100x16xi32, #tpu.memory_space<vmem>>, vector<16xi32>,
        %bitcast3A_3743 = vector.bitcast %get3A_3742 : vector<16xi32> to vector<32xbf16>
        %get3A_3744 = arith.constant 86 : i32
        %get3A_3745 = arith.index_cast %get3A_3744 : i32 to index
        %get3A_3746 = arith.constant 0 : index
        %get3A_3747 = tpu.vector_load %arg8[%get3A_3745, %get3A_3746] {strides = array<i32>} : memref<100x16xi32, #tpu.memory_space<vmem>>, vector<16xi32>,
        %bitcast3A_3748 = vector.bitcast %get3A_3747 : vector<16xi32> to vector<32xbf16>
        %get3A_3749 = arith.constant 87 : i32
        %get3A_3750 = arith.index_cast %get3A_3749 : i32 to index
        %get3A_3751 = arith.constant 0 : index
        %get3A_3752 = tpu.vector_load %arg8[%get3A_3750, %get3A_3751] {strides = array<i32>} : memref<100x16xi32, #tpu.memory_space<vmem>>, vector<16xi32>,
        %bitcast3A_3753 = vector.bitcast %get3A_3752 : vector<16xi32> to vector<32xbf16>
        %get3A_3754 = arith.constant 88 : i32
        %get3A_3755 = arith.index_cast %get3A_3754 : i32 to index
        %get3A_3756 = arith.constant 0 : index
        %get3A_3757 = tpu.vector_load %arg8[%get3A_3755, %get3A_3756] {strides = array<i32>} : memref<100x16xi32, #tpu.memory_space<vmem>>, vector<16xi32>,
        %bitcast3A_3758 = vector.bitcast %get3A_3757 : vector<16xi32> to vector<32xbf16>
        %get3A_3759 = arith.constant 89 : i32
        %get3A_3760 = arith.index_cast %get3A_3759 : i32 to index
        %get3A_3761 = arith.constant 0 : index
        %get3A_3762 = tpu.vector_load %arg8[%get3A_3760, %get3A_3761] {strides = array<i32>} : memref<100x16xi32, #tpu.memory_space<vmem>>, vector<16xi32>,
        %bitcast3A_3763 = vector.bitcast %get3A_3762 : vector<16xi32> to vector<32xbf16>
        %get3A_3764 = arith.constant 90 : i32
        %get3A_3765 = arith.index_cast %get3A_3764 : i32 to index
        %get3A_3766 = arith.constant 0 : index
        %get3A_3767 = tpu.vector_load %arg8[%get3A_3765, %get3A_3766] {strides = array<i32>} : memref<100x16xi32, #tpu.memory_space<vmem>>, vector<16xi32>,
        %bitcast3A_3768 = vector.bitcast %get3A_3767 : vector<16xi32> to vector<32xbf16>
        %get3A_3769 = arith.constant 91 : i32
        %get3A_3770 = arith.index_cast %get3A_3769 : i32 to index
        %get3A_3771 = arith.constant 0 : index
        %get3A_3772 = tpu.vector_load %arg8[%get3A_3770, %get3A_3771] {strides = array<i32>} : memref<100x16xi32, #tpu.memory_space<vmem>>, vector<16xi32>,
        %bitcast3A_3773 = vector.bitcast %get3A_3772 : vector<16xi32> to vector<32xbf16>
        %get3A_3774 = arith.constant 92 : i32
        %get3A_3775 = arith.index_cast %get3A_3774 : i32 to index
        %get3A_3776 = arith.constant 0 : index
        %get3A_3777 = tpu.vector_load %arg8[%get3A_3775, %get3A_3776] {strides = array<i32>} : memref<100x16xi32, #tpu.memory_space<vmem>>, vector<16xi32>,
        %bitcast3A_3778 = vector.bitcast %get3A_3777 : vector<16xi32> to vector<32xbf16>
        %get3A_3779 = arith.constant 93 : i32
        %get3A_3780 = arith.index_cast %get3A_3779 : i32 to index
        %get3A_3781 = arith.constant 0 : index
        %get3A_3782 = tpu.vector_load %arg8[%get3A_3780, %get3A_3781] {strides = array<i32>} : memref<100x16xi32, #tpu.memory_space<vmem>>, vector<16xi32>,
        %bitcast3A_3783 = vector.bitcast %get3A_3782 : vector<16xi32> to vector<32xbf16>
        %get3A_3784 = arith.constant 94 : i32
        %get3A_3785 = arith.index_cast %get3A_3784 : i32 to index
        %get3A_3786 = arith.constant 0 : index
        %get3A_3787 = tpu.vector_load %arg8[%get3A_3785, %get3A_3786] {strides = array<i32>} : memref<100x16xi32, #tpu.memory_space<vmem>>, vector<16xi32>,
        %bitcast3A_3788 = vector.bitcast %get3A_3787 : vector<16xi32> to vector<32xbf16>
        %get3A_3789 = arith.constant 95 : i32
        %get3A_3790 = arith.index_cast %get3A_3789 : i32 to index
        %get3A_3791 = arith.constant 0 : index
        %get3A_3792 = tpu.vector_load %arg8[%get3A_3790, %get3A_3791] {strides = array<i32>} : memref<100x16xi32, #tpu.memory_space<vmem>>, vector<16xi32>,
        %bitcast3A_3793 = vector.bitcast %get3A_3792 : vector<16xi32> to vector<32xbf16>
        %get3A_3794 = arith.constant 96 : i32
        %get3A_3795 = arith.index_cast %get3A_3794 : i32 to index
        %get3A_3796 = arith.constant 0 : index
        %get3A_3797 = tpu.vector_load %arg8[%get3A_3795, %get3A_3796] {strides = array<i32>} : memref<100x16xi32, #tpu.memory_space<vmem>>, vector<16xi32>,
        %bitcast3A_3798 = vector.bitcast %get3A_3797 : vector<16xi32> to vector<32xbf16>
        %get3A_3799 = arith.constant 97 : i32
        %get3A_3800 = arith.index_cast %get3A_3799 : i32 to index
        %get3A_3801 = arith.constant 0 : index
        %get3A_3802 = tpu.vector_load %arg8[%get3A_3800, %get3A_3801] {strides = array<i32>} : memref<100x16xi32, #tpu.memory_space<vmem>>, vector<16xi32>,
        %bitcast3A_3803 = vector.bitcast %get3A_3802 : vector<16xi32> to vector<32xbf16>
        %get3A_3804 = arith.constant 98 : i32
        %get3A_3805 = arith.index_cast %get3A_3804 : i32 to index
        %get3A_3806 = arith.constant 0 : index
        %get3A_3807 = tpu.vector_load %arg8[%get3A_3805, %get3A_3806] {strides = array<i32>} : memref<100x16xi32, #tpu.memory_space<vmem>>, vector<16xi32>,
        %bitcast3A_3808 = vector.bitcast %get3A_3807 : vector<16xi32> to vector<32xbf16>
        %get3A_3809 = arith.constant 99 : i32
        %get3A_3810 = arith.index_cast %get3A_3809 : i32 to index
        %get3A_3811 = arith.constant 0 : index
        %get3A_3812 = tpu.vector_load %arg8[%get3A_3810, %get3A_3811] {strides = array<i32>} : memref<100x16xi32, #tpu.memory_space<vmem>>, vector<16xi32>,
        %bitcast3A_3813 = vector.bitcast %get3A_3812 : vector<16xi32> to vector<32xbf16>
        %add3A_3814 = arith.addf %bitcast3A_3718, %bitcast3A_3723 : vector<32xbf16>
        %add3A_3815 = arith.addf %bitcast3A_3728, %bitcast3A_3733 : vector<32xbf16>
        %add3A_3816 = arith.addf %bitcast3A_3738, %bitcast3A_3743 : vector<32xbf16>
        %add3A_3817 = arith.addf %bitcast3A_3748, %bitcast3A_3753 : vector<32xbf16>
        %add3A_3818 = arith.addf %bitcast3A_3758, %bitcast3A_3763 : vector<32xbf16>
        %add3A_3819 = arith.addf %bitcast3A_3768, %bitcast3A_3773 : vector<32xbf16>
        %add3A_3820 = arith.addf %bitcast3A_3778, %bitcast3A_3783 : vector<32xbf16>
        %add3A_3821 = arith.addf %bitcast3A_3788, %bitcast3A_3793 : vector<32xbf16>
        %add3A_3822 = arith.addf %bitcast3A_3798, %bitcast3A_3803 : vector<32xbf16>
        %add3A_3823 = arith.addf %bitcast3A_3808, %bitcast3A_3813 : vector<32xbf16>
        %add3A_3824 = arith.addf %add3A_3814, %add3A_3815 : vector<32xbf16>
        %add3A_3825 = arith.addf %add3A_3816, %add3A_3817 : vector<32xbf16>
        %add3A_3826 = arith.addf %add3A_3818, %add3A_3819 : vector<32xbf16>
        %add3A_3827 = arith.addf %add3A_3820, %add3A_3821 : vector<32xbf16>
        %add3A_3828 = arith.addf %add3A_3822, %add3A_3823 : vector<32xbf16>
        %add3A_3829 = arith.addf %add3A_3824, %add3A_3825 : vector<32xbf16>
        %add3A_3830 = arith.addf %add3A_3826, %add3A_3827 : vector<32xbf16>
        %add3A_3831 = arith.addf %add3A_3829, %add3A_3830 : vector<32xbf16>
        %add3A_3832 = arith.addf %add3A_3831, %add3A_3828 : vector<32xbf16>
        %bitcast3A_3833 = vector.bitcast %add3A_3832 : vector<32xbf16> to vector<16xi32>
        %mul3A_3834 = arith.constant 5 : i32
        %mul3A_3835 = arith.muli %add3A_3201, %mul3A_3834 : i32
        %add3A_3836 = arith.constant 4 : i32
        %add3A_3837 = arith.addi %mul3A_3835, %add3A_3836 : i32
        %mul3A_3838 = arith.constant 16 : i32
        %mul3A_3839 = arith.muli %add3A_3837, %mul3A_3838 : i32
        %swap3A_3840 = arith.index_cast %mul3A_3839 : i32 to index
        %swap3A_3841 = tpu.vector_load %arg6[%swap3A_3840] {strides = array<i32>} : memref<12800xi32, #tpu.memory_space<vmem>>, vector<16xi32>,
        tpu.vector_store %arg6[%swap3A_3840], %bitcast3A_3833 {strides = array<i32>} : memref<12800xi32, #tpu.memory_space<vmem>>, vector<16xi32>,
        %add3A_3842 = arith.constant 1 : i32
        %add3A_3843 = arith.addi %mul3A_2531, %add3A_3842 : i32
        %add3A_3844 = arith.constant 4 : i32
        %add3A_3845 = arith.addi %add3A_3843, %add3A_3844 : i32
        %dma_start3A_3846 = arith.constant 0 : i32
        %dma_start3A_3847 = tpu.memref_slice %arg5[%add3A_3845, %dma_start3A_3846] : memref<160x100xi32, #tpu.memory_space<vmem>> -> memref<1x100xi32, #tpu.memory_space<vmem>>
        %dma_start3A_3848 = tpu.memref_squeeze %dma_start3A_3847 : memref<1x100xi32, #tpu.memory_space<vmem>> -> memref<100xi32, #tpu.memory_space<vmem>>
        %dma_start3A_3849 = arith.constant 0 : i32
        %dma_start3A_3850 = arith.constant 0 : i32
        %dma_start3A_3851 = tpu.memref_slice %arg11[%dma_start3A_3849, %dma_start3A_3850] : memref<1000x16xi32, #tpu.memory_space<vmem_shared>> -> memref<1000x16xi32, #tpu.memory_space<vmem_shared>>
        tpu.enqueue_indirect_dma source(%dma_start3A_3851 : memref<1000x16xi32, #tpu.memory_space<vmem_shared>>) target(%arg8 : memref<100x16xi32, #tpu.memory_space<vmem>>) offsets(%dma_start3A_3848 : memref<100xi32, #tpu.memory_space<vmem>>) semaphore(%arg13 : memref<!tpu.dma_semaphore, #tpu.memory_space<semaphore_mem>>)
        %add3A_3852 = arith.constant 2 : i32
        %add3A_3853 = arith.addi %mul3A_2531, %add3A_3852 : i32
        %dma_wait3A_3854 = arith.constant 0 : i32
        %dma_wait3A_3855 = tpu.memref_slice %arg5[%add3A_3853, %dma_wait3A_3854] : memref<160x100xi32, #tpu.memory_space<vmem>> -> memref<1x100xi32, #tpu.memory_space<vmem>>
        %dma_wait3A_3856 = tpu.memref_squeeze %dma_wait3A_3855 : memref<1x100xi32, #tpu.memory_space<vmem>> -> memref<100xi32, #tpu.memory_space<vmem>>
        %dma_wait3A_3857 = arith.constant 0 : i32
        %dma_wait3A_3858 = arith.constant 0 : i32
        %dma_wait3A_3859 = tpu.memref_slice %arg11[%dma_wait3A_3857, %dma_wait3A_3858] : memref<1000x16xi32, #tpu.memory_space<vmem_shared>> -> memref<1000x16xi32, #tpu.memory_space<vmem_shared>>
        tpu.wait_indirect_dma semaphore(%arg14 : memref<!tpu.dma_semaphore, #tpu.memory_space<semaphore_mem>>) src(%dma_wait3A_3859 : memref<1000x16xi32, #tpu.memory_space<vmem_shared>>) dst(%arg9 : memref<100x16xi32, #tpu.memory_space<vmem>>)
        %add3A_3860 = arith.constant 2 : i32
        %add3A_3861 = arith.addi %mul3A_2531, %add3A_3860 : i32
        %get3A_3862 = arith.constant 0 : i32
        %get3A_3863 = arith.index_cast %get3A_3862 : i32 to index
        %get3A_3864 = arith.constant 0 : index
        %get3A_3865 = tpu.vector_load %arg9[%get3A_3863, %get3A_3864] {strides = array<i32>} : memref<100x16xi32, #tpu.memory_space<vmem>>, vector<16xi32>,
        %bitcast3A_3866 = vector.bitcast %get3A_3865 : vector<16xi32> to vector<32xbf16>
        %get3A_3867 = arith.constant 1 : i32
        %get3A_3868 = arith.index_cast %get3A_3867 : i32 to index
        %get3A_3869 = arith.constant 0 : index
        %get3A_3870 = tpu.vector_load %arg9[%get3A_3868, %get3A_3869] {strides = array<i32>} : memref<100x16xi32, #tpu.memory_space<vmem>>, vector<16xi32>,
        %bitcast3A_3871 = vector.bitcast %get3A_3870 : vector<16xi32> to vector<32xbf16>
        %get3A_3872 = arith.constant 2 : i32
        %get3A_3873 = arith.index_cast %get3A_3872 : i32 to index
        %get3A_3874 = arith.constant 0 : index
        %get3A_3875 = tpu.vector_load %arg9[%get3A_3873, %get3A_3874] {strides = array<i32>} : memref<100x16xi32, #tpu.memory_space<vmem>>, vector<16xi32>,
        %bitcast3A_3876 = vector.bitcast %get3A_3875 : vector<16xi32> to vector<32xbf16>
        %get3A_3877 = arith.constant 3 : i32
        %get3A_3878 = arith.index_cast %get3A_3877 : i32 to index
        %get3A_3879 = arith.constant 0 : index
        %get3A_3880 = tpu.vector_load %arg9[%get3A_3878, %get3A_3879] {strides = array<i32>} : memref<100x16xi32, #tpu.memory_space<vmem>>, vector<16xi32>,
        %bitcast3A_3881 = vector.bitcast %get3A_3880 : vector<16xi32> to vector<32xbf16>
        %get3A_3882 = arith.constant 4 : i32
        %get3A_3883 = arith.index_cast %get3A_3882 : i32 to index
        %get3A_3884 = arith.constant 0 : index
        %get3A_3885 = tpu.vector_load %arg9[%get3A_3883, %get3A_3884] {strides = array<i32>} : memref<100x16xi32, #tpu.memory_space<vmem>>, vector<16xi32>,
        %bitcast3A_3886 = vector.bitcast %get3A_3885 : vector<16xi32> to vector<32xbf16>
        %get3A_3887 = arith.constant 5 : i32
        %get3A_3888 = arith.index_cast %get3A_3887 : i32 to index
        %get3A_3889 = arith.constant 0 : index
        %get3A_3890 = tpu.vector_load %arg9[%get3A_3888, %get3A_3889] {strides = array<i32>} : memref<100x16xi32, #tpu.memory_space<vmem>>, vector<16xi32>,
        %bitcast3A_3891 = vector.bitcast %get3A_3890 : vector<16xi32> to vector<32xbf16>
        %get3A_3892 = arith.constant 6 : i32
        %get3A_3893 = arith.index_cast %get3A_3892 : i32 to index
        %get3A_3894 = arith.constant 0 : index
        %get3A_3895 = tpu.vector_load %arg9[%get3A_3893, %get3A_3894] {strides = array<i32>} : memref<100x16xi32, #tpu.memory_space<vmem>>, vector<16xi32>,
        %bitcast3A_3896 = vector.bitcast %get3A_3895 : vector<16xi32> to vector<32xbf16>
        %get3A_3897 = arith.constant 7 : i32
        %get3A_3898 = arith.index_cast %get3A_3897 : i32 to index
        %get3A_3899 = arith.constant 0 : index
        %get3A_3900 = tpu.vector_load %arg9[%get3A_3898, %get3A_3899] {strides = array<i32>} : memref<100x16xi32, #tpu.memory_space<vmem>>, vector<16xi32>,
        %bitcast3A_3901 = vector.bitcast %get3A_3900 : vector<16xi32> to vector<32xbf16>
        %get3A_3902 = arith.constant 8 : i32
        %get3A_3903 = arith.index_cast %get3A_3902 : i32 to index
        %get3A_3904 = arith.constant 0 : index
        %get3A_3905 = tpu.vector_load %arg9[%get3A_3903, %get3A_3904] {strides = array<i32>} : memref<100x16xi32, #tpu.memory_space<vmem>>, vector<16xi32>,
        %bitcast3A_3906 = vector.bitcast %get3A_3905 : vector<16xi32> to vector<32xbf16>
        %get3A_3907 = arith.constant 9 : i32
        %get3A_3908 = arith.index_cast %get3A_3907 : i32 to index
        %get3A_3909 = arith.constant 0 : index
        %get3A_3910 = tpu.vector_load %arg9[%get3A_3908, %get3A_3909] {strides = array<i32>} : memref<100x16xi32, #tpu.memory_space<vmem>>, vector<16xi32>,
        %bitcast3A_3911 = vector.bitcast %get3A_3910 : vector<16xi32> to vector<32xbf16>
        %get3A_3912 = arith.constant 10 : i32
        %get3A_3913 = arith.index_cast %get3A_3912 : i32 to index
        %get3A_3914 = arith.constant 0 : index
        %get3A_3915 = tpu.vector_load %arg9[%get3A_3913, %get3A_3914] {strides = array<i32>} : memref<100x16xi32, #tpu.memory_space<vmem>>, vector<16xi32>,
        %bitcast3A_3916 = vector.bitcast %get3A_3915 : vector<16xi32> to vector<32xbf16>
        %get3A_3917 = arith.constant 11 : i32
        %get3A_3918 = arith.index_cast %get3A_3917 : i32 to index
        %get3A_3919 = arith.constant 0 : index
        %get3A_3920 = tpu.vector_load %arg9[%get3A_3918, %get3A_3919] {strides = array<i32>} : memref<100x16xi32, #tpu.memory_space<vmem>>, vector<16xi32>,
        %bitcast3A_3921 = vector.bitcast %get3A_3920 : vector<16xi32> to vector<32xbf16>
        %get3A_3922 = arith.constant 12 : i32
        %get3A_3923 = arith.index_cast %get3A_3922 : i32 to index
        %get3A_3924 = arith.constant 0 : index
        %get3A_3925 = tpu.vector_load %arg9[%get3A_3923, %get3A_3924] {strides = array<i32>} : memref<100x16xi32, #tpu.memory_space<vmem>>, vector<16xi32>,
        %bitcast3A_3926 = vector.bitcast %get3A_3925 : vector<16xi32> to vector<32xbf16>
        %get3A_3927 = arith.constant 13 : i32
        %get3A_3928 = arith.index_cast %get3A_3927 : i32 to index
        %get3A_3929 = arith.constant 0 : index
        %get3A_3930 = tpu.vector_load %arg9[%get3A_3928, %get3A_3929] {strides = array<i32>} : memref<100x16xi32, #tpu.memory_space<vmem>>, vector<16xi32>,
        %bitcast3A_3931 = vector.bitcast %get3A_3930 : vector<16xi32> to vector<32xbf16>
        %get3A_3932 = arith.constant 14 : i32
        %get3A_3933 = arith.index_cast %get3A_3932 : i32 to index
        %get3A_3934 = arith.constant 0 : index
        %get3A_3935 = tpu.vector_load %arg9[%get3A_3933, %get3A_3934] {strides = array<i32>} : memref<100x16xi32, #tpu.memory_space<vmem>>, vector<16xi32>,
        %bitcast3A_3936 = vector.bitcast %get3A_3935 : vector<16xi32> to vector<32xbf16>
        %get3A_3937 = arith.constant 15 : i32
        %get3A_3938 = arith.index_cast %get3A_3937 : i32 to index
        %get3A_3939 = arith.constant 0 : index
        %get3A_3940 = tpu.vector_load %arg9[%get3A_3938, %get3A_3939] {strides = array<i32>} : memref<100x16xi32, #tpu.memory_space<vmem>>, vector<16xi32>,
        %bitcast3A_3941 = vector.bitcast %get3A_3940 : vector<16xi32> to vector<32xbf16>
        %get3A_3942 = arith.constant 16 : i32
        %get3A_3943 = arith.index_cast %get3A_3942 : i32 to index
        %get3A_3944 = arith.constant 0 : index
        %get3A_3945 = tpu.vector_load %arg9[%get3A_3943, %get3A_3944] {strides = array<i32>} : memref<100x16xi32, #tpu.memory_space<vmem>>, vector<16xi32>,
        %bitcast3A_3946 = vector.bitcast %get3A_3945 : vector<16xi32> to vector<32xbf16>
        %get3A_3947 = arith.constant 17 : i32
        %get3A_3948 = arith.index_cast %get3A_3947 : i32 to index
        %get3A_3949 = arith.constant 0 : index
        %get3A_3950 = tpu.vector_load %arg9[%get3A_3948, %get3A_3949] {strides = array<i32>} : memref<100x16xi32, #tpu.memory_space<vmem>>, vector<16xi32>,
        %bitcast3A_3951 = vector.bitcast %get3A_3950 : vector<16xi32> to vector<32xbf16>
        %get3A_3952 = arith.constant 18 : i32
        %get3A_3953 = arith.index_cast %get3A_3952 : i32 to index
        %get3A_3954 = arith.constant 0 : index
        %get3A_3955 = tpu.vector_load %arg9[%get3A_3953, %get3A_3954] {strides = array<i32>} : memref<100x16xi32, #tpu.memory_space<vmem>>, vector<16xi32>,
        %bitcast3A_3956 = vector.bitcast %get3A_3955 : vector<16xi32> to vector<32xbf16>
        %get3A_3957 = arith.constant 19 : i32
        %get3A_3958 = arith.index_cast %get3A_3957 : i32 to index
        %get3A_3959 = arith.constant 0 : index
        %get3A_3960 = tpu.vector_load %arg9[%get3A_3958, %get3A_3959] {strides = array<i32>} : memref<100x16xi32, #tpu.memory_space<vmem>>, vector<16xi32>,
        %bitcast3A_3961 = vector.bitcast %get3A_3960 : vector<16xi32> to vector<32xbf16>
        %add3A_3962 = arith.addf %bitcast3A_3866, %bitcast3A_3871 : vector<32xbf16>
        %add3A_3963 = arith.addf %bitcast3A_3876, %bitcast3A_3881 : vector<32xbf16>
        %add3A_3964 = arith.addf %bitcast3A_3886, %bitcast3A_3891 : vector<32xbf16>
        %add3A_3965 = arith.addf %bitcast3A_3896, %bitcast3A_3901 : vector<32xbf16>
        %add3A_3966 = arith.addf %bitcast3A_3906, %bitcast3A_3911 : vector<32xbf16>
        %add3A_3967 = arith.addf %bitcast3A_3916, %bitcast3A_3921 : vector<32xbf16>
        %add3A_3968 = arith.addf %bitcast3A_3926, %bitcast3A_3931 : vector<32xbf16>
        %add3A_3969 = arith.addf %bitcast3A_3936, %bitcast3A_3941 : vector<32xbf16>
        %add3A_3970 = arith.addf %bitcast3A_3946, %bitcast3A_3951 : vector<32xbf16>
        %add3A_3971 = arith.addf %bitcast3A_3956, %bitcast3A_3961 : vector<32xbf16>
        %add3A_3972 = arith.addf %add3A_3962, %add3A_3963 : vector<32xbf16>
        %add3A_3973 = arith.addf %add3A_3964, %add3A_3965 : vector<32xbf16>
        %add3A_3974 = arith.addf %add3A_3966, %add3A_3967 : vector<32xbf16>
        %add3A_3975 = arith.addf %add3A_3968, %add3A_3969 : vector<32xbf16>
        %add3A_3976 = arith.addf %add3A_3970, %add3A_3971 : vector<32xbf16>
        %add3A_3977 = arith.addf %add3A_3972, %add3A_3973 : vector<32xbf16>
        %add3A_3978 = arith.addf %add3A_3974, %add3A_3975 : vector<32xbf16>
        %add3A_3979 = arith.addf %add3A_3977, %add3A_3978 : vector<32xbf16>
        %add3A_3980 = arith.addf %add3A_3979, %add3A_3976 : vector<32xbf16>
        %bitcast3A_3981 = vector.bitcast %add3A_3980 : vector<32xbf16> to vector<16xi32>
        %mul3A_3982 = arith.constant 5 : i32
        %mul3A_3983 = arith.muli %add3A_3861, %mul3A_3982 : i32
        %add3A_3984 = arith.constant 0 : i32
        %add3A_3985 = arith.addi %mul3A_3983, %add3A_3984 : i32
        %mul3A_3986 = arith.constant 16 : i32
        %mul3A_3987 = arith.muli %add3A_3985, %mul3A_3986 : i32
        %swap3A_3988 = arith.index_cast %mul3A_3987 : i32 to index
        %swap3A_3989 = tpu.vector_load %arg6[%swap3A_3988] {strides = array<i32>} : memref<12800xi32, #tpu.memory_space<vmem>>, vector<16xi32>,
        tpu.vector_store %arg6[%swap3A_3988], %bitcast3A_3981 {strides = array<i32>} : memref<12800xi32, #tpu.memory_space<vmem>>, vector<16xi32>,
        %get3A_3990 = arith.constant 20 : i32
        %get3A_3991 = arith.index_cast %get3A_3990 : i32 to index
        %get3A_3992 = arith.constant 0 : index
        %get3A_3993 = tpu.vector_load %arg9[%get3A_3991, %get3A_3992] {strides = array<i32>} : memref<100x16xi32, #tpu.memory_space<vmem>>, vector<16xi32>,
        %bitcast3A_3994 = vector.bitcast %get3A_3993 : vector<16xi32> to vector<32xbf16>
        %get3A_3995 = arith.constant 21 : i32
        %get3A_3996 = arith.index_cast %get3A_3995 : i32 to index
        %get3A_3997 = arith.constant 0 : index
        %get3A_3998 = tpu.vector_load %arg9[%get3A_3996, %get3A_3997] {strides = array<i32>} : memref<100x16xi32, #tpu.memory_space<vmem>>, vector<16xi32>,
        %bitcast3A_3999 = vector.bitcast %get3A_3998 : vector<16xi32> to vector<32xbf16>
        %get3A_4000 = arith.constant 22 : i32
        %get3A_4001 = arith.index_cast %get3A_4000 : i32 to index
        %get3A_4002 = arith.constant 0 : index
        %get3A_4003 = tpu.vector_load %arg9[%get3A_4001, %get3A_4002] {strides = array<i32>} : memref<100x16xi32, #tpu.memory_space<vmem>>, vector<16xi32>,
        %bitcast3A_4004 = vector.bitcast %get3A_4003 : vector<16xi32> to vector<32xbf16>
        %get3A_4005 = arith.constant 23 : i32
        %get3A_4006 = arith.index_cast %get3A_4005 : i32 to index
        %get3A_4007 = arith.constant 0 : index
        %get3A_4008 = tpu.vector_load %arg9[%get3A_4006, %get3A_4007] {strides = array<i32>} : memref<100x16xi32, #tpu.memory_space<vmem>>, vector<16xi32>,
        %bitcast3A_4009 = vector.bitcast %get3A_4008 : vector<16xi32> to vector<32xbf16>
        %get3A_4010 = arith.constant 24 : i32
        %get3A_4011 = arith.index_cast %get3A_4010 : i32 to index
        %get3A_4012 = arith.constant 0 : index
        %get3A_4013 = tpu.vector_load %arg9[%get3A_4011, %get3A_4012] {strides = array<i32>} : memref<100x16xi32, #tpu.memory_space<vmem>>, vector<16xi32>,
        %bitcast3A_4014 = vector.bitcast %get3A_4013 : vector<16xi32> to vector<32xbf16>
        %get3A_4015 = arith.constant 25 : i32
        %get3A_4016 = arith.index_cast %get3A_4015 : i32 to index
        %get3A_4017 = arith.constant 0 : index
        %get3A_4018 = tpu.vector_load %arg9[%get3A_4016, %get3A_4017] {strides = array<i32>} : memref<100x16xi32, #tpu.memory_space<vmem>>, vector<16xi32>,
        %bitcast3A_4019 = vector.bitcast %get3A_4018 : vector<16xi32> to vector<32xbf16>
        %get3A_4020 = arith.constant 26 : i32
        %get3A_4021 = arith.index_cast %get3A_4020 : i32 to index
        %get3A_4022 = arith.constant 0 : index
        %get3A_4023 = tpu.vector_load %arg9[%get3A_4021, %get3A_4022] {strides = array<i32>} : memref<100x16xi32, #tpu.memory_space<vmem>>, vector<16xi32>,
        %bitcast3A_4024 = vector.bitcast %get3A_4023 : vector<16xi32> to vector<32xbf16>
        %get3A_4025 = arith.constant 27 : i32
        %get3A_4026 = arith.index_cast %get3A_4025 : i32 to index
        %get3A_4027 = arith.constant 0 : index
        %get3A_4028 = tpu.vector_load %arg9[%get3A_4026, %get3A_4027] {strides = array<i32>} : memref<100x16xi32, #tpu.memory_space<vmem>>, vector<16xi32>,
        %bitcast3A_4029 = vector.bitcast %get3A_4028 : vector<16xi32> to vector<32xbf16>
        %get3A_4030 = arith.constant 28 : i32
        %get3A_4031 = arith.index_cast %get3A_4030 : i32 to index
        %get3A_4032 = arith.constant 0 : index
        %get3A_4033 = tpu.vector_load %arg9[%get3A_4031, %get3A_4032] {strides = array<i32>} : memref<100x16xi32, #tpu.memory_space<vmem>>, vector<16xi32>,
        %bitcast3A_4034 = vector.bitcast %get3A_4033 : vector<16xi32> to vector<32xbf16>
        %get3A_4035 = arith.constant 29 : i32
        %get3A_4036 = arith.index_cast %get3A_4035 : i32 to index
        %get3A_4037 = arith.constant 0 : index
        %get3A_4038 = tpu.vector_load %arg9[%get3A_4036, %get3A_4037] {strides = array<i32>} : memref<100x16xi32, #tpu.memory_space<vmem>>, vector<16xi32>,
        %bitcast3A_4039 = vector.bitcast %get3A_4038 : vector<16xi32> to vector<32xbf16>
        %get3A_4040 = arith.constant 30 : i32
        %get3A_4041 = arith.index_cast %get3A_4040 : i32 to index
        %get3A_4042 = arith.constant 0 : index
        %get3A_4043 = tpu.vector_load %arg9[%get3A_4041, %get3A_4042] {strides = array<i32>} : memref<100x16xi32, #tpu.memory_space<vmem>>, vector<16xi32>,
        %bitcast3A_4044 = vector.bitcast %get3A_4043 : vector<16xi32> to vector<32xbf16>
        %get3A_4045 = arith.constant 31 : i32
        %get3A_4046 = arith.index_cast %get3A_4045 : i32 to index
        %get3A_4047 = arith.constant 0 : index
        %get3A_4048 = tpu.vector_load %arg9[%get3A_4046, %get3A_4047] {strides = array<i32>} : memref<100x16xi32, #tpu.memory_space<vmem>>, vector<16xi32>,
        %bitcast3A_4049 = vector.bitcast %get3A_4048 : vector<16xi32> to vector<32xbf16>
        %get3A_4050 = arith.constant 32 : i32
        %get3A_4051 = arith.index_cast %get3A_4050 : i32 to index
        %get3A_4052 = arith.constant 0 : index
        %get3A_4053 = tpu.vector_load %arg9[%get3A_4051, %get3A_4052] {strides = array<i32>} : memref<100x16xi32, #tpu.memory_space<vmem>>, vector<16xi32>,
        %bitcast3A_4054 = vector.bitcast %get3A_4053 : vector<16xi32> to vector<32xbf16>
        %get3A_4055 = arith.constant 33 : i32
        %get3A_4056 = arith.index_cast %get3A_4055 : i32 to index
        %get3A_4057 = arith.constant 0 : index
        %get3A_4058 = tpu.vector_load %arg9[%get3A_4056, %get3A_4057] {strides = array<i32>} : memref<100x16xi32, #tpu.memory_space<vmem>>, vector<16xi32>,
        %bitcast3A_4059 = vector.bitcast %get3A_4058 : vector<16xi32> to vector<32xbf16>
        %get3A_4060 = arith.constant 34 : i32
        %get3A_4061 = arith.index_cast %get3A_4060 : i32 to index
        %get3A_4062 = arith.constant 0 : index
        %get3A_4063 = tpu.vector_load %arg9[%get3A_4061, %get3A_4062] {strides = array<i32>} : memref<100x16xi32, #tpu.memory_space<vmem>>, vector<16xi32>,
        %bitcast3A_4064 = vector.bitcast %get3A_4063 : vector<16xi32> to vector<32xbf16>
        %get3A_4065 = arith.constant 35 : i32
        %get3A_4066 = arith.index_cast %get3A_4065 : i32 to index
        %get3A_4067 = arith.constant 0 : index
        %get3A_4068 = tpu.vector_load %arg9[%get3A_4066, %get3A_4067] {strides = array<i32>} : memref<100x16xi32, #tpu.memory_space<vmem>>, vector<16xi32>,
        %bitcast3A_4069 = vector.bitcast %get3A_4068 : vector<16xi32> to vector<32xbf16>
        %get3A_4070 = arith.constant 36 : i32
        %get3A_4071 = arith.index_cast %get3A_4070 : i32 to index
        %get3A_4072 = arith.constant 0 : index
        %get3A_4073 = tpu.vector_load %arg9[%get3A_4071, %get3A_4072] {strides = array<i32>} : memref<100x16xi32, #tpu.memory_space<vmem>>, vector<16xi32>,
        %bitcast3A_4074 = vector.bitcast %get3A_4073 : vector<16xi32> to vector<32xbf16>
        %get3A_4075 = arith.constant 37 : i32
        %get3A_4076 = arith.index_cast %get3A_4075 : i32 to index
        %get3A_4077 = arith.constant 0 : index
        %get3A_4078 = tpu.vector_load %arg9[%get3A_4076, %get3A_4077] {strides = array<i32>} : memref<100x16xi32, #tpu.memory_space<vmem>>, vector<16xi32>,
        %bitcast3A_4079 = vector.bitcast %get3A_4078 : vector<16xi32> to vector<32xbf16>
        %get3A_4080 = arith.constant 38 : i32
        %get3A_4081 = arith.index_cast %get3A_4080 : i32 to index
        %get3A_4082 = arith.constant 0 : index
        %get3A_4083 = tpu.vector_load %arg9[%get3A_4081, %get3A_4082] {strides = array<i32>} : memref<100x16xi32, #tpu.memory_space<vmem>>, vector<16xi32>,
        %bitcast3A_4084 = vector.bitcast %get3A_4083 : vector<16xi32> to vector<32xbf16>
        %get3A_4085 = arith.constant 39 : i32
        %get3A_4086 = arith.index_cast %get3A_4085 : i32 to index
        %get3A_4087 = arith.constant 0 : index
        %get3A_4088 = tpu.vector_load %arg9[%get3A_4086, %get3A_4087] {strides = array<i32>} : memref<100x16xi32, #tpu.memory_space<vmem>>, vector<16xi32>,
        %bitcast3A_4089 = vector.bitcast %get3A_4088 : vector<16xi32> to vector<32xbf16>
        %add3A_4090 = arith.addf %bitcast3A_3994, %bitcast3A_3999 : vector<32xbf16>
        %add3A_4091 = arith.addf %bitcast3A_4004, %bitcast3A_4009 : vector<32xbf16>
        %add3A_4092 = arith.addf %bitcast3A_4014, %bitcast3A_4019 : vector<32xbf16>
        %add3A_4093 = arith.addf %bitcast3A_4024, %bitcast3A_4029 : vector<32xbf16>
        %add3A_4094 = arith.addf %bitcast3A_4034, %bitcast3A_4039 : vector<32xbf16>
        %add3A_4095 = arith.addf %bitcast3A_4044, %bitcast3A_4049 : vector<32xbf16>
        %add3A_4096 = arith.addf %bitcast3A_4054, %bitcast3A_4059 : vector<32xbf16>
        %add3A_4097 = arith.addf %bitcast3A_4064, %bitcast3A_4069 : vector<32xbf16>
        %add3A_4098 = arith.addf %bitcast3A_4074, %bitcast3A_4079 : vector<32xbf16>
        %add3A_4099 = arith.addf %bitcast3A_4084, %bitcast3A_4089 : vector<32xbf16>
        %add3A_4100 = arith.addf %add3A_4090, %add3A_4091 : vector<32xbf16>
        %add3A_4101 = arith.addf %add3A_4092, %add3A_4093 : vector<32xbf16>
        %add3A_4102 = arith.addf %add3A_4094, %add3A_4095 : vector<32xbf16>
        %add3A_4103 = arith.addf %add3A_4096, %add3A_4097 : vector<32xbf16>
        %add3A_4104 = arith.addf %add3A_4098, %add3A_4099 : vector<32xbf16>
        %add3A_4105 = arith.addf %add3A_4100, %add3A_4101 : vector<32xbf16>
        %add3A_4106 = arith.addf %add3A_4102, %add3A_4103 : vector<32xbf16>
        %add3A_4107 = arith.addf %add3A_4105, %add3A_4106 : vector<32xbf16>
        %add3A_4108 = arith.addf %add3A_4107, %add3A_4104 : vector<32xbf16>
        %bitcast3A_4109 = vector.bitcast %add3A_4108 : vector<32xbf16> to vector<16xi32>
        %mul3A_4110 = arith.constant 5 : i32
        %mul3A_4111 = arith.muli %add3A_3861, %mul3A_4110 : i32
        %add3A_4112 = arith.constant 1 : i32
        %add3A_4113 = arith.addi %mul3A_4111, %add3A_4112 : i32
        %mul3A_4114 = arith.constant 16 : i32
        %mul3A_4115 = arith.muli %add3A_4113, %mul3A_4114 : i32
        %swap3A_4116 = arith.index_cast %mul3A_4115 : i32 to index
        %swap3A_4117 = tpu.vector_load %arg6[%swap3A_4116] {strides = array<i32>} : memref<12800xi32, #tpu.memory_space<vmem>>, vector<16xi32>,
        tpu.vector_store %arg6[%swap3A_4116], %bitcast3A_4109 {strides = array<i32>} : memref<12800xi32, #tpu.memory_space<vmem>>, vector<16xi32>,
        %get3A_4118 = arith.constant 40 : i32
        %get3A_4119 = arith.index_cast %get3A_4118 : i32 to index
        %get3A_4120 = arith.constant 0 : index
        %get3A_4121 = tpu.vector_load %arg9[%get3A_4119, %get3A_4120] {strides = array<i32>} : memref<100x16xi32, #tpu.memory_space<vmem>>, vector<16xi32>,
        %bitcast3A_4122 = vector.bitcast %get3A_4121 : vector<16xi32> to vector<32xbf16>
        %get3A_4123 = arith.constant 41 : i32
        %get3A_4124 = arith.index_cast %get3A_4123 : i32 to index
        %get3A_4125 = arith.constant 0 : index
        %get3A_4126 = tpu.vector_load %arg9[%get3A_4124, %get3A_4125] {strides = array<i32>} : memref<100x16xi32, #tpu.memory_space<vmem>>, vector<16xi32>,
        %bitcast3A_4127 = vector.bitcast %get3A_4126 : vector<16xi32> to vector<32xbf16>
        %get3A_4128 = arith.constant 42 : i32
        %get3A_4129 = arith.index_cast %get3A_4128 : i32 to index
        %get3A_4130 = arith.constant 0 : index
        %get3A_4131 = tpu.vector_load %arg9[%get3A_4129, %get3A_4130] {strides = array<i32>} : memref<100x16xi32, #tpu.memory_space<vmem>>, vector<16xi32>,
        %bitcast3A_4132 = vector.bitcast %get3A_4131 : vector<16xi32> to vector<32xbf16>
        %get3A_4133 = arith.constant 43 : i32
        %get3A_4134 = arith.index_cast %get3A_4133 : i32 to index
        %get3A_4135 = arith.constant 0 : index
        %get3A_4136 = tpu.vector_load %arg9[%get3A_4134, %get3A_4135] {strides = array<i32>} : memref<100x16xi32, #tpu.memory_space<vmem>>, vector<16xi32>,
        %bitcast3A_4137 = vector.bitcast %get3A_4136 : vector<16xi32> to vector<32xbf16>
        %get3A_4138 = arith.constant 44 : i32
        %get3A_4139 = arith.index_cast %get3A_4138 : i32 to index
        %get3A_4140 = arith.constant 0 : index
        %get3A_4141 = tpu.vector_load %arg9[%get3A_4139, %get3A_4140] {strides = array<i32>} : memref<100x16xi32, #tpu.memory_space<vmem>>, vector<16xi32>,
        %bitcast3A_4142 = vector.bitcast %get3A_4141 : vector<16xi32> to vector<32xbf16>
        %get3A_4143 = arith.constant 45 : i32
        %get3A_4144 = arith.index_cast %get3A_4143 : i32 to index
        %get3A_4145 = arith.constant 0 : index
        %get3A_4146 = tpu.vector_load %arg9[%get3A_4144, %get3A_4145] {strides = array<i32>} : memref<100x16xi32, #tpu.memory_space<vmem>>, vector<16xi32>,
        %bitcast3A_4147 = vector.bitcast %get3A_4146 : vector<16xi32> to vector<32xbf16>
        %get3A_4148 = arith.constant 46 : i32
        %get3A_4149 = arith.index_cast %get3A_4148 : i32 to index
        %get3A_4150 = arith.constant 0 : index
        %get3A_4151 = tpu.vector_load %arg9[%get3A_4149, %get3A_4150] {strides = array<i32>} : memref<100x16xi32, #tpu.memory_space<vmem>>, vector<16xi32>,
        %bitcast3A_4152 = vector.bitcast %get3A_4151 : vector<16xi32> to vector<32xbf16>
        %get3A_4153 = arith.constant 47 : i32
        %get3A_4154 = arith.index_cast %get3A_4153 : i32 to index
        %get3A_4155 = arith.constant 0 : index
        %get3A_4156 = tpu.vector_load %arg9[%get3A_4154, %get3A_4155] {strides = array<i32>} : memref<100x16xi32, #tpu.memory_space<vmem>>, vector<16xi32>,
        %bitcast3A_4157 = vector.bitcast %get3A_4156 : vector<16xi32> to vector<32xbf16>
        %get3A_4158 = arith.constant 48 : i32
        %get3A_4159 = arith.index_cast %get3A_4158 : i32 to index
        %get3A_4160 = arith.constant 0 : index
        %get3A_4161 = tpu.vector_load %arg9[%get3A_4159, %get3A_4160] {strides = array<i32>} : memref<100x16xi32, #tpu.memory_space<vmem>>, vector<16xi32>,
        %bitcast3A_4162 = vector.bitcast %get3A_4161 : vector<16xi32> to vector<32xbf16>
        %get3A_4163 = arith.constant 49 : i32
        %get3A_4164 = arith.index_cast %get3A_4163 : i32 to index
        %get3A_4165 = arith.constant 0 : index
        %get3A_4166 = tpu.vector_load %arg9[%get3A_4164, %get3A_4165] {strides = array<i32>} : memref<100x16xi32, #tpu.memory_space<vmem>>, vector<16xi32>,
        %bitcast3A_4167 = vector.bitcast %get3A_4166 : vector<16xi32> to vector<32xbf16>
        %get3A_4168 = arith.constant 50 : i32
        %get3A_4169 = arith.index_cast %get3A_4168 : i32 to index
        %get3A_4170 = arith.constant 0 : index
        %get3A_4171 = tpu.vector_load %arg9[%get3A_4169, %get3A_4170] {strides = array<i32>} : memref<100x16xi32, #tpu.memory_space<vmem>>, vector<16xi32>,
        %bitcast3A_4172 = vector.bitcast %get3A_4171 : vector<16xi32> to vector<32xbf16>
        %get3A_4173 = arith.constant 51 : i32
        %get3A_4174 = arith.index_cast %get3A_4173 : i32 to index
        %get3A_4175 = arith.constant 0 : index
        %get3A_4176 = tpu.vector_load %arg9[%get3A_4174, %get3A_4175] {strides = array<i32>} : memref<100x16xi32, #tpu.memory_space<vmem>>, vector<16xi32>,
        %bitcast3A_4177 = vector.bitcast %get3A_4176 : vector<16xi32> to vector<32xbf16>
        %get3A_4178 = arith.constant 52 : i32
        %get3A_4179 = arith.index_cast %get3A_4178 : i32 to index
        %get3A_4180 = arith.constant 0 : index
        %get3A_4181 = tpu.vector_load %arg9[%get3A_4179, %get3A_4180] {strides = array<i32>} : memref<100x16xi32, #tpu.memory_space<vmem>>, vector<16xi32>,
        %bitcast3A_4182 = vector.bitcast %get3A_4181 : vector<16xi32> to vector<32xbf16>
        %get3A_4183 = arith.constant 53 : i32
        %get3A_4184 = arith.index_cast %get3A_4183 : i32 to index
        %get3A_4185 = arith.constant 0 : index
        %get3A_4186 = tpu.vector_load %arg9[%get3A_4184, %get3A_4185] {strides = array<i32>} : memref<100x16xi32, #tpu.memory_space<vmem>>, vector<16xi32>,
        %bitcast3A_4187 = vector.bitcast %get3A_4186 : vector<16xi32> to vector<32xbf16>
        %get3A_4188 = arith.constant 54 : i32
        %get3A_4189 = arith.index_cast %get3A_4188 : i32 to index
        %get3A_4190 = arith.constant 0 : index
        %get3A_4191 = tpu.vector_load %arg9[%get3A_4189, %get3A_4190] {strides = array<i32>} : memref<100x16xi32, #tpu.memory_space<vmem>>, vector<16xi32>,
        %bitcast3A_4192 = vector.bitcast %get3A_4191 : vector<16xi32> to vector<32xbf16>
        %get3A_4193 = arith.constant 55 : i32
        %get3A_4194 = arith.index_cast %get3A_4193 : i32 to index
        %get3A_4195 = arith.constant 0 : index
        %get3A_4196 = tpu.vector_load %arg9[%get3A_4194, %get3A_4195] {strides = array<i32>} : memref<100x16xi32, #tpu.memory_space<vmem>>, vector<16xi32>,
        %bitcast3A_4197 = vector.bitcast %get3A_4196 : vector<16xi32> to vector<32xbf16>
        %get3A_4198 = arith.constant 56 : i32
        %get3A_4199 = arith.index_cast %get3A_4198 : i32 to index
        %get3A_4200 = arith.constant 0 : index
        %get3A_4201 = tpu.vector_load %arg9[%get3A_4199, %get3A_4200] {strides = array<i32>} : memref<100x16xi32, #tpu.memory_space<vmem>>, vector<16xi32>,
        %bitcast3A_4202 = vector.bitcast %get3A_4201 : vector<16xi32> to vector<32xbf16>
        %get3A_4203 = arith.constant 57 : i32
        %get3A_4204 = arith.index_cast %get3A_4203 : i32 to index
        %get3A_4205 = arith.constant 0 : index
        %get3A_4206 = tpu.vector_load %arg9[%get3A_4204, %get3A_4205] {strides = array<i32>} : memref<100x16xi32, #tpu.memory_space<vmem>>, vector<16xi32>,
        %bitcast3A_4207 = vector.bitcast %get3A_4206 : vector<16xi32> to vector<32xbf16>
        %get3A_4208 = arith.constant 58 : i32
        %get3A_4209 = arith.index_cast %get3A_4208 : i32 to index
        %get3A_4210 = arith.constant 0 : index
        %get3A_4211 = tpu.vector_load %arg9[%get3A_4209, %get3A_4210] {strides = array<i32>} : memref<100x16xi32, #tpu.memory_space<vmem>>, vector<16xi32>,
        %bitcast3A_4212 = vector.bitcast %get3A_4211 : vector<16xi32> to vector<32xbf16>
        %get3A_4213 = arith.constant 59 : i32
        %get3A_4214 = arith.index_cast %get3A_4213 : i32 to index
        %get3A_4215 = arith.constant 0 : index
        %get3A_4216 = tpu.vector_load %arg9[%get3A_4214, %get3A_4215] {strides = array<i32>} : memref<100x16xi32, #tpu.memory_space<vmem>>, vector<16xi32>,
        %bitcast3A_4217 = vector.bitcast %get3A_4216 : vector<16xi32> to vector<32xbf16>
        %add3A_4218 = arith.addf %bitcast3A_4122, %bitcast3A_4127 : vector<32xbf16>
        %add3A_4219 = arith.addf %bitcast3A_4132, %bitcast3A_4137 : vector<32xbf16>
        %add3A_4220 = arith.addf %bitcast3A_4142, %bitcast3A_4147 : vector<32xbf16>
        %add3A_4221 = arith.addf %bitcast3A_4152, %bitcast3A_4157 : vector<32xbf16>
        %add3A_4222 = arith.addf %bitcast3A_4162, %bitcast3A_4167 : vector<32xbf16>
        %add3A_4223 = arith.addf %bitcast3A_4172, %bitcast3A_4177 : vector<32xbf16>
        %add3A_4224 = arith.addf %bitcast3A_4182, %bitcast3A_4187 : vector<32xbf16>
        %add3A_4225 = arith.addf %bitcast3A_4192, %bitcast3A_4197 : vector<32xbf16>
        %add3A_4226 = arith.addf %bitcast3A_4202, %bitcast3A_4207 : vector<32xbf16>
        %add3A_4227 = arith.addf %bitcast3A_4212, %bitcast3A_4217 : vector<32xbf16>
        %add3A_4228 = arith.addf %add3A_4218, %add3A_4219 : vector<32xbf16>
        %add3A_4229 = arith.addf %add3A_4220, %add3A_4221 : vector<32xbf16>
        %add3A_4230 = arith.addf %add3A_4222, %add3A_4223 : vector<32xbf16>
        %add3A_4231 = arith.addf %add3A_4224, %add3A_4225 : vector<32xbf16>
        %add3A_4232 = arith.addf %add3A_4226, %add3A_4227 : vector<32xbf16>
        %add3A_4233 = arith.addf %add3A_4228, %add3A_4229 : vector<32xbf16>
        %add3A_4234 = arith.addf %add3A_4230, %add3A_4231 : vector<32xbf16>
        %add3A_4235 = arith.addf %add3A_4233, %add3A_4234 : vector<32xbf16>
        %add3A_4236 = arith.addf %add3A_4235, %add3A_4232 : vector<32xbf16>
        %bitcast3A_4237 = vector.bitcast %add3A_4236 : vector<32xbf16> to vector<16xi32>
        %mul3A_4238 = arith.constant 5 : i32
        %mul3A_4239 = arith.muli %add3A_3861, %mul3A_4238 : i32
        %add3A_4240 = arith.constant 2 : i32
        %add3A_4241 = arith.addi %mul3A_4239, %add3A_4240 : i32
        %mul3A_4242 = arith.constant 16 : i32
        %mul3A_4243 = arith.muli %add3A_4241, %mul3A_4242 : i32
        %swap3A_4244 = arith.index_cast %mul3A_4243 : i32 to index
        %swap3A_4245 = tpu.vector_load %arg6[%swap3A_4244] {strides = array<i32>} : memref<12800xi32, #tpu.memory_space<vmem>>, vector<16xi32>,
        tpu.vector_store %arg6[%swap3A_4244], %bitcast3A_4237 {strides = array<i32>} : memref<12800xi32, #tpu.memory_space<vmem>>, vector<16xi32>,
        %get3A_4246 = arith.constant 60 : i32
        %get3A_4247 = arith.index_cast %get3A_4246 : i32 to index
        %get3A_4248 = arith.constant 0 : index
        %get3A_4249 = tpu.vector_load %arg9[%get3A_4247, %get3A_4248] {strides = array<i32>} : memref<100x16xi32, #tpu.memory_space<vmem>>, vector<16xi32>,
        %bitcast3A_4250 = vector.bitcast %get3A_4249 : vector<16xi32> to vector<32xbf16>
        %get3A_4251 = arith.constant 61 : i32
        %get3A_4252 = arith.index_cast %get3A_4251 : i32 to index
        %get3A_4253 = arith.constant 0 : index
        %get3A_4254 = tpu.vector_load %arg9[%get3A_4252, %get3A_4253] {strides = array<i32>} : memref<100x16xi32, #tpu.memory_space<vmem>>, vector<16xi32>,
        %bitcast3A_4255 = vector.bitcast %get3A_4254 : vector<16xi32> to vector<32xbf16>
        %get3A_4256 = arith.constant 62 : i32
        %get3A_4257 = arith.index_cast %get3A_4256 : i32 to index
        %get3A_4258 = arith.constant 0 : index
        %get3A_4259 = tpu.vector_load %arg9[%get3A_4257, %get3A_4258] {strides = array<i32>} : memref<100x16xi32, #tpu.memory_space<vmem>>, vector<16xi32>,
        %bitcast3A_4260 = vector.bitcast %get3A_4259 : vector<16xi32> to vector<32xbf16>
        %get3A_4261 = arith.constant 63 : i32
        %get3A_4262 = arith.index_cast %get3A_4261 : i32 to index
        %get3A_4263 = arith.constant 0 : index
        %get3A_4264 = tpu.vector_load %arg9[%get3A_4262, %get3A_4263] {strides = array<i32>} : memref<100x16xi32, #tpu.memory_space<vmem>>, vector<16xi32>,
        %bitcast3A_4265 = vector.bitcast %get3A_4264 : vector<16xi32> to vector<32xbf16>
        %get3A_4266 = arith.constant 64 : i32
        %get3A_4267 = arith.index_cast %get3A_4266 : i32 to index
        %get3A_4268 = arith.constant 0 : index
        %get3A_4269 = tpu.vector_load %arg9[%get3A_4267, %get3A_4268] {strides = array<i32>} : memref<100x16xi32, #tpu.memory_space<vmem>>, vector<16xi32>,
        %bitcast3A_4270 = vector.bitcast %get3A_4269 : vector<16xi32> to vector<32xbf16>
        %get3A_4271 = arith.constant 65 : i32
        %get3A_4272 = arith.index_cast %get3A_4271 : i32 to index
        %get3A_4273 = arith.constant 0 : index
        %get3A_4274 = tpu.vector_load %arg9[%get3A_4272, %get3A_4273] {strides = array<i32>} : memref<100x16xi32, #tpu.memory_space<vmem>>, vector<16xi32>,
        %bitcast3A_4275 = vector.bitcast %get3A_4274 : vector<16xi32> to vector<32xbf16>
        %get3A_4276 = arith.constant 66 : i32
        %get3A_4277 = arith.index_cast %get3A_4276 : i32 to index
        %get3A_4278 = arith.constant 0 : index
        %get3A_4279 = tpu.vector_load %arg9[%get3A_4277, %get3A_4278] {strides = array<i32>} : memref<100x16xi32, #tpu.memory_space<vmem>>, vector<16xi32>,
        %bitcast3A_4280 = vector.bitcast %get3A_4279 : vector<16xi32> to vector<32xbf16>
        %get3A_4281 = arith.constant 67 : i32
        %get3A_4282 = arith.index_cast %get3A_4281 : i32 to index
        %get3A_4283 = arith.constant 0 : index
        %get3A_4284 = tpu.vector_load %arg9[%get3A_4282, %get3A_4283] {strides = array<i32>} : memref<100x16xi32, #tpu.memory_space<vmem>>, vector<16xi32>,
        %bitcast3A_4285 = vector.bitcast %get3A_4284 : vector<16xi32> to vector<32xbf16>
        %get3A_4286 = arith.constant 68 : i32
        %get3A_4287 = arith.index_cast %get3A_4286 : i32 to index
        %get3A_4288 = arith.constant 0 : index
        %get3A_4289 = tpu.vector_load %arg9[%get3A_4287, %get3A_4288] {strides = array<i32>} : memref<100x16xi32, #tpu.memory_space<vmem>>, vector<16xi32>,
        %bitcast3A_4290 = vector.bitcast %get3A_4289 : vector<16xi32> to vector<32xbf16>
        %get3A_4291 = arith.constant 69 : i32
        %get3A_4292 = arith.index_cast %get3A_4291 : i32 to index
        %get3A_4293 = arith.constant 0 : index
        %get3A_4294 = tpu.vector_load %arg9[%get3A_4292, %get3A_4293] {strides = array<i32>} : memref<100x16xi32, #tpu.memory_space<vmem>>, vector<16xi32>,
        %bitcast3A_4295 = vector.bitcast %get3A_4294 : vector<16xi32> to vector<32xbf16>
        %get3A_4296 = arith.constant 70 : i32
        %get3A_4297 = arith.index_cast %get3A_4296 : i32 to index
        %get3A_4298 = arith.constant 0 : index
        %get3A_4299 = tpu.vector_load %arg9[%get3A_4297, %get3A_4298] {strides = array<i32>} : memref<100x16xi32, #tpu.memory_space<vmem>>, vector<16xi32>,
        %bitcast3A_4300 = vector.bitcast %get3A_4299 : vector<16xi32> to vector<32xbf16>
        %get3A_4301 = arith.constant 71 : i32
        %get3A_4302 = arith.index_cast %get3A_4301 : i32 to index
        %get3A_4303 = arith.constant 0 : index
        %get3A_4304 = tpu.vector_load %arg9[%get3A_4302, %get3A_4303] {strides = array<i32>} : memref<100x16xi32, #tpu.memory_space<vmem>>, vector<16xi32>,
        %bitcast3A_4305 = vector.bitcast %get3A_4304 : vector<16xi32> to vector<32xbf16>
        %get3A_4306 = arith.constant 72 : i32
        %get3A_4307 = arith.index_cast %get3A_4306 : i32 to index
        %get3A_4308 = arith.constant 0 : index
        %get3A_4309 = tpu.vector_load %arg9[%get3A_4307, %get3A_4308] {strides = array<i32>} : memref<100x16xi32, #tpu.memory_space<vmem>>, vector<16xi32>,
        %bitcast3A_4310 = vector.bitcast %get3A_4309 : vector<16xi32> to vector<32xbf16>
        %get3A_4311 = arith.constant 73 : i32
        %get3A_4312 = arith.index_cast %get3A_4311 : i32 to index
        %get3A_4313 = arith.constant 0 : index
        %get3A_4314 = tpu.vector_load %arg9[%get3A_4312, %get3A_4313] {strides = array<i32>} : memref<100x16xi32, #tpu.memory_space<vmem>>, vector<16xi32>,
        %bitcast3A_4315 = vector.bitcast %get3A_4314 : vector<16xi32> to vector<32xbf16>
        %get3A_4316 = arith.constant 74 : i32
        %get3A_4317 = arith.index_cast %get3A_4316 : i32 to index
        %get3A_4318 = arith.constant 0 : index
        %get3A_4319 = tpu.vector_load %arg9[%get3A_4317, %get3A_4318] {strides = array<i32>} : memref<100x16xi32, #tpu.memory_space<vmem>>, vector<16xi32>,
        %bitcast3A_4320 = vector.bitcast %get3A_4319 : vector<16xi32> to vector<32xbf16>
        %get3A_4321 = arith.constant 75 : i32
        %get3A_4322 = arith.index_cast %get3A_4321 : i32 to index
        %get3A_4323 = arith.constant 0 : index
        %get3A_4324 = tpu.vector_load %arg9[%get3A_4322, %get3A_4323] {strides = array<i32>} : memref<100x16xi32, #tpu.memory_space<vmem>>, vector<16xi32>,
        %bitcast3A_4325 = vector.bitcast %get3A_4324 : vector<16xi32> to vector<32xbf16>
        %get3A_4326 = arith.constant 76 : i32
        %get3A_4327 = arith.index_cast %get3A_4326 : i32 to index
        %get3A_4328 = arith.constant 0 : index
        %get3A_4329 = tpu.vector_load %arg9[%get3A_4327, %get3A_4328] {strides = array<i32>} : memref<100x16xi32, #tpu.memory_space<vmem>>, vector<16xi32>,
        %bitcast3A_4330 = vector.bitcast %get3A_4329 : vector<16xi32> to vector<32xbf16>
        %get3A_4331 = arith.constant 77 : i32
        %get3A_4332 = arith.index_cast %get3A_4331 : i32 to index
        %get3A_4333 = arith.constant 0 : index
        %get3A_4334 = tpu.vector_load %arg9[%get3A_4332, %get3A_4333] {strides = array<i32>} : memref<100x16xi32, #tpu.memory_space<vmem>>, vector<16xi32>,
        %bitcast3A_4335 = vector.bitcast %get3A_4334 : vector<16xi32> to vector<32xbf16>
        %get3A_4336 = arith.constant 78 : i32
        %get3A_4337 = arith.index_cast %get3A_4336 : i32 to index
        %get3A_4338 = arith.constant 0 : index
        %get3A_4339 = tpu.vector_load %arg9[%get3A_4337, %get3A_4338] {strides = array<i32>} : memref<100x16xi32, #tpu.memory_space<vmem>>, vector<16xi32>,
        %bitcast3A_4340 = vector.bitcast %get3A_4339 : vector<16xi32> to vector<32xbf16>
        %get3A_4341 = arith.constant 79 : i32
        %get3A_4342 = arith.index_cast %get3A_4341 : i32 to index
        %get3A_4343 = arith.constant 0 : index
        %get3A_4344 = tpu.vector_load %arg9[%get3A_4342, %get3A_4343] {strides = array<i32>} : memref<100x16xi32, #tpu.memory_space<vmem>>, vector<16xi32>,
        %bitcast3A_4345 = vector.bitcast %get3A_4344 : vector<16xi32> to vector<32xbf16>
        %add3A_4346 = arith.addf %bitcast3A_4250, %bitcast3A_4255 : vector<32xbf16>
        %add3A_4347 = arith.addf %bitcast3A_4260, %bitcast3A_4265 : vector<32xbf16>
        %add3A_4348 = arith.addf %bitcast3A_4270, %bitcast3A_4275 : vector<32xbf16>
        %add3A_4349 = arith.addf %bitcast3A_4280, %bitcast3A_4285 : vector<32xbf16>
        %add3A_4350 = arith.addf %bitcast3A_4290, %bitcast3A_4295 : vector<32xbf16>
        %add3A_4351 = arith.addf %bitcast3A_4300, %bitcast3A_4305 : vector<32xbf16>
        %add3A_4352 = arith.addf %bitcast3A_4310, %bitcast3A_4315 : vector<32xbf16>
        %add3A_4353 = arith.addf %bitcast3A_4320, %bitcast3A_4325 : vector<32xbf16>
        %add3A_4354 = arith.addf %bitcast3A_4330, %bitcast3A_4335 : vector<32xbf16>
        %add3A_4355 = arith.addf %bitcast3A_4340, %bitcast3A_4345 : vector<32xbf16>
        %add3A_4356 = arith.addf %add3A_4346, %add3A_4347 : vector<32xbf16>
        %add3A_4357 = arith.addf %add3A_4348, %add3A_4349 : vector<32xbf16>
        %add3A_4358 = arith.addf %add3A_4350, %add3A_4351 : vector<32xbf16>
        %add3A_4359 = arith.addf %add3A_4352, %add3A_4353 : vector<32xbf16>
        %add3A_4360 = arith.addf %add3A_4354, %add3A_4355 : vector<32xbf16>
        %add3A_4361 = arith.addf %add3A_4356, %add3A_4357 : vector<32xbf16>
        %add3A_4362 = arith.addf %add3A_4358, %add3A_4359 : vector<32xbf16>
        %add3A_4363 = arith.addf %add3A_4361, %add3A_4362 : vector<32xbf16>
        %add3A_4364 = arith.addf %add3A_4363, %add3A_4360 : vector<32xbf16>
        %bitcast3A_4365 = vector.bitcast %add3A_4364 : vector<32xbf16> to vector<16xi32>
        %mul3A_4366 = arith.constant 5 : i32
        %mul3A_4367 = arith.muli %add3A_3861, %mul3A_4366 : i32
        %add3A_4368 = arith.constant 3 : i32
        %add3A_4369 = arith.addi %mul3A_4367, %add3A_4368 : i32
        %mul3A_4370 = arith.constant 16 : i32
        %mul3A_4371 = arith.muli %add3A_4369, %mul3A_4370 : i32
        %swap3A_4372 = arith.index_cast %mul3A_4371 : i32 to index
        %swap3A_4373 = tpu.vector_load %arg6[%swap3A_4372] {strides = array<i32>} : memref<12800xi32, #tpu.memory_space<vmem>>, vector<16xi32>,
        tpu.vector_store %arg6[%swap3A_4372], %bitcast3A_4365 {strides = array<i32>} : memref<12800xi32, #tpu.memory_space<vmem>>, vector<16xi32>,
        %get3A_4374 = arith.constant 80 : i32
        %get3A_4375 = arith.index_cast %get3A_4374 : i32 to index
        %get3A_4376 = arith.constant 0 : index
        %get3A_4377 = tpu.vector_load %arg9[%get3A_4375, %get3A_4376] {strides = array<i32>} : memref<100x16xi32, #tpu.memory_space<vmem>>, vector<16xi32>,
        %bitcast3A_4378 = vector.bitcast %get3A_4377 : vector<16xi32> to vector<32xbf16>
        %get3A_4379 = arith.constant 81 : i32
        %get3A_4380 = arith.index_cast %get3A_4379 : i32 to index
        %get3A_4381 = arith.constant 0 : index
        %get3A_4382 = tpu.vector_load %arg9[%get3A_4380, %get3A_4381] {strides = array<i32>} : memref<100x16xi32, #tpu.memory_space<vmem>>, vector<16xi32>,
        %bitcast3A_4383 = vector.bitcast %get3A_4382 : vector<16xi32> to vector<32xbf16>
        %get3A_4384 = arith.constant 82 : i32
        %get3A_4385 = arith.index_cast %get3A_4384 : i32 to index
        %get3A_4386 = arith.constant 0 : index
        %get3A_4387 = tpu.vector_load %arg9[%get3A_4385, %get3A_4386] {strides = array<i32>} : memref<100x16xi32, #tpu.memory_space<vmem>>, vector<16xi32>,
        %bitcast3A_4388 = vector.bitcast %get3A_4387 : vector<16xi32> to vector<32xbf16>
        %get3A_4389 = arith.constant 83 : i32
        %get3A_4390 = arith.index_cast %get3A_4389 : i32 to index
        %get3A_4391 = arith.constant 0 : index
        %get3A_4392 = tpu.vector_load %arg9[%get3A_4390, %get3A_4391] {strides = array<i32>} : memref<100x16xi32, #tpu.memory_space<vmem>>, vector<16xi32>,
        %bitcast3A_4393 = vector.bitcast %get3A_4392 : vector<16xi32> to vector<32xbf16>
        %get3A_4394 = arith.constant 84 : i32
        %get3A_4395 = arith.index_cast %get3A_4394 : i32 to index
        %get3A_4396 = arith.constant 0 : index
        %get3A_4397 = tpu.vector_load %arg9[%get3A_4395, %get3A_4396] {strides = array<i32>} : memref<100x16xi32, #tpu.memory_space<vmem>>, vector<16xi32>,
        %bitcast3A_4398 = vector.bitcast %get3A_4397 : vector<16xi32> to vector<32xbf16>
        %get3A_4399 = arith.constant 85 : i32
        %get3A_4400 = arith.index_cast %get3A_4399 : i32 to index
        %get3A_4401 = arith.constant 0 : index
        %get3A_4402 = tpu.vector_load %arg9[%get3A_4400, %get3A_4401] {strides = array<i32>} : memref<100x16xi32, #tpu.memory_space<vmem>>, vector<16xi32>,
        %bitcast3A_4403 = vector.bitcast %get3A_4402 : vector<16xi32> to vector<32xbf16>
        %get3A_4404 = arith.constant 86 : i32
        %get3A_4405 = arith.index_cast %get3A_4404 : i32 to index
        %get3A_4406 = arith.constant 0 : index
        %get3A_4407 = tpu.vector_load %arg9[%get3A_4405, %get3A_4406] {strides = array<i32>} : memref<100x16xi32, #tpu.memory_space<vmem>>, vector<16xi32>,
        %bitcast3A_4408 = vector.bitcast %get3A_4407 : vector<16xi32> to vector<32xbf16>
        %get3A_4409 = arith.constant 87 : i32
        %get3A_4410 = arith.index_cast %get3A_4409 : i32 to index
        %get3A_4411 = arith.constant 0 : index
        %get3A_4412 = tpu.vector_load %arg9[%get3A_4410, %get3A_4411] {strides = array<i32>} : memref<100x16xi32, #tpu.memory_space<vmem>>, vector<16xi32>,
        %bitcast3A_4413 = vector.bitcast %get3A_4412 : vector<16xi32> to vector<32xbf16>
        %get3A_4414 = arith.constant 88 : i32
        %get3A_4415 = arith.index_cast %get3A_4414 : i32 to index
        %get3A_4416 = arith.constant 0 : index
        %get3A_4417 = tpu.vector_load %arg9[%get3A_4415, %get3A_4416] {strides = array<i32>} : memref<100x16xi32, #tpu.memory_space<vmem>>, vector<16xi32>,
        %bitcast3A_4418 = vector.bitcast %get3A_4417 : vector<16xi32> to vector<32xbf16>
        %get3A_4419 = arith.constant 89 : i32
        %get3A_4420 = arith.index_cast %get3A_4419 : i32 to index
        %get3A_4421 = arith.constant 0 : index
        %get3A_4422 = tpu.vector_load %arg9[%get3A_4420, %get3A_4421] {strides = array<i32>} : memref<100x16xi32, #tpu.memory_space<vmem>>, vector<16xi32>,
        %bitcast3A_4423 = vector.bitcast %get3A_4422 : vector<16xi32> to vector<32xbf16>
        %get3A_4424 = arith.constant 90 : i32
        %get3A_4425 = arith.index_cast %get3A_4424 : i32 to index
        %get3A_4426 = arith.constant 0 : index
        %get3A_4427 = tpu.vector_load %arg9[%get3A_4425, %get3A_4426] {strides = array<i32>} : memref<100x16xi32, #tpu.memory_space<vmem>>, vector<16xi32>,
        %bitcast3A_4428 = vector.bitcast %get3A_4427 : vector<16xi32> to vector<32xbf16>
        %get3A_4429 = arith.constant 91 : i32
        %get3A_4430 = arith.index_cast %get3A_4429 : i32 to index
        %get3A_4431 = arith.constant 0 : index
        %get3A_4432 = tpu.vector_load %arg9[%get3A_4430, %get3A_4431] {strides = array<i32>} : memref<100x16xi32, #tpu.memory_space<vmem>>, vector<16xi32>,
        %bitcast3A_4433 = vector.bitcast %get3A_4432 : vector<16xi32> to vector<32xbf16>
        %get3A_4434 = arith.constant 92 : i32
        %get3A_4435 = arith.index_cast %get3A_4434 : i32 to index
        %get3A_4436 = arith.constant 0 : index
        %get3A_4437 = tpu.vector_load %arg9[%get3A_4435, %get3A_4436] {strides = array<i32>} : memref<100x16xi32, #tpu.memory_space<vmem>>, vector<16xi32>,
        %bitcast3A_4438 = vector.bitcast %get3A_4437 : vector<16xi32> to vector<32xbf16>
        %get3A_4439 = arith.constant 93 : i32
        %get3A_4440 = arith.index_cast %get3A_4439 : i32 to index
        %get3A_4441 = arith.constant 0 : index
        %get3A_4442 = tpu.vector_load %arg9[%get3A_4440, %get3A_4441] {strides = array<i32>} : memref<100x16xi32, #tpu.memory_space<vmem>>, vector<16xi32>,
        %bitcast3A_4443 = vector.bitcast %get3A_4442 : vector<16xi32> to vector<32xbf16>
        %get3A_4444 = arith.constant 94 : i32
        %get3A_4445 = arith.index_cast %get3A_4444 : i32 to index
        %get3A_4446 = arith.constant 0 : index
        %get3A_4447 = tpu.vector_load %arg9[%get3A_4445, %get3A_4446] {strides = array<i32>} : memref<100x16xi32, #tpu.memory_space<vmem>>, vector<16xi32>,
        %bitcast3A_4448 = vector.bitcast %get3A_4447 : vector<16xi32> to vector<32xbf16>
        %get3A_4449 = arith.constant 95 : i32
        %get3A_4450 = arith.index_cast %get3A_4449 : i32 to index
        %get3A_4451 = arith.constant 0 : index
        %get3A_4452 = tpu.vector_load %arg9[%get3A_4450, %get3A_4451] {strides = array<i32>} : memref<100x16xi32, #tpu.memory_space<vmem>>, vector<16xi32>,
        %bitcast3A_4453 = vector.bitcast %get3A_4452 : vector<16xi32> to vector<32xbf16>
        %get3A_4454 = arith.constant 96 : i32
        %get3A_4455 = arith.index_cast %get3A_4454 : i32 to index
        %get3A_4456 = arith.constant 0 : index
        %get3A_4457 = tpu.vector_load %arg9[%get3A_4455, %get3A_4456] {strides = array<i32>} : memref<100x16xi32, #tpu.memory_space<vmem>>, vector<16xi32>,
        %bitcast3A_4458 = vector.bitcast %get3A_4457 : vector<16xi32> to vector<32xbf16>
        %get3A_4459 = arith.constant 97 : i32
        %get3A_4460 = arith.index_cast %get3A_4459 : i32 to index
        %get3A_4461 = arith.constant 0 : index
        %get3A_4462 = tpu.vector_load %arg9[%get3A_4460, %get3A_4461] {strides = array<i32>} : memref<100x16xi32, #tpu.memory_space<vmem>>, vector<16xi32>,
        %bitcast3A_4463 = vector.bitcast %get3A_4462 : vector<16xi32> to vector<32xbf16>
        %get3A_4464 = arith.constant 98 : i32
        %get3A_4465 = arith.index_cast %get3A_4464 : i32 to index
        %get3A_4466 = arith.constant 0 : index
        %get3A_4467 = tpu.vector_load %arg9[%get3A_4465, %get3A_4466] {strides = array<i32>} : memref<100x16xi32, #tpu.memory_space<vmem>>, vector<16xi32>,
        %bitcast3A_4468 = vector.bitcast %get3A_4467 : vector<16xi32> to vector<32xbf16>
        %get3A_4469 = arith.constant 99 : i32
        %get3A_4470 = arith.index_cast %get3A_4469 : i32 to index
        %get3A_4471 = arith.constant 0 : index
        %get3A_4472 = tpu.vector_load %arg9[%get3A_4470, %get3A_4471] {strides = array<i32>} : memref<100x16xi32, #tpu.memory_space<vmem>>, vector<16xi32>,
        %bitcast3A_4473 = vector.bitcast %get3A_4472 : vector<16xi32> to vector<32xbf16>
        %add3A_4474 = arith.addf %bitcast3A_4378, %bitcast3A_4383 : vector<32xbf16>
        %add3A_4475 = arith.addf %bitcast3A_4388, %bitcast3A_4393 : vector<32xbf16>
        %add3A_4476 = arith.addf %bitcast3A_4398, %bitcast3A_4403 : vector<32xbf16>
        %add3A_4477 = arith.addf %bitcast3A_4408, %bitcast3A_4413 : vector<32xbf16>
        %add3A_4478 = arith.addf %bitcast3A_4418, %bitcast3A_4423 : vector<32xbf16>
        %add3A_4479 = arith.addf %bitcast3A_4428, %bitcast3A_4433 : vector<32xbf16>
        %add3A_4480 = arith.addf %bitcast3A_4438, %bitcast3A_4443 : vector<32xbf16>
        %add3A_4481 = arith.addf %bitcast3A_4448, %bitcast3A_4453 : vector<32xbf16>
        %add3A_4482 = arith.addf %bitcast3A_4458, %bitcast3A_4463 : vector<32xbf16>
        %add3A_4483 = arith.addf %bitcast3A_4468, %bitcast3A_4473 : vector<32xbf16>
        %add3A_4484 = arith.addf %add3A_4474, %add3A_4475 : vector<32xbf16>
        %add3A_4485 = arith.addf %add3A_4476, %add3A_4477 : vector<32xbf16>
        %add3A_4486 = arith.addf %add3A_4478, %add3A_4479 : vector<32xbf16>
        %add3A_4487 = arith.addf %add3A_4480, %add3A_4481 : vector<32xbf16>
        %add3A_4488 = arith.addf %add3A_4482, %add3A_4483 : vector<32xbf16>
        %add3A_4489 = arith.addf %add3A_4484, %add3A_4485 : vector<32xbf16>
        %add3A_4490 = arith.addf %add3A_4486, %add3A_4487 : vector<32xbf16>
        %add3A_4491 = arith.addf %add3A_4489, %add3A_4490 : vector<32xbf16>
        %add3A_4492 = arith.addf %add3A_4491, %add3A_4488 : vector<32xbf16>
        %bitcast3A_4493 = vector.bitcast %add3A_4492 : vector<32xbf16> to vector<16xi32>
        %mul3A_4494 = arith.constant 5 : i32
        %mul3A_4495 = arith.muli %add3A_3861, %mul3A_4494 : i32
        %add3A_4496 = arith.constant 4 : i32
        %add3A_4497 = arith.addi %mul3A_4495, %add3A_4496 : i32
        %mul3A_4498 = arith.constant 16 : i32
        %mul3A_4499 = arith.muli %add3A_4497, %mul3A_4498 : i32
        %swap3A_4500 = arith.index_cast %mul3A_4499 : i32 to index
        %swap3A_4501 = tpu.vector_load %arg6[%swap3A_4500] {strides = array<i32>} : memref<12800xi32, #tpu.memory_space<vmem>>, vector<16xi32>,
        tpu.vector_store %arg6[%swap3A_4500], %bitcast3A_4493 {strides = array<i32>} : memref<12800xi32, #tpu.memory_space<vmem>>, vector<16xi32>,
        %add3A_4502 = arith.constant 2 : i32
        %add3A_4503 = arith.addi %mul3A_2531, %add3A_4502 : i32
        %add3A_4504 = arith.constant 4 : i32
        %add3A_4505 = arith.addi %add3A_4503, %add3A_4504 : i32
        %dma_start3A_4506 = arith.constant 0 : i32
        %dma_start3A_4507 = tpu.memref_slice %arg5[%add3A_4505, %dma_start3A_4506] : memref<160x100xi32, #tpu.memory_space<vmem>> -> memref<1x100xi32, #tpu.memory_space<vmem>>
        %dma_start3A_4508 = tpu.memref_squeeze %dma_start3A_4507 : memref<1x100xi32, #tpu.memory_space<vmem>> -> memref<100xi32, #tpu.memory_space<vmem>>
        %dma_start3A_4509 = arith.constant 0 : i32
        %dma_start3A_4510 = arith.constant 0 : i32
        %dma_start3A_4511 = tpu.memref_slice %arg11[%dma_start3A_4509, %dma_start3A_4510] : memref<1000x16xi32, #tpu.memory_space<vmem_shared>> -> memref<1000x16xi32, #tpu.memory_space<vmem_shared>>
        tpu.enqueue_indirect_dma source(%dma_start3A_4511 : memref<1000x16xi32, #tpu.memory_space<vmem_shared>>) target(%arg9 : memref<100x16xi32, #tpu.memory_space<vmem>>) offsets(%dma_start3A_4508 : memref<100xi32, #tpu.memory_space<vmem>>) semaphore(%arg14 : memref<!tpu.dma_semaphore, #tpu.memory_space<semaphore_mem>>)
        %add3A_4512 = arith.constant 3 : i32
        %add3A_4513 = arith.addi %mul3A_2531, %add3A_4512 : i32
        %dma_wait3A_4514 = arith.constant 0 : i32
        %dma_wait3A_4515 = tpu.memref_slice %arg5[%add3A_4513, %dma_wait3A_4514] : memref<160x100xi32, #tpu.memory_space<vmem>> -> memref<1x100xi32, #tpu.memory_space<vmem>>
        %dma_wait3A_4516 = tpu.memref_squeeze %dma_wait3A_4515 : memref<1x100xi32, #tpu.memory_space<vmem>> -> memref<100xi32, #tpu.memory_space<vmem>>
        %dma_wait3A_4517 = arith.constant 0 : i32
        %dma_wait3A_4518 = arith.constant 0 : i32
        %dma_wait3A_4519 = tpu.memref_slice %arg11[%dma_wait3A_4517, %dma_wait3A_4518] : memref<1000x16xi32, #tpu.memory_space<vmem_shared>> -> memref<1000x16xi32, #tpu.memory_space<vmem_shared>>
        tpu.wait_indirect_dma semaphore(%arg15 : memref<!tpu.dma_semaphore, #tpu.memory_space<semaphore_mem>>) src(%dma_wait3A_4519 : memref<1000x16xi32, #tpu.memory_space<vmem_shared>>) dst(%arg10 : memref<100x16xi32, #tpu.memory_space<vmem>>)
        %add3A_4520 = arith.constant 3 : i32
        %add3A_4521 = arith.addi %mul3A_2531, %add3A_4520 : i32
        %get3A_4522 = arith.constant 0 : i32
        %get3A_4523 = arith.index_cast %get3A_4522 : i32 to index
        %get3A_4524 = arith.constant 0 : index
        %get3A_4525 = tpu.vector_load %arg10[%get3A_4523, %get3A_4524] {strides = array<i32>} : memref<100x16xi32, #tpu.memory_space<vmem>>, vector<16xi32>,
        %bitcast3A_4526 = vector.bitcast %get3A_4525 : vector<16xi32> to vector<32xbf16>
        %get3A_4527 = arith.constant 1 : i32
        %get3A_4528 = arith.index_cast %get3A_4527 : i32 to index
        %get3A_4529 = arith.constant 0 : index
        %get3A_4530 = tpu.vector_load %arg10[%get3A_4528, %get3A_4529] {strides = array<i32>} : memref<100x16xi32, #tpu.memory_space<vmem>>, vector<16xi32>,
        %bitcast3A_4531 = vector.bitcast %get3A_4530 : vector<16xi32> to vector<32xbf16>
        %get3A_4532 = arith.constant 2 : i32
        %get3A_4533 = arith.index_cast %get3A_4532 : i32 to index
        %get3A_4534 = arith.constant 0 : index
        %get3A_4535 = tpu.vector_load %arg10[%get3A_4533, %get3A_4534] {strides = array<i32>} : memref<100x16xi32, #tpu.memory_space<vmem>>, vector<16xi32>,
        %bitcast3A_4536 = vector.bitcast %get3A_4535 : vector<16xi32> to vector<32xbf16>
        %get3A_4537 = arith.constant 3 : i32
        %get3A_4538 = arith.index_cast %get3A_4537 : i32 to index
        %get3A_4539 = arith.constant 0 : index
        %get3A_4540 = tpu.vector_load %arg10[%get3A_4538, %get3A_4539] {strides = array<i32>} : memref<100x16xi32, #tpu.memory_space<vmem>>, vector<16xi32>,
        %bitcast3A_4541 = vector.bitcast %get3A_4540 : vector<16xi32> to vector<32xbf16>
        %get3A_4542 = arith.constant 4 : i32
        %get3A_4543 = arith.index_cast %get3A_4542 : i32 to index
        %get3A_4544 = arith.constant 0 : index
        %get3A_4545 = tpu.vector_load %arg10[%get3A_4543, %get3A_4544] {strides = array<i32>} : memref<100x16xi32, #tpu.memory_space<vmem>>, vector<16xi32>,
        %bitcast3A_4546 = vector.bitcast %get3A_4545 : vector<16xi32> to vector<32xbf16>
        %get3A_4547 = arith.constant 5 : i32
        %get3A_4548 = arith.index_cast %get3A_4547 : i32 to index
        %get3A_4549 = arith.constant 0 : index
        %get3A_4550 = tpu.vector_load %arg10[%get3A_4548, %get3A_4549] {strides = array<i32>} : memref<100x16xi32, #tpu.memory_space<vmem>>, vector<16xi32>,
        %bitcast3A_4551 = vector.bitcast %get3A_4550 : vector<16xi32> to vector<32xbf16>
        %get3A_4552 = arith.constant 6 : i32
        %get3A_4553 = arith.index_cast %get3A_4552 : i32 to index
        %get3A_4554 = arith.constant 0 : index
        %get3A_4555 = tpu.vector_load %arg10[%get3A_4553, %get3A_4554] {strides = array<i32>} : memref<100x16xi32, #tpu.memory_space<vmem>>, vector<16xi32>,
        %bitcast3A_4556 = vector.bitcast %get3A_4555 : vector<16xi32> to vector<32xbf16>
        %get3A_4557 = arith.constant 7 : i32
        %get3A_4558 = arith.index_cast %get3A_4557 : i32 to index
        %get3A_4559 = arith.constant 0 : index
        %get3A_4560 = tpu.vector_load %arg10[%get3A_4558, %get3A_4559] {strides = array<i32>} : memref<100x16xi32, #tpu.memory_space<vmem>>, vector<16xi32>,
        %bitcast3A_4561 = vector.bitcast %get3A_4560 : vector<16xi32> to vector<32xbf16>
        %get3A_4562 = arith.constant 8 : i32
        %get3A_4563 = arith.index_cast %get3A_4562 : i32 to index
        %get3A_4564 = arith.constant 0 : index
        %get3A_4565 = tpu.vector_load %arg10[%get3A_4563, %get3A_4564] {strides = array<i32>} : memref<100x16xi32, #tpu.memory_space<vmem>>, vector<16xi32>,
        %bitcast3A_4566 = vector.bitcast %get3A_4565 : vector<16xi32> to vector<32xbf16>
        %get3A_4567 = arith.constant 9 : i32
        %get3A_4568 = arith.index_cast %get3A_4567 : i32 to index
        %get3A_4569 = arith.constant 0 : index
        %get3A_4570 = tpu.vector_load %arg10[%get3A_4568, %get3A_4569] {strides = array<i32>} : memref<100x16xi32, #tpu.memory_space<vmem>>, vector<16xi32>,
        %bitcast3A_4571 = vector.bitcast %get3A_4570 : vector<16xi32> to vector<32xbf16>
        %get3A_4572 = arith.constant 10 : i32
        %get3A_4573 = arith.index_cast %get3A_4572 : i32 to index
        %get3A_4574 = arith.constant 0 : index
        %get3A_4575 = tpu.vector_load %arg10[%get3A_4573, %get3A_4574] {strides = array<i32>} : memref<100x16xi32, #tpu.memory_space<vmem>>, vector<16xi32>,
        %bitcast3A_4576 = vector.bitcast %get3A_4575 : vector<16xi32> to vector<32xbf16>
        %get3A_4577 = arith.constant 11 : i32
        %get3A_4578 = arith.index_cast %get3A_4577 : i32 to index
        %get3A_4579 = arith.constant 0 : index
        %get3A_4580 = tpu.vector_load %arg10[%get3A_4578, %get3A_4579] {strides = array<i32>} : memref<100x16xi32, #tpu.memory_space<vmem>>, vector<16xi32>,
        %bitcast3A_4581 = vector.bitcast %get3A_4580 : vector<16xi32> to vector<32xbf16>
        %get3A_4582 = arith.constant 12 : i32
        %get3A_4583 = arith.index_cast %get3A_4582 : i32 to index
        %get3A_4584 = arith.constant 0 : index
        %get3A_4585 = tpu.vector_load %arg10[%get3A_4583, %get3A_4584] {strides = array<i32>} : memref<100x16xi32, #tpu.memory_space<vmem>>, vector<16xi32>,
        %bitcast3A_4586 = vector.bitcast %get3A_4585 : vector<16xi32> to vector<32xbf16>
        %get3A_4587 = arith.constant 13 : i32
        %get3A_4588 = arith.index_cast %get3A_4587 : i32 to index
        %get3A_4589 = arith.constant 0 : index
        %get3A_4590 = tpu.vector_load %arg10[%get3A_4588, %get3A_4589] {strides = array<i32>} : memref<100x16xi32, #tpu.memory_space<vmem>>, vector<16xi32>,
        %bitcast3A_4591 = vector.bitcast %get3A_4590 : vector<16xi32> to vector<32xbf16>
        %get3A_4592 = arith.constant 14 : i32
        %get3A_4593 = arith.index_cast %get3A_4592 : i32 to index
        %get3A_4594 = arith.constant 0 : index
        %get3A_4595 = tpu.vector_load %arg10[%get3A_4593, %get3A_4594] {strides = array<i32>} : memref<100x16xi32, #tpu.memory_space<vmem>>, vector<16xi32>,
        %bitcast3A_4596 = vector.bitcast %get3A_4595 : vector<16xi32> to vector<32xbf16>
        %get3A_4597 = arith.constant 15 : i32
        %get3A_4598 = arith.index_cast %get3A_4597 : i32 to index
        %get3A_4599 = arith.constant 0 : index
        %get3A_4600 = tpu.vector_load %arg10[%get3A_4598, %get3A_4599] {strides = array<i32>} : memref<100x16xi32, #tpu.memory_space<vmem>>, vector<16xi32>,
        %bitcast3A_4601 = vector.bitcast %get3A_4600 : vector<16xi32> to vector<32xbf16>
        %get3A_4602 = arith.constant 16 : i32
        %get3A_4603 = arith.index_cast %get3A_4602 : i32 to index
        %get3A_4604 = arith.constant 0 : index
        %get3A_4605 = tpu.vector_load %arg10[%get3A_4603, %get3A_4604] {strides = array<i32>} : memref<100x16xi32, #tpu.memory_space<vmem>>, vector<16xi32>,
        %bitcast3A_4606 = vector.bitcast %get3A_4605 : vector<16xi32> to vector<32xbf16>
        %get3A_4607 = arith.constant 17 : i32
        %get3A_4608 = arith.index_cast %get3A_4607 : i32 to index
        %get3A_4609 = arith.constant 0 : index
        %get3A_4610 = tpu.vector_load %arg10[%get3A_4608, %get3A_4609] {strides = array<i32>} : memref<100x16xi32, #tpu.memory_space<vmem>>, vector<16xi32>,
        %bitcast3A_4611 = vector.bitcast %get3A_4610 : vector<16xi32> to vector<32xbf16>
        %get3A_4612 = arith.constant 18 : i32
        %get3A_4613 = arith.index_cast %get3A_4612 : i32 to index
        %get3A_4614 = arith.constant 0 : index
        %get3A_4615 = tpu.vector_load %arg10[%get3A_4613, %get3A_4614] {strides = array<i32>} : memref<100x16xi32, #tpu.memory_space<vmem>>, vector<16xi32>,
        %bitcast3A_4616 = vector.bitcast %get3A_4615 : vector<16xi32> to vector<32xbf16>
        %get3A_4617 = arith.constant 19 : i32
        %get3A_4618 = arith.index_cast %get3A_4617 : i32 to index
        %get3A_4619 = arith.constant 0 : index
        %get3A_4620 = tpu.vector_load %arg10[%get3A_4618, %get3A_4619] {strides = array<i32>} : memref<100x16xi32, #tpu.memory_space<vmem>>, vector<16xi32>,
        %bitcast3A_4621 = vector.bitcast %get3A_4620 : vector<16xi32> to vector<32xbf16>
        %add3A_4622 = arith.addf %bitcast3A_4526, %bitcast3A_4531 : vector<32xbf16>
        %add3A_4623 = arith.addf %bitcast3A_4536, %bitcast3A_4541 : vector<32xbf16>
        %add3A_4624 = arith.addf %bitcast3A_4546, %bitcast3A_4551 : vector<32xbf16>
        %add3A_4625 = arith.addf %bitcast3A_4556, %bitcast3A_4561 : vector<32xbf16>
        %add3A_4626 = arith.addf %bitcast3A_4566, %bitcast3A_4571 : vector<32xbf16>
        %add3A_4627 = arith.addf %bitcast3A_4576, %bitcast3A_4581 : vector<32xbf16>
        %add3A_4628 = arith.addf %bitcast3A_4586, %bitcast3A_4591 : vector<32xbf16>
        %add3A_4629 = arith.addf %bitcast3A_4596, %bitcast3A_4601 : vector<32xbf16>
        %add3A_4630 = arith.addf %bitcast3A_4606, %bitcast3A_4611 : vector<32xbf16>
        %add3A_4631 = arith.addf %bitcast3A_4616, %bitcast3A_4621 : vector<32xbf16>
        %add3A_4632 = arith.addf %add3A_4622, %add3A_4623 : vector<32xbf16>
        %add3A_4633 = arith.addf %add3A_4624, %add3A_4625 : vector<32xbf16>
        %add3A_4634 = arith.addf %add3A_4626, %add3A_4627 : vector<32xbf16>
        %add3A_4635 = arith.addf %add3A_4628, %add3A_4629 : vector<32xbf16>
        %add3A_4636 = arith.addf %add3A_4630, %add3A_4631 : vector<32xbf16>
        %add3A_4637 = arith.addf %add3A_4632, %add3A_4633 : vector<32xbf16>
        %add3A_4638 = arith.addf %add3A_4634, %add3A_4635 : vector<32xbf16>
        %add3A_4639 = arith.addf %add3A_4637, %add3A_4638 : vector<32xbf16>
        %add3A_4640 = arith.addf %add3A_4639, %add3A_4636 : vector<32xbf16>
        %bitcast3A_4641 = vector.bitcast %add3A_4640 : vector<32xbf16> to vector<16xi32>
        %mul3A_4642 = arith.constant 5 : i32
        %mul3A_4643 = arith.muli %add3A_4521, %mul3A_4642 : i32
        %add3A_4644 = arith.constant 0 : i32
        %add3A_4645 = arith.addi %mul3A_4643, %add3A_4644 : i32
        %mul3A_4646 = arith.constant 16 : i32
        %mul3A_4647 = arith.muli %add3A_4645, %mul3A_4646 : i32
        %swap3A_4648 = arith.index_cast %mul3A_4647 : i32 to index
        %swap3A_4649 = tpu.vector_load %arg6[%swap3A_4648] {strides = array<i32>} : memref<12800xi32, #tpu.memory_space<vmem>>, vector<16xi32>,
        tpu.vector_store %arg6[%swap3A_4648], %bitcast3A_4641 {strides = array<i32>} : memref<12800xi32, #tpu.memory_space<vmem>>, vector<16xi32>,
        %get3A_4650 = arith.constant 20 : i32
        %get3A_4651 = arith.index_cast %get3A_4650 : i32 to index
        %get3A_4652 = arith.constant 0 : index
        %get3A_4653 = tpu.vector_load %arg10[%get3A_4651, %get3A_4652] {strides = array<i32>} : memref<100x16xi32, #tpu.memory_space<vmem>>, vector<16xi32>,
        %bitcast3A_4654 = vector.bitcast %get3A_4653 : vector<16xi32> to vector<32xbf16>
        %get3A_4655 = arith.constant 21 : i32
        %get3A_4656 = arith.index_cast %get3A_4655 : i32 to index
        %get3A_4657 = arith.constant 0 : index
        %get3A_4658 = tpu.vector_load %arg10[%get3A_4656, %get3A_4657] {strides = array<i32>} : memref<100x16xi32, #tpu.memory_space<vmem>>, vector<16xi32>,
        %bitcast3A_4659 = vector.bitcast %get3A_4658 : vector<16xi32> to vector<32xbf16>
        %get3A_4660 = arith.constant 22 : i32
        %get3A_4661 = arith.index_cast %get3A_4660 : i32 to index
        %get3A_4662 = arith.constant 0 : index
        %get3A_4663 = tpu.vector_load %arg10[%get3A_4661, %get3A_4662] {strides = array<i32>} : memref<100x16xi32, #tpu.memory_space<vmem>>, vector<16xi32>,
        %bitcast3A_4664 = vector.bitcast %get3A_4663 : vector<16xi32> to vector<32xbf16>
        %get3A_4665 = arith.constant 23 : i32
        %get3A_4666 = arith.index_cast %get3A_4665 : i32 to index
        %get3A_4667 = arith.constant 0 : index
        %get3A_4668 = tpu.vector_load %arg10[%get3A_4666, %get3A_4667] {strides = array<i32>} : memref<100x16xi32, #tpu.memory_space<vmem>>, vector<16xi32>,
        %bitcast3A_4669 = vector.bitcast %get3A_4668 : vector<16xi32> to vector<32xbf16>
        %get3A_4670 = arith.constant 24 : i32
        %get3A_4671 = arith.index_cast %get3A_4670 : i32 to index
        %get3A_4672 = arith.constant 0 : index
        %get3A_4673 = tpu.vector_load %arg10[%get3A_4671, %get3A_4672] {strides = array<i32>} : memref<100x16xi32, #tpu.memory_space<vmem>>, vector<16xi32>,
        %bitcast3A_4674 = vector.bitcast %get3A_4673 : vector<16xi32> to vector<32xbf16>
        %get3A_4675 = arith.constant 25 : i32
        %get3A_4676 = arith.index_cast %get3A_4675 : i32 to index
        %get3A_4677 = arith.constant 0 : index
        %get3A_4678 = tpu.vector_load %arg10[%get3A_4676, %get3A_4677] {strides = array<i32>} : memref<100x16xi32, #tpu.memory_space<vmem>>, vector<16xi32>,
        %bitcast3A_4679 = vector.bitcast %get3A_4678 : vector<16xi32> to vector<32xbf16>
        %get3A_4680 = arith.constant 26 : i32
        %get3A_4681 = arith.index_cast %get3A_4680 : i32 to index
        %get3A_4682 = arith.constant 0 : index
        %get3A_4683 = tpu.vector_load %arg10[%get3A_4681, %get3A_4682] {strides = array<i32>} : memref<100x16xi32, #tpu.memory_space<vmem>>, vector<16xi32>,
        %bitcast3A_4684 = vector.bitcast %get3A_4683 : vector<16xi32> to vector<32xbf16>
        %get3A_4685 = arith.constant 27 : i32
        %get3A_4686 = arith.index_cast %get3A_4685 : i32 to index
        %get3A_4687 = arith.constant 0 : index
        %get3A_4688 = tpu.vector_load %arg10[%get3A_4686, %get3A_4687] {strides = array<i32>} : memref<100x16xi32, #tpu.memory_space<vmem>>, vector<16xi32>,
        %bitcast3A_4689 = vector.bitcast %get3A_4688 : vector<16xi32> to vector<32xbf16>
        %get3A_4690 = arith.constant 28 : i32
        %get3A_4691 = arith.index_cast %get3A_4690 : i32 to index
        %get3A_4692 = arith.constant 0 : index
        %get3A_4693 = tpu.vector_load %arg10[%get3A_4691, %get3A_4692] {strides = array<i32>} : memref<100x16xi32, #tpu.memory_space<vmem>>, vector<16xi32>,
        %bitcast3A_4694 = vector.bitcast %get3A_4693 : vector<16xi32> to vector<32xbf16>
        %get3A_4695 = arith.constant 29 : i32
        %get3A_4696 = arith.index_cast %get3A_4695 : i32 to index
        %get3A_4697 = arith.constant 0 : index
        %get3A_4698 = tpu.vector_load %arg10[%get3A_4696, %get3A_4697] {strides = array<i32>} : memref<100x16xi32, #tpu.memory_space<vmem>>, vector<16xi32>,
        %bitcast3A_4699 = vector.bitcast %get3A_4698 : vector<16xi32> to vector<32xbf16>
        %get3A_4700 = arith.constant 30 : i32
        %get3A_4701 = arith.index_cast %get3A_4700 : i32 to index
        %get3A_4702 = arith.constant 0 : index
        %get3A_4703 = tpu.vector_load %arg10[%get3A_4701, %get3A_4702] {strides = array<i32>} : memref<100x16xi32, #tpu.memory_space<vmem>>, vector<16xi32>,
        %bitcast3A_4704 = vector.bitcast %get3A_4703 : vector<16xi32> to vector<32xbf16>
        %get3A_4705 = arith.constant 31 : i32
        %get3A_4706 = arith.index_cast %get3A_4705 : i32 to index
        %get3A_4707 = arith.constant 0 : index
        %get3A_4708 = tpu.vector_load %arg10[%get3A_4706, %get3A_4707] {strides = array<i32>} : memref<100x16xi32, #tpu.memory_space<vmem>>, vector<16xi32>,
        %bitcast3A_4709 = vector.bitcast %get3A_4708 : vector<16xi32> to vector<32xbf16>
        %get3A_4710 = arith.constant 32 : i32
        %get3A_4711 = arith.index_cast %get3A_4710 : i32 to index
        %get3A_4712 = arith.constant 0 : index
        %get3A_4713 = tpu.vector_load %arg10[%get3A_4711, %get3A_4712] {strides = array<i32>} : memref<100x16xi32, #tpu.memory_space<vmem>>, vector<16xi32>,
        %bitcast3A_4714 = vector.bitcast %get3A_4713 : vector<16xi32> to vector<32xbf16>
        %get3A_4715 = arith.constant 33 : i32
        %get3A_4716 = arith.index_cast %get3A_4715 : i32 to index
        %get3A_4717 = arith.constant 0 : index
        %get3A_4718 = tpu.vector_load %arg10[%get3A_4716, %get3A_4717] {strides = array<i32>} : memref<100x16xi32, #tpu.memory_space<vmem>>, vector<16xi32>,
        %bitcast3A_4719 = vector.bitcast %get3A_4718 : vector<16xi32> to vector<32xbf16>
        %get3A_4720 = arith.constant 34 : i32
        %get3A_4721 = arith.index_cast %get3A_4720 : i32 to index
        %get3A_4722 = arith.constant 0 : index
        %get3A_4723 = tpu.vector_load %arg10[%get3A_4721, %get3A_4722] {strides = array<i32>} : memref<100x16xi32, #tpu.memory_space<vmem>>, vector<16xi32>,
        %bitcast3A_4724 = vector.bitcast %get3A_4723 : vector<16xi32> to vector<32xbf16>
        %get3A_4725 = arith.constant 35 : i32
        %get3A_4726 = arith.index_cast %get3A_4725 : i32 to index
        %get3A_4727 = arith.constant 0 : index
        %get3A_4728 = tpu.vector_load %arg10[%get3A_4726, %get3A_4727] {strides = array<i32>} : memref<100x16xi32, #tpu.memory_space<vmem>>, vector<16xi32>,
        %bitcast3A_4729 = vector.bitcast %get3A_4728 : vector<16xi32> to vector<32xbf16>
        %get3A_4730 = arith.constant 36 : i32
        %get3A_4731 = arith.index_cast %get3A_4730 : i32 to index
        %get3A_4732 = arith.constant 0 : index
        %get3A_4733 = tpu.vector_load %arg10[%get3A_4731, %get3A_4732] {strides = array<i32>} : memref<100x16xi32, #tpu.memory_space<vmem>>, vector<16xi32>,
        %bitcast3A_4734 = vector.bitcast %get3A_4733 : vector<16xi32> to vector<32xbf16>
        %get3A_4735 = arith.constant 37 : i32
        %get3A_4736 = arith.index_cast %get3A_4735 : i32 to index
        %get3A_4737 = arith.constant 0 : index
        %get3A_4738 = tpu.vector_load %arg10[%get3A_4736, %get3A_4737] {strides = array<i32>} : memref<100x16xi32, #tpu.memory_space<vmem>>, vector<16xi32>,
        %bitcast3A_4739 = vector.bitcast %get3A_4738 : vector<16xi32> to vector<32xbf16>
        %get3A_4740 = arith.constant 38 : i32
        %get3A_4741 = arith.index_cast %get3A_4740 : i32 to index
        %get3A_4742 = arith.constant 0 : index
        %get3A_4743 = tpu.vector_load %arg10[%get3A_4741, %get3A_4742] {strides = array<i32>} : memref<100x16xi32, #tpu.memory_space<vmem>>, vector<16xi32>,
        %bitcast3A_4744 = vector.bitcast %get3A_4743 : vector<16xi32> to vector<32xbf16>
        %get3A_4745 = arith.constant 39 : i32
        %get3A_4746 = arith.index_cast %get3A_4745 : i32 to index
        %get3A_4747 = arith.constant 0 : index
        %get3A_4748 = tpu.vector_load %arg10[%get3A_4746, %get3A_4747] {strides = array<i32>} : memref<100x16xi32, #tpu.memory_space<vmem>>, vector<16xi32>,
        %bitcast3A_4749 = vector.bitcast %get3A_4748 : vector<16xi32> to vector<32xbf16>
        %add3A_4750 = arith.addf %bitcast3A_4654, %bitcast3A_4659 : vector<32xbf16>
        %add3A_4751 = arith.addf %bitcast3A_4664, %bitcast3A_4669 : vector<32xbf16>
        %add3A_4752 = arith.addf %bitcast3A_4674, %bitcast3A_4679 : vector<32xbf16>
        %add3A_4753 = arith.addf %bitcast3A_4684, %bitcast3A_4689 : vector<32xbf16>
        %add3A_4754 = arith.addf %bitcast3A_4694, %bitcast3A_4699 : vector<32xbf16>
        %add3A_4755 = arith.addf %bitcast3A_4704, %bitcast3A_4709 : vector<32xbf16>
        %add3A_4756 = arith.addf %bitcast3A_4714, %bitcast3A_4719 : vector<32xbf16>
        %add3A_4757 = arith.addf %bitcast3A_4724, %bitcast3A_4729 : vector<32xbf16>
        %add3A_4758 = arith.addf %bitcast3A_4734, %bitcast3A_4739 : vector<32xbf16>
        %add3A_4759 = arith.addf %bitcast3A_4744, %bitcast3A_4749 : vector<32xbf16>
        %add3A_4760 = arith.addf %add3A_4750, %add3A_4751 : vector<32xbf16>
        %add3A_4761 = arith.addf %add3A_4752, %add3A_4753 : vector<32xbf16>
        %add3A_4762 = arith.addf %add3A_4754, %add3A_4755 : vector<32xbf16>
        %add3A_4763 = arith.addf %add3A_4756, %add3A_4757 : vector<32xbf16>
        %add3A_4764 = arith.addf %add3A_4758, %add3A_4759 : vector<32xbf16>
        %add3A_4765 = arith.addf %add3A_4760, %add3A_4761 : vector<32xbf16>
        %add3A_4766 = arith.addf %add3A_4762, %add3A_4763 : vector<32xbf16>
        %add3A_4767 = arith.addf %add3A_4765, %add3A_4766 : vector<32xbf16>
        %add3A_4768 = arith.addf %add3A_4767, %add3A_4764 : vector<32xbf16>
        %bitcast3A_4769 = vector.bitcast %add3A_4768 : vector<32xbf16> to vector<16xi32>
        %mul3A_4770 = arith.constant 5 : i32
        %mul3A_4771 = arith.muli %add3A_4521, %mul3A_4770 : i32
        %add3A_4772 = arith.constant 1 : i32
        %add3A_4773 = arith.addi %mul3A_4771, %add3A_4772 : i32
        %mul3A_4774 = arith.constant 16 : i32
        %mul3A_4775 = arith.muli %add3A_4773, %mul3A_4774 : i32
        %swap3A_4776 = arith.index_cast %mul3A_4775 : i32 to index
        %swap3A_4777 = tpu.vector_load %arg6[%swap3A_4776] {strides = array<i32>} : memref<12800xi32, #tpu.memory_space<vmem>>, vector<16xi32>,
        tpu.vector_store %arg6[%swap3A_4776], %bitcast3A_4769 {strides = array<i32>} : memref<12800xi32, #tpu.memory_space<vmem>>, vector<16xi32>,
        %get3A_4778 = arith.constant 40 : i32
        %get3A_4779 = arith.index_cast %get3A_4778 : i32 to index
        %get3A_4780 = arith.constant 0 : index
        %get3A_4781 = tpu.vector_load %arg10[%get3A_4779, %get3A_4780] {strides = array<i32>} : memref<100x16xi32, #tpu.memory_space<vmem>>, vector<16xi32>,
        %bitcast3A_4782 = vector.bitcast %get3A_4781 : vector<16xi32> to vector<32xbf16>
        %get3A_4783 = arith.constant 41 : i32
        %get3A_4784 = arith.index_cast %get3A_4783 : i32 to index
        %get3A_4785 = arith.constant 0 : index
        %get3A_4786 = tpu.vector_load %arg10[%get3A_4784, %get3A_4785] {strides = array<i32>} : memref<100x16xi32, #tpu.memory_space<vmem>>, vector<16xi32>,
        %bitcast3A_4787 = vector.bitcast %get3A_4786 : vector<16xi32> to vector<32xbf16>
        %get3A_4788 = arith.constant 42 : i32
        %get3A_4789 = arith.index_cast %get3A_4788 : i32 to index
        %get3A_4790 = arith.constant 0 : index
        %get3A_4791 = tpu.vector_load %arg10[%get3A_4789, %get3A_4790] {strides = array<i32>} : memref<100x16xi32, #tpu.memory_space<vmem>>, vector<16xi32>,
        %bitcast3A_4792 = vector.bitcast %get3A_4791 : vector<16xi32> to vector<32xbf16>
        %get3A_4793 = arith.constant 43 : i32
        %get3A_4794 = arith.index_cast %get3A_4793 : i32 to index
        %get3A_4795 = arith.constant 0 : index
        %get3A_4796 = tpu.vector_load %arg10[%get3A_4794, %get3A_4795] {strides = array<i32>} : memref<100x16xi32, #tpu.memory_space<vmem>>, vector<16xi32>,
        %bitcast3A_4797 = vector.bitcast %get3A_4796 : vector<16xi32> to vector<32xbf16>
        %get3A_4798 = arith.constant 44 : i32
        %get3A_4799 = arith.index_cast %get3A_4798 : i32 to index
        %get3A_4800 = arith.constant 0 : index
        %get3A_4801 = tpu.vector_load %arg10[%get3A_4799, %get3A_4800] {strides = array<i32>} : memref<100x16xi32, #tpu.memory_space<vmem>>, vector<16xi32>,
        %bitcast3A_4802 = vector.bitcast %get3A_4801 : vector<16xi32> to vector<32xbf16>
        %get3A_4803 = arith.constant 45 : i32
        %get3A_4804 = arith.index_cast %get3A_4803 : i32 to index
        %get3A_4805 = arith.constant 0 : index
        %get3A_4806 = tpu.vector_load %arg10[%get3A_4804, %get3A_4805] {strides = array<i32>} : memref<100x16xi32, #tpu.memory_space<vmem>>, vector<16xi32>,
        %bitcast3A_4807 = vector.bitcast %get3A_4806 : vector<16xi32> to vector<32xbf16>
        %get3A_4808 = arith.constant 46 : i32
        %get3A_4809 = arith.index_cast %get3A_4808 : i32 to index
        %get3A_4810 = arith.constant 0 : index
        %get3A_4811 = tpu.vector_load %arg10[%get3A_4809, %get3A_4810] {strides = array<i32>} : memref<100x16xi32, #tpu.memory_space<vmem>>, vector<16xi32>,
        %bitcast3A_4812 = vector.bitcast %get3A_4811 : vector<16xi32> to vector<32xbf16>
        %get3A_4813 = arith.constant 47 : i32
        %get3A_4814 = arith.index_cast %get3A_4813 : i32 to index
        %get3A_4815 = arith.constant 0 : index
        %get3A_4816 = tpu.vector_load %arg10[%get3A_4814, %get3A_4815] {strides = array<i32>} : memref<100x16xi32, #tpu.memory_space<vmem>>, vector<16xi32>,
        %bitcast3A_4817 = vector.bitcast %get3A_4816 : vector<16xi32> to vector<32xbf16>
        %get3A_4818 = arith.constant 48 : i32
        %get3A_4819 = arith.index_cast %get3A_4818 : i32 to index
        %get3A_4820 = arith.constant 0 : index
        %get3A_4821 = tpu.vector_load %arg10[%get3A_4819, %get3A_4820] {strides = array<i32>} : memref<100x16xi32, #tpu.memory_space<vmem>>, vector<16xi32>,
        %bitcast3A_4822 = vector.bitcast %get3A_4821 : vector<16xi32> to vector<32xbf16>
        %get3A_4823 = arith.constant 49 : i32
        %get3A_4824 = arith.index_cast %get3A_4823 : i32 to index
        %get3A_4825 = arith.constant 0 : index
        %get3A_4826 = tpu.vector_load %arg10[%get3A_4824, %get3A_4825] {strides = array<i32>} : memref<100x16xi32, #tpu.memory_space<vmem>>, vector<16xi32>,
        %bitcast3A_4827 = vector.bitcast %get3A_4826 : vector<16xi32> to vector<32xbf16>
        %get3A_4828 = arith.constant 50 : i32
        %get3A_4829 = arith.index_cast %get3A_4828 : i32 to index
        %get3A_4830 = arith.constant 0 : index
        %get3A_4831 = tpu.vector_load %arg10[%get3A_4829, %get3A_4830] {strides = array<i32>} : memref<100x16xi32, #tpu.memory_space<vmem>>, vector<16xi32>,
        %bitcast3A_4832 = vector.bitcast %get3A_4831 : vector<16xi32> to vector<32xbf16>
        %get3A_4833 = arith.constant 51 : i32
        %get3A_4834 = arith.index_cast %get3A_4833 : i32 to index
        %get3A_4835 = arith.constant 0 : index
        %get3A_4836 = tpu.vector_load %arg10[%get3A_4834, %get3A_4835] {strides = array<i32>} : memref<100x16xi32, #tpu.memory_space<vmem>>, vector<16xi32>,
        %bitcast3A_4837 = vector.bitcast %get3A_4836 : vector<16xi32> to vector<32xbf16>
        %get3A_4838 = arith.constant 52 : i32
        %get3A_4839 = arith.index_cast %get3A_4838 : i32 to index
        %get3A_4840 = arith.constant 0 : index
        %get3A_4841 = tpu.vector_load %arg10[%get3A_4839, %get3A_4840] {strides = array<i32>} : memref<100x16xi32, #tpu.memory_space<vmem>>, vector<16xi32>,
        %bitcast3A_4842 = vector.bitcast %get3A_4841 : vector<16xi32> to vector<32xbf16>
        %get3A_4843 = arith.constant 53 : i32
        %get3A_4844 = arith.index_cast %get3A_4843 : i32 to index
        %get3A_4845 = arith.constant 0 : index
        %get3A_4846 = tpu.vector_load %arg10[%get3A_4844, %get3A_4845] {strides = array<i32>} : memref<100x16xi32, #tpu.memory_space<vmem>>, vector<16xi32>,
        %bitcast3A_4847 = vector.bitcast %get3A_4846 : vector<16xi32> to vector<32xbf16>
        %get3A_4848 = arith.constant 54 : i32
        %get3A_4849 = arith.index_cast %get3A_4848 : i32 to index
        %get3A_4850 = arith.constant 0 : index
        %get3A_4851 = tpu.vector_load %arg10[%get3A_4849, %get3A_4850] {strides = array<i32>} : memref<100x16xi32, #tpu.memory_space<vmem>>, vector<16xi32>,
        %bitcast3A_4852 = vector.bitcast %get3A_4851 : vector<16xi32> to vector<32xbf16>
        %get3A_4853 = arith.constant 55 : i32
        %get3A_4854 = arith.index_cast %get3A_4853 : i32 to index
        %get3A_4855 = arith.constant 0 : index
        %get3A_4856 = tpu.vector_load %arg10[%get3A_4854, %get3A_4855] {strides = array<i32>} : memref<100x16xi32, #tpu.memory_space<vmem>>, vector<16xi32>,
        %bitcast3A_4857 = vector.bitcast %get3A_4856 : vector<16xi32> to vector<32xbf16>
        %get3A_4858 = arith.constant 56 : i32
        %get3A_4859 = arith.index_cast %get3A_4858 : i32 to index
        %get3A_4860 = arith.constant 0 : index
        %get3A_4861 = tpu.vector_load %arg10[%get3A_4859, %get3A_4860] {strides = array<i32>} : memref<100x16xi32, #tpu.memory_space<vmem>>, vector<16xi32>,
        %bitcast3A_4862 = vector.bitcast %get3A_4861 : vector<16xi32> to vector<32xbf16>
        %get3A_4863 = arith.constant 57 : i32
        %get3A_4864 = arith.index_cast %get3A_4863 : i32 to index
        %get3A_4865 = arith.constant 0 : index
        %get3A_4866 = tpu.vector_load %arg10[%get3A_4864, %get3A_4865] {strides = array<i32>} : memref<100x16xi32, #tpu.memory_space<vmem>>, vector<16xi32>,
        %bitcast3A_4867 = vector.bitcast %get3A_4866 : vector<16xi32> to vector<32xbf16>
        %get3A_4868 = arith.constant 58 : i32
        %get3A_4869 = arith.index_cast %get3A_4868 : i32 to index
        %get3A_4870 = arith.constant 0 : index
        %get3A_4871 = tpu.vector_load %arg10[%get3A_4869, %get3A_4870] {strides = array<i32>} : memref<100x16xi32, #tpu.memory_space<vmem>>, vector<16xi32>,
        %bitcast3A_4872 = vector.bitcast %get3A_4871 : vector<16xi32> to vector<32xbf16>
        %get3A_4873 = arith.constant 59 : i32
        %get3A_4874 = arith.index_cast %get3A_4873 : i32 to index
        %get3A_4875 = arith.constant 0 : index
        %get3A_4876 = tpu.vector_load %arg10[%get3A_4874, %get3A_4875] {strides = array<i32>} : memref<100x16xi32, #tpu.memory_space<vmem>>, vector<16xi32>,
        %bitcast3A_4877 = vector.bitcast %get3A_4876 : vector<16xi32> to vector<32xbf16>
        %add3A_4878 = arith.addf %bitcast3A_4782, %bitcast3A_4787 : vector<32xbf16>
        %add3A_4879 = arith.addf %bitcast3A_4792, %bitcast3A_4797 : vector<32xbf16>
        %add3A_4880 = arith.addf %bitcast3A_4802, %bitcast3A_4807 : vector<32xbf16>
        %add3A_4881 = arith.addf %bitcast3A_4812, %bitcast3A_4817 : vector<32xbf16>
        %add3A_4882 = arith.addf %bitcast3A_4822, %bitcast3A_4827 : vector<32xbf16>
        %add3A_4883 = arith.addf %bitcast3A_4832, %bitcast3A_4837 : vector<32xbf16>
        %add3A_4884 = arith.addf %bitcast3A_4842, %bitcast3A_4847 : vector<32xbf16>
        %add3A_4885 = arith.addf %bitcast3A_4852, %bitcast3A_4857 : vector<32xbf16>
        %add3A_4886 = arith.addf %bitcast3A_4862, %bitcast3A_4867 : vector<32xbf16>
        %add3A_4887 = arith.addf %bitcast3A_4872, %bitcast3A_4877 : vector<32xbf16>
        %add3A_4888 = arith.addf %add3A_4878, %add3A_4879 : vector<32xbf16>
        %add3A_4889 = arith.addf %add3A_4880, %add3A_4881 : vector<32xbf16>
        %add3A_4890 = arith.addf %add3A_4882, %add3A_4883 : vector<32xbf16>
        %add3A_4891 = arith.addf %add3A_4884, %add3A_4885 : vector<32xbf16>
        %add3A_4892 = arith.addf %add3A_4886, %add3A_4887 : vector<32xbf16>
        %add3A_4893 = arith.addf %add3A_4888, %add3A_4889 : vector<32xbf16>
        %add3A_4894 = arith.addf %add3A_4890, %add3A_4891 : vector<32xbf16>
        %add3A_4895 = arith.addf %add3A_4893, %add3A_4894 : vector<32xbf16>
        %add3A_4896 = arith.addf %add3A_4895, %add3A_4892 : vector<32xbf16>
        %bitcast3A_4897 = vector.bitcast %add3A_4896 : vector<32xbf16> to vector<16xi32>
        %mul3A_4898 = arith.constant 5 : i32
        %mul3A_4899 = arith.muli %add3A_4521, %mul3A_4898 : i32
        %add3A_4900 = arith.constant 2 : i32
        %add3A_4901 = arith.addi %mul3A_4899, %add3A_4900 : i32
        %mul3A_4902 = arith.constant 16 : i32
        %mul3A_4903 = arith.muli %add3A_4901, %mul3A_4902 : i32
        %swap3A_4904 = arith.index_cast %mul3A_4903 : i32 to index
        %swap3A_4905 = tpu.vector_load %arg6[%swap3A_4904] {strides = array<i32>} : memref<12800xi32, #tpu.memory_space<vmem>>, vector<16xi32>,
        tpu.vector_store %arg6[%swap3A_4904], %bitcast3A_4897 {strides = array<i32>} : memref<12800xi32, #tpu.memory_space<vmem>>, vector<16xi32>,
        %get3A_4906 = arith.constant 60 : i32
        %get3A_4907 = arith.index_cast %get3A_4906 : i32 to index
        %get3A_4908 = arith.constant 0 : index
        %get3A_4909 = tpu.vector_load %arg10[%get3A_4907, %get3A_4908] {strides = array<i32>} : memref<100x16xi32, #tpu.memory_space<vmem>>, vector<16xi32>,
        %bitcast3A_4910 = vector.bitcast %get3A_4909 : vector<16xi32> to vector<32xbf16>
        %get3A_4911 = arith.constant 61 : i32
        %get3A_4912 = arith.index_cast %get3A_4911 : i32 to index
        %get3A_4913 = arith.constant 0 : index
        %get3A_4914 = tpu.vector_load %arg10[%get3A_4912, %get3A_4913] {strides = array<i32>} : memref<100x16xi32, #tpu.memory_space<vmem>>, vector<16xi32>,
        %bitcast3A_4915 = vector.bitcast %get3A_4914 : vector<16xi32> to vector<32xbf16>
        %get3A_4916 = arith.constant 62 : i32
        %get3A_4917 = arith.index_cast %get3A_4916 : i32 to index
        %get3A_4918 = arith.constant 0 : index
        %get3A_4919 = tpu.vector_load %arg10[%get3A_4917, %get3A_4918] {strides = array<i32>} : memref<100x16xi32, #tpu.memory_space<vmem>>, vector<16xi32>,
        %bitcast3A_4920 = vector.bitcast %get3A_4919 : vector<16xi32> to vector<32xbf16>
        %get3A_4921 = arith.constant 63 : i32
        %get3A_4922 = arith.index_cast %get3A_4921 : i32 to index
        %get3A_4923 = arith.constant 0 : index
        %get3A_4924 = tpu.vector_load %arg10[%get3A_4922, %get3A_4923] {strides = array<i32>} : memref<100x16xi32, #tpu.memory_space<vmem>>, vector<16xi32>,
        %bitcast3A_4925 = vector.bitcast %get3A_4924 : vector<16xi32> to vector<32xbf16>
        %get3A_4926 = arith.constant 64 : i32
        %get3A_4927 = arith.index_cast %get3A_4926 : i32 to index
        %get3A_4928 = arith.constant 0 : index
        %get3A_4929 = tpu.vector_load %arg10[%get3A_4927, %get3A_4928] {strides = array<i32>} : memref<100x16xi32, #tpu.memory_space<vmem>>, vector<16xi32>,
        %bitcast3A_4930 = vector.bitcast %get3A_4929 : vector<16xi32> to vector<32xbf16>
        %get3A_4931 = arith.constant 65 : i32
        %get3A_4932 = arith.index_cast %get3A_4931 : i32 to index
        %get3A_4933 = arith.constant 0 : index
        %get3A_4934 = tpu.vector_load %arg10[%get3A_4932, %get3A_4933] {strides = array<i32>} : memref<100x16xi32, #tpu.memory_space<vmem>>, vector<16xi32>,
        %bitcast3A_4935 = vector.bitcast %get3A_4934 : vector<16xi32> to vector<32xbf16>
        %get3A_4936 = arith.constant 66 : i32
        %get3A_4937 = arith.index_cast %get3A_4936 : i32 to index
        %get3A_4938 = arith.constant 0 : index
        %get3A_4939 = tpu.vector_load %arg10[%get3A_4937, %get3A_4938] {strides = array<i32>} : memref<100x16xi32, #tpu.memory_space<vmem>>, vector<16xi32>,
        %bitcast3A_4940 = vector.bitcast %get3A_4939 : vector<16xi32> to vector<32xbf16>
        %get3A_4941 = arith.constant 67 : i32
        %get3A_4942 = arith.index_cast %get3A_4941 : i32 to index
        %get3A_4943 = arith.constant 0 : index
        %get3A_4944 = tpu.vector_load %arg10[%get3A_4942, %get3A_4943] {strides = array<i32>} : memref<100x16xi32, #tpu.memory_space<vmem>>, vector<16xi32>,
        %bitcast3A_4945 = vector.bitcast %get3A_4944 : vector<16xi32> to vector<32xbf16>
        %get3A_4946 = arith.constant 68 : i32
        %get3A_4947 = arith.index_cast %get3A_4946 : i32 to index
        %get3A_4948 = arith.constant 0 : index
        %get3A_4949 = tpu.vector_load %arg10[%get3A_4947, %get3A_4948] {strides = array<i32>} : memref<100x16xi32, #tpu.memory_space<vmem>>, vector<16xi32>,
        %bitcast3A_4950 = vector.bitcast %get3A_4949 : vector<16xi32> to vector<32xbf16>
        %get3A_4951 = arith.constant 69 : i32
        %get3A_4952 = arith.index_cast %get3A_4951 : i32 to index
        %get3A_4953 = arith.constant 0 : index
        %get3A_4954 = tpu.vector_load %arg10[%get3A_4952, %get3A_4953] {strides = array<i32>} : memref<100x16xi32, #tpu.memory_space<vmem>>, vector<16xi32>,
        %bitcast3A_4955 = vector.bitcast %get3A_4954 : vector<16xi32> to vector<32xbf16>
        %get3A_4956 = arith.constant 70 : i32
        %get3A_4957 = arith.index_cast %get3A_4956 : i32 to index
        %get3A_4958 = arith.constant 0 : index
        %get3A_4959 = tpu.vector_load %arg10[%get3A_4957, %get3A_4958] {strides = array<i32>} : memref<100x16xi32, #tpu.memory_space<vmem>>, vector<16xi32>,
        %bitcast3A_4960 = vector.bitcast %get3A_4959 : vector<16xi32> to vector<32xbf16>
        %get3A_4961 = arith.constant 71 : i32
        %get3A_4962 = arith.index_cast %get3A_4961 : i32 to index
        %get3A_4963 = arith.constant 0 : index
        %get3A_4964 = tpu.vector_load %arg10[%get3A_4962, %get3A_4963] {strides = array<i32>} : memref<100x16xi32, #tpu.memory_space<vmem>>, vector<16xi32>,
        %bitcast3A_4965 = vector.bitcast %get3A_4964 : vector<16xi32> to vector<32xbf16>
        %get3A_4966 = arith.constant 72 : i32
        %get3A_4967 = arith.index_cast %get3A_4966 : i32 to index
        %get3A_4968 = arith.constant 0 : index
        %get3A_4969 = tpu.vector_load %arg10[%get3A_4967, %get3A_4968] {strides = array<i32>} : memref<100x16xi32, #tpu.memory_space<vmem>>, vector<16xi32>,
        %bitcast3A_4970 = vector.bitcast %get3A_4969 : vector<16xi32> to vector<32xbf16>
        %get3A_4971 = arith.constant 73 : i32
        %get3A_4972 = arith.index_cast %get3A_4971 : i32 to index
        %get3A_4973 = arith.constant 0 : index
        %get3A_4974 = tpu.vector_load %arg10[%get3A_4972, %get3A_4973] {strides = array<i32>} : memref<100x16xi32, #tpu.memory_space<vmem>>, vector<16xi32>,
        %bitcast3A_4975 = vector.bitcast %get3A_4974 : vector<16xi32> to vector<32xbf16>
        %get3A_4976 = arith.constant 74 : i32
        %get3A_4977 = arith.index_cast %get3A_4976 : i32 to index
        %get3A_4978 = arith.constant 0 : index
        %get3A_4979 = tpu.vector_load %arg10[%get3A_4977, %get3A_4978] {strides = array<i32>} : memref<100x16xi32, #tpu.memory_space<vmem>>, vector<16xi32>,
        %bitcast3A_4980 = vector.bitcast %get3A_4979 : vector<16xi32> to vector<32xbf16>
        %get3A_4981 = arith.constant 75 : i32
        %get3A_4982 = arith.index_cast %get3A_4981 : i32 to index
        %get3A_4983 = arith.constant 0 : index
        %get3A_4984 = tpu.vector_load %arg10[%get3A_4982, %get3A_4983] {strides = array<i32>} : memref<100x16xi32, #tpu.memory_space<vmem>>, vector<16xi32>,
        %bitcast3A_4985 = vector.bitcast %get3A_4984 : vector<16xi32> to vector<32xbf16>
        %get3A_4986 = arith.constant 76 : i32
        %get3A_4987 = arith.index_cast %get3A_4986 : i32 to index
        %get3A_4988 = arith.constant 0 : index
        %get3A_4989 = tpu.vector_load %arg10[%get3A_4987, %get3A_4988] {strides = array<i32>} : memref<100x16xi32, #tpu.memory_space<vmem>>, vector<16xi32>,
        %bitcast3A_4990 = vector.bitcast %get3A_4989 : vector<16xi32> to vector<32xbf16>
        %get3A_4991 = arith.constant 77 : i32
        %get3A_4992 = arith.index_cast %get3A_4991 : i32 to index
        %get3A_4993 = arith.constant 0 : index
        %get3A_4994 = tpu.vector_load %arg10[%get3A_4992, %get3A_4993] {strides = array<i32>} : memref<100x16xi32, #tpu.memory_space<vmem>>, vector<16xi32>,
        %bitcast3A_4995 = vector.bitcast %get3A_4994 : vector<16xi32> to vector<32xbf16>
        %get3A_4996 = arith.constant 78 : i32
        %get3A_4997 = arith.index_cast %get3A_4996 : i32 to index
        %get3A_4998 = arith.constant 0 : index
        %get3A_4999 = tpu.vector_load %arg10[%get3A_4997, %get3A_4998] {strides = array<i32>} : memref<100x16xi32, #tpu.memory_space<vmem>>, vector<16xi32>,
        %bitcast3A_5000 = vector.bitcast %get3A_4999 : vector<16xi32> to vector<32xbf16>
        %get3A_5001 = arith.constant 79 : i32
        %get3A_5002 = arith.index_cast %get3A_5001 : i32 to index
        %get3A_5003 = arith.constant 0 : index
        %get3A_5004 = tpu.vector_load %arg10[%get3A_5002, %get3A_5003] {strides = array<i32>} : memref<100x16xi32, #tpu.memory_space<vmem>>, vector<16xi32>,
        %bitcast3A_5005 = vector.bitcast %get3A_5004 : vector<16xi32> to vector<32xbf16>
        %add3A_5006 = arith.addf %bitcast3A_4910, %bitcast3A_4915 : vector<32xbf16>
        %add3A_5007 = arith.addf %bitcast3A_4920, %bitcast3A_4925 : vector<32xbf16>
        %add3A_5008 = arith.addf %bitcast3A_4930, %bitcast3A_4935 : vector<32xbf16>
        %add3A_5009 = arith.addf %bitcast3A_4940, %bitcast3A_4945 : vector<32xbf16>
        %add3A_5010 = arith.addf %bitcast3A_4950, %bitcast3A_4955 : vector<32xbf16>
        %add3A_5011 = arith.addf %bitcast3A_4960, %bitcast3A_4965 : vector<32xbf16>
        %add3A_5012 = arith.addf %bitcast3A_4970, %bitcast3A_4975 : vector<32xbf16>
        %add3A_5013 = arith.addf %bitcast3A_4980, %bitcast3A_4985 : vector<32xbf16>
        %add3A_5014 = arith.addf %bitcast3A_4990, %bitcast3A_4995 : vector<32xbf16>
        %add3A_5015 = arith.addf %bitcast3A_5000, %bitcast3A_5005 : vector<32xbf16>
        %add3A_5016 = arith.addf %add3A_5006, %add3A_5007 : vector<32xbf16>
        %add3A_5017 = arith.addf %add3A_5008, %add3A_5009 : vector<32xbf16>
        %add3A_5018 = arith.addf %add3A_5010, %add3A_5011 : vector<32xbf16>
        %add3A_5019 = arith.addf %add3A_5012, %add3A_5013 : vector<32xbf16>
        %add3A_5020 = arith.addf %add3A_5014, %add3A_5015 : vector<32xbf16>
        %add3A_5021 = arith.addf %add3A_5016, %add3A_5017 : vector<32xbf16>
        %add3A_5022 = arith.addf %add3A_5018, %add3A_5019 : vector<32xbf16>
        %add3A_5023 = arith.addf %add3A_5021, %add3A_5022 : vector<32xbf16>
        %add3A_5024 = arith.addf %add3A_5023, %add3A_5020 : vector<32xbf16>
        %bitcast3A_5025 = vector.bitcast %add3A_5024 : vector<32xbf16> to vector<16xi32>
        %mul3A_5026 = arith.constant 5 : i32
        %mul3A_5027 = arith.muli %add3A_4521, %mul3A_5026 : i32
        %add3A_5028 = arith.constant 3 : i32
        %add3A_5029 = arith.addi %mul3A_5027, %add3A_5028 : i32
        %mul3A_5030 = arith.constant 16 : i32
        %mul3A_5031 = arith.muli %add3A_5029, %mul3A_5030 : i32
        %swap3A_5032 = arith.index_cast %mul3A_5031 : i32 to index
        %swap3A_5033 = tpu.vector_load %arg6[%swap3A_5032] {strides = array<i32>} : memref<12800xi32, #tpu.memory_space<vmem>>, vector<16xi32>,
        tpu.vector_store %arg6[%swap3A_5032], %bitcast3A_5025 {strides = array<i32>} : memref<12800xi32, #tpu.memory_space<vmem>>, vector<16xi32>,
        %get3A_5034 = arith.constant 80 : i32
        %get3A_5035 = arith.index_cast %get3A_5034 : i32 to index
        %get3A_5036 = arith.constant 0 : index
        %get3A_5037 = tpu.vector_load %arg10[%get3A_5035, %get3A_5036] {strides = array<i32>} : memref<100x16xi32, #tpu.memory_space<vmem>>, vector<16xi32>,
        %bitcast3A_5038 = vector.bitcast %get3A_5037 : vector<16xi32> to vector<32xbf16>
        %get3A_5039 = arith.constant 81 : i32
        %get3A_5040 = arith.index_cast %get3A_5039 : i32 to index
        %get3A_5041 = arith.constant 0 : index
        %get3A_5042 = tpu.vector_load %arg10[%get3A_5040, %get3A_5041] {strides = array<i32>} : memref<100x16xi32, #tpu.memory_space<vmem>>, vector<16xi32>,
        %bitcast3A_5043 = vector.bitcast %get3A_5042 : vector<16xi32> to vector<32xbf16>
        %get3A_5044 = arith.constant 82 : i32
        %get3A_5045 = arith.index_cast %get3A_5044 : i32 to index
        %get3A_5046 = arith.constant 0 : index
        %get3A_5047 = tpu.vector_load %arg10[%get3A_5045, %get3A_5046] {strides = array<i32>} : memref<100x16xi32, #tpu.memory_space<vmem>>, vector<16xi32>,
        %bitcast3A_5048 = vector.bitcast %get3A_5047 : vector<16xi32> to vector<32xbf16>
        %get3A_5049 = arith.constant 83 : i32
        %get3A_5050 = arith.index_cast %get3A_5049 : i32 to index
        %get3A_5051 = arith.constant 0 : index
        %get3A_5052 = tpu.vector_load %arg10[%get3A_5050, %get3A_5051] {strides = array<i32>} : memref<100x16xi32, #tpu.memory_space<vmem>>, vector<16xi32>,
        %bitcast3A_5053 = vector.bitcast %get3A_5052 : vector<16xi32> to vector<32xbf16>
        %get3A_5054 = arith.constant 84 : i32
        %get3A_5055 = arith.index_cast %get3A_5054 : i32 to index
        %get3A_5056 = arith.constant 0 : index
        %get3A_5057 = tpu.vector_load %arg10[%get3A_5055, %get3A_5056] {strides = array<i32>} : memref<100x16xi32, #tpu.memory_space<vmem>>, vector<16xi32>,
        %bitcast3A_5058 = vector.bitcast %get3A_5057 : vector<16xi32> to vector<32xbf16>
        %get3A_5059 = arith.constant 85 : i32
        %get3A_5060 = arith.index_cast %get3A_5059 : i32 to index
        %get3A_5061 = arith.constant 0 : index
        %get3A_5062 = tpu.vector_load %arg10[%get3A_5060, %get3A_5061] {strides = array<i32>} : memref<100x16xi32, #tpu.memory_space<vmem>>, vector<16xi32>,
        %bitcast3A_5063 = vector.bitcast %get3A_5062 : vector<16xi32> to vector<32xbf16>
        %get3A_5064 = arith.constant 86 : i32
        %get3A_5065 = arith.index_cast %get3A_5064 : i32 to index
        %get3A_5066 = arith.constant 0 : index
        %get3A_5067 = tpu.vector_load %arg10[%get3A_5065, %get3A_5066] {strides = array<i32>} : memref<100x16xi32, #tpu.memory_space<vmem>>, vector<16xi32>,
        %bitcast3A_5068 = vector.bitcast %get3A_5067 : vector<16xi32> to vector<32xbf16>
        %get3A_5069 = arith.constant 87 : i32
        %get3A_5070 = arith.index_cast %get3A_5069 : i32 to index
        %get3A_5071 = arith.constant 0 : index
        %get3A_5072 = tpu.vector_load %arg10[%get3A_5070, %get3A_5071] {strides = array<i32>} : memref<100x16xi32, #tpu.memory_space<vmem>>, vector<16xi32>,
        %bitcast3A_5073 = vector.bitcast %get3A_5072 : vector<16xi32> to vector<32xbf16>
        %get3A_5074 = arith.constant 88 : i32
        %get3A_5075 = arith.index_cast %get3A_5074 : i32 to index
        %get3A_5076 = arith.constant 0 : index
        %get3A_5077 = tpu.vector_load %arg10[%get3A_5075, %get3A_5076] {strides = array<i32>} : memref<100x16xi32, #tpu.memory_space<vmem>>, vector<16xi32>,
        %bitcast3A_5078 = vector.bitcast %get3A_5077 : vector<16xi32> to vector<32xbf16>
        %get3A_5079 = arith.constant 89 : i32
        %get3A_5080 = arith.index_cast %get3A_5079 : i32 to index
        %get3A_5081 = arith.constant 0 : index
        %get3A_5082 = tpu.vector_load %arg10[%get3A_5080, %get3A_5081] {strides = array<i32>} : memref<100x16xi32, #tpu.memory_space<vmem>>, vector<16xi32>,
        %bitcast3A_5083 = vector.bitcast %get3A_5082 : vector<16xi32> to vector<32xbf16>
        %get3A_5084 = arith.constant 90 : i32
        %get3A_5085 = arith.index_cast %get3A_5084 : i32 to index
        %get3A_5086 = arith.constant 0 : index
        %get3A_5087 = tpu.vector_load %arg10[%get3A_5085, %get3A_5086] {strides = array<i32>} : memref<100x16xi32, #tpu.memory_space<vmem>>, vector<16xi32>,
        %bitcast3A_5088 = vector.bitcast %get3A_5087 : vector<16xi32> to vector<32xbf16>
        %get3A_5089 = arith.constant 91 : i32
        %get3A_5090 = arith.index_cast %get3A_5089 : i32 to index
        %get3A_5091 = arith.constant 0 : index
        %get3A_5092 = tpu.vector_load %arg10[%get3A_5090, %get3A_5091] {strides = array<i32>} : memref<100x16xi32, #tpu.memory_space<vmem>>, vector<16xi32>,
        %bitcast3A_5093 = vector.bitcast %get3A_5092 : vector<16xi32> to vector<32xbf16>
        %get3A_5094 = arith.constant 92 : i32
        %get3A_5095 = arith.index_cast %get3A_5094 : i32 to index
        %get3A_5096 = arith.constant 0 : index
        %get3A_5097 = tpu.vector_load %arg10[%get3A_5095, %get3A_5096] {strides = array<i32>} : memref<100x16xi32, #tpu.memory_space<vmem>>, vector<16xi32>,
        %bitcast3A_5098 = vector.bitcast %get3A_5097 : vector<16xi32> to vector<32xbf16>
        %get3A_5099 = arith.constant 93 : i32
        %get3A_5100 = arith.index_cast %get3A_5099 : i32 to index
        %get3A_5101 = arith.constant 0 : index
        %get3A_5102 = tpu.vector_load %arg10[%get3A_5100, %get3A_5101] {strides = array<i32>} : memref<100x16xi32, #tpu.memory_space<vmem>>, vector<16xi32>,
        %bitcast3A_5103 = vector.bitcast %get3A_5102 : vector<16xi32> to vector<32xbf16>
        %get3A_5104 = arith.constant 94 : i32
        %get3A_5105 = arith.index_cast %get3A_5104 : i32 to index
        %get3A_5106 = arith.constant 0 : index
        %get3A_5107 = tpu.vector_load %arg10[%get3A_5105, %get3A_5106] {strides = array<i32>} : memref<100x16xi32, #tpu.memory_space<vmem>>, vector<16xi32>,
        %bitcast3A_5108 = vector.bitcast %get3A_5107 : vector<16xi32> to vector<32xbf16>
        %get3A_5109 = arith.constant 95 : i32
        %get3A_5110 = arith.index_cast %get3A_5109 : i32 to index
        %get3A_5111 = arith.constant 0 : index
        %get3A_5112 = tpu.vector_load %arg10[%get3A_5110, %get3A_5111] {strides = array<i32>} : memref<100x16xi32, #tpu.memory_space<vmem>>, vector<16xi32>,
        %bitcast3A_5113 = vector.bitcast %get3A_5112 : vector<16xi32> to vector<32xbf16>
        %get3A_5114 = arith.constant 96 : i32
        %get3A_5115 = arith.index_cast %get3A_5114 : i32 to index
        %get3A_5116 = arith.constant 0 : index
        %get3A_5117 = tpu.vector_load %arg10[%get3A_5115, %get3A_5116] {strides = array<i32>} : memref<100x16xi32, #tpu.memory_space<vmem>>, vector<16xi32>,
        %bitcast3A_5118 = vector.bitcast %get3A_5117 : vector<16xi32> to vector<32xbf16>
        %get3A_5119 = arith.constant 97 : i32
        %get3A_5120 = arith.index_cast %get3A_5119 : i32 to index
        %get3A_5121 = arith.constant 0 : index
        %get3A_5122 = tpu.vector_load %arg10[%get3A_5120, %get3A_5121] {strides = array<i32>} : memref<100x16xi32, #tpu.memory_space<vmem>>, vector<16xi32>,
        %bitcast3A_5123 = vector.bitcast %get3A_5122 : vector<16xi32> to vector<32xbf16>
        %get3A_5124 = arith.constant 98 : i32
        %get3A_5125 = arith.index_cast %get3A_5124 : i32 to index
        %get3A_5126 = arith.constant 0 : index
        %get3A_5127 = tpu.vector_load %arg10[%get3A_5125, %get3A_5126] {strides = array<i32>} : memref<100x16xi32, #tpu.memory_space<vmem>>, vector<16xi32>,
        %bitcast3A_5128 = vector.bitcast %get3A_5127 : vector<16xi32> to vector<32xbf16>
        %get3A_5129 = arith.constant 99 : i32
        %get3A_5130 = arith.index_cast %get3A_5129 : i32 to index
        %get3A_5131 = arith.constant 0 : index
        %get3A_5132 = tpu.vector_load %arg10[%get3A_5130, %get3A_5131] {strides = array<i32>} : memref<100x16xi32, #tpu.memory_space<vmem>>, vector<16xi32>,
        %bitcast3A_5133 = vector.bitcast %get3A_5132 : vector<16xi32> to vector<32xbf16>
        %add3A_5134 = arith.addf %bitcast3A_5038, %bitcast3A_5043 : vector<32xbf16>
        %add3A_5135 = arith.addf %bitcast3A_5048, %bitcast3A_5053 : vector<32xbf16>
        %add3A_5136 = arith.addf %bitcast3A_5058, %bitcast3A_5063 : vector<32xbf16>
        %add3A_5137 = arith.addf %bitcast3A_5068, %bitcast3A_5073 : vector<32xbf16>
        %add3A_5138 = arith.addf %bitcast3A_5078, %bitcast3A_5083 : vector<32xbf16>
        %add3A_5139 = arith.addf %bitcast3A_5088, %bitcast3A_5093 : vector<32xbf16>
        %add3A_5140 = arith.addf %bitcast3A_5098, %bitcast3A_5103 : vector<32xbf16>
        %add3A_5141 = arith.addf %bitcast3A_5108, %bitcast3A_5113 : vector<32xbf16>
        %add3A_5142 = arith.addf %bitcast3A_5118, %bitcast3A_5123 : vector<32xbf16>
        %add3A_5143 = arith.addf %bitcast3A_5128, %bitcast3A_5133 : vector<32xbf16>
        %add3A_5144 = arith.addf %add3A_5134, %add3A_5135 : vector<32xbf16>
        %add3A_5145 = arith.addf %add3A_5136, %add3A_5137 : vector<32xbf16>
        %add3A_5146 = arith.addf %add3A_5138, %add3A_5139 : vector<32xbf16>
        %add3A_5147 = arith.addf %add3A_5140, %add3A_5141 : vector<32xbf16>
        %add3A_5148 = arith.addf %add3A_5142, %add3A_5143 : vector<32xbf16>
        %add3A_5149 = arith.addf %add3A_5144, %add3A_5145 : vector<32xbf16>
        %add3A_5150 = arith.addf %add3A_5146, %add3A_5147 : vector<32xbf16>
        %add3A_5151 = arith.addf %add3A_5149, %add3A_5150 : vector<32xbf16>
        %add3A_5152 = arith.addf %add3A_5151, %add3A_5148 : vector<32xbf16>
        %bitcast3A_5153 = vector.bitcast %add3A_5152 : vector<32xbf16> to vector<16xi32>
        %mul3A_5154 = arith.constant 5 : i32
        %mul3A_5155 = arith.muli %add3A_4521, %mul3A_5154 : i32
        %add3A_5156 = arith.constant 4 : i32
        %add3A_5157 = arith.addi %mul3A_5155, %add3A_5156 : i32
        %mul3A_5158 = arith.constant 16 : i32
        %mul3A_5159 = arith.muli %add3A_5157, %mul3A_5158 : i32
        %swap3A_5160 = arith.index_cast %mul3A_5159 : i32 to index
        %swap3A_5161 = tpu.vector_load %arg6[%swap3A_5160] {strides = array<i32>} : memref<12800xi32, #tpu.memory_space<vmem>>, vector<16xi32>,
        tpu.vector_store %arg6[%swap3A_5160], %bitcast3A_5153 {strides = array<i32>} : memref<12800xi32, #tpu.memory_space<vmem>>, vector<16xi32>,
        %add3A_5162 = arith.constant 3 : i32
        %add3A_5163 = arith.addi %mul3A_2531, %add3A_5162 : i32
        %add3A_5164 = arith.constant 4 : i32
        %add3A_5165 = arith.addi %add3A_5163, %add3A_5164 : i32
        %dma_start3A_5166 = arith.constant 0 : i32
        %dma_start3A_5167 = tpu.memref_slice %arg5[%add3A_5165, %dma_start3A_5166] : memref<160x100xi32, #tpu.memory_space<vmem>> -> memref<1x100xi32, #tpu.memory_space<vmem>>
        %dma_start3A_5168 = tpu.memref_squeeze %dma_start3A_5167 : memref<1x100xi32, #tpu.memory_space<vmem>> -> memref<100xi32, #tpu.memory_space<vmem>>
        %dma_start3A_5169 = arith.constant 0 : i32
        %dma_start3A_5170 = arith.constant 0 : i32
        %dma_start3A_5171 = tpu.memref_slice %arg11[%dma_start3A_5169, %dma_start3A_5170] : memref<1000x16xi32, #tpu.memory_space<vmem_shared>> -> memref<1000x16xi32, #tpu.memory_space<vmem_shared>>
        tpu.enqueue_indirect_dma source(%dma_start3A_5171 : memref<1000x16xi32, #tpu.memory_space<vmem_shared>>) target(%arg10 : memref<100x16xi32, #tpu.memory_space<vmem>>) offsets(%dma_start3A_5168 : memref<100xi32, #tpu.memory_space<vmem>>) semaphore(%arg15 : memref<!tpu.dma_semaphore, #tpu.memory_space<semaphore_mem>>)
      }
      %scan3A_62 = arith.constant 39 : i32
      %dma_wait3A = arith.constant 156 : i32
      %dma_wait3A_63 = arith.constant 0 : i32
      %dma_wait3A_64 = tpu.memref_slice %arg5[%dma_wait3A, %dma_wait3A_63] : memref<160x100xi32, #tpu.memory_space<vmem>> -> memref<1x100xi32, #tpu.memory_space<vmem>>
      %dma_wait3A_65 = tpu.memref_squeeze %dma_wait3A_64 : memref<1x100xi32, #tpu.memory_space<vmem>> -> memref<100xi32, #tpu.memory_space<vmem>>
      %dma_wait3A_66 = arith.constant 0 : i32
      %dma_wait3A_67 = arith.constant 0 : i32
      %dma_wait3A_68 = tpu.memref_slice %arg11[%dma_wait3A_66, %dma_wait3A_67] : memref<1000x16xi32, #tpu.memory_space<vmem_shared>> -> memref<1000x16xi32, #tpu.memory_space<vmem_shared>>
      tpu.wait_indirect_dma semaphore(%arg12 : memref<!tpu.dma_semaphore, #tpu.memory_space<semaphore_mem>>) src(%dma_wait3A_68 : memref<1000x16xi32, #tpu.memory_space<vmem_shared>>) dst(%arg7 : memref<100x16xi32, #tpu.memory_space<vmem>>)
      %get3A = arith.constant 0 : i32
      %get3A_69 = arith.index_cast %get3A : i32 to index
      %get3A_70 = arith.constant 0 : index
      %get3A_71 = tpu.vector_load %arg7[%get3A_69, %get3A_70] {strides = array<i32>} : memref<100x16xi32, #tpu.memory_space<vmem>>, vector<16xi32>,
      %bitcast3A = vector.bitcast %get3A_71 : vector<16xi32> to vector<32xbf16>
      %get3A_72 = arith.constant 1 : i32
      %get3A_73 = arith.index_cast %get3A_72 : i32 to index
      %get3A_74 = arith.constant 0 : index
      %get3A_75 = tpu.vector_load %arg7[%get3A_73, %get3A_74] {strides = array<i32>} : memref<100x16xi32, #tpu.memory_space<vmem>>, vector<16xi32>,
      %bitcast3A_76 = vector.bitcast %get3A_75 : vector<16xi32> to vector<32xbf16>
      %get3A_77 = arith.constant 2 : i32
      %get3A_78 = arith.index_cast %get3A_77 : i32 to index
      %get3A_79 = arith.constant 0 : index
      %get3A_80 = tpu.vector_load %arg7[%get3A_78, %get3A_79] {strides = array<i32>} : memref<100x16xi32, #tpu.memory_space<vmem>>, vector<16xi32>,
      %bitcast3A_81 = vector.bitcast %get3A_80 : vector<16xi32> to vector<32xbf16>
      %get3A_82 = arith.constant 3 : i32
      %get3A_83 = arith.index_cast %get3A_82 : i32 to index
      %get3A_84 = arith.constant 0 : index
      %get3A_85 = tpu.vector_load %arg7[%get3A_83, %get3A_84] {strides = array<i32>} : memref<100x16xi32, #tpu.memory_space<vmem>>, vector<16xi32>,
      %bitcast3A_86 = vector.bitcast %get3A_85 : vector<16xi32> to vector<32xbf16>
      %get3A_87 = arith.constant 4 : i32
      %get3A_88 = arith.index_cast %get3A_87 : i32 to index
      %get3A_89 = arith.constant 0 : index
      %get3A_90 = tpu.vector_load %arg7[%get3A_88, %get3A_89] {strides = array<i32>} : memref<100x16xi32, #tpu.memory_space<vmem>>, vector<16xi32>,
      %bitcast3A_91 = vector.bitcast %get3A_90 : vector<16xi32> to vector<32xbf16>
      %get3A_92 = arith.constant 5 : i32
      %get3A_93 = arith.index_cast %get3A_92 : i32 to index
      %get3A_94 = arith.constant 0 : index
      %get3A_95 = tpu.vector_load %arg7[%get3A_93, %get3A_94] {strides = array<i32>} : memref<100x16xi32, #tpu.memory_space<vmem>>, vector<16xi32>,
      %bitcast3A_96 = vector.bitcast %get3A_95 : vector<16xi32> to vector<32xbf16>
      %get3A_97 = arith.constant 6 : i32
      %get3A_98 = arith.index_cast %get3A_97 : i32 to index
      %get3A_99 = arith.constant 0 : index
      %get3A_100 = tpu.vector_load %arg7[%get3A_98, %get3A_99] {strides = array<i32>} : memref<100x16xi32, #tpu.memory_space<vmem>>, vector<16xi32>,
      %bitcast3A_101 = vector.bitcast %get3A_100 : vector<16xi32> to vector<32xbf16>
      %get3A_102 = arith.constant 7 : i32
      %get3A_103 = arith.index_cast %get3A_102 : i32 to index
      %get3A_104 = arith.constant 0 : index
      %get3A_105 = tpu.vector_load %arg7[%get3A_103, %get3A_104] {strides = array<i32>} : memref<100x16xi32, #tpu.memory_space<vmem>>, vector<16xi32>,
      %bitcast3A_106 = vector.bitcast %get3A_105 : vector<16xi32> to vector<32xbf16>
      %get3A_107 = arith.constant 8 : i32
      %get3A_108 = arith.index_cast %get3A_107 : i32 to index
      %get3A_109 = arith.constant 0 : index
      %get3A_110 = tpu.vector_load %arg7[%get3A_108, %get3A_109] {strides = array<i32>} : memref<100x16xi32, #tpu.memory_space<vmem>>, vector<16xi32>,
      %bitcast3A_111 = vector.bitcast %get3A_110 : vector<16xi32> to vector<32xbf16>
      %get3A_112 = arith.constant 9 : i32
      %get3A_113 = arith.index_cast %get3A_112 : i32 to index
      %get3A_114 = arith.constant 0 : index
      %get3A_115 = tpu.vector_load %arg7[%get3A_113, %get3A_114] {strides = array<i32>} : memref<100x16xi32, #tpu.memory_space<vmem>>, vector<16xi32>,
      %bitcast3A_116 = vector.bitcast %get3A_115 : vector<16xi32> to vector<32xbf16>
      %get3A_117 = arith.constant 10 : i32
      %get3A_118 = arith.index_cast %get3A_117 : i32 to index
      %get3A_119 = arith.constant 0 : index
      %get3A_120 = tpu.vector_load %arg7[%get3A_118, %get3A_119] {strides = array<i32>} : memref<100x16xi32, #tpu.memory_space<vmem>>, vector<16xi32>,
      %bitcast3A_121 = vector.bitcast %get3A_120 : vector<16xi32> to vector<32xbf16>
      %get3A_122 = arith.constant 11 : i32
      %get3A_123 = arith.index_cast %get3A_122 : i32 to index
      %get3A_124 = arith.constant 0 : index
      %get3A_125 = tpu.vector_load %arg7[%get3A_123, %get3A_124] {strides = array<i32>} : memref<100x16xi32, #tpu.memory_space<vmem>>, vector<16xi32>,
      %bitcast3A_126 = vector.bitcast %get3A_125 : vector<16xi32> to vector<32xbf16>
      %get3A_127 = arith.constant 12 : i32
      %get3A_128 = arith.index_cast %get3A_127 : i32 to index
      %get3A_129 = arith.constant 0 : index
      %get3A_130 = tpu.vector_load %arg7[%get3A_128, %get3A_129] {strides = array<i32>} : memref<100x16xi32, #tpu.memory_space<vmem>>, vector<16xi32>,
      %bitcast3A_131 = vector.bitcast %get3A_130 : vector<16xi32> to vector<32xbf16>
      %get3A_132 = arith.constant 13 : i32
      %get3A_133 = arith.index_cast %get3A_132 : i32 to index
      %get3A_134 = arith.constant 0 : index
      %get3A_135 = tpu.vector_load %arg7[%get3A_133, %get3A_134] {strides = array<i32>} : memref<100x16xi32, #tpu.memory_space<vmem>>, vector<16xi32>,
      %bitcast3A_136 = vector.bitcast %get3A_135 : vector<16xi32> to vector<32xbf16>
      %get3A_137 = arith.constant 14 : i32
      %get3A_138 = arith.index_cast %get3A_137 : i32 to index
      %get3A_139 = arith.constant 0 : index
      %get3A_140 = tpu.vector_load %arg7[%get3A_138, %get3A_139] {strides = array<i32>} : memref<100x16xi32, #tpu.memory_space<vmem>>, vector<16xi32>,
      %bitcast3A_141 = vector.bitcast %get3A_140 : vector<16xi32> to vector<32xbf16>
      %get3A_142 = arith.constant 15 : i32
      %get3A_143 = arith.index_cast %get3A_142 : i32 to index
      %get3A_144 = arith.constant 0 : index
      %get3A_145 = tpu.vector_load %arg7[%get3A_143, %get3A_144] {strides = array<i32>} : memref<100x16xi32, #tpu.memory_space<vmem>>, vector<16xi32>,
      %bitcast3A_146 = vector.bitcast %get3A_145 : vector<16xi32> to vector<32xbf16>
      %get3A_147 = arith.constant 16 : i32
      %get3A_148 = arith.index_cast %get3A_147 : i32 to index
      %get3A_149 = arith.constant 0 : index
      %get3A_150 = tpu.vector_load %arg7[%get3A_148, %get3A_149] {strides = array<i32>} : memref<100x16xi32, #tpu.memory_space<vmem>>, vector<16xi32>,
      %bitcast3A_151 = vector.bitcast %get3A_150 : vector<16xi32> to vector<32xbf16>
      %get3A_152 = arith.constant 17 : i32
      %get3A_153 = arith.index_cast %get3A_152 : i32 to index
      %get3A_154 = arith.constant 0 : index
      %get3A_155 = tpu.vector_load %arg7[%get3A_153, %get3A_154] {strides = array<i32>} : memref<100x16xi32, #tpu.memory_space<vmem>>, vector<16xi32>,
      %bitcast3A_156 = vector.bitcast %get3A_155 : vector<16xi32> to vector<32xbf16>
      %get3A_157 = arith.constant 18 : i32
      %get3A_158 = arith.index_cast %get3A_157 : i32 to index
      %get3A_159 = arith.constant 0 : index
      %get3A_160 = tpu.vector_load %arg7[%get3A_158, %get3A_159] {strides = array<i32>} : memref<100x16xi32, #tpu.memory_space<vmem>>, vector<16xi32>,
      %bitcast3A_161 = vector.bitcast %get3A_160 : vector<16xi32> to vector<32xbf16>
      %get3A_162 = arith.constant 19 : i32
      %get3A_163 = arith.index_cast %get3A_162 : i32 to index
      %get3A_164 = arith.constant 0 : index
      %get3A_165 = tpu.vector_load %arg7[%get3A_163, %get3A_164] {strides = array<i32>} : memref<100x16xi32, #tpu.memory_space<vmem>>, vector<16xi32>,
      %bitcast3A_166 = vector.bitcast %get3A_165 : vector<16xi32> to vector<32xbf16>
      %add3A_167 = arith.addf %bitcast3A, %bitcast3A_76 : vector<32xbf16>
      %add3A_168 = arith.addf %bitcast3A_81, %bitcast3A_86 : vector<32xbf16>
      %add3A_169 = arith.addf %bitcast3A_91, %bitcast3A_96 : vector<32xbf16>
      %add3A_170 = arith.addf %bitcast3A_101, %bitcast3A_106 : vector<32xbf16>
      %add3A_171 = arith.addf %bitcast3A_111, %bitcast3A_116 : vector<32xbf16>
      %add3A_172 = arith.addf %bitcast3A_121, %bitcast3A_126 : vector<32xbf16>
      %add3A_173 = arith.addf %bitcast3A_131, %bitcast3A_136 : vector<32xbf16>
      %add3A_174 = arith.addf %bitcast3A_141, %bitcast3A_146 : vector<32xbf16>
      %add3A_175 = arith.addf %bitcast3A_151, %bitcast3A_156 : vector<32xbf16>
      %add3A_176 = arith.addf %bitcast3A_161, %bitcast3A_166 : vector<32xbf16>
      %add3A_177 = arith.addf %add3A_167, %add3A_168 : vector<32xbf16>
      %add3A_178 = arith.addf %add3A_169, %add3A_170 : vector<32xbf16>
      %add3A_179 = arith.addf %add3A_171, %add3A_172 : vector<32xbf16>
      %add3A_180 = arith.addf %add3A_173, %add3A_174 : vector<32xbf16>
      %add3A_181 = arith.addf %add3A_175, %add3A_176 : vector<32xbf16>
      %add3A_182 = arith.addf %add3A_177, %add3A_178 : vector<32xbf16>
      %add3A_183 = arith.addf %add3A_179, %add3A_180 : vector<32xbf16>
      %add3A_184 = arith.addf %add3A_182, %add3A_183 : vector<32xbf16>
      %add3A_185 = arith.addf %add3A_184, %add3A_181 : vector<32xbf16>
      %bitcast3A_186 = vector.bitcast %add3A_185 : vector<32xbf16> to vector<16xi32>
      %swap3A = arith.constant 12480 : index
      %swap3A_187 = tpu.vector_load %arg6[%swap3A] {strides = array<i32>} : memref<12800xi32, #tpu.memory_space<vmem>>, vector<16xi32>,
      tpu.vector_store %arg6[%swap3A], %bitcast3A_186 {strides = array<i32>} : memref<12800xi32, #tpu.memory_space<vmem>>, vector<16xi32>,
      %get3A_188 = arith.constant 20 : i32
      %get3A_189 = arith.index_cast %get3A_188 : i32 to index
      %get3A_190 = arith.constant 0 : index
      %get3A_191 = tpu.vector_load %arg7[%get3A_189, %get3A_190] {strides = array<i32>} : memref<100x16xi32, #tpu.memory_space<vmem>>, vector<16xi32>,
      %bitcast3A_192 = vector.bitcast %get3A_191 : vector<16xi32> to vector<32xbf16>
      %get3A_193 = arith.constant 21 : i32
      %get3A_194 = arith.index_cast %get3A_193 : i32 to index
      %get3A_195 = arith.constant 0 : index
      %get3A_196 = tpu.vector_load %arg7[%get3A_194, %get3A_195] {strides = array<i32>} : memref<100x16xi32, #tpu.memory_space<vmem>>, vector<16xi32>,
      %bitcast3A_197 = vector.bitcast %get3A_196 : vector<16xi32> to vector<32xbf16>
      %get3A_198 = arith.constant 22 : i32
      %get3A_199 = arith.index_cast %get3A_198 : i32 to index
      %get3A_200 = arith.constant 0 : index
      %get3A_201 = tpu.vector_load %arg7[%get3A_199, %get3A_200] {strides = array<i32>} : memref<100x16xi32, #tpu.memory_space<vmem>>, vector<16xi32>,
      %bitcast3A_202 = vector.bitcast %get3A_201 : vector<16xi32> to vector<32xbf16>
      %get3A_203 = arith.constant 23 : i32
      %get3A_204 = arith.index_cast %get3A_203 : i32 to index
      %get3A_205 = arith.constant 0 : index
      %get3A_206 = tpu.vector_load %arg7[%get3A_204, %get3A_205] {strides = array<i32>} : memref<100x16xi32, #tpu.memory_space<vmem>>, vector<16xi32>,
      %bitcast3A_207 = vector.bitcast %get3A_206 : vector<16xi32> to vector<32xbf16>
      %get3A_208 = arith.constant 24 : i32
      %get3A_209 = arith.index_cast %get3A_208 : i32 to index
      %get3A_210 = arith.constant 0 : index
      %get3A_211 = tpu.vector_load %arg7[%get3A_209, %get3A_210] {strides = array<i32>} : memref<100x16xi32, #tpu.memory_space<vmem>>, vector<16xi32>,
      %bitcast3A_212 = vector.bitcast %get3A_211 : vector<16xi32> to vector<32xbf16>
      %get3A_213 = arith.constant 25 : i32
      %get3A_214 = arith.index_cast %get3A_213 : i32 to index
      %get3A_215 = arith.constant 0 : index
      %get3A_216 = tpu.vector_load %arg7[%get3A_214, %get3A_215] {strides = array<i32>} : memref<100x16xi32, #tpu.memory_space<vmem>>, vector<16xi32>,
      %bitcast3A_217 = vector.bitcast %get3A_216 : vector<16xi32> to vector<32xbf16>
      %get3A_218 = arith.constant 26 : i32
      %get3A_219 = arith.index_cast %get3A_218 : i32 to index
      %get3A_220 = arith.constant 0 : index
      %get3A_221 = tpu.vector_load %arg7[%get3A_219, %get3A_220] {strides = array<i32>} : memref<100x16xi32, #tpu.memory_space<vmem>>, vector<16xi32>,
      %bitcast3A_222 = vector.bitcast %get3A_221 : vector<16xi32> to vector<32xbf16>
      %get3A_223 = arith.constant 27 : i32
      %get3A_224 = arith.index_cast %get3A_223 : i32 to index
      %get3A_225 = arith.constant 0 : index
      %get3A_226 = tpu.vector_load %arg7[%get3A_224, %get3A_225] {strides = array<i32>} : memref<100x16xi32, #tpu.memory_space<vmem>>, vector<16xi32>,
      %bitcast3A_227 = vector.bitcast %get3A_226 : vector<16xi32> to vector<32xbf16>
      %get3A_228 = arith.constant 28 : i32
      %get3A_229 = arith.index_cast %get3A_228 : i32 to index
      %get3A_230 = arith.constant 0 : index
      %get3A_231 = tpu.vector_load %arg7[%get3A_229, %get3A_230] {strides = array<i32>} : memref<100x16xi32, #tpu.memory_space<vmem>>, vector<16xi32>,
      %bitcast3A_232 = vector.bitcast %get3A_231 : vector<16xi32> to vector<32xbf16>
      %get3A_233 = arith.constant 29 : i32
      %get3A_234 = arith.index_cast %get3A_233 : i32 to index
      %get3A_235 = arith.constant 0 : index
      %get3A_236 = tpu.vector_load %arg7[%get3A_234, %get3A_235] {strides = array<i32>} : memref<100x16xi32, #tpu.memory_space<vmem>>, vector<16xi32>,
      %bitcast3A_237 = vector.bitcast %get3A_236 : vector<16xi32> to vector<32xbf16>
      %get3A_238 = arith.constant 30 : i32
      %get3A_239 = arith.index_cast %get3A_238 : i32 to index
      %get3A_240 = arith.constant 0 : index
      %get3A_241 = tpu.vector_load %arg7[%get3A_239, %get3A_240] {strides = array<i32>} : memref<100x16xi32, #tpu.memory_space<vmem>>, vector<16xi32>,
      %bitcast3A_242 = vector.bitcast %get3A_241 : vector<16xi32> to vector<32xbf16>
      %get3A_243 = arith.constant 31 : i32
      %get3A_244 = arith.index_cast %get3A_243 : i32 to index
      %get3A_245 = arith.constant 0 : index
      %get3A_246 = tpu.vector_load %arg7[%get3A_244, %get3A_245] {strides = array<i32>} : memref<100x16xi32, #tpu.memory_space<vmem>>, vector<16xi32>,
      %bitcast3A_247 = vector.bitcast %get3A_246 : vector<16xi32> to vector<32xbf16>
      %get3A_248 = arith.constant 32 : i32
      %get3A_249 = arith.index_cast %get3A_248 : i32 to index
      %get3A_250 = arith.constant 0 : index
      %get3A_251 = tpu.vector_load %arg7[%get3A_249, %get3A_250] {strides = array<i32>} : memref<100x16xi32, #tpu.memory_space<vmem>>, vector<16xi32>,
      %bitcast3A_252 = vector.bitcast %get3A_251 : vector<16xi32> to vector<32xbf16>
      %get3A_253 = arith.constant 33 : i32
      %get3A_254 = arith.index_cast %get3A_253 : i32 to index
      %get3A_255 = arith.constant 0 : index
      %get3A_256 = tpu.vector_load %arg7[%get3A_254, %get3A_255] {strides = array<i32>} : memref<100x16xi32, #tpu.memory_space<vmem>>, vector<16xi32>,
      %bitcast3A_257 = vector.bitcast %get3A_256 : vector<16xi32> to vector<32xbf16>
      %get3A_258 = arith.constant 34 : i32
      %get3A_259 = arith.index_cast %get3A_258 : i32 to index
      %get3A_260 = arith.constant 0 : index
      %get3A_261 = tpu.vector_load %arg7[%get3A_259, %get3A_260] {strides = array<i32>} : memref<100x16xi32, #tpu.memory_space<vmem>>, vector<16xi32>,
      %bitcast3A_262 = vector.bitcast %get3A_261 : vector<16xi32> to vector<32xbf16>
      %get3A_263 = arith.constant 35 : i32
      %get3A_264 = arith.index_cast %get3A_263 : i32 to index
      %get3A_265 = arith.constant 0 : index
      %get3A_266 = tpu.vector_load %arg7[%get3A_264, %get3A_265] {strides = array<i32>} : memref<100x16xi32, #tpu.memory_space<vmem>>, vector<16xi32>,
      %bitcast3A_267 = vector.bitcast %get3A_266 : vector<16xi32> to vector<32xbf16>
      %get3A_268 = arith.constant 36 : i32
      %get3A_269 = arith.index_cast %get3A_268 : i32 to index
      %get3A_270 = arith.constant 0 : index
      %get3A_271 = tpu.vector_load %arg7[%get3A_269, %get3A_270] {strides = array<i32>} : memref<100x16xi32, #tpu.memory_space<vmem>>, vector<16xi32>,
      %bitcast3A_272 = vector.bitcast %get3A_271 : vector<16xi32> to vector<32xbf16>
      %get3A_273 = arith.constant 37 : i32
      %get3A_274 = arith.index_cast %get3A_273 : i32 to index
      %get3A_275 = arith.constant 0 : index
      %get3A_276 = tpu.vector_load %arg7[%get3A_274, %get3A_275] {strides = array<i32>} : memref<100x16xi32, #tpu.memory_space<vmem>>, vector<16xi32>,
      %bitcast3A_277 = vector.bitcast %get3A_276 : vector<16xi32> to vector<32xbf16>
      %get3A_278 = arith.constant 38 : i32
      %get3A_279 = arith.index_cast %get3A_278 : i32 to index
      %get3A_280 = arith.constant 0 : index
      %get3A_281 = tpu.vector_load %arg7[%get3A_279, %get3A_280] {strides = array<i32>} : memref<100x16xi32, #tpu.memory_space<vmem>>, vector<16xi32>,
      %bitcast3A_282 = vector.bitcast %get3A_281 : vector<16xi32> to vector<32xbf16>
      %get3A_283 = arith.constant 39 : i32
      %get3A_284 = arith.index_cast %get3A_283 : i32 to index
      %get3A_285 = arith.constant 0 : index
      %get3A_286 = tpu.vector_load %arg7[%get3A_284, %get3A_285] {strides = array<i32>} : memref<100x16xi32, #tpu.memory_space<vmem>>, vector<16xi32>,
      %bitcast3A_287 = vector.bitcast %get3A_286 : vector<16xi32> to vector<32xbf16>
      %add3A_288 = arith.addf %bitcast3A_192, %bitcast3A_197 : vector<32xbf16>
      %add3A_289 = arith.addf %bitcast3A_202, %bitcast3A_207 : vector<32xbf16>
      %add3A_290 = arith.addf %bitcast3A_212, %bitcast3A_217 : vector<32xbf16>
      %add3A_291 = arith.addf %bitcast3A_222, %bitcast3A_227 : vector<32xbf16>
      %add3A_292 = arith.addf %bitcast3A_232, %bitcast3A_237 : vector<32xbf16>
      %add3A_293 = arith.addf %bitcast3A_242, %bitcast3A_247 : vector<32xbf16>
      %add3A_294 = arith.addf %bitcast3A_252, %bitcast3A_257 : vector<32xbf16>
      %add3A_295 = arith.addf %bitcast3A_262, %bitcast3A_267 : vector<32xbf16>
      %add3A_296 = arith.addf %bitcast3A_272, %bitcast3A_277 : vector<32xbf16>
      %add3A_297 = arith.addf %bitcast3A_282, %bitcast3A_287 : vector<32xbf16>
      %add3A_298 = arith.addf %add3A_288, %add3A_289 : vector<32xbf16>
      %add3A_299 = arith.addf %add3A_290, %add3A_291 : vector<32xbf16>
      %add3A_300 = arith.addf %add3A_292, %add3A_293 : vector<32xbf16>
      %add3A_301 = arith.addf %add3A_294, %add3A_295 : vector<32xbf16>
      %add3A_302 = arith.addf %add3A_296, %add3A_297 : vector<32xbf16>
      %add3A_303 = arith.addf %add3A_298, %add3A_299 : vector<32xbf16>
      %add3A_304 = arith.addf %add3A_300, %add3A_301 : vector<32xbf16>
      %add3A_305 = arith.addf %add3A_303, %add3A_304 : vector<32xbf16>
      %add3A_306 = arith.addf %add3A_305, %add3A_302 : vector<32xbf16>
      %bitcast3A_307 = vector.bitcast %add3A_306 : vector<32xbf16> to vector<16xi32>
      %swap3A_308 = arith.constant 12496 : index
      %swap3A_309 = tpu.vector_load %arg6[%swap3A_308] {strides = array<i32>} : memref<12800xi32, #tpu.memory_space<vmem>>, vector<16xi32>,
      tpu.vector_store %arg6[%swap3A_308], %bitcast3A_307 {strides = array<i32>} : memref<12800xi32, #tpu.memory_space<vmem>>, vector<16xi32>,
      %get3A_310 = arith.constant 40 : i32
      %get3A_311 = arith.index_cast %get3A_310 : i32 to index
      %get3A_312 = arith.constant 0 : index
      %get3A_313 = tpu.vector_load %arg7[%get3A_311, %get3A_312] {strides = array<i32>} : memref<100x16xi32, #tpu.memory_space<vmem>>, vector<16xi32>,
      %bitcast3A_314 = vector.bitcast %get3A_313 : vector<16xi32> to vector<32xbf16>
      %get3A_315 = arith.constant 41 : i32
      %get3A_316 = arith.index_cast %get3A_315 : i32 to index
      %get3A_317 = arith.constant 0 : index
      %get3A_318 = tpu.vector_load %arg7[%get3A_316, %get3A_317] {strides = array<i32>} : memref<100x16xi32, #tpu.memory_space<vmem>>, vector<16xi32>,
      %bitcast3A_319 = vector.bitcast %get3A_318 : vector<16xi32> to vector<32xbf16>
      %get3A_320 = arith.constant 42 : i32
      %get3A_321 = arith.index_cast %get3A_320 : i32 to index
      %get3A_322 = arith.constant 0 : index
      %get3A_323 = tpu.vector_load %arg7[%get3A_321, %get3A_322] {strides = array<i32>} : memref<100x16xi32, #tpu.memory_space<vmem>>, vector<16xi32>,
      %bitcast3A_324 = vector.bitcast %get3A_323 : vector<16xi32> to vector<32xbf16>
      %get3A_325 = arith.constant 43 : i32
      %get3A_326 = arith.index_cast %get3A_325 : i32 to index
      %get3A_327 = arith.constant 0 : index
      %get3A_328 = tpu.vector_load %arg7[%get3A_326, %get3A_327] {strides = array<i32>} : memref<100x16xi32, #tpu.memory_space<vmem>>, vector<16xi32>,
      %bitcast3A_329 = vector.bitcast %get3A_328 : vector<16xi32> to vector<32xbf16>
      %get3A_330 = arith.constant 44 : i32
      %get3A_331 = arith.index_cast %get3A_330 : i32 to index
      %get3A_332 = arith.constant 0 : index
      %get3A_333 = tpu.vector_load %arg7[%get3A_331, %get3A_332] {strides = array<i32>} : memref<100x16xi32, #tpu.memory_space<vmem>>, vector<16xi32>,
      %bitcast3A_334 = vector.bitcast %get3A_333 : vector<16xi32> to vector<32xbf16>
      %get3A_335 = arith.constant 45 : i32
      %get3A_336 = arith.index_cast %get3A_335 : i32 to index
      %get3A_337 = arith.constant 0 : index
      %get3A_338 = tpu.vector_load %arg7[%get3A_336, %get3A_337] {strides = array<i32>} : memref<100x16xi32, #tpu.memory_space<vmem>>, vector<16xi32>,
      %bitcast3A_339 = vector.bitcast %get3A_338 : vector<16xi32> to vector<32xbf16>
      %get3A_340 = arith.constant 46 : i32
      %get3A_341 = arith.index_cast %get3A_340 : i32 to index
      %get3A_342 = arith.constant 0 : index
      %get3A_343 = tpu.vector_load %arg7[%get3A_341, %get3A_342] {strides = array<i32>} : memref<100x16xi32, #tpu.memory_space<vmem>>, vector<16xi32>,
      %bitcast3A_344 = vector.bitcast %get3A_343 : vector<16xi32> to vector<32xbf16>
      %get3A_345 = arith.constant 47 : i32
      %get3A_346 = arith.index_cast %get3A_345 : i32 to index
      %get3A_347 = arith.constant 0 : index
      %get3A_348 = tpu.vector_load %arg7[%get3A_346, %get3A_347] {strides = array<i32>} : memref<100x16xi32, #tpu.memory_space<vmem>>, vector<16xi32>,
      %bitcast3A_349 = vector.bitcast %get3A_348 : vector<16xi32> to vector<32xbf16>
      %get3A_350 = arith.constant 48 : i32
      %get3A_351 = arith.index_cast %get3A_350 : i32 to index
      %get3A_352 = arith.constant 0 : index
      %get3A_353 = tpu.vector_load %arg7[%get3A_351, %get3A_352] {strides = array<i32>} : memref<100x16xi32, #tpu.memory_space<vmem>>, vector<16xi32>,
      %bitcast3A_354 = vector.bitcast %get3A_353 : vector<16xi32> to vector<32xbf16>
      %get3A_355 = arith.constant 49 : i32
      %get3A_356 = arith.index_cast %get3A_355 : i32 to index
      %get3A_357 = arith.constant 0 : index
      %get3A_358 = tpu.vector_load %arg7[%get3A_356, %get3A_357] {strides = array<i32>} : memref<100x16xi32, #tpu.memory_space<vmem>>, vector<16xi32>,
      %bitcast3A_359 = vector.bitcast %get3A_358 : vector<16xi32> to vector<32xbf16>
      %get3A_360 = arith.constant 50 : i32
      %get3A_361 = arith.index_cast %get3A_360 : i32 to index
      %get3A_362 = arith.constant 0 : index
      %get3A_363 = tpu.vector_load %arg7[%get3A_361, %get3A_362] {strides = array<i32>} : memref<100x16xi32, #tpu.memory_space<vmem>>, vector<16xi32>,
      %bitcast3A_364 = vector.bitcast %get3A_363 : vector<16xi32> to vector<32xbf16>
      %get3A_365 = arith.constant 51 : i32
      %get3A_366 = arith.index_cast %get3A_365 : i32 to index
      %get3A_367 = arith.constant 0 : index
      %get3A_368 = tpu.vector_load %arg7[%get3A_366, %get3A_367] {strides = array<i32>} : memref<100x16xi32, #tpu.memory_space<vmem>>, vector<16xi32>,
      %bitcast3A_369 = vector.bitcast %get3A_368 : vector<16xi32> to vector<32xbf16>
      %get3A_370 = arith.constant 52 : i32
      %get3A_371 = arith.index_cast %get3A_370 : i32 to index
      %get3A_372 = arith.constant 0 : index
      %get3A_373 = tpu.vector_load %arg7[%get3A_371, %get3A_372] {strides = array<i32>} : memref<100x16xi32, #tpu.memory_space<vmem>>, vector<16xi32>,
      %bitcast3A_374 = vector.bitcast %get3A_373 : vector<16xi32> to vector<32xbf16>
      %get3A_375 = arith.constant 53 : i32
      %get3A_376 = arith.index_cast %get3A_375 : i32 to index
      %get3A_377 = arith.constant 0 : index
      %get3A_378 = tpu.vector_load %arg7[%get3A_376, %get3A_377] {strides = array<i32>} : memref<100x16xi32, #tpu.memory_space<vmem>>, vector<16xi32>,
      %bitcast3A_379 = vector.bitcast %get3A_378 : vector<16xi32> to vector<32xbf16>
      %get3A_380 = arith.constant 54 : i32
      %get3A_381 = arith.index_cast %get3A_380 : i32 to index
      %get3A_382 = arith.constant 0 : index
      %get3A_383 = tpu.vector_load %arg7[%get3A_381, %get3A_382] {strides = array<i32>} : memref<100x16xi32, #tpu.memory_space<vmem>>, vector<16xi32>,
      %bitcast3A_384 = vector.bitcast %get3A_383 : vector<16xi32> to vector<32xbf16>
      %get3A_385 = arith.constant 55 : i32
      %get3A_386 = arith.index_cast %get3A_385 : i32 to index
      %get3A_387 = arith.constant 0 : index
      %get3A_388 = tpu.vector_load %arg7[%get3A_386, %get3A_387] {strides = array<i32>} : memref<100x16xi32, #tpu.memory_space<vmem>>, vector<16xi32>,
      %bitcast3A_389 = vector.bitcast %get3A_388 : vector<16xi32> to vector<32xbf16>
      %get3A_390 = arith.constant 56 : i32
      %get3A_391 = arith.index_cast %get3A_390 : i32 to index
      %get3A_392 = arith.constant 0 : index
      %get3A_393 = tpu.vector_load %arg7[%get3A_391, %get3A_392] {strides = array<i32>} : memref<100x16xi32, #tpu.memory_space<vmem>>, vector<16xi32>,
      %bitcast3A_394 = vector.bitcast %get3A_393 : vector<16xi32> to vector<32xbf16>
      %get3A_395 = arith.constant 57 : i32
      %get3A_396 = arith.index_cast %get3A_395 : i32 to index
      %get3A_397 = arith.constant 0 : index
      %get3A_398 = tpu.vector_load %arg7[%get3A_396, %get3A_397] {strides = array<i32>} : memref<100x16xi32, #tpu.memory_space<vmem>>, vector<16xi32>,
      %bitcast3A_399 = vector.bitcast %get3A_398 : vector<16xi32> to vector<32xbf16>
      %get3A_400 = arith.constant 58 : i32
      %get3A_401 = arith.index_cast %get3A_400 : i32 to index
      %get3A_402 = arith.constant 0 : index
      %get3A_403 = tpu.vector_load %arg7[%get3A_401, %get3A_402] {strides = array<i32>} : memref<100x16xi32, #tpu.memory_space<vmem>>, vector<16xi32>,
      %bitcast3A_404 = vector.bitcast %get3A_403 : vector<16xi32> to vector<32xbf16>
      %get3A_405 = arith.constant 59 : i32
      %get3A_406 = arith.index_cast %get3A_405 : i32 to index
      %get3A_407 = arith.constant 0 : index
      %get3A_408 = tpu.vector_load %arg7[%get3A_406, %get3A_407] {strides = array<i32>} : memref<100x16xi32, #tpu.memory_space<vmem>>, vector<16xi32>,
      %bitcast3A_409 = vector.bitcast %get3A_408 : vector<16xi32> to vector<32xbf16>
      %add3A_410 = arith.addf %bitcast3A_314, %bitcast3A_319 : vector<32xbf16>
      %add3A_411 = arith.addf %bitcast3A_324, %bitcast3A_329 : vector<32xbf16>
      %add3A_412 = arith.addf %bitcast3A_334, %bitcast3A_339 : vector<32xbf16>
      %add3A_413 = arith.addf %bitcast3A_344, %bitcast3A_349 : vector<32xbf16>
      %add3A_414 = arith.addf %bitcast3A_354, %bitcast3A_359 : vector<32xbf16>
      %add3A_415 = arith.addf %bitcast3A_364, %bitcast3A_369 : vector<32xbf16>
      %add3A_416 = arith.addf %bitcast3A_374, %bitcast3A_379 : vector<32xbf16>
      %add3A_417 = arith.addf %bitcast3A_384, %bitcast3A_389 : vector<32xbf16>
      %add3A_418 = arith.addf %bitcast3A_394, %bitcast3A_399 : vector<32xbf16>
      %add3A_419 = arith.addf %bitcast3A_404, %bitcast3A_409 : vector<32xbf16>
      %add3A_420 = arith.addf %add3A_410, %add3A_411 : vector<32xbf16>
      %add3A_421 = arith.addf %add3A_412, %add3A_413 : vector<32xbf16>
      %add3A_422 = arith.addf %add3A_414, %add3A_415 : vector<32xbf16>
      %add3A_423 = arith.addf %add3A_416, %add3A_417 : vector<32xbf16>
      %add3A_424 = arith.addf %add3A_418, %add3A_419 : vector<32xbf16>
      %add3A_425 = arith.addf %add3A_420, %add3A_421 : vector<32xbf16>
      %add3A_426 = arith.addf %add3A_422, %add3A_423 : vector<32xbf16>
      %add3A_427 = arith.addf %add3A_425, %add3A_426 : vector<32xbf16>
      %add3A_428 = arith.addf %add3A_427, %add3A_424 : vector<32xbf16>
      %bitcast3A_429 = vector.bitcast %add3A_428 : vector<32xbf16> to vector<16xi32>
      %swap3A_430 = arith.constant 12512 : index
      %swap3A_431 = tpu.vector_load %arg6[%swap3A_430] {strides = array<i32>} : memref<12800xi32, #tpu.memory_space<vmem>>, vector<16xi32>,
      tpu.vector_store %arg6[%swap3A_430], %bitcast3A_429 {strides = array<i32>} : memref<12800xi32, #tpu.memory_space<vmem>>, vector<16xi32>,
      %get3A_432 = arith.constant 60 : i32
      %get3A_433 = arith.index_cast %get3A_432 : i32 to index
      %get3A_434 = arith.constant 0 : index
      %get3A_435 = tpu.vector_load %arg7[%get3A_433, %get3A_434] {strides = array<i32>} : memref<100x16xi32, #tpu.memory_space<vmem>>, vector<16xi32>,
      %bitcast3A_436 = vector.bitcast %get3A_435 : vector<16xi32> to vector<32xbf16>
      %get3A_437 = arith.constant 61 : i32
      %get3A_438 = arith.index_cast %get3A_437 : i32 to index
      %get3A_439 = arith.constant 0 : index
      %get3A_440 = tpu.vector_load %arg7[%get3A_438, %get3A_439] {strides = array<i32>} : memref<100x16xi32, #tpu.memory_space<vmem>>, vector<16xi32>,
      %bitcast3A_441 = vector.bitcast %get3A_440 : vector<16xi32> to vector<32xbf16>
      %get3A_442 = arith.constant 62 : i32
      %get3A_443 = arith.index_cast %get3A_442 : i32 to index
      %get3A_444 = arith.constant 0 : index
      %get3A_445 = tpu.vector_load %arg7[%get3A_443, %get3A_444] {strides = array<i32>} : memref<100x16xi32, #tpu.memory_space<vmem>>, vector<16xi32>,
      %bitcast3A_446 = vector.bitcast %get3A_445 : vector<16xi32> to vector<32xbf16>
      %get3A_447 = arith.constant 63 : i32
      %get3A_448 = arith.index_cast %get3A_447 : i32 to index
      %get3A_449 = arith.constant 0 : index
      %get3A_450 = tpu.vector_load %arg7[%get3A_448, %get3A_449] {strides = array<i32>} : memref<100x16xi32, #tpu.memory_space<vmem>>, vector<16xi32>,
      %bitcast3A_451 = vector.bitcast %get3A_450 : vector<16xi32> to vector<32xbf16>
      %get3A_452 = arith.constant 64 : i32
      %get3A_453 = arith.index_cast %get3A_452 : i32 to index
      %get3A_454 = arith.constant 0 : index
      %get3A_455 = tpu.vector_load %arg7[%get3A_453, %get3A_454] {strides = array<i32>} : memref<100x16xi32, #tpu.memory_space<vmem>>, vector<16xi32>,
      %bitcast3A_456 = vector.bitcast %get3A_455 : vector<16xi32> to vector<32xbf16>
      %get3A_457 = arith.constant 65 : i32
      %get3A_458 = arith.index_cast %get3A_457 : i32 to index
      %get3A_459 = arith.constant 0 : index
      %get3A_460 = tpu.vector_load %arg7[%get3A_458, %get3A_459] {strides = array<i32>} : memref<100x16xi32, #tpu.memory_space<vmem>>, vector<16xi32>,
      %bitcast3A_461 = vector.bitcast %get3A_460 : vector<16xi32> to vector<32xbf16>
      %get3A_462 = arith.constant 66 : i32
      %get3A_463 = arith.index_cast %get3A_462 : i32 to index
      %get3A_464 = arith.constant 0 : index
      %get3A_465 = tpu.vector_load %arg7[%get3A_463, %get3A_464] {strides = array<i32>} : memref<100x16xi32, #tpu.memory_space<vmem>>, vector<16xi32>,
      %bitcast3A_466 = vector.bitcast %get3A_465 : vector<16xi32> to vector<32xbf16>
      %get3A_467 = arith.constant 67 : i32
      %get3A_468 = arith.index_cast %get3A_467 : i32 to index
      %get3A_469 = arith.constant 0 : index
      %get3A_470 = tpu.vector_load %arg7[%get3A_468, %get3A_469] {strides = array<i32>} : memref<100x16xi32, #tpu.memory_space<vmem>>, vector<16xi32>,
      %bitcast3A_471 = vector.bitcast %get3A_470 : vector<16xi32> to vector<32xbf16>
      %get3A_472 = arith.constant 68 : i32
      %get3A_473 = arith.index_cast %get3A_472 : i32 to index
      %get3A_474 = arith.constant 0 : index
      %get3A_475 = tpu.vector_load %arg7[%get3A_473, %get3A_474] {strides = array<i32>} : memref<100x16xi32, #tpu.memory_space<vmem>>, vector<16xi32>,
      %bitcast3A_476 = vector.bitcast %get3A_475 : vector<16xi32> to vector<32xbf16>
      %get3A_477 = arith.constant 69 : i32
      %get3A_478 = arith.index_cast %get3A_477 : i32 to index
      %get3A_479 = arith.constant 0 : index
      %get3A_480 = tpu.vector_load %arg7[%get3A_478, %get3A_479] {strides = array<i32>} : memref<100x16xi32, #tpu.memory_space<vmem>>, vector<16xi32>,
      %bitcast3A_481 = vector.bitcast %get3A_480 : vector<16xi32> to vector<32xbf16>
      %get3A_482 = arith.constant 70 : i32
      %get3A_483 = arith.index_cast %get3A_482 : i32 to index
      %get3A_484 = arith.constant 0 : index
      %get3A_485 = tpu.vector_load %arg7[%get3A_483, %get3A_484] {strides = array<i32>} : memref<100x16xi32, #tpu.memory_space<vmem>>, vector<16xi32>,
      %bitcast3A_486 = vector.bitcast %get3A_485 : vector<16xi32> to vector<32xbf16>
      %get3A_487 = arith.constant 71 : i32
      %get3A_488 = arith.index_cast %get3A_487 : i32 to index
      %get3A_489 = arith.constant 0 : index
      %get3A_490 = tpu.vector_load %arg7[%get3A_488, %get3A_489] {strides = array<i32>} : memref<100x16xi32, #tpu.memory_space<vmem>>, vector<16xi32>,
      %bitcast3A_491 = vector.bitcast %get3A_490 : vector<16xi32> to vector<32xbf16>
      %get3A_492 = arith.constant 72 : i32
      %get3A_493 = arith.index_cast %get3A_492 : i32 to index
      %get3A_494 = arith.constant 0 : index
      %get3A_495 = tpu.vector_load %arg7[%get3A_493, %get3A_494] {strides = array<i32>} : memref<100x16xi32, #tpu.memory_space<vmem>>, vector<16xi32>,
      %bitcast3A_496 = vector.bitcast %get3A_495 : vector<16xi32> to vector<32xbf16>
      %get3A_497 = arith.constant 73 : i32
      %get3A_498 = arith.index_cast %get3A_497 : i32 to index
      %get3A_499 = arith.constant 0 : index
      %get3A_500 = tpu.vector_load %arg7[%get3A_498, %get3A_499] {strides = array<i32>} : memref<100x16xi32, #tpu.memory_space<vmem>>, vector<16xi32>,
      %bitcast3A_501 = vector.bitcast %get3A_500 : vector<16xi32> to vector<32xbf16>
      %get3A_502 = arith.constant 74 : i32
      %get3A_503 = arith.index_cast %get3A_502 : i32 to index
      %get3A_504 = arith.constant 0 : index
      %get3A_505 = tpu.vector_load %arg7[%get3A_503, %get3A_504] {strides = array<i32>} : memref<100x16xi32, #tpu.memory_space<vmem>>, vector<16xi32>,
      %bitcast3A_506 = vector.bitcast %get3A_505 : vector<16xi32> to vector<32xbf16>
      %get3A_507 = arith.constant 75 : i32
      %get3A_508 = arith.index_cast %get3A_507 : i32 to index
      %get3A_509 = arith.constant 0 : index
      %get3A_510 = tpu.vector_load %arg7[%get3A_508, %get3A_509] {strides = array<i32>} : memref<100x16xi32, #tpu.memory_space<vmem>>, vector<16xi32>,
      %bitcast3A_511 = vector.bitcast %get3A_510 : vector<16xi32> to vector<32xbf16>
      %get3A_512 = arith.constant 76 : i32
      %get3A_513 = arith.index_cast %get3A_512 : i32 to index
      %get3A_514 = arith.constant 0 : index
      %get3A_515 = tpu.vector_load %arg7[%get3A_513, %get3A_514] {strides = array<i32>} : memref<100x16xi32, #tpu.memory_space<vmem>>, vector<16xi32>,
      %bitcast3A_516 = vector.bitcast %get3A_515 : vector<16xi32> to vector<32xbf16>
      %get3A_517 = arith.constant 77 : i32
      %get3A_518 = arith.index_cast %get3A_517 : i32 to index
      %get3A_519 = arith.constant 0 : index
      %get3A_520 = tpu.vector_load %arg7[%get3A_518, %get3A_519] {strides = array<i32>} : memref<100x16xi32, #tpu.memory_space<vmem>>, vector<16xi32>,
      %bitcast3A_521 = vector.bitcast %get3A_520 : vector<16xi32> to vector<32xbf16>
      %get3A_522 = arith.constant 78 : i32
      %get3A_523 = arith.index_cast %get3A_522 : i32 to index
      %get3A_524 = arith.constant 0 : index
      %get3A_525 = tpu.vector_load %arg7[%get3A_523, %get3A_524] {strides = array<i32>} : memref<100x16xi32, #tpu.memory_space<vmem>>, vector<16xi32>,
      %bitcast3A_526 = vector.bitcast %get3A_525 : vector<16xi32> to vector<32xbf16>
      %get3A_527 = arith.constant 79 : i32
      %get3A_528 = arith.index_cast %get3A_527 : i32 to index
      %get3A_529 = arith.constant 0 : index
      %get3A_530 = tpu.vector_load %arg7[%get3A_528, %get3A_529] {strides = array<i32>} : memref<100x16xi32, #tpu.memory_space<vmem>>, vector<16xi32>,
      %bitcast3A_531 = vector.bitcast %get3A_530 : vector<16xi32> to vector<32xbf16>
      %add3A_532 = arith.addf %bitcast3A_436, %bitcast3A_441 : vector<32xbf16>
      %add3A_533 = arith.addf %bitcast3A_446, %bitcast3A_451 : vector<32xbf16>
      %add3A_534 = arith.addf %bitcast3A_456, %bitcast3A_461 : vector<32xbf16>
      %add3A_535 = arith.addf %bitcast3A_466, %bitcast3A_471 : vector<32xbf16>
      %add3A_536 = arith.addf %bitcast3A_476, %bitcast3A_481 : vector<32xbf16>
      %add3A_537 = arith.addf %bitcast3A_486, %bitcast3A_491 : vector<32xbf16>
      %add3A_538 = arith.addf %bitcast3A_496, %bitcast3A_501 : vector<32xbf16>
      %add3A_539 = arith.addf %bitcast3A_506, %bitcast3A_511 : vector<32xbf16>
      %add3A_540 = arith.addf %bitcast3A_516, %bitcast3A_521 : vector<32xbf16>
      %add3A_541 = arith.addf %bitcast3A_526, %bitcast3A_531 : vector<32xbf16>
      %add3A_542 = arith.addf %add3A_532, %add3A_533 : vector<32xbf16>
      %add3A_543 = arith.addf %add3A_534, %add3A_535 : vector<32xbf16>
      %add3A_544 = arith.addf %add3A_536, %add3A_537 : vector<32xbf16>
      %add3A_545 = arith.addf %add3A_538, %add3A_539 : vector<32xbf16>
      %add3A_546 = arith.addf %add3A_540, %add3A_541 : vector<32xbf16>
      %add3A_547 = arith.addf %add3A_542, %add3A_543 : vector<32xbf16>
      %add3A_548 = arith.addf %add3A_544, %add3A_545 : vector<32xbf16>
      %add3A_549 = arith.addf %add3A_547, %add3A_548 : vector<32xbf16>
      %add3A_550 = arith.addf %add3A_549, %add3A_546 : vector<32xbf16>
      %bitcast3A_551 = vector.bitcast %add3A_550 : vector<32xbf16> to vector<16xi32>
      %swap3A_552 = arith.constant 12528 : index
      %swap3A_553 = tpu.vector_load %arg6[%swap3A_552] {strides = array<i32>} : memref<12800xi32, #tpu.memory_space<vmem>>, vector<16xi32>,
      tpu.vector_store %arg6[%swap3A_552], %bitcast3A_551 {strides = array<i32>} : memref<12800xi32, #tpu.memory_space<vmem>>, vector<16xi32>,
      %get3A_554 = arith.constant 80 : i32
      %get3A_555 = arith.index_cast %get3A_554 : i32 to index
      %get3A_556 = arith.constant 0 : index
      %get3A_557 = tpu.vector_load %arg7[%get3A_555, %get3A_556] {strides = array<i32>} : memref<100x16xi32, #tpu.memory_space<vmem>>, vector<16xi32>,
      %bitcast3A_558 = vector.bitcast %get3A_557 : vector<16xi32> to vector<32xbf16>
      %get3A_559 = arith.constant 81 : i32
      %get3A_560 = arith.index_cast %get3A_559 : i32 to index
      %get3A_561 = arith.constant 0 : index
      %get3A_562 = tpu.vector_load %arg7[%get3A_560, %get3A_561] {strides = array<i32>} : memref<100x16xi32, #tpu.memory_space<vmem>>, vector<16xi32>,
      %bitcast3A_563 = vector.bitcast %get3A_562 : vector<16xi32> to vector<32xbf16>
      %get3A_564 = arith.constant 82 : i32
      %get3A_565 = arith.index_cast %get3A_564 : i32 to index
      %get3A_566 = arith.constant 0 : index
      %get3A_567 = tpu.vector_load %arg7[%get3A_565, %get3A_566] {strides = array<i32>} : memref<100x16xi32, #tpu.memory_space<vmem>>, vector<16xi32>,
      %bitcast3A_568 = vector.bitcast %get3A_567 : vector<16xi32> to vector<32xbf16>
      %get3A_569 = arith.constant 83 : i32
      %get3A_570 = arith.index_cast %get3A_569 : i32 to index
      %get3A_571 = arith.constant 0 : index
      %get3A_572 = tpu.vector_load %arg7[%get3A_570, %get3A_571] {strides = array<i32>} : memref<100x16xi32, #tpu.memory_space<vmem>>, vector<16xi32>,
      %bitcast3A_573 = vector.bitcast %get3A_572 : vector<16xi32> to vector<32xbf16>
      %get3A_574 = arith.constant 84 : i32
      %get3A_575 = arith.index_cast %get3A_574 : i32 to index
      %get3A_576 = arith.constant 0 : index
      %get3A_577 = tpu.vector_load %arg7[%get3A_575, %get3A_576] {strides = array<i32>} : memref<100x16xi32, #tpu.memory_space<vmem>>, vector<16xi32>,
      %bitcast3A_578 = vector.bitcast %get3A_577 : vector<16xi32> to vector<32xbf16>
      %get3A_579 = arith.constant 85 : i32
      %get3A_580 = arith.index_cast %get3A_579 : i32 to index
      %get3A_581 = arith.constant 0 : index
      %get3A_582 = tpu.vector_load %arg7[%get3A_580, %get3A_581] {strides = array<i32>} : memref<100x16xi32, #tpu.memory_space<vmem>>, vector<16xi32>,
      %bitcast3A_583 = vector.bitcast %get3A_582 : vector<16xi32> to vector<32xbf16>
      %get3A_584 = arith.constant 86 : i32
      %get3A_585 = arith.index_cast %get3A_584 : i32 to index
      %get3A_586 = arith.constant 0 : index
      %get3A_587 = tpu.vector_load %arg7[%get3A_585, %get3A_586] {strides = array<i32>} : memref<100x16xi32, #tpu.memory_space<vmem>>, vector<16xi32>,
      %bitcast3A_588 = vector.bitcast %get3A_587 : vector<16xi32> to vector<32xbf16>
      %get3A_589 = arith.constant 87 : i32
      %get3A_590 = arith.index_cast %get3A_589 : i32 to index
      %get3A_591 = arith.constant 0 : index
      %get3A_592 = tpu.vector_load %arg7[%get3A_590, %get3A_591] {strides = array<i32>} : memref<100x16xi32, #tpu.memory_space<vmem>>, vector<16xi32>,
      %bitcast3A_593 = vector.bitcast %get3A_592 : vector<16xi32> to vector<32xbf16>
      %get3A_594 = arith.constant 88 : i32
      %get3A_595 = arith.index_cast %get3A_594 : i32 to index
      %get3A_596 = arith.constant 0 : index
      %get3A_597 = tpu.vector_load %arg7[%get3A_595, %get3A_596] {strides = array<i32>} : memref<100x16xi32, #tpu.memory_space<vmem>>, vector<16xi32>,
      %bitcast3A_598 = vector.bitcast %get3A_597 : vector<16xi32> to vector<32xbf16>
      %get3A_599 = arith.constant 89 : i32
      %get3A_600 = arith.index_cast %get3A_599 : i32 to index
      %get3A_601 = arith.constant 0 : index
      %get3A_602 = tpu.vector_load %arg7[%get3A_600, %get3A_601] {strides = array<i32>} : memref<100x16xi32, #tpu.memory_space<vmem>>, vector<16xi32>,
      %bitcast3A_603 = vector.bitcast %get3A_602 : vector<16xi32> to vector<32xbf16>
      %get3A_604 = arith.constant 90 : i32
      %get3A_605 = arith.index_cast %get3A_604 : i32 to index
      %get3A_606 = arith.constant 0 : index
      %get3A_607 = tpu.vector_load %arg7[%get3A_605, %get3A_606] {strides = array<i32>} : memref<100x16xi32, #tpu.memory_space<vmem>>, vector<16xi32>,
      %bitcast3A_608 = vector.bitcast %get3A_607 : vector<16xi32> to vector<32xbf16>
      %get3A_609 = arith.constant 91 : i32
      %get3A_610 = arith.index_cast %get3A_609 : i32 to index
      %get3A_611 = arith.constant 0 : index
      %get3A_612 = tpu.vector_load %arg7[%get3A_610, %get3A_611] {strides = array<i32>} : memref<100x16xi32, #tpu.memory_space<vmem>>, vector<16xi32>,
      %bitcast3A_613 = vector.bitcast %get3A_612 : vector<16xi32> to vector<32xbf16>
      %get3A_614 = arith.constant 92 : i32
      %get3A_615 = arith.index_cast %get3A_614 : i32 to index
      %get3A_616 = arith.constant 0 : index
      %get3A_617 = tpu.vector_load %arg7[%get3A_615, %get3A_616] {strides = array<i32>} : memref<100x16xi32, #tpu.memory_space<vmem>>, vector<16xi32>,
      %bitcast3A_618 = vector.bitcast %get3A_617 : vector<16xi32> to vector<32xbf16>
      %get3A_619 = arith.constant 93 : i32
      %get3A_620 = arith.index_cast %get3A_619 : i32 to index
      %get3A_621 = arith.constant 0 : index
      %get3A_622 = tpu.vector_load %arg7[%get3A_620, %get3A_621] {strides = array<i32>} : memref<100x16xi32, #tpu.memory_space<vmem>>, vector<16xi32>,
      %bitcast3A_623 = vector.bitcast %get3A_622 : vector<16xi32> to vector<32xbf16>
      %get3A_624 = arith.constant 94 : i32
      %get3A_625 = arith.index_cast %get3A_624 : i32 to index
      %get3A_626 = arith.constant 0 : index
      %get3A_627 = tpu.vector_load %arg7[%get3A_625, %get3A_626] {strides = array<i32>} : memref<100x16xi32, #tpu.memory_space<vmem>>, vector<16xi32>,
      %bitcast3A_628 = vector.bitcast %get3A_627 : vector<16xi32> to vector<32xbf16>
      %get3A_629 = arith.constant 95 : i32
      %get3A_630 = arith.index_cast %get3A_629 : i32 to index
      %get3A_631 = arith.constant 0 : index
      %get3A_632 = tpu.vector_load %arg7[%get3A_630, %get3A_631] {strides = array<i32>} : memref<100x16xi32, #tpu.memory_space<vmem>>, vector<16xi32>,
      %bitcast3A_633 = vector.bitcast %get3A_632 : vector<16xi32> to vector<32xbf16>
      %get3A_634 = arith.constant 96 : i32
      %get3A_635 = arith.index_cast %get3A_634 : i32 to index
      %get3A_636 = arith.constant 0 : index
      %get3A_637 = tpu.vector_load %arg7[%get3A_635, %get3A_636] {strides = array<i32>} : memref<100x16xi32, #tpu.memory_space<vmem>>, vector<16xi32>,
      %bitcast3A_638 = vector.bitcast %get3A_637 : vector<16xi32> to vector<32xbf16>
      %get3A_639 = arith.constant 97 : i32
      %get3A_640 = arith.index_cast %get3A_639 : i32 to index
      %get3A_641 = arith.constant 0 : index
      %get3A_642 = tpu.vector_load %arg7[%get3A_640, %get3A_641] {strides = array<i32>} : memref<100x16xi32, #tpu.memory_space<vmem>>, vector<16xi32>,
      %bitcast3A_643 = vector.bitcast %get3A_642 : vector<16xi32> to vector<32xbf16>
      %get3A_644 = arith.constant 98 : i32
      %get3A_645 = arith.index_cast %get3A_644 : i32 to index
      %get3A_646 = arith.constant 0 : index
      %get3A_647 = tpu.vector_load %arg7[%get3A_645, %get3A_646] {strides = array<i32>} : memref<100x16xi32, #tpu.memory_space<vmem>>, vector<16xi32>,
      %bitcast3A_648 = vector.bitcast %get3A_647 : vector<16xi32> to vector<32xbf16>
      %get3A_649 = arith.constant 99 : i32
      %get3A_650 = arith.index_cast %get3A_649 : i32 to index
      %get3A_651 = arith.constant 0 : index
      %get3A_652 = tpu.vector_load %arg7[%get3A_650, %get3A_651] {strides = array<i32>} : memref<100x16xi32, #tpu.memory_space<vmem>>, vector<16xi32>,
      %bitcast3A_653 = vector.bitcast %get3A_652 : vector<16xi32> to vector<32xbf16>
      %add3A_654 = arith.addf %bitcast3A_558, %bitcast3A_563 : vector<32xbf16>
      %add3A_655 = arith.addf %bitcast3A_568, %bitcast3A_573 : vector<32xbf16>
      %add3A_656 = arith.addf %bitcast3A_578, %bitcast3A_583 : vector<32xbf16>
      %add3A_657 = arith.addf %bitcast3A_588, %bitcast3A_593 : vector<32xbf16>
      %add3A_658 = arith.addf %bitcast3A_598, %bitcast3A_603 : vector<32xbf16>
      %add3A_659 = arith.addf %bitcast3A_608, %bitcast3A_613 : vector<32xbf16>
      %add3A_660 = arith.addf %bitcast3A_618, %bitcast3A_623 : vector<32xbf16>
      %add3A_661 = arith.addf %bitcast3A_628, %bitcast3A_633 : vector<32xbf16>
      %add3A_662 = arith.addf %bitcast3A_638, %bitcast3A_643 : vector<32xbf16>
      %add3A_663 = arith.addf %bitcast3A_648, %bitcast3A_653 : vector<32xbf16>
      %add3A_664 = arith.addf %add3A_654, %add3A_655 : vector<32xbf16>
      %add3A_665 = arith.addf %add3A_656, %add3A_657 : vector<32xbf16>
      %add3A_666 = arith.addf %add3A_658, %add3A_659 : vector<32xbf16>
      %add3A_667 = arith.addf %add3A_660, %add3A_661 : vector<32xbf16>
      %add3A_668 = arith.addf %add3A_662, %add3A_663 : vector<32xbf16>
      %add3A_669 = arith.addf %add3A_664, %add3A_665 : vector<32xbf16>
      %add3A_670 = arith.addf %add3A_666, %add3A_667 : vector<32xbf16>
      %add3A_671 = arith.addf %add3A_669, %add3A_670 : vector<32xbf16>
      %add3A_672 = arith.addf %add3A_671, %add3A_668 : vector<32xbf16>
      %bitcast3A_673 = vector.bitcast %add3A_672 : vector<32xbf16> to vector<16xi32>
      %swap3A_674 = arith.constant 12544 : index
      %swap3A_675 = tpu.vector_load %arg6[%swap3A_674] {strides = array<i32>} : memref<12800xi32, #tpu.memory_space<vmem>>, vector<16xi32>,
      tpu.vector_store %arg6[%swap3A_674], %bitcast3A_673 {strides = array<i32>} : memref<12800xi32, #tpu.memory_space<vmem>>, vector<16xi32>,
      %dma_wait3A_676 = arith.constant 157 : i32
      %dma_wait3A_677 = arith.constant 0 : i32
      %dma_wait3A_678 = tpu.memref_slice %arg5[%dma_wait3A_676, %dma_wait3A_677] : memref<160x100xi32, #tpu.memory_space<vmem>> -> memref<1x100xi32, #tpu.memory_space<vmem>>
      %dma_wait3A_679 = tpu.memref_squeeze %dma_wait3A_678 : memref<1x100xi32, #tpu.memory_space<vmem>> -> memref<100xi32, #tpu.memory_space<vmem>>
      %dma_wait3A_680 = arith.constant 0 : i32
      %dma_wait3A_681 = arith.constant 0 : i32
      %dma_wait3A_682 = tpu.memref_slice %arg11[%dma_wait3A_680, %dma_wait3A_681] : memref<1000x16xi32, #tpu.memory_space<vmem_shared>> -> memref<1000x16xi32, #tpu.memory_space<vmem_shared>>
      tpu.wait_indirect_dma semaphore(%arg13 : memref<!tpu.dma_semaphore, #tpu.memory_space<semaphore_mem>>) src(%dma_wait3A_682 : memref<1000x16xi32, #tpu.memory_space<vmem_shared>>) dst(%arg8 : memref<100x16xi32, #tpu.memory_space<vmem>>)
      %get3A_683 = arith.constant 0 : i32
      %get3A_684 = arith.index_cast %get3A_683 : i32 to index
      %get3A_685 = arith.constant 0 : index
      %get3A_686 = tpu.vector_load %arg8[%get3A_684, %get3A_685] {strides = array<i32>} : memref<100x16xi32, #tpu.memory_space<vmem>>, vector<16xi32>,
      %bitcast3A_687 = vector.bitcast %get3A_686 : vector<16xi32> to vector<32xbf16>
      %get3A_688 = arith.constant 1 : i32
      %get3A_689 = arith.index_cast %get3A_688 : i32 to index
      %get3A_690 = arith.constant 0 : index
      %get3A_691 = tpu.vector_load %arg8[%get3A_689, %get3A_690] {strides = array<i32>} : memref<100x16xi32, #tpu.memory_space<vmem>>, vector<16xi32>,
      %bitcast3A_692 = vector.bitcast %get3A_691 : vector<16xi32> to vector<32xbf16>
      %get3A_693 = arith.constant 2 : i32
      %get3A_694 = arith.index_cast %get3A_693 : i32 to index
      %get3A_695 = arith.constant 0 : index
      %get3A_696 = tpu.vector_load %arg8[%get3A_694, %get3A_695] {strides = array<i32>} : memref<100x16xi32, #tpu.memory_space<vmem>>, vector<16xi32>,
      %bitcast3A_697 = vector.bitcast %get3A_696 : vector<16xi32> to vector<32xbf16>
      %get3A_698 = arith.constant 3 : i32
      %get3A_699 = arith.index_cast %get3A_698 : i32 to index
      %get3A_700 = arith.constant 0 : index
      %get3A_701 = tpu.vector_load %arg8[%get3A_699, %get3A_700] {strides = array<i32>} : memref<100x16xi32, #tpu.memory_space<vmem>>, vector<16xi32>,
      %bitcast3A_702 = vector.bitcast %get3A_701 : vector<16xi32> to vector<32xbf16>
      %get3A_703 = arith.constant 4 : i32
      %get3A_704 = arith.index_cast %get3A_703 : i32 to index
      %get3A_705 = arith.constant 0 : index
      %get3A_706 = tpu.vector_load %arg8[%get3A_704, %get3A_705] {strides = array<i32>} : memref<100x16xi32, #tpu.memory_space<vmem>>, vector<16xi32>,
      %bitcast3A_707 = vector.bitcast %get3A_706 : vector<16xi32> to vector<32xbf16>
      %get3A_708 = arith.constant 5 : i32
      %get3A_709 = arith.index_cast %get3A_708 : i32 to index
      %get3A_710 = arith.constant 0 : index
      %get3A_711 = tpu.vector_load %arg8[%get3A_709, %get3A_710] {strides = array<i32>} : memref<100x16xi32, #tpu.memory_space<vmem>>, vector<16xi32>,
      %bitcast3A_712 = vector.bitcast %get3A_711 : vector<16xi32> to vector<32xbf16>
      %get3A_713 = arith.constant 6 : i32
      %get3A_714 = arith.index_cast %get3A_713 : i32 to index
      %get3A_715 = arith.constant 0 : index
      %get3A_716 = tpu.vector_load %arg8[%get3A_714, %get3A_715] {strides = array<i32>} : memref<100x16xi32, #tpu.memory_space<vmem>>, vector<16xi32>,
      %bitcast3A_717 = vector.bitcast %get3A_716 : vector<16xi32> to vector<32xbf16>
      %get3A_718 = arith.constant 7 : i32
      %get3A_719 = arith.index_cast %get3A_718 : i32 to index
      %get3A_720 = arith.constant 0 : index
      %get3A_721 = tpu.vector_load %arg8[%get3A_719, %get3A_720] {strides = array<i32>} : memref<100x16xi32, #tpu.memory_space<vmem>>, vector<16xi32>,
      %bitcast3A_722 = vector.bitcast %get3A_721 : vector<16xi32> to vector<32xbf16>
      %get3A_723 = arith.constant 8 : i32
      %get3A_724 = arith.index_cast %get3A_723 : i32 to index
      %get3A_725 = arith.constant 0 : index
      %get3A_726 = tpu.vector_load %arg8[%get3A_724, %get3A_725] {strides = array<i32>} : memref<100x16xi32, #tpu.memory_space<vmem>>, vector<16xi32>,
      %bitcast3A_727 = vector.bitcast %get3A_726 : vector<16xi32> to vector<32xbf16>
      %get3A_728 = arith.constant 9 : i32
      %get3A_729 = arith.index_cast %get3A_728 : i32 to index
      %get3A_730 = arith.constant 0 : index
      %get3A_731 = tpu.vector_load %arg8[%get3A_729, %get3A_730] {strides = array<i32>} : memref<100x16xi32, #tpu.memory_space<vmem>>, vector<16xi32>,
      %bitcast3A_732 = vector.bitcast %get3A_731 : vector<16xi32> to vector<32xbf16>
      %get3A_733 = arith.constant 10 : i32
      %get3A_734 = arith.index_cast %get3A_733 : i32 to index
      %get3A_735 = arith.constant 0 : index
      %get3A_736 = tpu.vector_load %arg8[%get3A_734, %get3A_735] {strides = array<i32>} : memref<100x16xi32, #tpu.memory_space<vmem>>, vector<16xi32>,
      %bitcast3A_737 = vector.bitcast %get3A_736 : vector<16xi32> to vector<32xbf16>
      %get3A_738 = arith.constant 11 : i32
      %get3A_739 = arith.index_cast %get3A_738 : i32 to index
      %get3A_740 = arith.constant 0 : index
      %get3A_741 = tpu.vector_load %arg8[%get3A_739, %get3A_740] {strides = array<i32>} : memref<100x16xi32, #tpu.memory_space<vmem>>, vector<16xi32>,
      %bitcast3A_742 = vector.bitcast %get3A_741 : vector<16xi32> to vector<32xbf16>
      %get3A_743 = arith.constant 12 : i32
      %get3A_744 = arith.index_cast %get3A_743 : i32 to index
      %get3A_745 = arith.constant 0 : index
      %get3A_746 = tpu.vector_load %arg8[%get3A_744, %get3A_745] {strides = array<i32>} : memref<100x16xi32, #tpu.memory_space<vmem>>, vector<16xi32>,
      %bitcast3A_747 = vector.bitcast %get3A_746 : vector<16xi32> to vector<32xbf16>
      %get3A_748 = arith.constant 13 : i32
      %get3A_749 = arith.index_cast %get3A_748 : i32 to index
      %get3A_750 = arith.constant 0 : index
      %get3A_751 = tpu.vector_load %arg8[%get3A_749, %get3A_750] {strides = array<i32>} : memref<100x16xi32, #tpu.memory_space<vmem>>, vector<16xi32>,
      %bitcast3A_752 = vector.bitcast %get3A_751 : vector<16xi32> to vector<32xbf16>
      %get3A_753 = arith.constant 14 : i32
      %get3A_754 = arith.index_cast %get3A_753 : i32 to index
      %get3A_755 = arith.constant 0 : index
      %get3A_756 = tpu.vector_load %arg8[%get3A_754, %get3A_755] {strides = array<i32>} : memref<100x16xi32, #tpu.memory_space<vmem>>, vector<16xi32>,
      %bitcast3A_757 = vector.bitcast %get3A_756 : vector<16xi32> to vector<32xbf16>
      %get3A_758 = arith.constant 15 : i32
      %get3A_759 = arith.index_cast %get3A_758 : i32 to index
      %get3A_760 = arith.constant 0 : index
      %get3A_761 = tpu.vector_load %arg8[%get3A_759, %get3A_760] {strides = array<i32>} : memref<100x16xi32, #tpu.memory_space<vmem>>, vector<16xi32>,
      %bitcast3A_762 = vector.bitcast %get3A_761 : vector<16xi32> to vector<32xbf16>
      %get3A_763 = arith.constant 16 : i32
      %get3A_764 = arith.index_cast %get3A_763 : i32 to index
      %get3A_765 = arith.constant 0 : index
      %get3A_766 = tpu.vector_load %arg8[%get3A_764, %get3A_765] {strides = array<i32>} : memref<100x16xi32, #tpu.memory_space<vmem>>, vector<16xi32>,
      %bitcast3A_767 = vector.bitcast %get3A_766 : vector<16xi32> to vector<32xbf16>
      %get3A_768 = arith.constant 17 : i32
      %get3A_769 = arith.index_cast %get3A_768 : i32 to index
      %get3A_770 = arith.constant 0 : index
      %get3A_771 = tpu.vector_load %arg8[%get3A_769, %get3A_770] {strides = array<i32>} : memref<100x16xi32, #tpu.memory_space<vmem>>, vector<16xi32>,
      %bitcast3A_772 = vector.bitcast %get3A_771 : vector<16xi32> to vector<32xbf16>
      %get3A_773 = arith.constant 18 : i32
      %get3A_774 = arith.index_cast %get3A_773 : i32 to index
      %get3A_775 = arith.constant 0 : index
      %get3A_776 = tpu.vector_load %arg8[%get3A_774, %get3A_775] {strides = array<i32>} : memref<100x16xi32, #tpu.memory_space<vmem>>, vector<16xi32>,
      %bitcast3A_777 = vector.bitcast %get3A_776 : vector<16xi32> to vector<32xbf16>
      %get3A_778 = arith.constant 19 : i32
      %get3A_779 = arith.index_cast %get3A_778 : i32 to index
      %get3A_780 = arith.constant 0 : index
      %get3A_781 = tpu.vector_load %arg8[%get3A_779, %get3A_780] {strides = array<i32>} : memref<100x16xi32, #tpu.memory_space<vmem>>, vector<16xi32>,
      %bitcast3A_782 = vector.bitcast %get3A_781 : vector<16xi32> to vector<32xbf16>
      %add3A_783 = arith.addf %bitcast3A_687, %bitcast3A_692 : vector<32xbf16>
      %add3A_784 = arith.addf %bitcast3A_697, %bitcast3A_702 : vector<32xbf16>
      %add3A_785 = arith.addf %bitcast3A_707, %bitcast3A_712 : vector<32xbf16>
      %add3A_786 = arith.addf %bitcast3A_717, %bitcast3A_722 : vector<32xbf16>
      %add3A_787 = arith.addf %bitcast3A_727, %bitcast3A_732 : vector<32xbf16>
      %add3A_788 = arith.addf %bitcast3A_737, %bitcast3A_742 : vector<32xbf16>
      %add3A_789 = arith.addf %bitcast3A_747, %bitcast3A_752 : vector<32xbf16>
      %add3A_790 = arith.addf %bitcast3A_757, %bitcast3A_762 : vector<32xbf16>
      %add3A_791 = arith.addf %bitcast3A_767, %bitcast3A_772 : vector<32xbf16>
      %add3A_792 = arith.addf %bitcast3A_777, %bitcast3A_782 : vector<32xbf16>
      %add3A_793 = arith.addf %add3A_783, %add3A_784 : vector<32xbf16>
      %add3A_794 = arith.addf %add3A_785, %add3A_786 : vector<32xbf16>
      %add3A_795 = arith.addf %add3A_787, %add3A_788 : vector<32xbf16>
      %add3A_796 = arith.addf %add3A_789, %add3A_790 : vector<32xbf16>
      %add3A_797 = arith.addf %add3A_791, %add3A_792 : vector<32xbf16>
      %add3A_798 = arith.addf %add3A_793, %add3A_794 : vector<32xbf16>
      %add3A_799 = arith.addf %add3A_795, %add3A_796 : vector<32xbf16>
      %add3A_800 = arith.addf %add3A_798, %add3A_799 : vector<32xbf16>
      %add3A_801 = arith.addf %add3A_800, %add3A_797 : vector<32xbf16>
      %bitcast3A_802 = vector.bitcast %add3A_801 : vector<32xbf16> to vector<16xi32>
      %swap3A_803 = arith.constant 12560 : index
      %swap3A_804 = tpu.vector_load %arg6[%swap3A_803] {strides = array<i32>} : memref<12800xi32, #tpu.memory_space<vmem>>, vector<16xi32>,
      tpu.vector_store %arg6[%swap3A_803], %bitcast3A_802 {strides = array<i32>} : memref<12800xi32, #tpu.memory_space<vmem>>, vector<16xi32>,
      %get3A_805 = arith.constant 20 : i32
      %get3A_806 = arith.index_cast %get3A_805 : i32 to index
      %get3A_807 = arith.constant 0 : index
      %get3A_808 = tpu.vector_load %arg8[%get3A_806, %get3A_807] {strides = array<i32>} : memref<100x16xi32, #tpu.memory_space<vmem>>, vector<16xi32>,
      %bitcast3A_809 = vector.bitcast %get3A_808 : vector<16xi32> to vector<32xbf16>
      %get3A_810 = arith.constant 21 : i32
      %get3A_811 = arith.index_cast %get3A_810 : i32 to index
      %get3A_812 = arith.constant 0 : index
      %get3A_813 = tpu.vector_load %arg8[%get3A_811, %get3A_812] {strides = array<i32>} : memref<100x16xi32, #tpu.memory_space<vmem>>, vector<16xi32>,
      %bitcast3A_814 = vector.bitcast %get3A_813 : vector<16xi32> to vector<32xbf16>
      %get3A_815 = arith.constant 22 : i32
      %get3A_816 = arith.index_cast %get3A_815 : i32 to index
      %get3A_817 = arith.constant 0 : index
      %get3A_818 = tpu.vector_load %arg8[%get3A_816, %get3A_817] {strides = array<i32>} : memref<100x16xi32, #tpu.memory_space<vmem>>, vector<16xi32>,
      %bitcast3A_819 = vector.bitcast %get3A_818 : vector<16xi32> to vector<32xbf16>
      %get3A_820 = arith.constant 23 : i32
      %get3A_821 = arith.index_cast %get3A_820 : i32 to index
      %get3A_822 = arith.constant 0 : index
      %get3A_823 = tpu.vector_load %arg8[%get3A_821, %get3A_822] {strides = array<i32>} : memref<100x16xi32, #tpu.memory_space<vmem>>, vector<16xi32>,
      %bitcast3A_824 = vector.bitcast %get3A_823 : vector<16xi32> to vector<32xbf16>
      %get3A_825 = arith.constant 24 : i32
      %get3A_826 = arith.index_cast %get3A_825 : i32 to index
      %get3A_827 = arith.constant 0 : index
      %get3A_828 = tpu.vector_load %arg8[%get3A_826, %get3A_827] {strides = array<i32>} : memref<100x16xi32, #tpu.memory_space<vmem>>, vector<16xi32>,
      %bitcast3A_829 = vector.bitcast %get3A_828 : vector<16xi32> to vector<32xbf16>
      %get3A_830 = arith.constant 25 : i32
      %get3A_831 = arith.index_cast %get3A_830 : i32 to index
      %get3A_832 = arith.constant 0 : index
      %get3A_833 = tpu.vector_load %arg8[%get3A_831, %get3A_832] {strides = array<i32>} : memref<100x16xi32, #tpu.memory_space<vmem>>, vector<16xi32>,
      %bitcast3A_834 = vector.bitcast %get3A_833 : vector<16xi32> to vector<32xbf16>
      %get3A_835 = arith.constant 26 : i32
      %get3A_836 = arith.index_cast %get3A_835 : i32 to index
      %get3A_837 = arith.constant 0 : index
      %get3A_838 = tpu.vector_load %arg8[%get3A_836, %get3A_837] {strides = array<i32>} : memref<100x16xi32, #tpu.memory_space<vmem>>, vector<16xi32>,
      %bitcast3A_839 = vector.bitcast %get3A_838 : vector<16xi32> to vector<32xbf16>
      %get3A_840 = arith.constant 27 : i32
      %get3A_841 = arith.index_cast %get3A_840 : i32 to index
      %get3A_842 = arith.constant 0 : index
      %get3A_843 = tpu.vector_load %arg8[%get3A_841, %get3A_842] {strides = array<i32>} : memref<100x16xi32, #tpu.memory_space<vmem>>, vector<16xi32>,
      %bitcast3A_844 = vector.bitcast %get3A_843 : vector<16xi32> to vector<32xbf16>
      %get3A_845 = arith.constant 28 : i32
      %get3A_846 = arith.index_cast %get3A_845 : i32 to index
      %get3A_847 = arith.constant 0 : index
      %get3A_848 = tpu.vector_load %arg8[%get3A_846, %get3A_847] {strides = array<i32>} : memref<100x16xi32, #tpu.memory_space<vmem>>, vector<16xi32>,
      %bitcast3A_849 = vector.bitcast %get3A_848 : vector<16xi32> to vector<32xbf16>
      %get3A_850 = arith.constant 29 : i32
      %get3A_851 = arith.index_cast %get3A_850 : i32 to index
      %get3A_852 = arith.constant 0 : index
      %get3A_853 = tpu.vector_load %arg8[%get3A_851, %get3A_852] {strides = array<i32>} : memref<100x16xi32, #tpu.memory_space<vmem>>, vector<16xi32>,
      %bitcast3A_854 = vector.bitcast %get3A_853 : vector<16xi32> to vector<32xbf16>
      %get3A_855 = arith.constant 30 : i32
      %get3A_856 = arith.index_cast %get3A_855 : i32 to index
      %get3A_857 = arith.constant 0 : index
      %get3A_858 = tpu.vector_load %arg8[%get3A_856, %get3A_857] {strides = array<i32>} : memref<100x16xi32, #tpu.memory_space<vmem>>, vector<16xi32>,
      %bitcast3A_859 = vector.bitcast %get3A_858 : vector<16xi32> to vector<32xbf16>
      %get3A_860 = arith.constant 31 : i32
      %get3A_861 = arith.index_cast %get3A_860 : i32 to index
      %get3A_862 = arith.constant 0 : index
      %get3A_863 = tpu.vector_load %arg8[%get3A_861, %get3A_862] {strides = array<i32>} : memref<100x16xi32, #tpu.memory_space<vmem>>, vector<16xi32>,
      %bitcast3A_864 = vector.bitcast %get3A_863 : vector<16xi32> to vector<32xbf16>
      %get3A_865 = arith.constant 32 : i32
      %get3A_866 = arith.index_cast %get3A_865 : i32 to index
      %get3A_867 = arith.constant 0 : index
      %get3A_868 = tpu.vector_load %arg8[%get3A_866, %get3A_867] {strides = array<i32>} : memref<100x16xi32, #tpu.memory_space<vmem>>, vector<16xi32>,
      %bitcast3A_869 = vector.bitcast %get3A_868 : vector<16xi32> to vector<32xbf16>
      %get3A_870 = arith.constant 33 : i32
      %get3A_871 = arith.index_cast %get3A_870 : i32 to index
      %get3A_872 = arith.constant 0 : index
      %get3A_873 = tpu.vector_load %arg8[%get3A_871, %get3A_872] {strides = array<i32>} : memref<100x16xi32, #tpu.memory_space<vmem>>, vector<16xi32>,
      %bitcast3A_874 = vector.bitcast %get3A_873 : vector<16xi32> to vector<32xbf16>
      %get3A_875 = arith.constant 34 : i32
      %get3A_876 = arith.index_cast %get3A_875 : i32 to index
      %get3A_877 = arith.constant 0 : index
      %get3A_878 = tpu.vector_load %arg8[%get3A_876, %get3A_877] {strides = array<i32>} : memref<100x16xi32, #tpu.memory_space<vmem>>, vector<16xi32>,
      %bitcast3A_879 = vector.bitcast %get3A_878 : vector<16xi32> to vector<32xbf16>
      %get3A_880 = arith.constant 35 : i32
      %get3A_881 = arith.index_cast %get3A_880 : i32 to index
      %get3A_882 = arith.constant 0 : index
      %get3A_883 = tpu.vector_load %arg8[%get3A_881, %get3A_882] {strides = array<i32>} : memref<100x16xi32, #tpu.memory_space<vmem>>, vector<16xi32>,
      %bitcast3A_884 = vector.bitcast %get3A_883 : vector<16xi32> to vector<32xbf16>
      %get3A_885 = arith.constant 36 : i32
      %get3A_886 = arith.index_cast %get3A_885 : i32 to index
      %get3A_887 = arith.constant 0 : index
      %get3A_888 = tpu.vector_load %arg8[%get3A_886, %get3A_887] {strides = array<i32>} : memref<100x16xi32, #tpu.memory_space<vmem>>, vector<16xi32>,
      %bitcast3A_889 = vector.bitcast %get3A_888 : vector<16xi32> to vector<32xbf16>
      %get3A_890 = arith.constant 37 : i32
      %get3A_891 = arith.index_cast %get3A_890 : i32 to index
      %get3A_892 = arith.constant 0 : index
      %get3A_893 = tpu.vector_load %arg8[%get3A_891, %get3A_892] {strides = array<i32>} : memref<100x16xi32, #tpu.memory_space<vmem>>, vector<16xi32>,
      %bitcast3A_894 = vector.bitcast %get3A_893 : vector<16xi32> to vector<32xbf16>
      %get3A_895 = arith.constant 38 : i32
      %get3A_896 = arith.index_cast %get3A_895 : i32 to index
      %get3A_897 = arith.constant 0 : index
      %get3A_898 = tpu.vector_load %arg8[%get3A_896, %get3A_897] {strides = array<i32>} : memref<100x16xi32, #tpu.memory_space<vmem>>, vector<16xi32>,
      %bitcast3A_899 = vector.bitcast %get3A_898 : vector<16xi32> to vector<32xbf16>
      %get3A_900 = arith.constant 39 : i32
      %get3A_901 = arith.index_cast %get3A_900 : i32 to index
      %get3A_902 = arith.constant 0 : index
      %get3A_903 = tpu.vector_load %arg8[%get3A_901, %get3A_902] {strides = array<i32>} : memref<100x16xi32, #tpu.memory_space<vmem>>, vector<16xi32>,
      %bitcast3A_904 = vector.bitcast %get3A_903 : vector<16xi32> to vector<32xbf16>
      %add3A_905 = arith.addf %bitcast3A_809, %bitcast3A_814 : vector<32xbf16>
      %add3A_906 = arith.addf %bitcast3A_819, %bitcast3A_824 : vector<32xbf16>
      %add3A_907 = arith.addf %bitcast3A_829, %bitcast3A_834 : vector<32xbf16>
      %add3A_908 = arith.addf %bitcast3A_839, %bitcast3A_844 : vector<32xbf16>
      %add3A_909 = arith.addf %bitcast3A_849, %bitcast3A_854 : vector<32xbf16>
      %add3A_910 = arith.addf %bitcast3A_859, %bitcast3A_864 : vector<32xbf16>
      %add3A_911 = arith.addf %bitcast3A_869, %bitcast3A_874 : vector<32xbf16>
      %add3A_912 = arith.addf %bitcast3A_879, %bitcast3A_884 : vector<32xbf16>
      %add3A_913 = arith.addf %bitcast3A_889, %bitcast3A_894 : vector<32xbf16>
      %add3A_914 = arith.addf %bitcast3A_899, %bitcast3A_904 : vector<32xbf16>
      %add3A_915 = arith.addf %add3A_905, %add3A_906 : vector<32xbf16>
      %add3A_916 = arith.addf %add3A_907, %add3A_908 : vector<32xbf16>
      %add3A_917 = arith.addf %add3A_909, %add3A_910 : vector<32xbf16>
      %add3A_918 = arith.addf %add3A_911, %add3A_912 : vector<32xbf16>
      %add3A_919 = arith.addf %add3A_913, %add3A_914 : vector<32xbf16>
      %add3A_920 = arith.addf %add3A_915, %add3A_916 : vector<32xbf16>
      %add3A_921 = arith.addf %add3A_917, %add3A_918 : vector<32xbf16>
      %add3A_922 = arith.addf %add3A_920, %add3A_921 : vector<32xbf16>
      %add3A_923 = arith.addf %add3A_922, %add3A_919 : vector<32xbf16>
      %bitcast3A_924 = vector.bitcast %add3A_923 : vector<32xbf16> to vector<16xi32>
      %swap3A_925 = arith.constant 12576 : index
      %swap3A_926 = tpu.vector_load %arg6[%swap3A_925] {strides = array<i32>} : memref<12800xi32, #tpu.memory_space<vmem>>, vector<16xi32>,
      tpu.vector_store %arg6[%swap3A_925], %bitcast3A_924 {strides = array<i32>} : memref<12800xi32, #tpu.memory_space<vmem>>, vector<16xi32>,
      %get3A_927 = arith.constant 40 : i32
      %get3A_928 = arith.index_cast %get3A_927 : i32 to index
      %get3A_929 = arith.constant 0 : index
      %get3A_930 = tpu.vector_load %arg8[%get3A_928, %get3A_929] {strides = array<i32>} : memref<100x16xi32, #tpu.memory_space<vmem>>, vector<16xi32>,
      %bitcast3A_931 = vector.bitcast %get3A_930 : vector<16xi32> to vector<32xbf16>
      %get3A_932 = arith.constant 41 : i32
      %get3A_933 = arith.index_cast %get3A_932 : i32 to index
      %get3A_934 = arith.constant 0 : index
      %get3A_935 = tpu.vector_load %arg8[%get3A_933, %get3A_934] {strides = array<i32>} : memref<100x16xi32, #tpu.memory_space<vmem>>, vector<16xi32>,
      %bitcast3A_936 = vector.bitcast %get3A_935 : vector<16xi32> to vector<32xbf16>
      %get3A_937 = arith.constant 42 : i32
      %get3A_938 = arith.index_cast %get3A_937 : i32 to index
      %get3A_939 = arith.constant 0 : index
      %get3A_940 = tpu.vector_load %arg8[%get3A_938, %get3A_939] {strides = array<i32>} : memref<100x16xi32, #tpu.memory_space<vmem>>, vector<16xi32>,
      %bitcast3A_941 = vector.bitcast %get3A_940 : vector<16xi32> to vector<32xbf16>
      %get3A_942 = arith.constant 43 : i32
      %get3A_943 = arith.index_cast %get3A_942 : i32 to index
      %get3A_944 = arith.constant 0 : index
      %get3A_945 = tpu.vector_load %arg8[%get3A_943, %get3A_944] {strides = array<i32>} : memref<100x16xi32, #tpu.memory_space<vmem>>, vector<16xi32>,
      %bitcast3A_946 = vector.bitcast %get3A_945 : vector<16xi32> to vector<32xbf16>
      %get3A_947 = arith.constant 44 : i32
      %get3A_948 = arith.index_cast %get3A_947 : i32 to index
      %get3A_949 = arith.constant 0 : index
      %get3A_950 = tpu.vector_load %arg8[%get3A_948, %get3A_949] {strides = array<i32>} : memref<100x16xi32, #tpu.memory_space<vmem>>, vector<16xi32>,
      %bitcast3A_951 = vector.bitcast %get3A_950 : vector<16xi32> to vector<32xbf16>
      %get3A_952 = arith.constant 45 : i32
      %get3A_953 = arith.index_cast %get3A_952 : i32 to index
      %get3A_954 = arith.constant 0 : index
      %get3A_955 = tpu.vector_load %arg8[%get3A_953, %get3A_954] {strides = array<i32>} : memref<100x16xi32, #tpu.memory_space<vmem>>, vector<16xi32>,
      %bitcast3A_956 = vector.bitcast %get3A_955 : vector<16xi32> to vector<32xbf16>
      %get3A_957 = arith.constant 46 : i32
      %get3A_958 = arith.index_cast %get3A_957 : i32 to index
      %get3A_959 = arith.constant 0 : index
      %get3A_960 = tpu.vector_load %arg8[%get3A_958, %get3A_959] {strides = array<i32>} : memref<100x16xi32, #tpu.memory_space<vmem>>, vector<16xi32>,
      %bitcast3A_961 = vector.bitcast %get3A_960 : vector<16xi32> to vector<32xbf16>
      %get3A_962 = arith.constant 47 : i32
      %get3A_963 = arith.index_cast %get3A_962 : i32 to index
      %get3A_964 = arith.constant 0 : index
      %get3A_965 = tpu.vector_load %arg8[%get3A_963, %get3A_964] {strides = array<i32>} : memref<100x16xi32, #tpu.memory_space<vmem>>, vector<16xi32>,
      %bitcast3A_966 = vector.bitcast %get3A_965 : vector<16xi32> to vector<32xbf16>
      %get3A_967 = arith.constant 48 : i32
      %get3A_968 = arith.index_cast %get3A_967 : i32 to index
      %get3A_969 = arith.constant 0 : index
      %get3A_970 = tpu.vector_load %arg8[%get3A_968, %get3A_969] {strides = array<i32>} : memref<100x16xi32, #tpu.memory_space<vmem>>, vector<16xi32>,
      %bitcast3A_971 = vector.bitcast %get3A_970 : vector<16xi32> to vector<32xbf16>
      %get3A_972 = arith.constant 49 : i32
      %get3A_973 = arith.index_cast %get3A_972 : i32 to index
      %get3A_974 = arith.constant 0 : index
      %get3A_975 = tpu.vector_load %arg8[%get3A_973, %get3A_974] {strides = array<i32>} : memref<100x16xi32, #tpu.memory_space<vmem>>, vector<16xi32>,
      %bitcast3A_976 = vector.bitcast %get3A_975 : vector<16xi32> to vector<32xbf16>
      %get3A_977 = arith.constant 50 : i32
      %get3A_978 = arith.index_cast %get3A_977 : i32 to index
      %get3A_979 = arith.constant 0 : index
      %get3A_980 = tpu.vector_load %arg8[%get3A_978, %get3A_979] {strides = array<i32>} : memref<100x16xi32, #tpu.memory_space<vmem>>, vector<16xi32>,
      %bitcast3A_981 = vector.bitcast %get3A_980 : vector<16xi32> to vector<32xbf16>
      %get3A_982 = arith.constant 51 : i32
      %get3A_983 = arith.index_cast %get3A_982 : i32 to index
      %get3A_984 = arith.constant 0 : index
      %get3A_985 = tpu.vector_load %arg8[%get3A_983, %get3A_984] {strides = array<i32>} : memref<100x16xi32, #tpu.memory_space<vmem>>, vector<16xi32>,
      %bitcast3A_986 = vector.bitcast %get3A_985 : vector<16xi32> to vector<32xbf16>
      %get3A_987 = arith.constant 52 : i32
      %get3A_988 = arith.index_cast %get3A_987 : i32 to index
      %get3A_989 = arith.constant 0 : index
      %get3A_990 = tpu.vector_load %arg8[%get3A_988, %get3A_989] {strides = array<i32>} : memref<100x16xi32, #tpu.memory_space<vmem>>, vector<16xi32>,
      %bitcast3A_991 = vector.bitcast %get3A_990 : vector<16xi32> to vector<32xbf16>
      %get3A_992 = arith.constant 53 : i32
      %get3A_993 = arith.index_cast %get3A_992 : i32 to index
      %get3A_994 = arith.constant 0 : index
      %get3A_995 = tpu.vector_load %arg8[%get3A_993, %get3A_994] {strides = array<i32>} : memref<100x16xi32, #tpu.memory_space<vmem>>, vector<16xi32>,
      %bitcast3A_996 = vector.bitcast %get3A_995 : vector<16xi32> to vector<32xbf16>
      %get3A_997 = arith.constant 54 : i32
      %get3A_998 = arith.index_cast %get3A_997 : i32 to index
      %get3A_999 = arith.constant 0 : index
      %get3A_1000 = tpu.vector_load %arg8[%get3A_998, %get3A_999] {strides = array<i32>} : memref<100x16xi32, #tpu.memory_space<vmem>>, vector<16xi32>,
      %bitcast3A_1001 = vector.bitcast %get3A_1000 : vector<16xi32> to vector<32xbf16>
      %get3A_1002 = arith.constant 55 : i32
      %get3A_1003 = arith.index_cast %get3A_1002 : i32 to index
      %get3A_1004 = arith.constant 0 : index
      %get3A_1005 = tpu.vector_load %arg8[%get3A_1003, %get3A_1004] {strides = array<i32>} : memref<100x16xi32, #tpu.memory_space<vmem>>, vector<16xi32>,
      %bitcast3A_1006 = vector.bitcast %get3A_1005 : vector<16xi32> to vector<32xbf16>
      %get3A_1007 = arith.constant 56 : i32
      %get3A_1008 = arith.index_cast %get3A_1007 : i32 to index
      %get3A_1009 = arith.constant 0 : index
      %get3A_1010 = tpu.vector_load %arg8[%get3A_1008, %get3A_1009] {strides = array<i32>} : memref<100x16xi32, #tpu.memory_space<vmem>>, vector<16xi32>,
      %bitcast3A_1011 = vector.bitcast %get3A_1010 : vector<16xi32> to vector<32xbf16>
      %get3A_1012 = arith.constant 57 : i32
      %get3A_1013 = arith.index_cast %get3A_1012 : i32 to index
      %get3A_1014 = arith.constant 0 : index
      %get3A_1015 = tpu.vector_load %arg8[%get3A_1013, %get3A_1014] {strides = array<i32>} : memref<100x16xi32, #tpu.memory_space<vmem>>, vector<16xi32>,
      %bitcast3A_1016 = vector.bitcast %get3A_1015 : vector<16xi32> to vector<32xbf16>
      %get3A_1017 = arith.constant 58 : i32
      %get3A_1018 = arith.index_cast %get3A_1017 : i32 to index
      %get3A_1019 = arith.constant 0 : index
      %get3A_1020 = tpu.vector_load %arg8[%get3A_1018, %get3A_1019] {strides = array<i32>} : memref<100x16xi32, #tpu.memory_space<vmem>>, vector<16xi32>,
      %bitcast3A_1021 = vector.bitcast %get3A_1020 : vector<16xi32> to vector<32xbf16>
      %get3A_1022 = arith.constant 59 : i32
      %get3A_1023 = arith.index_cast %get3A_1022 : i32 to index
      %get3A_1024 = arith.constant 0 : index
      %get3A_1025 = tpu.vector_load %arg8[%get3A_1023, %get3A_1024] {strides = array<i32>} : memref<100x16xi32, #tpu.memory_space<vmem>>, vector<16xi32>,
      %bitcast3A_1026 = vector.bitcast %get3A_1025 : vector<16xi32> to vector<32xbf16>
      %add3A_1027 = arith.addf %bitcast3A_931, %bitcast3A_936 : vector<32xbf16>
      %add3A_1028 = arith.addf %bitcast3A_941, %bitcast3A_946 : vector<32xbf16>
      %add3A_1029 = arith.addf %bitcast3A_951, %bitcast3A_956 : vector<32xbf16>
      %add3A_1030 = arith.addf %bitcast3A_961, %bitcast3A_966 : vector<32xbf16>
      %add3A_1031 = arith.addf %bitcast3A_971, %bitcast3A_976 : vector<32xbf16>
      %add3A_1032 = arith.addf %bitcast3A_981, %bitcast3A_986 : vector<32xbf16>
      %add3A_1033 = arith.addf %bitcast3A_991, %bitcast3A_996 : vector<32xbf16>
      %add3A_1034 = arith.addf %bitcast3A_1001, %bitcast3A_1006 : vector<32xbf16>
      %add3A_1035 = arith.addf %bitcast3A_1011, %bitcast3A_1016 : vector<32xbf16>
      %add3A_1036 = arith.addf %bitcast3A_1021, %bitcast3A_1026 : vector<32xbf16>
      %add3A_1037 = arith.addf %add3A_1027, %add3A_1028 : vector<32xbf16>
      %add3A_1038 = arith.addf %add3A_1029, %add3A_1030 : vector<32xbf16>
      %add3A_1039 = arith.addf %add3A_1031, %add3A_1032 : vector<32xbf16>
      %add3A_1040 = arith.addf %add3A_1033, %add3A_1034 : vector<32xbf16>
      %add3A_1041 = arith.addf %add3A_1035, %add3A_1036 : vector<32xbf16>
      %add3A_1042 = arith.addf %add3A_1037, %add3A_1038 : vector<32xbf16>
      %add3A_1043 = arith.addf %add3A_1039, %add3A_1040 : vector<32xbf16>
      %add3A_1044 = arith.addf %add3A_1042, %add3A_1043 : vector<32xbf16>
      %add3A_1045 = arith.addf %add3A_1044, %add3A_1041 : vector<32xbf16>
      %bitcast3A_1046 = vector.bitcast %add3A_1045 : vector<32xbf16> to vector<16xi32>
      %swap3A_1047 = arith.constant 12592 : index
      %swap3A_1048 = tpu.vector_load %arg6[%swap3A_1047] {strides = array<i32>} : memref<12800xi32, #tpu.memory_space<vmem>>, vector<16xi32>,
      tpu.vector_store %arg6[%swap3A_1047], %bitcast3A_1046 {strides = array<i32>} : memref<12800xi32, #tpu.memory_space<vmem>>, vector<16xi32>,
      %get3A_1049 = arith.constant 60 : i32
      %get3A_1050 = arith.index_cast %get3A_1049 : i32 to index
      %get3A_1051 = arith.constant 0 : index
      %get3A_1052 = tpu.vector_load %arg8[%get3A_1050, %get3A_1051] {strides = array<i32>} : memref<100x16xi32, #tpu.memory_space<vmem>>, vector<16xi32>,
      %bitcast3A_1053 = vector.bitcast %get3A_1052 : vector<16xi32> to vector<32xbf16>
      %get3A_1054 = arith.constant 61 : i32
      %get3A_1055 = arith.index_cast %get3A_1054 : i32 to index
      %get3A_1056 = arith.constant 0 : index
      %get3A_1057 = tpu.vector_load %arg8[%get3A_1055, %get3A_1056] {strides = array<i32>} : memref<100x16xi32, #tpu.memory_space<vmem>>, vector<16xi32>,
      %bitcast3A_1058 = vector.bitcast %get3A_1057 : vector<16xi32> to vector<32xbf16>
      %get3A_1059 = arith.constant 62 : i32
      %get3A_1060 = arith.index_cast %get3A_1059 : i32 to index
      %get3A_1061 = arith.constant 0 : index
      %get3A_1062 = tpu.vector_load %arg8[%get3A_1060, %get3A_1061] {strides = array<i32>} : memref<100x16xi32, #tpu.memory_space<vmem>>, vector<16xi32>,
      %bitcast3A_1063 = vector.bitcast %get3A_1062 : vector<16xi32> to vector<32xbf16>
      %get3A_1064 = arith.constant 63 : i32
      %get3A_1065 = arith.index_cast %get3A_1064 : i32 to index
      %get3A_1066 = arith.constant 0 : index
      %get3A_1067 = tpu.vector_load %arg8[%get3A_1065, %get3A_1066] {strides = array<i32>} : memref<100x16xi32, #tpu.memory_space<vmem>>, vector<16xi32>,
      %bitcast3A_1068 = vector.bitcast %get3A_1067 : vector<16xi32> to vector<32xbf16>
      %get3A_1069 = arith.constant 64 : i32
      %get3A_1070 = arith.index_cast %get3A_1069 : i32 to index
      %get3A_1071 = arith.constant 0 : index
      %get3A_1072 = tpu.vector_load %arg8[%get3A_1070, %get3A_1071] {strides = array<i32>} : memref<100x16xi32, #tpu.memory_space<vmem>>, vector<16xi32>,
      %bitcast3A_1073 = vector.bitcast %get3A_1072 : vector<16xi32> to vector<32xbf16>
      %get3A_1074 = arith.constant 65 : i32
      %get3A_1075 = arith.index_cast %get3A_1074 : i32 to index
      %get3A_1076 = arith.constant 0 : index
      %get3A_1077 = tpu.vector_load %arg8[%get3A_1075, %get3A_1076] {strides = array<i32>} : memref<100x16xi32, #tpu.memory_space<vmem>>, vector<16xi32>,
      %bitcast3A_1078 = vector.bitcast %get3A_1077 : vector<16xi32> to vector<32xbf16>
      %get3A_1079 = arith.constant 66 : i32
      %get3A_1080 = arith.index_cast %get3A_1079 : i32 to index
      %get3A_1081 = arith.constant 0 : index
      %get3A_1082 = tpu.vector_load %arg8[%get3A_1080, %get3A_1081] {strides = array<i32>} : memref<100x16xi32, #tpu.memory_space<vmem>>, vector<16xi32>,
      %bitcast3A_1083 = vector.bitcast %get3A_1082 : vector<16xi32> to vector<32xbf16>
      %get3A_1084 = arith.constant 67 : i32
      %get3A_1085 = arith.index_cast %get3A_1084 : i32 to index
      %get3A_1086 = arith.constant 0 : index
      %get3A_1087 = tpu.vector_load %arg8[%get3A_1085, %get3A_1086] {strides = array<i32>} : memref<100x16xi32, #tpu.memory_space<vmem>>, vector<16xi32>,
      %bitcast3A_1088 = vector.bitcast %get3A_1087 : vector<16xi32> to vector<32xbf16>
      %get3A_1089 = arith.constant 68 : i32
      %get3A_1090 = arith.index_cast %get3A_1089 : i32 to index
      %get3A_1091 = arith.constant 0 : index
      %get3A_1092 = tpu.vector_load %arg8[%get3A_1090, %get3A_1091] {strides = array<i32>} : memref<100x16xi32, #tpu.memory_space<vmem>>, vector<16xi32>,
      %bitcast3A_1093 = vector.bitcast %get3A_1092 : vector<16xi32> to vector<32xbf16>
      %get3A_1094 = arith.constant 69 : i32
      %get3A_1095 = arith.index_cast %get3A_1094 : i32 to index
      %get3A_1096 = arith.constant 0 : index
      %get3A_1097 = tpu.vector_load %arg8[%get3A_1095, %get3A_1096] {strides = array<i32>} : memref<100x16xi32, #tpu.memory_space<vmem>>, vector<16xi32>,
      %bitcast3A_1098 = vector.bitcast %get3A_1097 : vector<16xi32> to vector<32xbf16>
      %get3A_1099 = arith.constant 70 : i32
      %get3A_1100 = arith.index_cast %get3A_1099 : i32 to index
      %get3A_1101 = arith.constant 0 : index
      %get3A_1102 = tpu.vector_load %arg8[%get3A_1100, %get3A_1101] {strides = array<i32>} : memref<100x16xi32, #tpu.memory_space<vmem>>, vector<16xi32>,
      %bitcast3A_1103 = vector.bitcast %get3A_1102 : vector<16xi32> to vector<32xbf16>
      %get3A_1104 = arith.constant 71 : i32
      %get3A_1105 = arith.index_cast %get3A_1104 : i32 to index
      %get3A_1106 = arith.constant 0 : index
      %get3A_1107 = tpu.vector_load %arg8[%get3A_1105, %get3A_1106] {strides = array<i32>} : memref<100x16xi32, #tpu.memory_space<vmem>>, vector<16xi32>,
      %bitcast3A_1108 = vector.bitcast %get3A_1107 : vector<16xi32> to vector<32xbf16>
      %get3A_1109 = arith.constant 72 : i32
      %get3A_1110 = arith.index_cast %get3A_1109 : i32 to index
      %get3A_1111 = arith.constant 0 : index
      %get3A_1112 = tpu.vector_load %arg8[%get3A_1110, %get3A_1111] {strides = array<i32>} : memref<100x16xi32, #tpu.memory_space<vmem>>, vector<16xi32>,
      %bitcast3A_1113 = vector.bitcast %get3A_1112 : vector<16xi32> to vector<32xbf16>
      %get3A_1114 = arith.constant 73 : i32
      %get3A_1115 = arith.index_cast %get3A_1114 : i32 to index
      %get3A_1116 = arith.constant 0 : index
      %get3A_1117 = tpu.vector_load %arg8[%get3A_1115, %get3A_1116] {strides = array<i32>} : memref<100x16xi32, #tpu.memory_space<vmem>>, vector<16xi32>,
      %bitcast3A_1118 = vector.bitcast %get3A_1117 : vector<16xi32> to vector<32xbf16>
      %get3A_1119 = arith.constant 74 : i32
      %get3A_1120 = arith.index_cast %get3A_1119 : i32 to index
      %get3A_1121 = arith.constant 0 : index
      %get3A_1122 = tpu.vector_load %arg8[%get3A_1120, %get3A_1121] {strides = array<i32>} : memref<100x16xi32, #tpu.memory_space<vmem>>, vector<16xi32>,
      %bitcast3A_1123 = vector.bitcast %get3A_1122 : vector<16xi32> to vector<32xbf16>
      %get3A_1124 = arith.constant 75 : i32
      %get3A_1125 = arith.index_cast %get3A_1124 : i32 to index
      %get3A_1126 = arith.constant 0 : index
      %get3A_1127 = tpu.vector_load %arg8[%get3A_1125, %get3A_1126] {strides = array<i32>} : memref<100x16xi32, #tpu.memory_space<vmem>>, vector<16xi32>,
      %bitcast3A_1128 = vector.bitcast %get3A_1127 : vector<16xi32> to vector<32xbf16>
      %get3A_1129 = arith.constant 76 : i32
      %get3A_1130 = arith.index_cast %get3A_1129 : i32 to index
      %get3A_1131 = arith.constant 0 : index
      %get3A_1132 = tpu.vector_load %arg8[%get3A_1130, %get3A_1131] {strides = array<i32>} : memref<100x16xi32, #tpu.memory_space<vmem>>, vector<16xi32>,
      %bitcast3A_1133 = vector.bitcast %get3A_1132 : vector<16xi32> to vector<32xbf16>
      %get3A_1134 = arith.constant 77 : i32
      %get3A_1135 = arith.index_cast %get3A_1134 : i32 to index
      %get3A_1136 = arith.constant 0 : index
      %get3A_1137 = tpu.vector_load %arg8[%get3A_1135, %get3A_1136] {strides = array<i32>} : memref<100x16xi32, #tpu.memory_space<vmem>>, vector<16xi32>,
      %bitcast3A_1138 = vector.bitcast %get3A_1137 : vector<16xi32> to vector<32xbf16>
      %get3A_1139 = arith.constant 78 : i32
      %get3A_1140 = arith.index_cast %get3A_1139 : i32 to index
      %get3A_1141 = arith.constant 0 : index
      %get3A_1142 = tpu.vector_load %arg8[%get3A_1140, %get3A_1141] {strides = array<i32>} : memref<100x16xi32, #tpu.memory_space<vmem>>, vector<16xi32>,
      %bitcast3A_1143 = vector.bitcast %get3A_1142 : vector<16xi32> to vector<32xbf16>
      %get3A_1144 = arith.constant 79 : i32
      %get3A_1145 = arith.index_cast %get3A_1144 : i32 to index
      %get3A_1146 = arith.constant 0 : index
      %get3A_1147 = tpu.vector_load %arg8[%get3A_1145, %get3A_1146] {strides = array<i32>} : memref<100x16xi32, #tpu.memory_space<vmem>>, vector<16xi32>,
      %bitcast3A_1148 = vector.bitcast %get3A_1147 : vector<16xi32> to vector<32xbf16>
      %add3A_1149 = arith.addf %bitcast3A_1053, %bitcast3A_1058 : vector<32xbf16>
      %add3A_1150 = arith.addf %bitcast3A_1063, %bitcast3A_1068 : vector<32xbf16>
      %add3A_1151 = arith.addf %bitcast3A_1073, %bitcast3A_1078 : vector<32xbf16>
      %add3A_1152 = arith.addf %bitcast3A_1083, %bitcast3A_1088 : vector<32xbf16>
      %add3A_1153 = arith.addf %bitcast3A_1093, %bitcast3A_1098 : vector<32xbf16>
      %add3A_1154 = arith.addf %bitcast3A_1103, %bitcast3A_1108 : vector<32xbf16>
      %add3A_1155 = arith.addf %bitcast3A_1113, %bitcast3A_1118 : vector<32xbf16>
      %add3A_1156 = arith.addf %bitcast3A_1123, %bitcast3A_1128 : vector<32xbf16>
      %add3A_1157 = arith.addf %bitcast3A_1133, %bitcast3A_1138 : vector<32xbf16>
      %add3A_1158 = arith.addf %bitcast3A_1143, %bitcast3A_1148 : vector<32xbf16>
      %add3A_1159 = arith.addf %add3A_1149, %add3A_1150 : vector<32xbf16>
      %add3A_1160 = arith.addf %add3A_1151, %add3A_1152 : vector<32xbf16>
      %add3A_1161 = arith.addf %add3A_1153, %add3A_1154 : vector<32xbf16>
      %add3A_1162 = arith.addf %add3A_1155, %add3A_1156 : vector<32xbf16>
      %add3A_1163 = arith.addf %add3A_1157, %add3A_1158 : vector<32xbf16>
      %add3A_1164 = arith.addf %add3A_1159, %add3A_1160 : vector<32xbf16>
      %add3A_1165 = arith.addf %add3A_1161, %add3A_1162 : vector<32xbf16>
      %add3A_1166 = arith.addf %add3A_1164, %add3A_1165 : vector<32xbf16>
      %add3A_1167 = arith.addf %add3A_1166, %add3A_1163 : vector<32xbf16>
      %bitcast3A_1168 = vector.bitcast %add3A_1167 : vector<32xbf16> to vector<16xi32>
      %swap3A_1169 = arith.constant 12608 : index
      %swap3A_1170 = tpu.vector_load %arg6[%swap3A_1169] {strides = array<i32>} : memref<12800xi32, #tpu.memory_space<vmem>>, vector<16xi32>,
      tpu.vector_store %arg6[%swap3A_1169], %bitcast3A_1168 {strides = array<i32>} : memref<12800xi32, #tpu.memory_space<vmem>>, vector<16xi32>,
      %get3A_1171 = arith.constant 80 : i32
      %get3A_1172 = arith.index_cast %get3A_1171 : i32 to index
      %get3A_1173 = arith.constant 0 : index
      %get3A_1174 = tpu.vector_load %arg8[%get3A_1172, %get3A_1173] {strides = array<i32>} : memref<100x16xi32, #tpu.memory_space<vmem>>, vector<16xi32>,
      %bitcast3A_1175 = vector.bitcast %get3A_1174 : vector<16xi32> to vector<32xbf16>
      %get3A_1176 = arith.constant 81 : i32
      %get3A_1177 = arith.index_cast %get3A_1176 : i32 to index
      %get3A_1178 = arith.constant 0 : index
      %get3A_1179 = tpu.vector_load %arg8[%get3A_1177, %get3A_1178] {strides = array<i32>} : memref<100x16xi32, #tpu.memory_space<vmem>>, vector<16xi32>,
      %bitcast3A_1180 = vector.bitcast %get3A_1179 : vector<16xi32> to vector<32xbf16>
      %get3A_1181 = arith.constant 82 : i32
      %get3A_1182 = arith.index_cast %get3A_1181 : i32 to index
      %get3A_1183 = arith.constant 0 : index
      %get3A_1184 = tpu.vector_load %arg8[%get3A_1182, %get3A_1183] {strides = array<i32>} : memref<100x16xi32, #tpu.memory_space<vmem>>, vector<16xi32>,
      %bitcast3A_1185 = vector.bitcast %get3A_1184 : vector<16xi32> to vector<32xbf16>
      %get3A_1186 = arith.constant 83 : i32
      %get3A_1187 = arith.index_cast %get3A_1186 : i32 to index
      %get3A_1188 = arith.constant 0 : index
      %get3A_1189 = tpu.vector_load %arg8[%get3A_1187, %get3A_1188] {strides = array<i32>} : memref<100x16xi32, #tpu.memory_space<vmem>>, vector<16xi32>,
      %bitcast3A_1190 = vector.bitcast %get3A_1189 : vector<16xi32> to vector<32xbf16>
      %get3A_1191 = arith.constant 84 : i32
      %get3A_1192 = arith.index_cast %get3A_1191 : i32 to index
      %get3A_1193 = arith.constant 0 : index
      %get3A_1194 = tpu.vector_load %arg8[%get3A_1192, %get3A_1193] {strides = array<i32>} : memref<100x16xi32, #tpu.memory_space<vmem>>, vector<16xi32>,
      %bitcast3A_1195 = vector.bitcast %get3A_1194 : vector<16xi32> to vector<32xbf16>
      %get3A_1196 = arith.constant 85 : i32
      %get3A_1197 = arith.index_cast %get3A_1196 : i32 to index
      %get3A_1198 = arith.constant 0 : index
      %get3A_1199 = tpu.vector_load %arg8[%get3A_1197, %get3A_1198] {strides = array<i32>} : memref<100x16xi32, #tpu.memory_space<vmem>>, vector<16xi32>,
      %bitcast3A_1200 = vector.bitcast %get3A_1199 : vector<16xi32> to vector<32xbf16>
      %get3A_1201 = arith.constant 86 : i32
      %get3A_1202 = arith.index_cast %get3A_1201 : i32 to index
      %get3A_1203 = arith.constant 0 : index
      %get3A_1204 = tpu.vector_load %arg8[%get3A_1202, %get3A_1203] {strides = array<i32>} : memref<100x16xi32, #tpu.memory_space<vmem>>, vector<16xi32>,
      %bitcast3A_1205 = vector.bitcast %get3A_1204 : vector<16xi32> to vector<32xbf16>
      %get3A_1206 = arith.constant 87 : i32
      %get3A_1207 = arith.index_cast %get3A_1206 : i32 to index
      %get3A_1208 = arith.constant 0 : index
      %get3A_1209 = tpu.vector_load %arg8[%get3A_1207, %get3A_1208] {strides = array<i32>} : memref<100x16xi32, #tpu.memory_space<vmem>>, vector<16xi32>,
      %bitcast3A_1210 = vector.bitcast %get3A_1209 : vector<16xi32> to vector<32xbf16>
      %get3A_1211 = arith.constant 88 : i32
      %get3A_1212 = arith.index_cast %get3A_1211 : i32 to index
      %get3A_1213 = arith.constant 0 : index
      %get3A_1214 = tpu.vector_load %arg8[%get3A_1212, %get3A_1213] {strides = array<i32>} : memref<100x16xi32, #tpu.memory_space<vmem>>, vector<16xi32>,
      %bitcast3A_1215 = vector.bitcast %get3A_1214 : vector<16xi32> to vector<32xbf16>
      %get3A_1216 = arith.constant 89 : i32
      %get3A_1217 = arith.index_cast %get3A_1216 : i32 to index
      %get3A_1218 = arith.constant 0 : index
      %get3A_1219 = tpu.vector_load %arg8[%get3A_1217, %get3A_1218] {strides = array<i32>} : memref<100x16xi32, #tpu.memory_space<vmem>>, vector<16xi32>,
      %bitcast3A_1220 = vector.bitcast %get3A_1219 : vector<16xi32> to vector<32xbf16>
      %get3A_1221 = arith.constant 90 : i32
      %get3A_1222 = arith.index_cast %get3A_1221 : i32 to index
      %get3A_1223 = arith.constant 0 : index
      %get3A_1224 = tpu.vector_load %arg8[%get3A_1222, %get3A_1223] {strides = array<i32>} : memref<100x16xi32, #tpu.memory_space<vmem>>, vector<16xi32>,
      %bitcast3A_1225 = vector.bitcast %get3A_1224 : vector<16xi32> to vector<32xbf16>
      %get3A_1226 = arith.constant 91 : i32
      %get3A_1227 = arith.index_cast %get3A_1226 : i32 to index
      %get3A_1228 = arith.constant 0 : index
      %get3A_1229 = tpu.vector_load %arg8[%get3A_1227, %get3A_1228] {strides = array<i32>} : memref<100x16xi32, #tpu.memory_space<vmem>>, vector<16xi32>,
      %bitcast3A_1230 = vector.bitcast %get3A_1229 : vector<16xi32> to vector<32xbf16>
      %get3A_1231 = arith.constant 92 : i32
      %get3A_1232 = arith.index_cast %get3A_1231 : i32 to index
      %get3A_1233 = arith.constant 0 : index
      %get3A_1234 = tpu.vector_load %arg8[%get3A_1232, %get3A_1233] {strides = array<i32>} : memref<100x16xi32, #tpu.memory_space<vmem>>, vector<16xi32>,
      %bitcast3A_1235 = vector.bitcast %get3A_1234 : vector<16xi32> to vector<32xbf16>
      %get3A_1236 = arith.constant 93 : i32
      %get3A_1237 = arith.index_cast %get3A_1236 : i32 to index
      %get3A_1238 = arith.constant 0 : index
      %get3A_1239 = tpu.vector_load %arg8[%get3A_1237, %get3A_1238] {strides = array<i32>} : memref<100x16xi32, #tpu.memory_space<vmem>>, vector<16xi32>,
      %bitcast3A_1240 = vector.bitcast %get3A_1239 : vector<16xi32> to vector<32xbf16>
      %get3A_1241 = arith.constant 94 : i32
      %get3A_1242 = arith.index_cast %get3A_1241 : i32 to index
      %get3A_1243 = arith.constant 0 : index
      %get3A_1244 = tpu.vector_load %arg8[%get3A_1242, %get3A_1243] {strides = array<i32>} : memref<100x16xi32, #tpu.memory_space<vmem>>, vector<16xi32>,
      %bitcast3A_1245 = vector.bitcast %get3A_1244 : vector<16xi32> to vector<32xbf16>
      %get3A_1246 = arith.constant 95 : i32
      %get3A_1247 = arith.index_cast %get3A_1246 : i32 to index
      %get3A_1248 = arith.constant 0 : index
      %get3A_1249 = tpu.vector_load %arg8[%get3A_1247, %get3A_1248] {strides = array<i32>} : memref<100x16xi32, #tpu.memory_space<vmem>>, vector<16xi32>,
      %bitcast3A_1250 = vector.bitcast %get3A_1249 : vector<16xi32> to vector<32xbf16>
      %get3A_1251 = arith.constant 96 : i32
      %get3A_1252 = arith.index_cast %get3A_1251 : i32 to index
      %get3A_1253 = arith.constant 0 : index
      %get3A_1254 = tpu.vector_load %arg8[%get3A_1252, %get3A_1253] {strides = array<i32>} : memref<100x16xi32, #tpu.memory_space<vmem>>, vector<16xi32>,
      %bitcast3A_1255 = vector.bitcast %get3A_1254 : vector<16xi32> to vector<32xbf16>
      %get3A_1256 = arith.constant 97 : i32
      %get3A_1257 = arith.index_cast %get3A_1256 : i32 to index
      %get3A_1258 = arith.constant 0 : index
      %get3A_1259 = tpu.vector_load %arg8[%get3A_1257, %get3A_1258] {strides = array<i32>} : memref<100x16xi32, #tpu.memory_space<vmem>>, vector<16xi32>,
      %bitcast3A_1260 = vector.bitcast %get3A_1259 : vector<16xi32> to vector<32xbf16>
      %get3A_1261 = arith.constant 98 : i32
      %get3A_1262 = arith.index_cast %get3A_1261 : i32 to index
      %get3A_1263 = arith.constant 0 : index
      %get3A_1264 = tpu.vector_load %arg8[%get3A_1262, %get3A_1263] {strides = array<i32>} : memref<100x16xi32, #tpu.memory_space<vmem>>, vector<16xi32>,
      %bitcast3A_1265 = vector.bitcast %get3A_1264 : vector<16xi32> to vector<32xbf16>
      %get3A_1266 = arith.constant 99 : i32
      %get3A_1267 = arith.index_cast %get3A_1266 : i32 to index
      %get3A_1268 = arith.constant 0 : index
      %get3A_1269 = tpu.vector_load %arg8[%get3A_1267, %get3A_1268] {strides = array<i32>} : memref<100x16xi32, #tpu.memory_space<vmem>>, vector<16xi32>,
      %bitcast3A_1270 = vector.bitcast %get3A_1269 : vector<16xi32> to vector<32xbf16>
      %add3A_1271 = arith.addf %bitcast3A_1175, %bitcast3A_1180 : vector<32xbf16>
      %add3A_1272 = arith.addf %bitcast3A_1185, %bitcast3A_1190 : vector<32xbf16>
      %add3A_1273 = arith.addf %bitcast3A_1195, %bitcast3A_1200 : vector<32xbf16>
      %add3A_1274 = arith.addf %bitcast3A_1205, %bitcast3A_1210 : vector<32xbf16>
      %add3A_1275 = arith.addf %bitcast3A_1215, %bitcast3A_1220 : vector<32xbf16>
      %add3A_1276 = arith.addf %bitcast3A_1225, %bitcast3A_1230 : vector<32xbf16>
      %add3A_1277 = arith.addf %bitcast3A_1235, %bitcast3A_1240 : vector<32xbf16>
      %add3A_1278 = arith.addf %bitcast3A_1245, %bitcast3A_1250 : vector<32xbf16>
      %add3A_1279 = arith.addf %bitcast3A_1255, %bitcast3A_1260 : vector<32xbf16>
      %add3A_1280 = arith.addf %bitcast3A_1265, %bitcast3A_1270 : vector<32xbf16>
      %add3A_1281 = arith.addf %add3A_1271, %add3A_1272 : vector<32xbf16>
      %add3A_1282 = arith.addf %add3A_1273, %add3A_1274 : vector<32xbf16>
      %add3A_1283 = arith.addf %add3A_1275, %add3A_1276 : vector<32xbf16>
      %add3A_1284 = arith.addf %add3A_1277, %add3A_1278 : vector<32xbf16>
      %add3A_1285 = arith.addf %add3A_1279, %add3A_1280 : vector<32xbf16>
      %add3A_1286 = arith.addf %add3A_1281, %add3A_1282 : vector<32xbf16>
      %add3A_1287 = arith.addf %add3A_1283, %add3A_1284 : vector<32xbf16>
      %add3A_1288 = arith.addf %add3A_1286, %add3A_1287 : vector<32xbf16>
      %add3A_1289 = arith.addf %add3A_1288, %add3A_1285 : vector<32xbf16>
      %bitcast3A_1290 = vector.bitcast %add3A_1289 : vector<32xbf16> to vector<16xi32>
      %swap3A_1291 = arith.constant 12624 : index
      %swap3A_1292 = tpu.vector_load %arg6[%swap3A_1291] {strides = array<i32>} : memref<12800xi32, #tpu.memory_space<vmem>>, vector<16xi32>,
      tpu.vector_store %arg6[%swap3A_1291], %bitcast3A_1290 {strides = array<i32>} : memref<12800xi32, #tpu.memory_space<vmem>>, vector<16xi32>,
      %dma_wait3A_1293 = arith.constant 158 : i32
      %dma_wait3A_1294 = arith.constant 0 : i32
      %dma_wait3A_1295 = tpu.memref_slice %arg5[%dma_wait3A_1293, %dma_wait3A_1294] : memref<160x100xi32, #tpu.memory_space<vmem>> -> memref<1x100xi32, #tpu.memory_space<vmem>>
      %dma_wait3A_1296 = tpu.memref_squeeze %dma_wait3A_1295 : memref<1x100xi32, #tpu.memory_space<vmem>> -> memref<100xi32, #tpu.memory_space<vmem>>
      %dma_wait3A_1297 = arith.constant 0 : i32
      %dma_wait3A_1298 = arith.constant 0 : i32
      %dma_wait3A_1299 = tpu.memref_slice %arg11[%dma_wait3A_1297, %dma_wait3A_1298] : memref<1000x16xi32, #tpu.memory_space<vmem_shared>> -> memref<1000x16xi32, #tpu.memory_space<vmem_shared>>
      tpu.wait_indirect_dma semaphore(%arg14 : memref<!tpu.dma_semaphore, #tpu.memory_space<semaphore_mem>>) src(%dma_wait3A_1299 : memref<1000x16xi32, #tpu.memory_space<vmem_shared>>) dst(%arg9 : memref<100x16xi32, #tpu.memory_space<vmem>>)
      %get3A_1300 = arith.constant 0 : i32
      %get3A_1301 = arith.index_cast %get3A_1300 : i32 to index
      %get3A_1302 = arith.constant 0 : index
      %get3A_1303 = tpu.vector_load %arg9[%get3A_1301, %get3A_1302] {strides = array<i32>} : memref<100x16xi32, #tpu.memory_space<vmem>>, vector<16xi32>,
      %bitcast3A_1304 = vector.bitcast %get3A_1303 : vector<16xi32> to vector<32xbf16>
      %get3A_1305 = arith.constant 1 : i32
      %get3A_1306 = arith.index_cast %get3A_1305 : i32 to index
      %get3A_1307 = arith.constant 0 : index
      %get3A_1308 = tpu.vector_load %arg9[%get3A_1306, %get3A_1307] {strides = array<i32>} : memref<100x16xi32, #tpu.memory_space<vmem>>, vector<16xi32>,
      %bitcast3A_1309 = vector.bitcast %get3A_1308 : vector<16xi32> to vector<32xbf16>
      %get3A_1310 = arith.constant 2 : i32
      %get3A_1311 = arith.index_cast %get3A_1310 : i32 to index
      %get3A_1312 = arith.constant 0 : index
      %get3A_1313 = tpu.vector_load %arg9[%get3A_1311, %get3A_1312] {strides = array<i32>} : memref<100x16xi32, #tpu.memory_space<vmem>>, vector<16xi32>,
      %bitcast3A_1314 = vector.bitcast %get3A_1313 : vector<16xi32> to vector<32xbf16>
      %get3A_1315 = arith.constant 3 : i32
      %get3A_1316 = arith.index_cast %get3A_1315 : i32 to index
      %get3A_1317 = arith.constant 0 : index
      %get3A_1318 = tpu.vector_load %arg9[%get3A_1316, %get3A_1317] {strides = array<i32>} : memref<100x16xi32, #tpu.memory_space<vmem>>, vector<16xi32>,
      %bitcast3A_1319 = vector.bitcast %get3A_1318 : vector<16xi32> to vector<32xbf16>
      %get3A_1320 = arith.constant 4 : i32
      %get3A_1321 = arith.index_cast %get3A_1320 : i32 to index
      %get3A_1322 = arith.constant 0 : index
      %get3A_1323 = tpu.vector_load %arg9[%get3A_1321, %get3A_1322] {strides = array<i32>} : memref<100x16xi32, #tpu.memory_space<vmem>>, vector<16xi32>,
      %bitcast3A_1324 = vector.bitcast %get3A_1323 : vector<16xi32> to vector<32xbf16>
      %get3A_1325 = arith.constant 5 : i32
      %get3A_1326 = arith.index_cast %get3A_1325 : i32 to index
      %get3A_1327 = arith.constant 0 : index
      %get3A_1328 = tpu.vector_load %arg9[%get3A_1326, %get3A_1327] {strides = array<i32>} : memref<100x16xi32, #tpu.memory_space<vmem>>, vector<16xi32>,
      %bitcast3A_1329 = vector.bitcast %get3A_1328 : vector<16xi32> to vector<32xbf16>
      %get3A_1330 = arith.constant 6 : i32
      %get3A_1331 = arith.index_cast %get3A_1330 : i32 to index
      %get3A_1332 = arith.constant 0 : index
      %get3A_1333 = tpu.vector_load %arg9[%get3A_1331, %get3A_1332] {strides = array<i32>} : memref<100x16xi32, #tpu.memory_space<vmem>>, vector<16xi32>,
      %bitcast3A_1334 = vector.bitcast %get3A_1333 : vector<16xi32> to vector<32xbf16>
      %get3A_1335 = arith.constant 7 : i32
      %get3A_1336 = arith.index_cast %get3A_1335 : i32 to index
      %get3A_1337 = arith.constant 0 : index
      %get3A_1338 = tpu.vector_load %arg9[%get3A_1336, %get3A_1337] {strides = array<i32>} : memref<100x16xi32, #tpu.memory_space<vmem>>, vector<16xi32>,
      %bitcast3A_1339 = vector.bitcast %get3A_1338 : vector<16xi32> to vector<32xbf16>
      %get3A_1340 = arith.constant 8 : i32
      %get3A_1341 = arith.index_cast %get3A_1340 : i32 to index
      %get3A_1342 = arith.constant 0 : index
      %get3A_1343 = tpu.vector_load %arg9[%get3A_1341, %get3A_1342] {strides = array<i32>} : memref<100x16xi32, #tpu.memory_space<vmem>>, vector<16xi32>,
      %bitcast3A_1344 = vector.bitcast %get3A_1343 : vector<16xi32> to vector<32xbf16>
      %get3A_1345 = arith.constant 9 : i32
      %get3A_1346 = arith.index_cast %get3A_1345 : i32 to index
      %get3A_1347 = arith.constant 0 : index
      %get3A_1348 = tpu.vector_load %arg9[%get3A_1346, %get3A_1347] {strides = array<i32>} : memref<100x16xi32, #tpu.memory_space<vmem>>, vector<16xi32>,
      %bitcast3A_1349 = vector.bitcast %get3A_1348 : vector<16xi32> to vector<32xbf16>
      %get3A_1350 = arith.constant 10 : i32
      %get3A_1351 = arith.index_cast %get3A_1350 : i32 to index
      %get3A_1352 = arith.constant 0 : index
      %get3A_1353 = tpu.vector_load %arg9[%get3A_1351, %get3A_1352] {strides = array<i32>} : memref<100x16xi32, #tpu.memory_space<vmem>>, vector<16xi32>,
      %bitcast3A_1354 = vector.bitcast %get3A_1353 : vector<16xi32> to vector<32xbf16>
      %get3A_1355 = arith.constant 11 : i32
      %get3A_1356 = arith.index_cast %get3A_1355 : i32 to index
      %get3A_1357 = arith.constant 0 : index
      %get3A_1358 = tpu.vector_load %arg9[%get3A_1356, %get3A_1357] {strides = array<i32>} : memref<100x16xi32, #tpu.memory_space<vmem>>, vector<16xi32>,
      %bitcast3A_1359 = vector.bitcast %get3A_1358 : vector<16xi32> to vector<32xbf16>
      %get3A_1360 = arith.constant 12 : i32
      %get3A_1361 = arith.index_cast %get3A_1360 : i32 to index
      %get3A_1362 = arith.constant 0 : index
      %get3A_1363 = tpu.vector_load %arg9[%get3A_1361, %get3A_1362] {strides = array<i32>} : memref<100x16xi32, #tpu.memory_space<vmem>>, vector<16xi32>,
      %bitcast3A_1364 = vector.bitcast %get3A_1363 : vector<16xi32> to vector<32xbf16>
      %get3A_1365 = arith.constant 13 : i32
      %get3A_1366 = arith.index_cast %get3A_1365 : i32 to index
      %get3A_1367 = arith.constant 0 : index
      %get3A_1368 = tpu.vector_load %arg9[%get3A_1366, %get3A_1367] {strides = array<i32>} : memref<100x16xi32, #tpu.memory_space<vmem>>, vector<16xi32>,
      %bitcast3A_1369 = vector.bitcast %get3A_1368 : vector<16xi32> to vector<32xbf16>
      %get3A_1370 = arith.constant 14 : i32
      %get3A_1371 = arith.index_cast %get3A_1370 : i32 to index
      %get3A_1372 = arith.constant 0 : index
      %get3A_1373 = tpu.vector_load %arg9[%get3A_1371, %get3A_1372] {strides = array<i32>} : memref<100x16xi32, #tpu.memory_space<vmem>>, vector<16xi32>,
      %bitcast3A_1374 = vector.bitcast %get3A_1373 : vector<16xi32> to vector<32xbf16>
      %get3A_1375 = arith.constant 15 : i32
      %get3A_1376 = arith.index_cast %get3A_1375 : i32 to index
      %get3A_1377 = arith.constant 0 : index
      %get3A_1378 = tpu.vector_load %arg9[%get3A_1376, %get3A_1377] {strides = array<i32>} : memref<100x16xi32, #tpu.memory_space<vmem>>, vector<16xi32>,
      %bitcast3A_1379 = vector.bitcast %get3A_1378 : vector<16xi32> to vector<32xbf16>
      %get3A_1380 = arith.constant 16 : i32
      %get3A_1381 = arith.index_cast %get3A_1380 : i32 to index
      %get3A_1382 = arith.constant 0 : index
      %get3A_1383 = tpu.vector_load %arg9[%get3A_1381, %get3A_1382] {strides = array<i32>} : memref<100x16xi32, #tpu.memory_space<vmem>>, vector<16xi32>,
      %bitcast3A_1384 = vector.bitcast %get3A_1383 : vector<16xi32> to vector<32xbf16>
      %get3A_1385 = arith.constant 17 : i32
      %get3A_1386 = arith.index_cast %get3A_1385 : i32 to index
      %get3A_1387 = arith.constant 0 : index
      %get3A_1388 = tpu.vector_load %arg9[%get3A_1386, %get3A_1387] {strides = array<i32>} : memref<100x16xi32, #tpu.memory_space<vmem>>, vector<16xi32>,
      %bitcast3A_1389 = vector.bitcast %get3A_1388 : vector<16xi32> to vector<32xbf16>
      %get3A_1390 = arith.constant 18 : i32
      %get3A_1391 = arith.index_cast %get3A_1390 : i32 to index
      %get3A_1392 = arith.constant 0 : index
      %get3A_1393 = tpu.vector_load %arg9[%get3A_1391, %get3A_1392] {strides = array<i32>} : memref<100x16xi32, #tpu.memory_space<vmem>>, vector<16xi32>,
      %bitcast3A_1394 = vector.bitcast %get3A_1393 : vector<16xi32> to vector<32xbf16>
      %get3A_1395 = arith.constant 19 : i32
      %get3A_1396 = arith.index_cast %get3A_1395 : i32 to index
      %get3A_1397 = arith.constant 0 : index
      %get3A_1398 = tpu.vector_load %arg9[%get3A_1396, %get3A_1397] {strides = array<i32>} : memref<100x16xi32, #tpu.memory_space<vmem>>, vector<16xi32>,
      %bitcast3A_1399 = vector.bitcast %get3A_1398 : vector<16xi32> to vector<32xbf16>
      %add3A_1400 = arith.addf %bitcast3A_1304, %bitcast3A_1309 : vector<32xbf16>
      %add3A_1401 = arith.addf %bitcast3A_1314, %bitcast3A_1319 : vector<32xbf16>
      %add3A_1402 = arith.addf %bitcast3A_1324, %bitcast3A_1329 : vector<32xbf16>
      %add3A_1403 = arith.addf %bitcast3A_1334, %bitcast3A_1339 : vector<32xbf16>
      %add3A_1404 = arith.addf %bitcast3A_1344, %bitcast3A_1349 : vector<32xbf16>
      %add3A_1405 = arith.addf %bitcast3A_1354, %bitcast3A_1359 : vector<32xbf16>
      %add3A_1406 = arith.addf %bitcast3A_1364, %bitcast3A_1369 : vector<32xbf16>
      %add3A_1407 = arith.addf %bitcast3A_1374, %bitcast3A_1379 : vector<32xbf16>
      %add3A_1408 = arith.addf %bitcast3A_1384, %bitcast3A_1389 : vector<32xbf16>
      %add3A_1409 = arith.addf %bitcast3A_1394, %bitcast3A_1399 : vector<32xbf16>
      %add3A_1410 = arith.addf %add3A_1400, %add3A_1401 : vector<32xbf16>
      %add3A_1411 = arith.addf %add3A_1402, %add3A_1403 : vector<32xbf16>
      %add3A_1412 = arith.addf %add3A_1404, %add3A_1405 : vector<32xbf16>
      %add3A_1413 = arith.addf %add3A_1406, %add3A_1407 : vector<32xbf16>
      %add3A_1414 = arith.addf %add3A_1408, %add3A_1409 : vector<32xbf16>
      %add3A_1415 = arith.addf %add3A_1410, %add3A_1411 : vector<32xbf16>
      %add3A_1416 = arith.addf %add3A_1412, %add3A_1413 : vector<32xbf16>
      %add3A_1417 = arith.addf %add3A_1415, %add3A_1416 : vector<32xbf16>
      %add3A_1418 = arith.addf %add3A_1417, %add3A_1414 : vector<32xbf16>
      %bitcast3A_1419 = vector.bitcast %add3A_1418 : vector<32xbf16> to vector<16xi32>
      %swap3A_1420 = arith.constant 12640 : index
      %swap3A_1421 = tpu.vector_load %arg6[%swap3A_1420] {strides = array<i32>} : memref<12800xi32, #tpu.memory_space<vmem>>, vector<16xi32>,
      tpu.vector_store %arg6[%swap3A_1420], %bitcast3A_1419 {strides = array<i32>} : memref<12800xi32, #tpu.memory_space<vmem>>, vector<16xi32>,
      %get3A_1422 = arith.constant 20 : i32
      %get3A_1423 = arith.index_cast %get3A_1422 : i32 to index
      %get3A_1424 = arith.constant 0 : index
      %get3A_1425 = tpu.vector_load %arg9[%get3A_1423, %get3A_1424] {strides = array<i32>} : memref<100x16xi32, #tpu.memory_space<vmem>>, vector<16xi32>,
      %bitcast3A_1426 = vector.bitcast %get3A_1425 : vector<16xi32> to vector<32xbf16>
      %get3A_1427 = arith.constant 21 : i32
      %get3A_1428 = arith.index_cast %get3A_1427 : i32 to index
      %get3A_1429 = arith.constant 0 : index
      %get3A_1430 = tpu.vector_load %arg9[%get3A_1428, %get3A_1429] {strides = array<i32>} : memref<100x16xi32, #tpu.memory_space<vmem>>, vector<16xi32>,
      %bitcast3A_1431 = vector.bitcast %get3A_1430 : vector<16xi32> to vector<32xbf16>
      %get3A_1432 = arith.constant 22 : i32
      %get3A_1433 = arith.index_cast %get3A_1432 : i32 to index
      %get3A_1434 = arith.constant 0 : index
      %get3A_1435 = tpu.vector_load %arg9[%get3A_1433, %get3A_1434] {strides = array<i32>} : memref<100x16xi32, #tpu.memory_space<vmem>>, vector<16xi32>,
      %bitcast3A_1436 = vector.bitcast %get3A_1435 : vector<16xi32> to vector<32xbf16>
      %get3A_1437 = arith.constant 23 : i32
      %get3A_1438 = arith.index_cast %get3A_1437 : i32 to index
      %get3A_1439 = arith.constant 0 : index
      %get3A_1440 = tpu.vector_load %arg9[%get3A_1438, %get3A_1439] {strides = array<i32>} : memref<100x16xi32, #tpu.memory_space<vmem>>, vector<16xi32>,
      %bitcast3A_1441 = vector.bitcast %get3A_1440 : vector<16xi32> to vector<32xbf16>
      %get3A_1442 = arith.constant 24 : i32
      %get3A_1443 = arith.index_cast %get3A_1442 : i32 to index
      %get3A_1444 = arith.constant 0 : index
      %get3A_1445 = tpu.vector_load %arg9[%get3A_1443, %get3A_1444] {strides = array<i32>} : memref<100x16xi32, #tpu.memory_space<vmem>>, vector<16xi32>,
      %bitcast3A_1446 = vector.bitcast %get3A_1445 : vector<16xi32> to vector<32xbf16>
      %get3A_1447 = arith.constant 25 : i32
      %get3A_1448 = arith.index_cast %get3A_1447 : i32 to index
      %get3A_1449 = arith.constant 0 : index
      %get3A_1450 = tpu.vector_load %arg9[%get3A_1448, %get3A_1449] {strides = array<i32>} : memref<100x16xi32, #tpu.memory_space<vmem>>, vector<16xi32>,
      %bitcast3A_1451 = vector.bitcast %get3A_1450 : vector<16xi32> to vector<32xbf16>
      %get3A_1452 = arith.constant 26 : i32
      %get3A_1453 = arith.index_cast %get3A_1452 : i32 to index
      %get3A_1454 = arith.constant 0 : index
      %get3A_1455 = tpu.vector_load %arg9[%get3A_1453, %get3A_1454] {strides = array<i32>} : memref<100x16xi32, #tpu.memory_space<vmem>>, vector<16xi32>,
      %bitcast3A_1456 = vector.bitcast %get3A_1455 : vector<16xi32> to vector<32xbf16>
      %get3A_1457 = arith.constant 27 : i32
      %get3A_1458 = arith.index_cast %get3A_1457 : i32 to index
      %get3A_1459 = arith.constant 0 : index
      %get3A_1460 = tpu.vector_load %arg9[%get3A_1458, %get3A_1459] {strides = array<i32>} : memref<100x16xi32, #tpu.memory_space<vmem>>, vector<16xi32>,
      %bitcast3A_1461 = vector.bitcast %get3A_1460 : vector<16xi32> to vector<32xbf16>
      %get3A_1462 = arith.constant 28 : i32
      %get3A_1463 = arith.index_cast %get3A_1462 : i32 to index
      %get3A_1464 = arith.constant 0 : index
      %get3A_1465 = tpu.vector_load %arg9[%get3A_1463, %get3A_1464] {strides = array<i32>} : memref<100x16xi32, #tpu.memory_space<vmem>>, vector<16xi32>,
      %bitcast3A_1466 = vector.bitcast %get3A_1465 : vector<16xi32> to vector<32xbf16>
      %get3A_1467 = arith.constant 29 : i32
      %get3A_1468 = arith.index_cast %get3A_1467 : i32 to index
      %get3A_1469 = arith.constant 0 : index
      %get3A_1470 = tpu.vector_load %arg9[%get3A_1468, %get3A_1469] {strides = array<i32>} : memref<100x16xi32, #tpu.memory_space<vmem>>, vector<16xi32>,
      %bitcast3A_1471 = vector.bitcast %get3A_1470 : vector<16xi32> to vector<32xbf16>
      %get3A_1472 = arith.constant 30 : i32
      %get3A_1473 = arith.index_cast %get3A_1472 : i32 to index
      %get3A_1474 = arith.constant 0 : index
      %get3A_1475 = tpu.vector_load %arg9[%get3A_1473, %get3A_1474] {strides = array<i32>} : memref<100x16xi32, #tpu.memory_space<vmem>>, vector<16xi32>,
      %bitcast3A_1476 = vector.bitcast %get3A_1475 : vector<16xi32> to vector<32xbf16>
      %get3A_1477 = arith.constant 31 : i32
      %get3A_1478 = arith.index_cast %get3A_1477 : i32 to index
      %get3A_1479 = arith.constant 0 : index
      %get3A_1480 = tpu.vector_load %arg9[%get3A_1478, %get3A_1479] {strides = array<i32>} : memref<100x16xi32, #tpu.memory_space<vmem>>, vector<16xi32>,
      %bitcast3A_1481 = vector.bitcast %get3A_1480 : vector<16xi32> to vector<32xbf16>
      %get3A_1482 = arith.constant 32 : i32
      %get3A_1483 = arith.index_cast %get3A_1482 : i32 to index
      %get3A_1484 = arith.constant 0 : index
      %get3A_1485 = tpu.vector_load %arg9[%get3A_1483, %get3A_1484] {strides = array<i32>} : memref<100x16xi32, #tpu.memory_space<vmem>>, vector<16xi32>,
      %bitcast3A_1486 = vector.bitcast %get3A_1485 : vector<16xi32> to vector<32xbf16>
      %get3A_1487 = arith.constant 33 : i32
      %get3A_1488 = arith.index_cast %get3A_1487 : i32 to index
      %get3A_1489 = arith.constant 0 : index
      %get3A_1490 = tpu.vector_load %arg9[%get3A_1488, %get3A_1489] {strides = array<i32>} : memref<100x16xi32, #tpu.memory_space<vmem>>, vector<16xi32>,
      %bitcast3A_1491 = vector.bitcast %get3A_1490 : vector<16xi32> to vector<32xbf16>
      %get3A_1492 = arith.constant 34 : i32
      %get3A_1493 = arith.index_cast %get3A_1492 : i32 to index
      %get3A_1494 = arith.constant 0 : index
      %get3A_1495 = tpu.vector_load %arg9[%get3A_1493, %get3A_1494] {strides = array<i32>} : memref<100x16xi32, #tpu.memory_space<vmem>>, vector<16xi32>,
      %bitcast3A_1496 = vector.bitcast %get3A_1495 : vector<16xi32> to vector<32xbf16>
      %get3A_1497 = arith.constant 35 : i32
      %get3A_1498 = arith.index_cast %get3A_1497 : i32 to index
      %get3A_1499 = arith.constant 0 : index
      %get3A_1500 = tpu.vector_load %arg9[%get3A_1498, %get3A_1499] {strides = array<i32>} : memref<100x16xi32, #tpu.memory_space<vmem>>, vector<16xi32>,
      %bitcast3A_1501 = vector.bitcast %get3A_1500 : vector<16xi32> to vector<32xbf16>
      %get3A_1502 = arith.constant 36 : i32
      %get3A_1503 = arith.index_cast %get3A_1502 : i32 to index
      %get3A_1504 = arith.constant 0 : index
      %get3A_1505 = tpu.vector_load %arg9[%get3A_1503, %get3A_1504] {strides = array<i32>} : memref<100x16xi32, #tpu.memory_space<vmem>>, vector<16xi32>,
      %bitcast3A_1506 = vector.bitcast %get3A_1505 : vector<16xi32> to vector<32xbf16>
      %get3A_1507 = arith.constant 37 : i32
      %get3A_1508 = arith.index_cast %get3A_1507 : i32 to index
      %get3A_1509 = arith.constant 0 : index
      %get3A_1510 = tpu.vector_load %arg9[%get3A_1508, %get3A_1509] {strides = array<i32>} : memref<100x16xi32, #tpu.memory_space<vmem>>, vector<16xi32>,
      %bitcast3A_1511 = vector.bitcast %get3A_1510 : vector<16xi32> to vector<32xbf16>
      %get3A_1512 = arith.constant 38 : i32
      %get3A_1513 = arith.index_cast %get3A_1512 : i32 to index
      %get3A_1514 = arith.constant 0 : index
      %get3A_1515 = tpu.vector_load %arg9[%get3A_1513, %get3A_1514] {strides = array<i32>} : memref<100x16xi32, #tpu.memory_space<vmem>>, vector<16xi32>,
      %bitcast3A_1516 = vector.bitcast %get3A_1515 : vector<16xi32> to vector<32xbf16>
      %get3A_1517 = arith.constant 39 : i32
      %get3A_1518 = arith.index_cast %get3A_1517 : i32 to index
      %get3A_1519 = arith.constant 0 : index
      %get3A_1520 = tpu.vector_load %arg9[%get3A_1518, %get3A_1519] {strides = array<i32>} : memref<100x16xi32, #tpu.memory_space<vmem>>, vector<16xi32>,
      %bitcast3A_1521 = vector.bitcast %get3A_1520 : vector<16xi32> to vector<32xbf16>
      %add3A_1522 = arith.addf %bitcast3A_1426, %bitcast3A_1431 : vector<32xbf16>
      %add3A_1523 = arith.addf %bitcast3A_1436, %bitcast3A_1441 : vector<32xbf16>
      %add3A_1524 = arith.addf %bitcast3A_1446, %bitcast3A_1451 : vector<32xbf16>
      %add3A_1525 = arith.addf %bitcast3A_1456, %bitcast3A_1461 : vector<32xbf16>
      %add3A_1526 = arith.addf %bitcast3A_1466, %bitcast3A_1471 : vector<32xbf16>
      %add3A_1527 = arith.addf %bitcast3A_1476, %bitcast3A_1481 : vector<32xbf16>
      %add3A_1528 = arith.addf %bitcast3A_1486, %bitcast3A_1491 : vector<32xbf16>
      %add3A_1529 = arith.addf %bitcast3A_1496, %bitcast3A_1501 : vector<32xbf16>
      %add3A_1530 = arith.addf %bitcast3A_1506, %bitcast3A_1511 : vector<32xbf16>
      %add3A_1531 = arith.addf %bitcast3A_1516, %bitcast3A_1521 : vector<32xbf16>
      %add3A_1532 = arith.addf %add3A_1522, %add3A_1523 : vector<32xbf16>
      %add3A_1533 = arith.addf %add3A_1524, %add3A_1525 : vector<32xbf16>
      %add3A_1534 = arith.addf %add3A_1526, %add3A_1527 : vector<32xbf16>
      %add3A_1535 = arith.addf %add3A_1528, %add3A_1529 : vector<32xbf16>
      %add3A_1536 = arith.addf %add3A_1530, %add3A_1531 : vector<32xbf16>
      %add3A_1537 = arith.addf %add3A_1532, %add3A_1533 : vector<32xbf16>
      %add3A_1538 = arith.addf %add3A_1534, %add3A_1535 : vector<32xbf16>
      %add3A_1539 = arith.addf %add3A_1537, %add3A_1538 : vector<32xbf16>
      %add3A_1540 = arith.addf %add3A_1539, %add3A_1536 : vector<32xbf16>
      %bitcast3A_1541 = vector.bitcast %add3A_1540 : vector<32xbf16> to vector<16xi32>
      %swap3A_1542 = arith.constant 12656 : index
      %swap3A_1543 = tpu.vector_load %arg6[%swap3A_1542] {strides = array<i32>} : memref<12800xi32, #tpu.memory_space<vmem>>, vector<16xi32>,
      tpu.vector_store %arg6[%swap3A_1542], %bitcast3A_1541 {strides = array<i32>} : memref<12800xi32, #tpu.memory_space<vmem>>, vector<16xi32>,
      %get3A_1544 = arith.constant 40 : i32
      %get3A_1545 = arith.index_cast %get3A_1544 : i32 to index
      %get3A_1546 = arith.constant 0 : index
      %get3A_1547 = tpu.vector_load %arg9[%get3A_1545, %get3A_1546] {strides = array<i32>} : memref<100x16xi32, #tpu.memory_space<vmem>>, vector<16xi32>,
      %bitcast3A_1548 = vector.bitcast %get3A_1547 : vector<16xi32> to vector<32xbf16>
      %get3A_1549 = arith.constant 41 : i32
      %get3A_1550 = arith.index_cast %get3A_1549 : i32 to index
      %get3A_1551 = arith.constant 0 : index
      %get3A_1552 = tpu.vector_load %arg9[%get3A_1550, %get3A_1551] {strides = array<i32>} : memref<100x16xi32, #tpu.memory_space<vmem>>, vector<16xi32>,
      %bitcast3A_1553 = vector.bitcast %get3A_1552 : vector<16xi32> to vector<32xbf16>
      %get3A_1554 = arith.constant 42 : i32
      %get3A_1555 = arith.index_cast %get3A_1554 : i32 to index
      %get3A_1556 = arith.constant 0 : index
      %get3A_1557 = tpu.vector_load %arg9[%get3A_1555, %get3A_1556] {strides = array<i32>} : memref<100x16xi32, #tpu.memory_space<vmem>>, vector<16xi32>,
      %bitcast3A_1558 = vector.bitcast %get3A_1557 : vector<16xi32> to vector<32xbf16>
      %get3A_1559 = arith.constant 43 : i32
      %get3A_1560 = arith.index_cast %get3A_1559 : i32 to index
      %get3A_1561 = arith.constant 0 : index
      %get3A_1562 = tpu.vector_load %arg9[%get3A_1560, %get3A_1561] {strides = array<i32>} : memref<100x16xi32, #tpu.memory_space<vmem>>, vector<16xi32>,
      %bitcast3A_1563 = vector.bitcast %get3A_1562 : vector<16xi32> to vector<32xbf16>
      %get3A_1564 = arith.constant 44 : i32
      %get3A_1565 = arith.index_cast %get3A_1564 : i32 to index
      %get3A_1566 = arith.constant 0 : index
      %get3A_1567 = tpu.vector_load %arg9[%get3A_1565, %get3A_1566] {strides = array<i32>} : memref<100x16xi32, #tpu.memory_space<vmem>>, vector<16xi32>,
      %bitcast3A_1568 = vector.bitcast %get3A_1567 : vector<16xi32> to vector<32xbf16>
      %get3A_1569 = arith.constant 45 : i32
      %get3A_1570 = arith.index_cast %get3A_1569 : i32 to index
      %get3A_1571 = arith.constant 0 : index
      %get3A_1572 = tpu.vector_load %arg9[%get3A_1570, %get3A_1571] {strides = array<i32>} : memref<100x16xi32, #tpu.memory_space<vmem>>, vector<16xi32>,
      %bitcast3A_1573 = vector.bitcast %get3A_1572 : vector<16xi32> to vector<32xbf16>
      %get3A_1574 = arith.constant 46 : i32
      %get3A_1575 = arith.index_cast %get3A_1574 : i32 to index
      %get3A_1576 = arith.constant 0 : index
      %get3A_1577 = tpu.vector_load %arg9[%get3A_1575, %get3A_1576] {strides = array<i32>} : memref<100x16xi32, #tpu.memory_space<vmem>>, vector<16xi32>,
      %bitcast3A_1578 = vector.bitcast %get3A_1577 : vector<16xi32> to vector<32xbf16>
      %get3A_1579 = arith.constant 47 : i32
      %get3A_1580 = arith.index_cast %get3A_1579 : i32 to index
      %get3A_1581 = arith.constant 0 : index
      %get3A_1582 = tpu.vector_load %arg9[%get3A_1580, %get3A_1581] {strides = array<i32>} : memref<100x16xi32, #tpu.memory_space<vmem>>, vector<16xi32>,
      %bitcast3A_1583 = vector.bitcast %get3A_1582 : vector<16xi32> to vector<32xbf16>
      %get3A_1584 = arith.constant 48 : i32
      %get3A_1585 = arith.index_cast %get3A_1584 : i32 to index
      %get3A_1586 = arith.constant 0 : index
      %get3A_1587 = tpu.vector_load %arg9[%get3A_1585, %get3A_1586] {strides = array<i32>} : memref<100x16xi32, #tpu.memory_space<vmem>>, vector<16xi32>,
      %bitcast3A_1588 = vector.bitcast %get3A_1587 : vector<16xi32> to vector<32xbf16>
      %get3A_1589 = arith.constant 49 : i32
      %get3A_1590 = arith.index_cast %get3A_1589 : i32 to index
      %get3A_1591 = arith.constant 0 : index
      %get3A_1592 = tpu.vector_load %arg9[%get3A_1590, %get3A_1591] {strides = array<i32>} : memref<100x16xi32, #tpu.memory_space<vmem>>, vector<16xi32>,
      %bitcast3A_1593 = vector.bitcast %get3A_1592 : vector<16xi32> to vector<32xbf16>
      %get3A_1594 = arith.constant 50 : i32
      %get3A_1595 = arith.index_cast %get3A_1594 : i32 to index
      %get3A_1596 = arith.constant 0 : index
      %get3A_1597 = tpu.vector_load %arg9[%get3A_1595, %get3A_1596] {strides = array<i32>} : memref<100x16xi32, #tpu.memory_space<vmem>>, vector<16xi32>,
      %bitcast3A_1598 = vector.bitcast %get3A_1597 : vector<16xi32> to vector<32xbf16>
      %get3A_1599 = arith.constant 51 : i32
      %get3A_1600 = arith.index_cast %get3A_1599 : i32 to index
      %get3A_1601 = arith.constant 0 : index
      %get3A_1602 = tpu.vector_load %arg9[%get3A_1600, %get3A_1601] {strides = array<i32>} : memref<100x16xi32, #tpu.memory_space<vmem>>, vector<16xi32>,
      %bitcast3A_1603 = vector.bitcast %get3A_1602 : vector<16xi32> to vector<32xbf16>
      %get3A_1604 = arith.constant 52 : i32
      %get3A_1605 = arith.index_cast %get3A_1604 : i32 to index
      %get3A_1606 = arith.constant 0 : index
      %get3A_1607 = tpu.vector_load %arg9[%get3A_1605, %get3A_1606] {strides = array<i32>} : memref<100x16xi32, #tpu.memory_space<vmem>>, vector<16xi32>,
      %bitcast3A_1608 = vector.bitcast %get3A_1607 : vector<16xi32> to vector<32xbf16>
      %get3A_1609 = arith.constant 53 : i32
      %get3A_1610 = arith.index_cast %get3A_1609 : i32 to index
      %get3A_1611 = arith.constant 0 : index
      %get3A_1612 = tpu.vector_load %arg9[%get3A_1610, %get3A_1611] {strides = array<i32>} : memref<100x16xi32, #tpu.memory_space<vmem>>, vector<16xi32>,
      %bitcast3A_1613 = vector.bitcast %get3A_1612 : vector<16xi32> to vector<32xbf16>
      %get3A_1614 = arith.constant 54 : i32
      %get3A_1615 = arith.index_cast %get3A_1614 : i32 to index
      %get3A_1616 = arith.constant 0 : index
      %get3A_1617 = tpu.vector_load %arg9[%get3A_1615, %get3A_1616] {strides = array<i32>} : memref<100x16xi32, #tpu.memory_space<vmem>>, vector<16xi32>,
      %bitcast3A_1618 = vector.bitcast %get3A_1617 : vector<16xi32> to vector<32xbf16>
      %get3A_1619 = arith.constant 55 : i32
      %get3A_1620 = arith.index_cast %get3A_1619 : i32 to index
      %get3A_1621 = arith.constant 0 : index
      %get3A_1622 = tpu.vector_load %arg9[%get3A_1620, %get3A_1621] {strides = array<i32>} : memref<100x16xi32, #tpu.memory_space<vmem>>, vector<16xi32>,
      %bitcast3A_1623 = vector.bitcast %get3A_1622 : vector<16xi32> to vector<32xbf16>
      %get3A_1624 = arith.constant 56 : i32
      %get3A_1625 = arith.index_cast %get3A_1624 : i32 to index
      %get3A_1626 = arith.constant 0 : index
      %get3A_1627 = tpu.vector_load %arg9[%get3A_1625, %get3A_1626] {strides = array<i32>} : memref<100x16xi32, #tpu.memory_space<vmem>>, vector<16xi32>,
      %bitcast3A_1628 = vector.bitcast %get3A_1627 : vector<16xi32> to vector<32xbf16>
      %get3A_1629 = arith.constant 57 : i32
      %get3A_1630 = arith.index_cast %get3A_1629 : i32 to index
      %get3A_1631 = arith.constant 0 : index
      %get3A_1632 = tpu.vector_load %arg9[%get3A_1630, %get3A_1631] {strides = array<i32>} : memref<100x16xi32, #tpu.memory_space<vmem>>, vector<16xi32>,
      %bitcast3A_1633 = vector.bitcast %get3A_1632 : vector<16xi32> to vector<32xbf16>
      %get3A_1634 = arith.constant 58 : i32
      %get3A_1635 = arith.index_cast %get3A_1634 : i32 to index
      %get3A_1636 = arith.constant 0 : index
      %get3A_1637 = tpu.vector_load %arg9[%get3A_1635, %get3A_1636] {strides = array<i32>} : memref<100x16xi32, #tpu.memory_space<vmem>>, vector<16xi32>,
      %bitcast3A_1638 = vector.bitcast %get3A_1637 : vector<16xi32> to vector<32xbf16>
      %get3A_1639 = arith.constant 59 : i32
      %get3A_1640 = arith.index_cast %get3A_1639 : i32 to index
      %get3A_1641 = arith.constant 0 : index
      %get3A_1642 = tpu.vector_load %arg9[%get3A_1640, %get3A_1641] {strides = array<i32>} : memref<100x16xi32, #tpu.memory_space<vmem>>, vector<16xi32>,
      %bitcast3A_1643 = vector.bitcast %get3A_1642 : vector<16xi32> to vector<32xbf16>
      %add3A_1644 = arith.addf %bitcast3A_1548, %bitcast3A_1553 : vector<32xbf16>
      %add3A_1645 = arith.addf %bitcast3A_1558, %bitcast3A_1563 : vector<32xbf16>
      %add3A_1646 = arith.addf %bitcast3A_1568, %bitcast3A_1573 : vector<32xbf16>
      %add3A_1647 = arith.addf %bitcast3A_1578, %bitcast3A_1583 : vector<32xbf16>
      %add3A_1648 = arith.addf %bitcast3A_1588, %bitcast3A_1593 : vector<32xbf16>
      %add3A_1649 = arith.addf %bitcast3A_1598, %bitcast3A_1603 : vector<32xbf16>
      %add3A_1650 = arith.addf %bitcast3A_1608, %bitcast3A_1613 : vector<32xbf16>
      %add3A_1651 = arith.addf %bitcast3A_1618, %bitcast3A_1623 : vector<32xbf16>
      %add3A_1652 = arith.addf %bitcast3A_1628, %bitcast3A_1633 : vector<32xbf16>
      %add3A_1653 = arith.addf %bitcast3A_1638, %bitcast3A_1643 : vector<32xbf16>
      %add3A_1654 = arith.addf %add3A_1644, %add3A_1645 : vector<32xbf16>
      %add3A_1655 = arith.addf %add3A_1646, %add3A_1647 : vector<32xbf16>
      %add3A_1656 = arith.addf %add3A_1648, %add3A_1649 : vector<32xbf16>
      %add3A_1657 = arith.addf %add3A_1650, %add3A_1651 : vector<32xbf16>
      %add3A_1658 = arith.addf %add3A_1652, %add3A_1653 : vector<32xbf16>
      %add3A_1659 = arith.addf %add3A_1654, %add3A_1655 : vector<32xbf16>
      %add3A_1660 = arith.addf %add3A_1656, %add3A_1657 : vector<32xbf16>
      %add3A_1661 = arith.addf %add3A_1659, %add3A_1660 : vector<32xbf16>
      %add3A_1662 = arith.addf %add3A_1661, %add3A_1658 : vector<32xbf16>
      %bitcast3A_1663 = vector.bitcast %add3A_1662 : vector<32xbf16> to vector<16xi32>
      %swap3A_1664 = arith.constant 12672 : index
      %swap3A_1665 = tpu.vector_load %arg6[%swap3A_1664] {strides = array<i32>} : memref<12800xi32, #tpu.memory_space<vmem>>, vector<16xi32>,
      tpu.vector_store %arg6[%swap3A_1664], %bitcast3A_1663 {strides = array<i32>} : memref<12800xi32, #tpu.memory_space<vmem>>, vector<16xi32>,
      %get3A_1666 = arith.constant 60 : i32
      %get3A_1667 = arith.index_cast %get3A_1666 : i32 to index
      %get3A_1668 = arith.constant 0 : index
      %get3A_1669 = tpu.vector_load %arg9[%get3A_1667, %get3A_1668] {strides = array<i32>} : memref<100x16xi32, #tpu.memory_space<vmem>>, vector<16xi32>,
      %bitcast3A_1670 = vector.bitcast %get3A_1669 : vector<16xi32> to vector<32xbf16>
      %get3A_1671 = arith.constant 61 : i32
      %get3A_1672 = arith.index_cast %get3A_1671 : i32 to index
      %get3A_1673 = arith.constant 0 : index
      %get3A_1674 = tpu.vector_load %arg9[%get3A_1672, %get3A_1673] {strides = array<i32>} : memref<100x16xi32, #tpu.memory_space<vmem>>, vector<16xi32>,
      %bitcast3A_1675 = vector.bitcast %get3A_1674 : vector<16xi32> to vector<32xbf16>
      %get3A_1676 = arith.constant 62 : i32
      %get3A_1677 = arith.index_cast %get3A_1676 : i32 to index
      %get3A_1678 = arith.constant 0 : index
      %get3A_1679 = tpu.vector_load %arg9[%get3A_1677, %get3A_1678] {strides = array<i32>} : memref<100x16xi32, #tpu.memory_space<vmem>>, vector<16xi32>,
      %bitcast3A_1680 = vector.bitcast %get3A_1679 : vector<16xi32> to vector<32xbf16>
      %get3A_1681 = arith.constant 63 : i32
      %get3A_1682 = arith.index_cast %get3A_1681 : i32 to index
      %get3A_1683 = arith.constant 0 : index
      %get3A_1684 = tpu.vector_load %arg9[%get3A_1682, %get3A_1683] {strides = array<i32>} : memref<100x16xi32, #tpu.memory_space<vmem>>, vector<16xi32>,
      %bitcast3A_1685 = vector.bitcast %get3A_1684 : vector<16xi32> to vector<32xbf16>
      %get3A_1686 = arith.constant 64 : i32
      %get3A_1687 = arith.index_cast %get3A_1686 : i32 to index
      %get3A_1688 = arith.constant 0 : index
      %get3A_1689 = tpu.vector_load %arg9[%get3A_1687, %get3A_1688] {strides = array<i32>} : memref<100x16xi32, #tpu.memory_space<vmem>>, vector<16xi32>,
      %bitcast3A_1690 = vector.bitcast %get3A_1689 : vector<16xi32> to vector<32xbf16>
      %get3A_1691 = arith.constant 65 : i32
      %get3A_1692 = arith.index_cast %get3A_1691 : i32 to index
      %get3A_1693 = arith.constant 0 : index
      %get3A_1694 = tpu.vector_load %arg9[%get3A_1692, %get3A_1693] {strides = array<i32>} : memref<100x16xi32, #tpu.memory_space<vmem>>, vector<16xi32>,
      %bitcast3A_1695 = vector.bitcast %get3A_1694 : vector<16xi32> to vector<32xbf16>
      %get3A_1696 = arith.constant 66 : i32
      %get3A_1697 = arith.index_cast %get3A_1696 : i32 to index
      %get3A_1698 = arith.constant 0 : index
      %get3A_1699 = tpu.vector_load %arg9[%get3A_1697, %get3A_1698] {strides = array<i32>} : memref<100x16xi32, #tpu.memory_space<vmem>>, vector<16xi32>,
      %bitcast3A_1700 = vector.bitcast %get3A_1699 : vector<16xi32> to vector<32xbf16>
      %get3A_1701 = arith.constant 67 : i32
      %get3A_1702 = arith.index_cast %get3A_1701 : i32 to index
      %get3A_1703 = arith.constant 0 : index
      %get3A_1704 = tpu.vector_load %arg9[%get3A_1702, %get3A_1703] {strides = array<i32>} : memref<100x16xi32, #tpu.memory_space<vmem>>, vector<16xi32>,
      %bitcast3A_1705 = vector.bitcast %get3A_1704 : vector<16xi32> to vector<32xbf16>
      %get3A_1706 = arith.constant 68 : i32
      %get3A_1707 = arith.index_cast %get3A_1706 : i32 to index
      %get3A_1708 = arith.constant 0 : index
      %get3A_1709 = tpu.vector_load %arg9[%get3A_1707, %get3A_1708] {strides = array<i32>} : memref<100x16xi32, #tpu.memory_space<vmem>>, vector<16xi32>,
      %bitcast3A_1710 = vector.bitcast %get3A_1709 : vector<16xi32> to vector<32xbf16>
      %get3A_1711 = arith.constant 69 : i32
      %get3A_1712 = arith.index_cast %get3A_1711 : i32 to index
      %get3A_1713 = arith.constant 0 : index
      %get3A_1714 = tpu.vector_load %arg9[%get3A_1712, %get3A_1713] {strides = array<i32>} : memref<100x16xi32, #tpu.memory_space<vmem>>, vector<16xi32>,
      %bitcast3A_1715 = vector.bitcast %get3A_1714 : vector<16xi32> to vector<32xbf16>
      %get3A_1716 = arith.constant 70 : i32
      %get3A_1717 = arith.index_cast %get3A_1716 : i32 to index
      %get3A_1718 = arith.constant 0 : index
      %get3A_1719 = tpu.vector_load %arg9[%get3A_1717, %get3A_1718] {strides = array<i32>} : memref<100x16xi32, #tpu.memory_space<vmem>>, vector<16xi32>,
      %bitcast3A_1720 = vector.bitcast %get3A_1719 : vector<16xi32> to vector<32xbf16>
      %get3A_1721 = arith.constant 71 : i32
      %get3A_1722 = arith.index_cast %get3A_1721 : i32 to index
      %get3A_1723 = arith.constant 0 : index
      %get3A_1724 = tpu.vector_load %arg9[%get3A_1722, %get3A_1723] {strides = array<i32>} : memref<100x16xi32, #tpu.memory_space<vmem>>, vector<16xi32>,
      %bitcast3A_1725 = vector.bitcast %get3A_1724 : vector<16xi32> to vector<32xbf16>
      %get3A_1726 = arith.constant 72 : i32
      %get3A_1727 = arith.index_cast %get3A_1726 : i32 to index
      %get3A_1728 = arith.constant 0 : index
      %get3A_1729 = tpu.vector_load %arg9[%get3A_1727, %get3A_1728] {strides = array<i32>} : memref<100x16xi32, #tpu.memory_space<vmem>>, vector<16xi32>,
      %bitcast3A_1730 = vector.bitcast %get3A_1729 : vector<16xi32> to vector<32xbf16>
      %get3A_1731 = arith.constant 73 : i32
      %get3A_1732 = arith.index_cast %get3A_1731 : i32 to index
      %get3A_1733 = arith.constant 0 : index
      %get3A_1734 = tpu.vector_load %arg9[%get3A_1732, %get3A_1733] {strides = array<i32>} : memref<100x16xi32, #tpu.memory_space<vmem>>, vector<16xi32>,
      %bitcast3A_1735 = vector.bitcast %get3A_1734 : vector<16xi32> to vector<32xbf16>
      %get3A_1736 = arith.constant 74 : i32
      %get3A_1737 = arith.index_cast %get3A_1736 : i32 to index
      %get3A_1738 = arith.constant 0 : index
      %get3A_1739 = tpu.vector_load %arg9[%get3A_1737, %get3A_1738] {strides = array<i32>} : memref<100x16xi32, #tpu.memory_space<vmem>>, vector<16xi32>,
      %bitcast3A_1740 = vector.bitcast %get3A_1739 : vector<16xi32> to vector<32xbf16>
      %get3A_1741 = arith.constant 75 : i32
      %get3A_1742 = arith.index_cast %get3A_1741 : i32 to index
      %get3A_1743 = arith.constant 0 : index
      %get3A_1744 = tpu.vector_load %arg9[%get3A_1742, %get3A_1743] {strides = array<i32>} : memref<100x16xi32, #tpu.memory_space<vmem>>, vector<16xi32>,
      %bitcast3A_1745 = vector.bitcast %get3A_1744 : vector<16xi32> to vector<32xbf16>
      %get3A_1746 = arith.constant 76 : i32
      %get3A_1747 = arith.index_cast %get3A_1746 : i32 to index
      %get3A_1748 = arith.constant 0 : index
      %get3A_1749 = tpu.vector_load %arg9[%get3A_1747, %get3A_1748] {strides = array<i32>} : memref<100x16xi32, #tpu.memory_space<vmem>>, vector<16xi32>,
      %bitcast3A_1750 = vector.bitcast %get3A_1749 : vector<16xi32> to vector<32xbf16>
      %get3A_1751 = arith.constant 77 : i32
      %get3A_1752 = arith.index_cast %get3A_1751 : i32 to index
      %get3A_1753 = arith.constant 0 : index
      %get3A_1754 = tpu.vector_load %arg9[%get3A_1752, %get3A_1753] {strides = array<i32>} : memref<100x16xi32, #tpu.memory_space<vmem>>, vector<16xi32>,
      %bitcast3A_1755 = vector.bitcast %get3A_1754 : vector<16xi32> to vector<32xbf16>
      %get3A_1756 = arith.constant 78 : i32
      %get3A_1757 = arith.index_cast %get3A_1756 : i32 to index
      %get3A_1758 = arith.constant 0 : index
      %get3A_1759 = tpu.vector_load %arg9[%get3A_1757, %get3A_1758] {strides = array<i32>} : memref<100x16xi32, #tpu.memory_space<vmem>>, vector<16xi32>,
      %bitcast3A_1760 = vector.bitcast %get3A_1759 : vector<16xi32> to vector<32xbf16>
      %get3A_1761 = arith.constant 79 : i32
      %get3A_1762 = arith.index_cast %get3A_1761 : i32 to index
      %get3A_1763 = arith.constant 0 : index
      %get3A_1764 = tpu.vector_load %arg9[%get3A_1762, %get3A_1763] {strides = array<i32>} : memref<100x16xi32, #tpu.memory_space<vmem>>, vector<16xi32>,
      %bitcast3A_1765 = vector.bitcast %get3A_1764 : vector<16xi32> to vector<32xbf16>
      %add3A_1766 = arith.addf %bitcast3A_1670, %bitcast3A_1675 : vector<32xbf16>
      %add3A_1767 = arith.addf %bitcast3A_1680, %bitcast3A_1685 : vector<32xbf16>
      %add3A_1768 = arith.addf %bitcast3A_1690, %bitcast3A_1695 : vector<32xbf16>
      %add3A_1769 = arith.addf %bitcast3A_1700, %bitcast3A_1705 : vector<32xbf16>
      %add3A_1770 = arith.addf %bitcast3A_1710, %bitcast3A_1715 : vector<32xbf16>
      %add3A_1771 = arith.addf %bitcast3A_1720, %bitcast3A_1725 : vector<32xbf16>
      %add3A_1772 = arith.addf %bitcast3A_1730, %bitcast3A_1735 : vector<32xbf16>
      %add3A_1773 = arith.addf %bitcast3A_1740, %bitcast3A_1745 : vector<32xbf16>
      %add3A_1774 = arith.addf %bitcast3A_1750, %bitcast3A_1755 : vector<32xbf16>
      %add3A_1775 = arith.addf %bitcast3A_1760, %bitcast3A_1765 : vector<32xbf16>
      %add3A_1776 = arith.addf %add3A_1766, %add3A_1767 : vector<32xbf16>
      %add3A_1777 = arith.addf %add3A_1768, %add3A_1769 : vector<32xbf16>
      %add3A_1778 = arith.addf %add3A_1770, %add3A_1771 : vector<32xbf16>
      %add3A_1779 = arith.addf %add3A_1772, %add3A_1773 : vector<32xbf16>
      %add3A_1780 = arith.addf %add3A_1774, %add3A_1775 : vector<32xbf16>
      %add3A_1781 = arith.addf %add3A_1776, %add3A_1777 : vector<32xbf16>
      %add3A_1782 = arith.addf %add3A_1778, %add3A_1779 : vector<32xbf16>
      %add3A_1783 = arith.addf %add3A_1781, %add3A_1782 : vector<32xbf16>
      %add3A_1784 = arith.addf %add3A_1783, %add3A_1780 : vector<32xbf16>
      %bitcast3A_1785 = vector.bitcast %add3A_1784 : vector<32xbf16> to vector<16xi32>
      %swap3A_1786 = arith.constant 12688 : index
      %swap3A_1787 = tpu.vector_load %arg6[%swap3A_1786] {strides = array<i32>} : memref<12800xi32, #tpu.memory_space<vmem>>, vector<16xi32>,
      tpu.vector_store %arg6[%swap3A_1786], %bitcast3A_1785 {strides = array<i32>} : memref<12800xi32, #tpu.memory_space<vmem>>, vector<16xi32>,
      %get3A_1788 = arith.constant 80 : i32
      %get3A_1789 = arith.index_cast %get3A_1788 : i32 to index
      %get3A_1790 = arith.constant 0 : index
      %get3A_1791 = tpu.vector_load %arg9[%get3A_1789, %get3A_1790] {strides = array<i32>} : memref<100x16xi32, #tpu.memory_space<vmem>>, vector<16xi32>,
      %bitcast3A_1792 = vector.bitcast %get3A_1791 : vector<16xi32> to vector<32xbf16>
      %get3A_1793 = arith.constant 81 : i32
      %get3A_1794 = arith.index_cast %get3A_1793 : i32 to index
      %get3A_1795 = arith.constant 0 : index
      %get3A_1796 = tpu.vector_load %arg9[%get3A_1794, %get3A_1795] {strides = array<i32>} : memref<100x16xi32, #tpu.memory_space<vmem>>, vector<16xi32>,
      %bitcast3A_1797 = vector.bitcast %get3A_1796 : vector<16xi32> to vector<32xbf16>
      %get3A_1798 = arith.constant 82 : i32
      %get3A_1799 = arith.index_cast %get3A_1798 : i32 to index
      %get3A_1800 = arith.constant 0 : index
      %get3A_1801 = tpu.vector_load %arg9[%get3A_1799, %get3A_1800] {strides = array<i32>} : memref<100x16xi32, #tpu.memory_space<vmem>>, vector<16xi32>,
      %bitcast3A_1802 = vector.bitcast %get3A_1801 : vector<16xi32> to vector<32xbf16>
      %get3A_1803 = arith.constant 83 : i32
      %get3A_1804 = arith.index_cast %get3A_1803 : i32 to index
      %get3A_1805 = arith.constant 0 : index
      %get3A_1806 = tpu.vector_load %arg9[%get3A_1804, %get3A_1805] {strides = array<i32>} : memref<100x16xi32, #tpu.memory_space<vmem>>, vector<16xi32>,
      %bitcast3A_1807 = vector.bitcast %get3A_1806 : vector<16xi32> to vector<32xbf16>
      %get3A_1808 = arith.constant 84 : i32
      %get3A_1809 = arith.index_cast %get3A_1808 : i32 to index
      %get3A_1810 = arith.constant 0 : index
      %get3A_1811 = tpu.vector_load %arg9[%get3A_1809, %get3A_1810] {strides = array<i32>} : memref<100x16xi32, #tpu.memory_space<vmem>>, vector<16xi32>,
      %bitcast3A_1812 = vector.bitcast %get3A_1811 : vector<16xi32> to vector<32xbf16>
      %get3A_1813 = arith.constant 85 : i32
      %get3A_1814 = arith.index_cast %get3A_1813 : i32 to index
      %get3A_1815 = arith.constant 0 : index
      %get3A_1816 = tpu.vector_load %arg9[%get3A_1814, %get3A_1815] {strides = array<i32>} : memref<100x16xi32, #tpu.memory_space<vmem>>, vector<16xi32>,
      %bitcast3A_1817 = vector.bitcast %get3A_1816 : vector<16xi32> to vector<32xbf16>
      %get3A_1818 = arith.constant 86 : i32
      %get3A_1819 = arith.index_cast %get3A_1818 : i32 to index
      %get3A_1820 = arith.constant 0 : index
      %get3A_1821 = tpu.vector_load %arg9[%get3A_1819, %get3A_1820] {strides = array<i32>} : memref<100x16xi32, #tpu.memory_space<vmem>>, vector<16xi32>,
      %bitcast3A_1822 = vector.bitcast %get3A_1821 : vector<16xi32> to vector<32xbf16>
      %get3A_1823 = arith.constant 87 : i32
      %get3A_1824 = arith.index_cast %get3A_1823 : i32 to index
      %get3A_1825 = arith.constant 0 : index
      %get3A_1826 = tpu.vector_load %arg9[%get3A_1824, %get3A_1825] {strides = array<i32>} : memref<100x16xi32, #tpu.memory_space<vmem>>, vector<16xi32>,
      %bitcast3A_1827 = vector.bitcast %get3A_1826 : vector<16xi32> to vector<32xbf16>
      %get3A_1828 = arith.constant 88 : i32
      %get3A_1829 = arith.index_cast %get3A_1828 : i32 to index
      %get3A_1830 = arith.constant 0 : index
      %get3A_1831 = tpu.vector_load %arg9[%get3A_1829, %get3A_1830] {strides = array<i32>} : memref<100x16xi32, #tpu.memory_space<vmem>>, vector<16xi32>,
      %bitcast3A_1832 = vector.bitcast %get3A_1831 : vector<16xi32> to vector<32xbf16>
      %get3A_1833 = arith.constant 89 : i32
      %get3A_1834 = arith.index_cast %get3A_1833 : i32 to index
      %get3A_1835 = arith.constant 0 : index
      %get3A_1836 = tpu.vector_load %arg9[%get3A_1834, %get3A_1835] {strides = array<i32>} : memref<100x16xi32, #tpu.memory_space<vmem>>, vector<16xi32>,
      %bitcast3A_1837 = vector.bitcast %get3A_1836 : vector<16xi32> to vector<32xbf16>
      %get3A_1838 = arith.constant 90 : i32
      %get3A_1839 = arith.index_cast %get3A_1838 : i32 to index
      %get3A_1840 = arith.constant 0 : index
      %get3A_1841 = tpu.vector_load %arg9[%get3A_1839, %get3A_1840] {strides = array<i32>} : memref<100x16xi32, #tpu.memory_space<vmem>>, vector<16xi32>,
      %bitcast3A_1842 = vector.bitcast %get3A_1841 : vector<16xi32> to vector<32xbf16>
      %get3A_1843 = arith.constant 91 : i32
      %get3A_1844 = arith.index_cast %get3A_1843 : i32 to index
      %get3A_1845 = arith.constant 0 : index
      %get3A_1846 = tpu.vector_load %arg9[%get3A_1844, %get3A_1845] {strides = array<i32>} : memref<100x16xi32, #tpu.memory_space<vmem>>, vector<16xi32>,
      %bitcast3A_1847 = vector.bitcast %get3A_1846 : vector<16xi32> to vector<32xbf16>
      %get3A_1848 = arith.constant 92 : i32
      %get3A_1849 = arith.index_cast %get3A_1848 : i32 to index
      %get3A_1850 = arith.constant 0 : index
      %get3A_1851 = tpu.vector_load %arg9[%get3A_1849, %get3A_1850] {strides = array<i32>} : memref<100x16xi32, #tpu.memory_space<vmem>>, vector<16xi32>,
      %bitcast3A_1852 = vector.bitcast %get3A_1851 : vector<16xi32> to vector<32xbf16>
      %get3A_1853 = arith.constant 93 : i32
      %get3A_1854 = arith.index_cast %get3A_1853 : i32 to index
      %get3A_1855 = arith.constant 0 : index
      %get3A_1856 = tpu.vector_load %arg9[%get3A_1854, %get3A_1855] {strides = array<i32>} : memref<100x16xi32, #tpu.memory_space<vmem>>, vector<16xi32>,
      %bitcast3A_1857 = vector.bitcast %get3A_1856 : vector<16xi32> to vector<32xbf16>
      %get3A_1858 = arith.constant 94 : i32
      %get3A_1859 = arith.index_cast %get3A_1858 : i32 to index
      %get3A_1860 = arith.constant 0 : index
      %get3A_1861 = tpu.vector_load %arg9[%get3A_1859, %get3A_1860] {strides = array<i32>} : memref<100x16xi32, #tpu.memory_space<vmem>>, vector<16xi32>,
      %bitcast3A_1862 = vector.bitcast %get3A_1861 : vector<16xi32> to vector<32xbf16>
      %get3A_1863 = arith.constant 95 : i32
      %get3A_1864 = arith.index_cast %get3A_1863 : i32 to index
      %get3A_1865 = arith.constant 0 : index
      %get3A_1866 = tpu.vector_load %arg9[%get3A_1864, %get3A_1865] {strides = array<i32>} : memref<100x16xi32, #tpu.memory_space<vmem>>, vector<16xi32>,
      %bitcast3A_1867 = vector.bitcast %get3A_1866 : vector<16xi32> to vector<32xbf16>
      %get3A_1868 = arith.constant 96 : i32
      %get3A_1869 = arith.index_cast %get3A_1868 : i32 to index
      %get3A_1870 = arith.constant 0 : index
      %get3A_1871 = tpu.vector_load %arg9[%get3A_1869, %get3A_1870] {strides = array<i32>} : memref<100x16xi32, #tpu.memory_space<vmem>>, vector<16xi32>,
      %bitcast3A_1872 = vector.bitcast %get3A_1871 : vector<16xi32> to vector<32xbf16>
      %get3A_1873 = arith.constant 97 : i32
      %get3A_1874 = arith.index_cast %get3A_1873 : i32 to index
      %get3A_1875 = arith.constant 0 : index
      %get3A_1876 = tpu.vector_load %arg9[%get3A_1874, %get3A_1875] {strides = array<i32>} : memref<100x16xi32, #tpu.memory_space<vmem>>, vector<16xi32>,
      %bitcast3A_1877 = vector.bitcast %get3A_1876 : vector<16xi32> to vector<32xbf16>
      %get3A_1878 = arith.constant 98 : i32
      %get3A_1879 = arith.index_cast %get3A_1878 : i32 to index
      %get3A_1880 = arith.constant 0 : index
      %get3A_1881 = tpu.vector_load %arg9[%get3A_1879, %get3A_1880] {strides = array<i32>} : memref<100x16xi32, #tpu.memory_space<vmem>>, vector<16xi32>,
      %bitcast3A_1882 = vector.bitcast %get3A_1881 : vector<16xi32> to vector<32xbf16>
      %get3A_1883 = arith.constant 99 : i32
      %get3A_1884 = arith.index_cast %get3A_1883 : i32 to index
      %get3A_1885 = arith.constant 0 : index
      %get3A_1886 = tpu.vector_load %arg9[%get3A_1884, %get3A_1885] {strides = array<i32>} : memref<100x16xi32, #tpu.memory_space<vmem>>, vector<16xi32>,
      %bitcast3A_1887 = vector.bitcast %get3A_1886 : vector<16xi32> to vector<32xbf16>
      %add3A_1888 = arith.addf %bitcast3A_1792, %bitcast3A_1797 : vector<32xbf16>
      %add3A_1889 = arith.addf %bitcast3A_1802, %bitcast3A_1807 : vector<32xbf16>
      %add3A_1890 = arith.addf %bitcast3A_1812, %bitcast3A_1817 : vector<32xbf16>
      %add3A_1891 = arith.addf %bitcast3A_1822, %bitcast3A_1827 : vector<32xbf16>
      %add3A_1892 = arith.addf %bitcast3A_1832, %bitcast3A_1837 : vector<32xbf16>
      %add3A_1893 = arith.addf %bitcast3A_1842, %bitcast3A_1847 : vector<32xbf16>
      %add3A_1894 = arith.addf %bitcast3A_1852, %bitcast3A_1857 : vector<32xbf16>
      %add3A_1895 = arith.addf %bitcast3A_1862, %bitcast3A_1867 : vector<32xbf16>
      %add3A_1896 = arith.addf %bitcast3A_1872, %bitcast3A_1877 : vector<32xbf16>
      %add3A_1897 = arith.addf %bitcast3A_1882, %bitcast3A_1887 : vector<32xbf16>
      %add3A_1898 = arith.addf %add3A_1888, %add3A_1889 : vector<32xbf16>
      %add3A_1899 = arith.addf %add3A_1890, %add3A_1891 : vector<32xbf16>
      %add3A_1900 = arith.addf %add3A_1892, %add3A_1893 : vector<32xbf16>
      %add3A_1901 = arith.addf %add3A_1894, %add3A_1895 : vector<32xbf16>
      %add3A_1902 = arith.addf %add3A_1896, %add3A_1897 : vector<32xbf16>
      %add3A_1903 = arith.addf %add3A_1898, %add3A_1899 : vector<32xbf16>
      %add3A_1904 = arith.addf %add3A_1900, %add3A_1901 : vector<32xbf16>
      %add3A_1905 = arith.addf %add3A_1903, %add3A_1904 : vector<32xbf16>
      %add3A_1906 = arith.addf %add3A_1905, %add3A_1902 : vector<32xbf16>
      %bitcast3A_1907 = vector.bitcast %add3A_1906 : vector<32xbf16> to vector<16xi32>
      %swap3A_1908 = arith.constant 12704 : index
      %swap3A_1909 = tpu.vector_load %arg6[%swap3A_1908] {strides = array<i32>} : memref<12800xi32, #tpu.memory_space<vmem>>, vector<16xi32>,
      tpu.vector_store %arg6[%swap3A_1908], %bitcast3A_1907 {strides = array<i32>} : memref<12800xi32, #tpu.memory_space<vmem>>, vector<16xi32>,
      %dma_wait3A_1910 = arith.constant 159 : i32
      %dma_wait3A_1911 = arith.constant 0 : i32
      %dma_wait3A_1912 = tpu.memref_slice %arg5[%dma_wait3A_1910, %dma_wait3A_1911] : memref<160x100xi32, #tpu.memory_space<vmem>> -> memref<1x100xi32, #tpu.memory_space<vmem>>
      %dma_wait3A_1913 = tpu.memref_squeeze %dma_wait3A_1912 : memref<1x100xi32, #tpu.memory_space<vmem>> -> memref<100xi32, #tpu.memory_space<vmem>>
      %dma_wait3A_1914 = arith.constant 0 : i32
      %dma_wait3A_1915 = arith.constant 0 : i32
      %dma_wait3A_1916 = tpu.memref_slice %arg11[%dma_wait3A_1914, %dma_wait3A_1915] : memref<1000x16xi32, #tpu.memory_space<vmem_shared>> -> memref<1000x16xi32, #tpu.memory_space<vmem_shared>>
      tpu.wait_indirect_dma semaphore(%arg15 : memref<!tpu.dma_semaphore, #tpu.memory_space<semaphore_mem>>) src(%dma_wait3A_1916 : memref<1000x16xi32, #tpu.memory_space<vmem_shared>>) dst(%arg10 : memref<100x16xi32, #tpu.memory_space<vmem>>)
      %get3A_1917 = arith.constant 0 : i32
      %get3A_1918 = arith.index_cast %get3A_1917 : i32 to index
      %get3A_1919 = arith.constant 0 : index
      %get3A_1920 = tpu.vector_load %arg10[%get3A_1918, %get3A_1919] {strides = array<i32>} : memref<100x16xi32, #tpu.memory_space<vmem>>, vector<16xi32>,
      %bitcast3A_1921 = vector.bitcast %get3A_1920 : vector<16xi32> to vector<32xbf16>
      %get3A_1922 = arith.constant 1 : i32
      %get3A_1923 = arith.index_cast %get3A_1922 : i32 to index
      %get3A_1924 = arith.constant 0 : index
      %get3A_1925 = tpu.vector_load %arg10[%get3A_1923, %get3A_1924] {strides = array<i32>} : memref<100x16xi32, #tpu.memory_space<vmem>>, vector<16xi32>,
      %bitcast3A_1926 = vector.bitcast %get3A_1925 : vector<16xi32> to vector<32xbf16>
      %get3A_1927 = arith.constant 2 : i32
      %get3A_1928 = arith.index_cast %get3A_1927 : i32 to index
      %get3A_1929 = arith.constant 0 : index
      %get3A_1930 = tpu.vector_load %arg10[%get3A_1928, %get3A_1929] {strides = array<i32>} : memref<100x16xi32, #tpu.memory_space<vmem>>, vector<16xi32>,
      %bitcast3A_1931 = vector.bitcast %get3A_1930 : vector<16xi32> to vector<32xbf16>
      %get3A_1932 = arith.constant 3 : i32
      %get3A_1933 = arith.index_cast %get3A_1932 : i32 to index
      %get3A_1934 = arith.constant 0 : index
      %get3A_1935 = tpu.vector_load %arg10[%get3A_1933, %get3A_1934] {strides = array<i32>} : memref<100x16xi32, #tpu.memory_space<vmem>>, vector<16xi32>,
      %bitcast3A_1936 = vector.bitcast %get3A_1935 : vector<16xi32> to vector<32xbf16>
      %get3A_1937 = arith.constant 4 : i32
      %get3A_1938 = arith.index_cast %get3A_1937 : i32 to index
      %get3A_1939 = arith.constant 0 : index
      %get3A_1940 = tpu.vector_load %arg10[%get3A_1938, %get3A_1939] {strides = array<i32>} : memref<100x16xi32, #tpu.memory_space<vmem>>, vector<16xi32>,
      %bitcast3A_1941 = vector.bitcast %get3A_1940 : vector<16xi32> to vector<32xbf16>
      %get3A_1942 = arith.constant 5 : i32
      %get3A_1943 = arith.index_cast %get3A_1942 : i32 to index
      %get3A_1944 = arith.constant 0 : index
      %get3A_1945 = tpu.vector_load %arg10[%get3A_1943, %get3A_1944] {strides = array<i32>} : memref<100x16xi32, #tpu.memory_space<vmem>>, vector<16xi32>,
      %bitcast3A_1946 = vector.bitcast %get3A_1945 : vector<16xi32> to vector<32xbf16>
      %get3A_1947 = arith.constant 6 : i32
      %get3A_1948 = arith.index_cast %get3A_1947 : i32 to index
      %get3A_1949 = arith.constant 0 : index
      %get3A_1950 = tpu.vector_load %arg10[%get3A_1948, %get3A_1949] {strides = array<i32>} : memref<100x16xi32, #tpu.memory_space<vmem>>, vector<16xi32>,
      %bitcast3A_1951 = vector.bitcast %get3A_1950 : vector<16xi32> to vector<32xbf16>
      %get3A_1952 = arith.constant 7 : i32
      %get3A_1953 = arith.index_cast %get3A_1952 : i32 to index
      %get3A_1954 = arith.constant 0 : index
      %get3A_1955 = tpu.vector_load %arg10[%get3A_1953, %get3A_1954] {strides = array<i32>} : memref<100x16xi32, #tpu.memory_space<vmem>>, vector<16xi32>,
      %bitcast3A_1956 = vector.bitcast %get3A_1955 : vector<16xi32> to vector<32xbf16>
      %get3A_1957 = arith.constant 8 : i32
      %get3A_1958 = arith.index_cast %get3A_1957 : i32 to index
      %get3A_1959 = arith.constant 0 : index
      %get3A_1960 = tpu.vector_load %arg10[%get3A_1958, %get3A_1959] {strides = array<i32>} : memref<100x16xi32, #tpu.memory_space<vmem>>, vector<16xi32>,
      %bitcast3A_1961 = vector.bitcast %get3A_1960 : vector<16xi32> to vector<32xbf16>
      %get3A_1962 = arith.constant 9 : i32
      %get3A_1963 = arith.index_cast %get3A_1962 : i32 to index
      %get3A_1964 = arith.constant 0 : index
      %get3A_1965 = tpu.vector_load %arg10[%get3A_1963, %get3A_1964] {strides = array<i32>} : memref<100x16xi32, #tpu.memory_space<vmem>>, vector<16xi32>,
      %bitcast3A_1966 = vector.bitcast %get3A_1965 : vector<16xi32> to vector<32xbf16>
      %get3A_1967 = arith.constant 10 : i32
      %get3A_1968 = arith.index_cast %get3A_1967 : i32 to index
      %get3A_1969 = arith.constant 0 : index
      %get3A_1970 = tpu.vector_load %arg10[%get3A_1968, %get3A_1969] {strides = array<i32>} : memref<100x16xi32, #tpu.memory_space<vmem>>, vector<16xi32>,
      %bitcast3A_1971 = vector.bitcast %get3A_1970 : vector<16xi32> to vector<32xbf16>
      %get3A_1972 = arith.constant 11 : i32
      %get3A_1973 = arith.index_cast %get3A_1972 : i32 to index
      %get3A_1974 = arith.constant 0 : index
      %get3A_1975 = tpu.vector_load %arg10[%get3A_1973, %get3A_1974] {strides = array<i32>} : memref<100x16xi32, #tpu.memory_space<vmem>>, vector<16xi32>,
      %bitcast3A_1976 = vector.bitcast %get3A_1975 : vector<16xi32> to vector<32xbf16>
      %get3A_1977 = arith.constant 12 : i32
      %get3A_1978 = arith.index_cast %get3A_1977 : i32 to index
      %get3A_1979 = arith.constant 0 : index
      %get3A_1980 = tpu.vector_load %arg10[%get3A_1978, %get3A_1979] {strides = array<i32>} : memref<100x16xi32, #tpu.memory_space<vmem>>, vector<16xi32>,
      %bitcast3A_1981 = vector.bitcast %get3A_1980 : vector<16xi32> to vector<32xbf16>
      %get3A_1982 = arith.constant 13 : i32
      %get3A_1983 = arith.index_cast %get3A_1982 : i32 to index
      %get3A_1984 = arith.constant 0 : index
      %get3A_1985 = tpu.vector_load %arg10[%get3A_1983, %get3A_1984] {strides = array<i32>} : memref<100x16xi32, #tpu.memory_space<vmem>>, vector<16xi32>,
      %bitcast3A_1986 = vector.bitcast %get3A_1985 : vector<16xi32> to vector<32xbf16>
      %get3A_1987 = arith.constant 14 : i32
      %get3A_1988 = arith.index_cast %get3A_1987 : i32 to index
      %get3A_1989 = arith.constant 0 : index
      %get3A_1990 = tpu.vector_load %arg10[%get3A_1988, %get3A_1989] {strides = array<i32>} : memref<100x16xi32, #tpu.memory_space<vmem>>, vector<16xi32>,
      %bitcast3A_1991 = vector.bitcast %get3A_1990 : vector<16xi32> to vector<32xbf16>
      %get3A_1992 = arith.constant 15 : i32
      %get3A_1993 = arith.index_cast %get3A_1992 : i32 to index
      %get3A_1994 = arith.constant 0 : index
      %get3A_1995 = tpu.vector_load %arg10[%get3A_1993, %get3A_1994] {strides = array<i32>} : memref<100x16xi32, #tpu.memory_space<vmem>>, vector<16xi32>,
      %bitcast3A_1996 = vector.bitcast %get3A_1995 : vector<16xi32> to vector<32xbf16>
      %get3A_1997 = arith.constant 16 : i32
      %get3A_1998 = arith.index_cast %get3A_1997 : i32 to index
      %get3A_1999 = arith.constant 0 : index
      %get3A_2000 = tpu.vector_load %arg10[%get3A_1998, %get3A_1999] {strides = array<i32>} : memref<100x16xi32, #tpu.memory_space<vmem>>, vector<16xi32>,
      %bitcast3A_2001 = vector.bitcast %get3A_2000 : vector<16xi32> to vector<32xbf16>
      %get3A_2002 = arith.constant 17 : i32
      %get3A_2003 = arith.index_cast %get3A_2002 : i32 to index
      %get3A_2004 = arith.constant 0 : index
      %get3A_2005 = tpu.vector_load %arg10[%get3A_2003, %get3A_2004] {strides = array<i32>} : memref<100x16xi32, #tpu.memory_space<vmem>>, vector<16xi32>,
      %bitcast3A_2006 = vector.bitcast %get3A_2005 : vector<16xi32> to vector<32xbf16>
      %get3A_2007 = arith.constant 18 : i32
      %get3A_2008 = arith.index_cast %get3A_2007 : i32 to index
      %get3A_2009 = arith.constant 0 : index
      %get3A_2010 = tpu.vector_load %arg10[%get3A_2008, %get3A_2009] {strides = array<i32>} : memref<100x16xi32, #tpu.memory_space<vmem>>, vector<16xi32>,
      %bitcast3A_2011 = vector.bitcast %get3A_2010 : vector<16xi32> to vector<32xbf16>
      %get3A_2012 = arith.constant 19 : i32
      %get3A_2013 = arith.index_cast %get3A_2012 : i32 to index
      %get3A_2014 = arith.constant 0 : index
      %get3A_2015 = tpu.vector_load %arg10[%get3A_2013, %get3A_2014] {strides = array<i32>} : memref<100x16xi32, #tpu.memory_space<vmem>>, vector<16xi32>,
      %bitcast3A_2016 = vector.bitcast %get3A_2015 : vector<16xi32> to vector<32xbf16>
      %add3A_2017 = arith.addf %bitcast3A_1921, %bitcast3A_1926 : vector<32xbf16>
      %add3A_2018 = arith.addf %bitcast3A_1931, %bitcast3A_1936 : vector<32xbf16>
      %add3A_2019 = arith.addf %bitcast3A_1941, %bitcast3A_1946 : vector<32xbf16>
      %add3A_2020 = arith.addf %bitcast3A_1951, %bitcast3A_1956 : vector<32xbf16>
      %add3A_2021 = arith.addf %bitcast3A_1961, %bitcast3A_1966 : vector<32xbf16>
      %add3A_2022 = arith.addf %bitcast3A_1971, %bitcast3A_1976 : vector<32xbf16>
      %add3A_2023 = arith.addf %bitcast3A_1981, %bitcast3A_1986 : vector<32xbf16>
      %add3A_2024 = arith.addf %bitcast3A_1991, %bitcast3A_1996 : vector<32xbf16>
      %add3A_2025 = arith.addf %bitcast3A_2001, %bitcast3A_2006 : vector<32xbf16>
      %add3A_2026 = arith.addf %bitcast3A_2011, %bitcast3A_2016 : vector<32xbf16>
      %add3A_2027 = arith.addf %add3A_2017, %add3A_2018 : vector<32xbf16>
      %add3A_2028 = arith.addf %add3A_2019, %add3A_2020 : vector<32xbf16>
      %add3A_2029 = arith.addf %add3A_2021, %add3A_2022 : vector<32xbf16>
      %add3A_2030 = arith.addf %add3A_2023, %add3A_2024 : vector<32xbf16>
      %add3A_2031 = arith.addf %add3A_2025, %add3A_2026 : vector<32xbf16>
      %add3A_2032 = arith.addf %add3A_2027, %add3A_2028 : vector<32xbf16>
      %add3A_2033 = arith.addf %add3A_2029, %add3A_2030 : vector<32xbf16>
      %add3A_2034 = arith.addf %add3A_2032, %add3A_2033 : vector<32xbf16>
      %add3A_2035 = arith.addf %add3A_2034, %add3A_2031 : vector<32xbf16>
      %bitcast3A_2036 = vector.bitcast %add3A_2035 : vector<32xbf16> to vector<16xi32>
      %swap3A_2037 = arith.constant 12720 : index
      %swap3A_2038 = tpu.vector_load %arg6[%swap3A_2037] {strides = array<i32>} : memref<12800xi32, #tpu.memory_space<vmem>>, vector<16xi32>,
      tpu.vector_store %arg6[%swap3A_2037], %bitcast3A_2036 {strides = array<i32>} : memref<12800xi32, #tpu.memory_space<vmem>>, vector<16xi32>,
      %get3A_2039 = arith.constant 20 : i32
      %get3A_2040 = arith.index_cast %get3A_2039 : i32 to index
      %get3A_2041 = arith.constant 0 : index
      %get3A_2042 = tpu.vector_load %arg10[%get3A_2040, %get3A_2041] {strides = array<i32>} : memref<100x16xi32, #tpu.memory_space<vmem>>, vector<16xi32>,
      %bitcast3A_2043 = vector.bitcast %get3A_2042 : vector<16xi32> to vector<32xbf16>
      %get3A_2044 = arith.constant 21 : i32
      %get3A_2045 = arith.index_cast %get3A_2044 : i32 to index
      %get3A_2046 = arith.constant 0 : index
      %get3A_2047 = tpu.vector_load %arg10[%get3A_2045, %get3A_2046] {strides = array<i32>} : memref<100x16xi32, #tpu.memory_space<vmem>>, vector<16xi32>,
      %bitcast3A_2048 = vector.bitcast %get3A_2047 : vector<16xi32> to vector<32xbf16>
      %get3A_2049 = arith.constant 22 : i32
      %get3A_2050 = arith.index_cast %get3A_2049 : i32 to index
      %get3A_2051 = arith.constant 0 : index
      %get3A_2052 = tpu.vector_load %arg10[%get3A_2050, %get3A_2051] {strides = array<i32>} : memref<100x16xi32, #tpu.memory_space<vmem>>, vector<16xi32>,
      %bitcast3A_2053 = vector.bitcast %get3A_2052 : vector<16xi32> to vector<32xbf16>
      %get3A_2054 = arith.constant 23 : i32
      %get3A_2055 = arith.index_cast %get3A_2054 : i32 to index
      %get3A_2056 = arith.constant 0 : index
      %get3A_2057 = tpu.vector_load %arg10[%get3A_2055, %get3A_2056] {strides = array<i32>} : memref<100x16xi32, #tpu.memory_space<vmem>>, vector<16xi32>,
      %bitcast3A_2058 = vector.bitcast %get3A_2057 : vector<16xi32> to vector<32xbf16>
      %get3A_2059 = arith.constant 24 : i32
      %get3A_2060 = arith.index_cast %get3A_2059 : i32 to index
      %get3A_2061 = arith.constant 0 : index
      %get3A_2062 = tpu.vector_load %arg10[%get3A_2060, %get3A_2061] {strides = array<i32>} : memref<100x16xi32, #tpu.memory_space<vmem>>, vector<16xi32>,
      %bitcast3A_2063 = vector.bitcast %get3A_2062 : vector<16xi32> to vector<32xbf16>
      %get3A_2064 = arith.constant 25 : i32
      %get3A_2065 = arith.index_cast %get3A_2064 : i32 to index
      %get3A_2066 = arith.constant 0 : index
      %get3A_2067 = tpu.vector_load %arg10[%get3A_2065, %get3A_2066] {strides = array<i32>} : memref<100x16xi32, #tpu.memory_space<vmem>>, vector<16xi32>,
      %bitcast3A_2068 = vector.bitcast %get3A_2067 : vector<16xi32> to vector<32xbf16>
      %get3A_2069 = arith.constant 26 : i32
      %get3A_2070 = arith.index_cast %get3A_2069 : i32 to index
      %get3A_2071 = arith.constant 0 : index
      %get3A_2072 = tpu.vector_load %arg10[%get3A_2070, %get3A_2071] {strides = array<i32>} : memref<100x16xi32, #tpu.memory_space<vmem>>, vector<16xi32>,
      %bitcast3A_2073 = vector.bitcast %get3A_2072 : vector<16xi32> to vector<32xbf16>
      %get3A_2074 = arith.constant 27 : i32
      %get3A_2075 = arith.index_cast %get3A_2074 : i32 to index
      %get3A_2076 = arith.constant 0 : index
      %get3A_2077 = tpu.vector_load %arg10[%get3A_2075, %get3A_2076] {strides = array<i32>} : memref<100x16xi32, #tpu.memory_space<vmem>>, vector<16xi32>,
      %bitcast3A_2078 = vector.bitcast %get3A_2077 : vector<16xi32> to vector<32xbf16>
      %get3A_2079 = arith.constant 28 : i32
      %get3A_2080 = arith.index_cast %get3A_2079 : i32 to index
      %get3A_2081 = arith.constant 0 : index
      %get3A_2082 = tpu.vector_load %arg10[%get3A_2080, %get3A_2081] {strides = array<i32>} : memref<100x16xi32, #tpu.memory_space<vmem>>, vector<16xi32>,
      %bitcast3A_2083 = vector.bitcast %get3A_2082 : vector<16xi32> to vector<32xbf16>
      %get3A_2084 = arith.constant 29 : i32
      %get3A_2085 = arith.index_cast %get3A_2084 : i32 to index
      %get3A_2086 = arith.constant 0 : index
      %get3A_2087 = tpu.vector_load %arg10[%get3A_2085, %get3A_2086] {strides = array<i32>} : memref<100x16xi32, #tpu.memory_space<vmem>>, vector<16xi32>,
      %bitcast3A_2088 = vector.bitcast %get3A_2087 : vector<16xi32> to vector<32xbf16>
      %get3A_2089 = arith.constant 30 : i32
      %get3A_2090 = arith.index_cast %get3A_2089 : i32 to index
      %get3A_2091 = arith.constant 0 : index
      %get3A_2092 = tpu.vector_load %arg10[%get3A_2090, %get3A_2091] {strides = array<i32>} : memref<100x16xi32, #tpu.memory_space<vmem>>, vector<16xi32>,
      %bitcast3A_2093 = vector.bitcast %get3A_2092 : vector<16xi32> to vector<32xbf16>
      %get3A_2094 = arith.constant 31 : i32
      %get3A_2095 = arith.index_cast %get3A_2094 : i32 to index
      %get3A_2096 = arith.constant 0 : index
      %get3A_2097 = tpu.vector_load %arg10[%get3A_2095, %get3A_2096] {strides = array<i32>} : memref<100x16xi32, #tpu.memory_space<vmem>>, vector<16xi32>,
      %bitcast3A_2098 = vector.bitcast %get3A_2097 : vector<16xi32> to vector<32xbf16>
      %get3A_2099 = arith.constant 32 : i32
      %get3A_2100 = arith.index_cast %get3A_2099 : i32 to index
      %get3A_2101 = arith.constant 0 : index
      %get3A_2102 = tpu.vector_load %arg10[%get3A_2100, %get3A_2101] {strides = array<i32>} : memref<100x16xi32, #tpu.memory_space<vmem>>, vector<16xi32>,
      %bitcast3A_2103 = vector.bitcast %get3A_2102 : vector<16xi32> to vector<32xbf16>
      %get3A_2104 = arith.constant 33 : i32
      %get3A_2105 = arith.index_cast %get3A_2104 : i32 to index
      %get3A_2106 = arith.constant 0 : index
      %get3A_2107 = tpu.vector_load %arg10[%get3A_2105, %get3A_2106] {strides = array<i32>} : memref<100x16xi32, #tpu.memory_space<vmem>>, vector<16xi32>,
      %bitcast3A_2108 = vector.bitcast %get3A_2107 : vector<16xi32> to vector<32xbf16>
      %get3A_2109 = arith.constant 34 : i32
      %get3A_2110 = arith.index_cast %get3A_2109 : i32 to index
      %get3A_2111 = arith.constant 0 : index
      %get3A_2112 = tpu.vector_load %arg10[%get3A_2110, %get3A_2111] {strides = array<i32>} : memref<100x16xi32, #tpu.memory_space<vmem>>, vector<16xi32>,
      %bitcast3A_2113 = vector.bitcast %get3A_2112 : vector<16xi32> to vector<32xbf16>
      %get3A_2114 = arith.constant 35 : i32
      %get3A_2115 = arith.index_cast %get3A_2114 : i32 to index
      %get3A_2116 = arith.constant 0 : index
      %get3A_2117 = tpu.vector_load %arg10[%get3A_2115, %get3A_2116] {strides = array<i32>} : memref<100x16xi32, #tpu.memory_space<vmem>>, vector<16xi32>,
      %bitcast3A_2118 = vector.bitcast %get3A_2117 : vector<16xi32> to vector<32xbf16>
      %get3A_2119 = arith.constant 36 : i32
      %get3A_2120 = arith.index_cast %get3A_2119 : i32 to index
      %get3A_2121 = arith.constant 0 : index
      %get3A_2122 = tpu.vector_load %arg10[%get3A_2120, %get3A_2121] {strides = array<i32>} : memref<100x16xi32, #tpu.memory_space<vmem>>, vector<16xi32>,
      %bitcast3A_2123 = vector.bitcast %get3A_2122 : vector<16xi32> to vector<32xbf16>
      %get3A_2124 = arith.constant 37 : i32
      %get3A_2125 = arith.index_cast %get3A_2124 : i32 to index
      %get3A_2126 = arith.constant 0 : index
      %get3A_2127 = tpu.vector_load %arg10[%get3A_2125, %get3A_2126] {strides = array<i32>} : memref<100x16xi32, #tpu.memory_space<vmem>>, vector<16xi32>,
      %bitcast3A_2128 = vector.bitcast %get3A_2127 : vector<16xi32> to vector<32xbf16>
      %get3A_2129 = arith.constant 38 : i32
      %get3A_2130 = arith.index_cast %get3A_2129 : i32 to index
      %get3A_2131 = arith.constant 0 : index
      %get3A_2132 = tpu.vector_load %arg10[%get3A_2130, %get3A_2131] {strides = array<i32>} : memref<100x16xi32, #tpu.memory_space<vmem>>, vector<16xi32>,
      %bitcast3A_2133 = vector.bitcast %get3A_2132 : vector<16xi32> to vector<32xbf16>
      %get3A_2134 = arith.constant 39 : i32
      %get3A_2135 = arith.index_cast %get3A_2134 : i32 to index
      %get3A_2136 = arith.constant 0 : index
      %get3A_2137 = tpu.vector_load %arg10[%get3A_2135, %get3A_2136] {strides = array<i32>} : memref<100x16xi32, #tpu.memory_space<vmem>>, vector<16xi32>,
      %bitcast3A_2138 = vector.bitcast %get3A_2137 : vector<16xi32> to vector<32xbf16>
      %add3A_2139 = arith.addf %bitcast3A_2043, %bitcast3A_2048 : vector<32xbf16>
      %add3A_2140 = arith.addf %bitcast3A_2053, %bitcast3A_2058 : vector<32xbf16>
      %add3A_2141 = arith.addf %bitcast3A_2063, %bitcast3A_2068 : vector<32xbf16>
      %add3A_2142 = arith.addf %bitcast3A_2073, %bitcast3A_2078 : vector<32xbf16>
      %add3A_2143 = arith.addf %bitcast3A_2083, %bitcast3A_2088 : vector<32xbf16>
      %add3A_2144 = arith.addf %bitcast3A_2093, %bitcast3A_2098 : vector<32xbf16>
      %add3A_2145 = arith.addf %bitcast3A_2103, %bitcast3A_2108 : vector<32xbf16>
      %add3A_2146 = arith.addf %bitcast3A_2113, %bitcast3A_2118 : vector<32xbf16>
      %add3A_2147 = arith.addf %bitcast3A_2123, %bitcast3A_2128 : vector<32xbf16>
      %add3A_2148 = arith.addf %bitcast3A_2133, %bitcast3A_2138 : vector<32xbf16>
      %add3A_2149 = arith.addf %add3A_2139, %add3A_2140 : vector<32xbf16>
      %add3A_2150 = arith.addf %add3A_2141, %add3A_2142 : vector<32xbf16>
      %add3A_2151 = arith.addf %add3A_2143, %add3A_2144 : vector<32xbf16>
      %add3A_2152 = arith.addf %add3A_2145, %add3A_2146 : vector<32xbf16>
      %add3A_2153 = arith.addf %add3A_2147, %add3A_2148 : vector<32xbf16>
      %add3A_2154 = arith.addf %add3A_2149, %add3A_2150 : vector<32xbf16>
      %add3A_2155 = arith.addf %add3A_2151, %add3A_2152 : vector<32xbf16>
      %add3A_2156 = arith.addf %add3A_2154, %add3A_2155 : vector<32xbf16>
      %add3A_2157 = arith.addf %add3A_2156, %add3A_2153 : vector<32xbf16>
      %bitcast3A_2158 = vector.bitcast %add3A_2157 : vector<32xbf16> to vector<16xi32>
      %swap3A_2159 = arith.constant 12736 : index
      %swap3A_2160 = tpu.vector_load %arg6[%swap3A_2159] {strides = array<i32>} : memref<12800xi32, #tpu.memory_space<vmem>>, vector<16xi32>,
      tpu.vector_store %arg6[%swap3A_2159], %bitcast3A_2158 {strides = array<i32>} : memref<12800xi32, #tpu.memory_space<vmem>>, vector<16xi32>,
      %get3A_2161 = arith.constant 40 : i32
      %get3A_2162 = arith.index_cast %get3A_2161 : i32 to index
      %get3A_2163 = arith.constant 0 : index
      %get3A_2164 = tpu.vector_load %arg10[%get3A_2162, %get3A_2163] {strides = array<i32>} : memref<100x16xi32, #tpu.memory_space<vmem>>, vector<16xi32>,
      %bitcast3A_2165 = vector.bitcast %get3A_2164 : vector<16xi32> to vector<32xbf16>
      %get3A_2166 = arith.constant 41 : i32
      %get3A_2167 = arith.index_cast %get3A_2166 : i32 to index
      %get3A_2168 = arith.constant 0 : index
      %get3A_2169 = tpu.vector_load %arg10[%get3A_2167, %get3A_2168] {strides = array<i32>} : memref<100x16xi32, #tpu.memory_space<vmem>>, vector<16xi32>,
      %bitcast3A_2170 = vector.bitcast %get3A_2169 : vector<16xi32> to vector<32xbf16>
      %get3A_2171 = arith.constant 42 : i32
      %get3A_2172 = arith.index_cast %get3A_2171 : i32 to index
      %get3A_2173 = arith.constant 0 : index
      %get3A_2174 = tpu.vector_load %arg10[%get3A_2172, %get3A_2173] {strides = array<i32>} : memref<100x16xi32, #tpu.memory_space<vmem>>, vector<16xi32>,
      %bitcast3A_2175 = vector.bitcast %get3A_2174 : vector<16xi32> to vector<32xbf16>
      %get3A_2176 = arith.constant 43 : i32
      %get3A_2177 = arith.index_cast %get3A_2176 : i32 to index
      %get3A_2178 = arith.constant 0 : index
      %get3A_2179 = tpu.vector_load %arg10[%get3A_2177, %get3A_2178] {strides = array<i32>} : memref<100x16xi32, #tpu.memory_space<vmem>>, vector<16xi32>,
      %bitcast3A_2180 = vector.bitcast %get3A_2179 : vector<16xi32> to vector<32xbf16>
      %get3A_2181 = arith.constant 44 : i32
      %get3A_2182 = arith.index_cast %get3A_2181 : i32 to index
      %get3A_2183 = arith.constant 0 : index
      %get3A_2184 = tpu.vector_load %arg10[%get3A_2182, %get3A_2183] {strides = array<i32>} : memref<100x16xi32, #tpu.memory_space<vmem>>, vector<16xi32>,
      %bitcast3A_2185 = vector.bitcast %get3A_2184 : vector<16xi32> to vector<32xbf16>
      %get3A_2186 = arith.constant 45 : i32
      %get3A_2187 = arith.index_cast %get3A_2186 : i32 to index
      %get3A_2188 = arith.constant 0 : index
      %get3A_2189 = tpu.vector_load %arg10[%get3A_2187, %get3A_2188] {strides = array<i32>} : memref<100x16xi32, #tpu.memory_space<vmem>>, vector<16xi32>,
      %bitcast3A_2190 = vector.bitcast %get3A_2189 : vector<16xi32> to vector<32xbf16>
      %get3A_2191 = arith.constant 46 : i32
      %get3A_2192 = arith.index_cast %get3A_2191 : i32 to index
      %get3A_2193 = arith.constant 0 : index
      %get3A_2194 = tpu.vector_load %arg10[%get3A_2192, %get3A_2193] {strides = array<i32>} : memref<100x16xi32, #tpu.memory_space<vmem>>, vector<16xi32>,
      %bitcast3A_2195 = vector.bitcast %get3A_2194 : vector<16xi32> to vector<32xbf16>
      %get3A_2196 = arith.constant 47 : i32
      %get3A_2197 = arith.index_cast %get3A_2196 : i32 to index
      %get3A_2198 = arith.constant 0 : index
      %get3A_2199 = tpu.vector_load %arg10[%get3A_2197, %get3A_2198] {strides = array<i32>} : memref<100x16xi32, #tpu.memory_space<vmem>>, vector<16xi32>,
      %bitcast3A_2200 = vector.bitcast %get3A_2199 : vector<16xi32> to vector<32xbf16>
      %get3A_2201 = arith.constant 48 : i32
      %get3A_2202 = arith.index_cast %get3A_2201 : i32 to index
      %get3A_2203 = arith.constant 0 : index
      %get3A_2204 = tpu.vector_load %arg10[%get3A_2202, %get3A_2203] {strides = array<i32>} : memref<100x16xi32, #tpu.memory_space<vmem>>, vector<16xi32>,
      %bitcast3A_2205 = vector.bitcast %get3A_2204 : vector<16xi32> to vector<32xbf16>
      %get3A_2206 = arith.constant 49 : i32
      %get3A_2207 = arith.index_cast %get3A_2206 : i32 to index
      %get3A_2208 = arith.constant 0 : index
      %get3A_2209 = tpu.vector_load %arg10[%get3A_2207, %get3A_2208] {strides = array<i32>} : memref<100x16xi32, #tpu.memory_space<vmem>>, vector<16xi32>,
      %bitcast3A_2210 = vector.bitcast %get3A_2209 : vector<16xi32> to vector<32xbf16>
      %get3A_2211 = arith.constant 50 : i32
      %get3A_2212 = arith.index_cast %get3A_2211 : i32 to index
      %get3A_2213 = arith.constant 0 : index
      %get3A_2214 = tpu.vector_load %arg10[%get3A_2212, %get3A_2213] {strides = array<i32>} : memref<100x16xi32, #tpu.memory_space<vmem>>, vector<16xi32>,
      %bitcast3A_2215 = vector.bitcast %get3A_2214 : vector<16xi32> to vector<32xbf16>
      %get3A_2216 = arith.constant 51 : i32
      %get3A_2217 = arith.index_cast %get3A_2216 : i32 to index
      %get3A_2218 = arith.constant 0 : index
      %get3A_2219 = tpu.vector_load %arg10[%get3A_2217, %get3A_2218] {strides = array<i32>} : memref<100x16xi32, #tpu.memory_space<vmem>>, vector<16xi32>,
      %bitcast3A_2220 = vector.bitcast %get3A_2219 : vector<16xi32> to vector<32xbf16>
      %get3A_2221 = arith.constant 52 : i32
      %get3A_2222 = arith.index_cast %get3A_2221 : i32 to index
      %get3A_2223 = arith.constant 0 : index
      %get3A_2224 = tpu.vector_load %arg10[%get3A_2222, %get3A_2223] {strides = array<i32>} : memref<100x16xi32, #tpu.memory_space<vmem>>, vector<16xi32>,
      %bitcast3A_2225 = vector.bitcast %get3A_2224 : vector<16xi32> to vector<32xbf16>
      %get3A_2226 = arith.constant 53 : i32
      %get3A_2227 = arith.index_cast %get3A_2226 : i32 to index
      %get3A_2228 = arith.constant 0 : index
      %get3A_2229 = tpu.vector_load %arg10[%get3A_2227, %get3A_2228] {strides = array<i32>} : memref<100x16xi32, #tpu.memory_space<vmem>>, vector<16xi32>,
      %bitcast3A_2230 = vector.bitcast %get3A_2229 : vector<16xi32> to vector<32xbf16>
      %get3A_2231 = arith.constant 54 : i32
      %get3A_2232 = arith.index_cast %get3A_2231 : i32 to index
      %get3A_2233 = arith.constant 0 : index
      %get3A_2234 = tpu.vector_load %arg10[%get3A_2232, %get3A_2233] {strides = array<i32>} : memref<100x16xi32, #tpu.memory_space<vmem>>, vector<16xi32>,
      %bitcast3A_2235 = vector.bitcast %get3A_2234 : vector<16xi32> to vector<32xbf16>
      %get3A_2236 = arith.constant 55 : i32
      %get3A_2237 = arith.index_cast %get3A_2236 : i32 to index
      %get3A_2238 = arith.constant 0 : index
      %get3A_2239 = tpu.vector_load %arg10[%get3A_2237, %get3A_2238] {strides = array<i32>} : memref<100x16xi32, #tpu.memory_space<vmem>>, vector<16xi32>,
      %bitcast3A_2240 = vector.bitcast %get3A_2239 : vector<16xi32> to vector<32xbf16>
      %get3A_2241 = arith.constant 56 : i32
      %get3A_2242 = arith.index_cast %get3A_2241 : i32 to index
      %get3A_2243 = arith.constant 0 : index
      %get3A_2244 = tpu.vector_load %arg10[%get3A_2242, %get3A_2243] {strides = array<i32>} : memref<100x16xi32, #tpu.memory_space<vmem>>, vector<16xi32>,
      %bitcast3A_2245 = vector.bitcast %get3A_2244 : vector<16xi32> to vector<32xbf16>
      %get3A_2246 = arith.constant 57 : i32
      %get3A_2247 = arith.index_cast %get3A_2246 : i32 to index
      %get3A_2248 = arith.constant 0 : index
      %get3A_2249 = tpu.vector_load %arg10[%get3A_2247, %get3A_2248] {strides = array<i32>} : memref<100x16xi32, #tpu.memory_space<vmem>>, vector<16xi32>,
      %bitcast3A_2250 = vector.bitcast %get3A_2249 : vector<16xi32> to vector<32xbf16>
      %get3A_2251 = arith.constant 58 : i32
      %get3A_2252 = arith.index_cast %get3A_2251 : i32 to index
      %get3A_2253 = arith.constant 0 : index
      %get3A_2254 = tpu.vector_load %arg10[%get3A_2252, %get3A_2253] {strides = array<i32>} : memref<100x16xi32, #tpu.memory_space<vmem>>, vector<16xi32>,
      %bitcast3A_2255 = vector.bitcast %get3A_2254 : vector<16xi32> to vector<32xbf16>
      %get3A_2256 = arith.constant 59 : i32
      %get3A_2257 = arith.index_cast %get3A_2256 : i32 to index
      %get3A_2258 = arith.constant 0 : index
      %get3A_2259 = tpu.vector_load %arg10[%get3A_2257, %get3A_2258] {strides = array<i32>} : memref<100x16xi32, #tpu.memory_space<vmem>>, vector<16xi32>,
      %bitcast3A_2260 = vector.bitcast %get3A_2259 : vector<16xi32> to vector<32xbf16>
      %add3A_2261 = arith.addf %bitcast3A_2165, %bitcast3A_2170 : vector<32xbf16>
      %add3A_2262 = arith.addf %bitcast3A_2175, %bitcast3A_2180 : vector<32xbf16>
      %add3A_2263 = arith.addf %bitcast3A_2185, %bitcast3A_2190 : vector<32xbf16>
      %add3A_2264 = arith.addf %bitcast3A_2195, %bitcast3A_2200 : vector<32xbf16>
      %add3A_2265 = arith.addf %bitcast3A_2205, %bitcast3A_2210 : vector<32xbf16>
      %add3A_2266 = arith.addf %bitcast3A_2215, %bitcast3A_2220 : vector<32xbf16>
      %add3A_2267 = arith.addf %bitcast3A_2225, %bitcast3A_2230 : vector<32xbf16>
      %add3A_2268 = arith.addf %bitcast3A_2235, %bitcast3A_2240 : vector<32xbf16>
      %add3A_2269 = arith.addf %bitcast3A_2245, %bitcast3A_2250 : vector<32xbf16>
      %add3A_2270 = arith.addf %bitcast3A_2255, %bitcast3A_2260 : vector<32xbf16>
      %add3A_2271 = arith.addf %add3A_2261, %add3A_2262 : vector<32xbf16>
      %add3A_2272 = arith.addf %add3A_2263, %add3A_2264 : vector<32xbf16>
      %add3A_2273 = arith.addf %add3A_2265, %add3A_2266 : vector<32xbf16>
      %add3A_2274 = arith.addf %add3A_2267, %add3A_2268 : vector<32xbf16>
      %add3A_2275 = arith.addf %add3A_2269, %add3A_2270 : vector<32xbf16>
      %add3A_2276 = arith.addf %add3A_2271, %add3A_2272 : vector<32xbf16>
      %add3A_2277 = arith.addf %add3A_2273, %add3A_2274 : vector<32xbf16>
      %add3A_2278 = arith.addf %add3A_2276, %add3A_2277 : vector<32xbf16>
      %add3A_2279 = arith.addf %add3A_2278, %add3A_2275 : vector<32xbf16>
      %bitcast3A_2280 = vector.bitcast %add3A_2279 : vector<32xbf16> to vector<16xi32>
      %swap3A_2281 = arith.constant 12752 : index
      %swap3A_2282 = tpu.vector_load %arg6[%swap3A_2281] {strides = array<i32>} : memref<12800xi32, #tpu.memory_space<vmem>>, vector<16xi32>,
      tpu.vector_store %arg6[%swap3A_2281], %bitcast3A_2280 {strides = array<i32>} : memref<12800xi32, #tpu.memory_space<vmem>>, vector<16xi32>,
      %get3A_2283 = arith.constant 60 : i32
      %get3A_2284 = arith.index_cast %get3A_2283 : i32 to index
      %get3A_2285 = arith.constant 0 : index
      %get3A_2286 = tpu.vector_load %arg10[%get3A_2284, %get3A_2285] {strides = array<i32>} : memref<100x16xi32, #tpu.memory_space<vmem>>, vector<16xi32>,
      %bitcast3A_2287 = vector.bitcast %get3A_2286 : vector<16xi32> to vector<32xbf16>
      %get3A_2288 = arith.constant 61 : i32
      %get3A_2289 = arith.index_cast %get3A_2288 : i32 to index
      %get3A_2290 = arith.constant 0 : index
      %get3A_2291 = tpu.vector_load %arg10[%get3A_2289, %get3A_2290] {strides = array<i32>} : memref<100x16xi32, #tpu.memory_space<vmem>>, vector<16xi32>,
      %bitcast3A_2292 = vector.bitcast %get3A_2291 : vector<16xi32> to vector<32xbf16>
      %get3A_2293 = arith.constant 62 : i32
      %get3A_2294 = arith.index_cast %get3A_2293 : i32 to index
      %get3A_2295 = arith.constant 0 : index
      %get3A_2296 = tpu.vector_load %arg10[%get3A_2294, %get3A_2295] {strides = array<i32>} : memref<100x16xi32, #tpu.memory_space<vmem>>, vector<16xi32>,
      %bitcast3A_2297 = vector.bitcast %get3A_2296 : vector<16xi32> to vector<32xbf16>
      %get3A_2298 = arith.constant 63 : i32
      %get3A_2299 = arith.index_cast %get3A_2298 : i32 to index
      %get3A_2300 = arith.constant 0 : index
      %get3A_2301 = tpu.vector_load %arg10[%get3A_2299, %get3A_2300] {strides = array<i32>} : memref<100x16xi32, #tpu.memory_space<vmem>>, vector<16xi32>,
      %bitcast3A_2302 = vector.bitcast %get3A_2301 : vector<16xi32> to vector<32xbf16>
      %get3A_2303 = arith.constant 64 : i32
      %get3A_2304 = arith.index_cast %get3A_2303 : i32 to index
      %get3A_2305 = arith.constant 0 : index
      %get3A_2306 = tpu.vector_load %arg10[%get3A_2304, %get3A_2305] {strides = array<i32>} : memref<100x16xi32, #tpu.memory_space<vmem>>, vector<16xi32>,
      %bitcast3A_2307 = vector.bitcast %get3A_2306 : vector<16xi32> to vector<32xbf16>
      %get3A_2308 = arith.constant 65 : i32
      %get3A_2309 = arith.index_cast %get3A_2308 : i32 to index
      %get3A_2310 = arith.constant 0 : index
      %get3A_2311 = tpu.vector_load %arg10[%get3A_2309, %get3A_2310] {strides = array<i32>} : memref<100x16xi32, #tpu.memory_space<vmem>>, vector<16xi32>,
      %bitcast3A_2312 = vector.bitcast %get3A_2311 : vector<16xi32> to vector<32xbf16>
      %get3A_2313 = arith.constant 66 : i32
      %get3A_2314 = arith.index_cast %get3A_2313 : i32 to index
      %get3A_2315 = arith.constant 0 : index
      %get3A_2316 = tpu.vector_load %arg10[%get3A_2314, %get3A_2315] {strides = array<i32>} : memref<100x16xi32, #tpu.memory_space<vmem>>, vector<16xi32>,
      %bitcast3A_2317 = vector.bitcast %get3A_2316 : vector<16xi32> to vector<32xbf16>
      %get3A_2318 = arith.constant 67 : i32
      %get3A_2319 = arith.index_cast %get3A_2318 : i32 to index
      %get3A_2320 = arith.constant 0 : index
      %get3A_2321 = tpu.vector_load %arg10[%get3A_2319, %get3A_2320] {strides = array<i32>} : memref<100x16xi32, #tpu.memory_space<vmem>>, vector<16xi32>,
      %bitcast3A_2322 = vector.bitcast %get3A_2321 : vector<16xi32> to vector<32xbf16>
      %get3A_2323 = arith.constant 68 : i32
      %get3A_2324 = arith.index_cast %get3A_2323 : i32 to index
      %get3A_2325 = arith.constant 0 : index
      %get3A_2326 = tpu.vector_load %arg10[%get3A_2324, %get3A_2325] {strides = array<i32>} : memref<100x16xi32, #tpu.memory_space<vmem>>, vector<16xi32>,
      %bitcast3A_2327 = vector.bitcast %get3A_2326 : vector<16xi32> to vector<32xbf16>
      %get3A_2328 = arith.constant 69 : i32
      %get3A_2329 = arith.index_cast %get3A_2328 : i32 to index
      %get3A_2330 = arith.constant 0 : index
      %get3A_2331 = tpu.vector_load %arg10[%get3A_2329, %get3A_2330] {strides = array<i32>} : memref<100x16xi32, #tpu.memory_space<vmem>>, vector<16xi32>,
      %bitcast3A_2332 = vector.bitcast %get3A_2331 : vector<16xi32> to vector<32xbf16>
      %get3A_2333 = arith.constant 70 : i32
      %get3A_2334 = arith.index_cast %get3A_2333 : i32 to index
      %get3A_2335 = arith.constant 0 : index
      %get3A_2336 = tpu.vector_load %arg10[%get3A_2334, %get3A_2335] {strides = array<i32>} : memref<100x16xi32, #tpu.memory_space<vmem>>, vector<16xi32>,
      %bitcast3A_2337 = vector.bitcast %get3A_2336 : vector<16xi32> to vector<32xbf16>
      %get3A_2338 = arith.constant 71 : i32
      %get3A_2339 = arith.index_cast %get3A_2338 : i32 to index
      %get3A_2340 = arith.constant 0 : index
      %get3A_2341 = tpu.vector_load %arg10[%get3A_2339, %get3A_2340] {strides = array<i32>} : memref<100x16xi32, #tpu.memory_space<vmem>>, vector<16xi32>,
      %bitcast3A_2342 = vector.bitcast %get3A_2341 : vector<16xi32> to vector<32xbf16>
      %get3A_2343 = arith.constant 72 : i32
      %get3A_2344 = arith.index_cast %get3A_2343 : i32 to index
      %get3A_2345 = arith.constant 0 : index
      %get3A_2346 = tpu.vector_load %arg10[%get3A_2344, %get3A_2345] {strides = array<i32>} : memref<100x16xi32, #tpu.memory_space<vmem>>, vector<16xi32>,
      %bitcast3A_2347 = vector.bitcast %get3A_2346 : vector<16xi32> to vector<32xbf16>
      %get3A_2348 = arith.constant 73 : i32
      %get3A_2349 = arith.index_cast %get3A_2348 : i32 to index
      %get3A_2350 = arith.constant 0 : index
      %get3A_2351 = tpu.vector_load %arg10[%get3A_2349, %get3A_2350] {strides = array<i32>} : memref<100x16xi32, #tpu.memory_space<vmem>>, vector<16xi32>,
      %bitcast3A_2352 = vector.bitcast %get3A_2351 : vector<16xi32> to vector<32xbf16>
      %get3A_2353 = arith.constant 74 : i32
      %get3A_2354 = arith.index_cast %get3A_2353 : i32 to index
      %get3A_2355 = arith.constant 0 : index
      %get3A_2356 = tpu.vector_load %arg10[%get3A_2354, %get3A_2355] {strides = array<i32>} : memref<100x16xi32, #tpu.memory_space<vmem>>, vector<16xi32>,
      %bitcast3A_2357 = vector.bitcast %get3A_2356 : vector<16xi32> to vector<32xbf16>
      %get3A_2358 = arith.constant 75 : i32
      %get3A_2359 = arith.index_cast %get3A_2358 : i32 to index
      %get3A_2360 = arith.constant 0 : index
      %get3A_2361 = tpu.vector_load %arg10[%get3A_2359, %get3A_2360] {strides = array<i32>} : memref<100x16xi32, #tpu.memory_space<vmem>>, vector<16xi32>,
      %bitcast3A_2362 = vector.bitcast %get3A_2361 : vector<16xi32> to vector<32xbf16>
      %get3A_2363 = arith.constant 76 : i32
      %get3A_2364 = arith.index_cast %get3A_2363 : i32 to index
      %get3A_2365 = arith.constant 0 : index
      %get3A_2366 = tpu.vector_load %arg10[%get3A_2364, %get3A_2365] {strides = array<i32>} : memref<100x16xi32, #tpu.memory_space<vmem>>, vector<16xi32>,
      %bitcast3A_2367 = vector.bitcast %get3A_2366 : vector<16xi32> to vector<32xbf16>
      %get3A_2368 = arith.constant 77 : i32
      %get3A_2369 = arith.index_cast %get3A_2368 : i32 to index
      %get3A_2370 = arith.constant 0 : index
      %get3A_2371 = tpu.vector_load %arg10[%get3A_2369, %get3A_2370] {strides = array<i32>} : memref<100x16xi32, #tpu.memory_space<vmem>>, vector<16xi32>,
      %bitcast3A_2372 = vector.bitcast %get3A_2371 : vector<16xi32> to vector<32xbf16>
      %get3A_2373 = arith.constant 78 : i32
      %get3A_2374 = arith.index_cast %get3A_2373 : i32 to index
      %get3A_2375 = arith.constant 0 : index
      %get3A_2376 = tpu.vector_load %arg10[%get3A_2374, %get3A_2375] {strides = array<i32>} : memref<100x16xi32, #tpu.memory_space<vmem>>, vector<16xi32>,
      %bitcast3A_2377 = vector.bitcast %get3A_2376 : vector<16xi32> to vector<32xbf16>
      %get3A_2378 = arith.constant 79 : i32
      %get3A_2379 = arith.index_cast %get3A_2378 : i32 to index
      %get3A_2380 = arith.constant 0 : index
      %get3A_2381 = tpu.vector_load %arg10[%get3A_2379, %get3A_2380] {strides = array<i32>} : memref<100x16xi32, #tpu.memory_space<vmem>>, vector<16xi32>,
      %bitcast3A_2382 = vector.bitcast %get3A_2381 : vector<16xi32> to vector<32xbf16>
      %add3A_2383 = arith.addf %bitcast3A_2287, %bitcast3A_2292 : vector<32xbf16>
      %add3A_2384 = arith.addf %bitcast3A_2297, %bitcast3A_2302 : vector<32xbf16>
      %add3A_2385 = arith.addf %bitcast3A_2307, %bitcast3A_2312 : vector<32xbf16>
      %add3A_2386 = arith.addf %bitcast3A_2317, %bitcast3A_2322 : vector<32xbf16>
      %add3A_2387 = arith.addf %bitcast3A_2327, %bitcast3A_2332 : vector<32xbf16>
      %add3A_2388 = arith.addf %bitcast3A_2337, %bitcast3A_2342 : vector<32xbf16>
      %add3A_2389 = arith.addf %bitcast3A_2347, %bitcast3A_2352 : vector<32xbf16>
      %add3A_2390 = arith.addf %bitcast3A_2357, %bitcast3A_2362 : vector<32xbf16>
      %add3A_2391 = arith.addf %bitcast3A_2367, %bitcast3A_2372 : vector<32xbf16>
      %add3A_2392 = arith.addf %bitcast3A_2377, %bitcast3A_2382 : vector<32xbf16>
      %add3A_2393 = arith.addf %add3A_2383, %add3A_2384 : vector<32xbf16>
      %add3A_2394 = arith.addf %add3A_2385, %add3A_2386 : vector<32xbf16>
      %add3A_2395 = arith.addf %add3A_2387, %add3A_2388 : vector<32xbf16>
      %add3A_2396 = arith.addf %add3A_2389, %add3A_2390 : vector<32xbf16>
      %add3A_2397 = arith.addf %add3A_2391, %add3A_2392 : vector<32xbf16>
      %add3A_2398 = arith.addf %add3A_2393, %add3A_2394 : vector<32xbf16>
      %add3A_2399 = arith.addf %add3A_2395, %add3A_2396 : vector<32xbf16>
      %add3A_2400 = arith.addf %add3A_2398, %add3A_2399 : vector<32xbf16>
      %add3A_2401 = arith.addf %add3A_2400, %add3A_2397 : vector<32xbf16>
      %bitcast3A_2402 = vector.bitcast %add3A_2401 : vector<32xbf16> to vector<16xi32>
      %swap3A_2403 = arith.constant 12768 : index
      %swap3A_2404 = tpu.vector_load %arg6[%swap3A_2403] {strides = array<i32>} : memref<12800xi32, #tpu.memory_space<vmem>>, vector<16xi32>,
      tpu.vector_store %arg6[%swap3A_2403], %bitcast3A_2402 {strides = array<i32>} : memref<12800xi32, #tpu.memory_space<vmem>>, vector<16xi32>,
      %get3A_2405 = arith.constant 80 : i32
      %get3A_2406 = arith.index_cast %get3A_2405 : i32 to index
      %get3A_2407 = arith.constant 0 : index
      %get3A_2408 = tpu.vector_load %arg10[%get3A_2406, %get3A_2407] {strides = array<i32>} : memref<100x16xi32, #tpu.memory_space<vmem>>, vector<16xi32>,
      %bitcast3A_2409 = vector.bitcast %get3A_2408 : vector<16xi32> to vector<32xbf16>
      %get3A_2410 = arith.constant 81 : i32
      %get3A_2411 = arith.index_cast %get3A_2410 : i32 to index
      %get3A_2412 = arith.constant 0 : index
      %get3A_2413 = tpu.vector_load %arg10[%get3A_2411, %get3A_2412] {strides = array<i32>} : memref<100x16xi32, #tpu.memory_space<vmem>>, vector<16xi32>,
      %bitcast3A_2414 = vector.bitcast %get3A_2413 : vector<16xi32> to vector<32xbf16>
      %get3A_2415 = arith.constant 82 : i32
      %get3A_2416 = arith.index_cast %get3A_2415 : i32 to index
      %get3A_2417 = arith.constant 0 : index
      %get3A_2418 = tpu.vector_load %arg10[%get3A_2416, %get3A_2417] {strides = array<i32>} : memref<100x16xi32, #tpu.memory_space<vmem>>, vector<16xi32>,
      %bitcast3A_2419 = vector.bitcast %get3A_2418 : vector<16xi32> to vector<32xbf16>
      %get3A_2420 = arith.constant 83 : i32
      %get3A_2421 = arith.index_cast %get3A_2420 : i32 to index
      %get3A_2422 = arith.constant 0 : index
      %get3A_2423 = tpu.vector_load %arg10[%get3A_2421, %get3A_2422] {strides = array<i32>} : memref<100x16xi32, #tpu.memory_space<vmem>>, vector<16xi32>,
      %bitcast3A_2424 = vector.bitcast %get3A_2423 : vector<16xi32> to vector<32xbf16>
      %get3A_2425 = arith.constant 84 : i32
      %get3A_2426 = arith.index_cast %get3A_2425 : i32 to index
      %get3A_2427 = arith.constant 0 : index
      %get3A_2428 = tpu.vector_load %arg10[%get3A_2426, %get3A_2427] {strides = array<i32>} : memref<100x16xi32, #tpu.memory_space<vmem>>, vector<16xi32>,
      %bitcast3A_2429 = vector.bitcast %get3A_2428 : vector<16xi32> to vector<32xbf16>
      %get3A_2430 = arith.constant 85 : i32
      %get3A_2431 = arith.index_cast %get3A_2430 : i32 to index
      %get3A_2432 = arith.constant 0 : index
      %get3A_2433 = tpu.vector_load %arg10[%get3A_2431, %get3A_2432] {strides = array<i32>} : memref<100x16xi32, #tpu.memory_space<vmem>>, vector<16xi32>,
      %bitcast3A_2434 = vector.bitcast %get3A_2433 : vector<16xi32> to vector<32xbf16>
      %get3A_2435 = arith.constant 86 : i32
      %get3A_2436 = arith.index_cast %get3A_2435 : i32 to index
      %get3A_2437 = arith.constant 0 : index
      %get3A_2438 = tpu.vector_load %arg10[%get3A_2436, %get3A_2437] {strides = array<i32>} : memref<100x16xi32, #tpu.memory_space<vmem>>, vector<16xi32>,
      %bitcast3A_2439 = vector.bitcast %get3A_2438 : vector<16xi32> to vector<32xbf16>
      %get3A_2440 = arith.constant 87 : i32
      %get3A_2441 = arith.index_cast %get3A_2440 : i32 to index
      %get3A_2442 = arith.constant 0 : index
      %get3A_2443 = tpu.vector_load %arg10[%get3A_2441, %get3A_2442] {strides = array<i32>} : memref<100x16xi32, #tpu.memory_space<vmem>>, vector<16xi32>,
      %bitcast3A_2444 = vector.bitcast %get3A_2443 : vector<16xi32> to vector<32xbf16>
      %get3A_2445 = arith.constant 88 : i32
      %get3A_2446 = arith.index_cast %get3A_2445 : i32 to index
      %get3A_2447 = arith.constant 0 : index
      %get3A_2448 = tpu.vector_load %arg10[%get3A_2446, %get3A_2447] {strides = array<i32>} : memref<100x16xi32, #tpu.memory_space<vmem>>, vector<16xi32>,
      %bitcast3A_2449 = vector.bitcast %get3A_2448 : vector<16xi32> to vector<32xbf16>
      %get3A_2450 = arith.constant 89 : i32
      %get3A_2451 = arith.index_cast %get3A_2450 : i32 to index
      %get3A_2452 = arith.constant 0 : index
      %get3A_2453 = tpu.vector_load %arg10[%get3A_2451, %get3A_2452] {strides = array<i32>} : memref<100x16xi32, #tpu.memory_space<vmem>>, vector<16xi32>,
      %bitcast3A_2454 = vector.bitcast %get3A_2453 : vector<16xi32> to vector<32xbf16>
      %get3A_2455 = arith.constant 90 : i32
      %get3A_2456 = arith.index_cast %get3A_2455 : i32 to index
      %get3A_2457 = arith.constant 0 : index
      %get3A_2458 = tpu.vector_load %arg10[%get3A_2456, %get3A_2457] {strides = array<i32>} : memref<100x16xi32, #tpu.memory_space<vmem>>, vector<16xi32>,
      %bitcast3A_2459 = vector.bitcast %get3A_2458 : vector<16xi32> to vector<32xbf16>
      %get3A_2460 = arith.constant 91 : i32
      %get3A_2461 = arith.index_cast %get3A_2460 : i32 to index
      %get3A_2462 = arith.constant 0 : index
      %get3A_2463 = tpu.vector_load %arg10[%get3A_2461, %get3A_2462] {strides = array<i32>} : memref<100x16xi32, #tpu.memory_space<vmem>>, vector<16xi32>,
      %bitcast3A_2464 = vector.bitcast %get3A_2463 : vector<16xi32> to vector<32xbf16>
      %get3A_2465 = arith.constant 92 : i32
      %get3A_2466 = arith.index_cast %get3A_2465 : i32 to index
      %get3A_2467 = arith.constant 0 : index
      %get3A_2468 = tpu.vector_load %arg10[%get3A_2466, %get3A_2467] {strides = array<i32>} : memref<100x16xi32, #tpu.memory_space<vmem>>, vector<16xi32>,
      %bitcast3A_2469 = vector.bitcast %get3A_2468 : vector<16xi32> to vector<32xbf16>
      %get3A_2470 = arith.constant 93 : i32
      %get3A_2471 = arith.index_cast %get3A_2470 : i32 to index
      %get3A_2472 = arith.constant 0 : index
      %get3A_2473 = tpu.vector_load %arg10[%get3A_2471, %get3A_2472] {strides = array<i32>} : memref<100x16xi32, #tpu.memory_space<vmem>>, vector<16xi32>,
      %bitcast3A_2474 = vector.bitcast %get3A_2473 : vector<16xi32> to vector<32xbf16>
      %get3A_2475 = arith.constant 94 : i32
      %get3A_2476 = arith.index_cast %get3A_2475 : i32 to index
      %get3A_2477 = arith.constant 0 : index
      %get3A_2478 = tpu.vector_load %arg10[%get3A_2476, %get3A_2477] {strides = array<i32>} : memref<100x16xi32, #tpu.memory_space<vmem>>, vector<16xi32>,
      %bitcast3A_2479 = vector.bitcast %get3A_2478 : vector<16xi32> to vector<32xbf16>
      %get3A_2480 = arith.constant 95 : i32
      %get3A_2481 = arith.index_cast %get3A_2480 : i32 to index
      %get3A_2482 = arith.constant 0 : index
      %get3A_2483 = tpu.vector_load %arg10[%get3A_2481, %get3A_2482] {strides = array<i32>} : memref<100x16xi32, #tpu.memory_space<vmem>>, vector<16xi32>,
      %bitcast3A_2484 = vector.bitcast %get3A_2483 : vector<16xi32> to vector<32xbf16>
      %get3A_2485 = arith.constant 96 : i32
      %get3A_2486 = arith.index_cast %get3A_2485 : i32 to index
      %get3A_2487 = arith.constant 0 : index
      %get3A_2488 = tpu.vector_load %arg10[%get3A_2486, %get3A_2487] {strides = array<i32>} : memref<100x16xi32, #tpu.memory_space<vmem>>, vector<16xi32>,
      %bitcast3A_2489 = vector.bitcast %get3A_2488 : vector<16xi32> to vector<32xbf16>
      %get3A_2490 = arith.constant 97 : i32
      %get3A_2491 = arith.index_cast %get3A_2490 : i32 to index
      %get3A_2492 = arith.constant 0 : index
      %get3A_2493 = tpu.vector_load %arg10[%get3A_2491, %get3A_2492] {strides = array<i32>} : memref<100x16xi32, #tpu.memory_space<vmem>>, vector<16xi32>,
      %bitcast3A_2494 = vector.bitcast %get3A_2493 : vector<16xi32> to vector<32xbf16>
      %get3A_2495 = arith.constant 98 : i32
      %get3A_2496 = arith.index_cast %get3A_2495 : i32 to index
      %get3A_2497 = arith.constant 0 : index
      %get3A_2498 = tpu.vector_load %arg10[%get3A_2496, %get3A_2497] {strides = array<i32>} : memref<100x16xi32, #tpu.memory_space<vmem>>, vector<16xi32>,
      %bitcast3A_2499 = vector.bitcast %get3A_2498 : vector<16xi32> to vector<32xbf16>
      %get3A_2500 = arith.constant 99 : i32
      %get3A_2501 = arith.index_cast %get3A_2500 : i32 to index
      %get3A_2502 = arith.constant 0 : index
      %get3A_2503 = tpu.vector_load %arg10[%get3A_2501, %get3A_2502] {strides = array<i32>} : memref<100x16xi32, #tpu.memory_space<vmem>>, vector<16xi32>,
      %bitcast3A_2504 = vector.bitcast %get3A_2503 : vector<16xi32> to vector<32xbf16>
      %add3A_2505 = arith.addf %bitcast3A_2409, %bitcast3A_2414 : vector<32xbf16>
      %add3A_2506 = arith.addf %bitcast3A_2419, %bitcast3A_2424 : vector<32xbf16>
      %add3A_2507 = arith.addf %bitcast3A_2429, %bitcast3A_2434 : vector<32xbf16>
      %add3A_2508 = arith.addf %bitcast3A_2439, %bitcast3A_2444 : vector<32xbf16>
      %add3A_2509 = arith.addf %bitcast3A_2449, %bitcast3A_2454 : vector<32xbf16>
      %add3A_2510 = arith.addf %bitcast3A_2459, %bitcast3A_2464 : vector<32xbf16>
      %add3A_2511 = arith.addf %bitcast3A_2469, %bitcast3A_2474 : vector<32xbf16>
      %add3A_2512 = arith.addf %bitcast3A_2479, %bitcast3A_2484 : vector<32xbf16>
      %add3A_2513 = arith.addf %bitcast3A_2489, %bitcast3A_2494 : vector<32xbf16>
      %add3A_2514 = arith.addf %bitcast3A_2499, %bitcast3A_2504 : vector<32xbf16>
      %add3A_2515 = arith.addf %add3A_2505, %add3A_2506 : vector<32xbf16>
      %add3A_2516 = arith.addf %add3A_2507, %add3A_2508 : vector<32xbf16>
      %add3A_2517 = arith.addf %add3A_2509, %add3A_2510 : vector<32xbf16>
      %add3A_2518 = arith.addf %add3A_2511, %add3A_2512 : vector<32xbf16>
      %add3A_2519 = arith.addf %add3A_2513, %add3A_2514 : vector<32xbf16>
      %add3A_2520 = arith.addf %add3A_2515, %add3A_2516 : vector<32xbf16>
      %add3A_2521 = arith.addf %add3A_2517, %add3A_2518 : vector<32xbf16>
      %add3A_2522 = arith.addf %add3A_2520, %add3A_2521 : vector<32xbf16>
      %add3A_2523 = arith.addf %add3A_2522, %add3A_2519 : vector<32xbf16>
      %bitcast3A_2524 = vector.bitcast %add3A_2523 : vector<32xbf16> to vector<16xi32>
      %swap3A_2525 = arith.constant 12784 : index
      %swap3A_2526 = tpu.vector_load %arg6[%swap3A_2525] {strides = array<i32>} : memref<12800xi32, #tpu.memory_space<vmem>>, vector<16xi32>,
      tpu.vector_store %arg6[%swap3A_2525], %bitcast3A_2524 {strides = array<i32>} : memref<12800xi32, #tpu.memory_space<vmem>>, vector<16xi32>,
      %mul3A_2527 = arith.constant 16 : i32
      %mul3A_2528 = arith.muli %add3A_13, %mul3A_2527 : i32
      "tpu.region"() ({
        %run_scoped3A = tpu.sem_alloc : memref<!tpu.dma_semaphore, #tpu.memory_space<semaphore_mem>>
        %dma_start3A_2529 = tpu.memref_slice %arg4[%mul3A_2528] : memref<3276800xi32, #tpu.memory_space<hbm>> -> memref<12800xi32, #tpu.memory_space<hbm>>
        %dma_start3A_2530 = tpu.memref_slice %arg4[%mul3A_2528] : memref<3276800xi32, #tpu.memory_space<hbm>> -> memref<12800xi32, #tpu.memory_space<hbm>>
        tpu.enqueue_dma source(%arg6 : memref<12800xi32, #tpu.memory_space<vmem>>) target(%dma_start3A_2530 : memref<12800xi32, #tpu.memory_space<hbm>>) target_semaphore(%run_scoped3A : memref<!tpu.dma_semaphore, #tpu.memory_space<semaphore_mem>>)
        %dma_wait3A_2531 = tpu.memref_slice %arg4[%mul3A_2528] : memref<3276800xi32, #tpu.memory_space<hbm>> -> memref<12800xi32, #tpu.memory_space<hbm>>
        %dma_wait3A_2532 = tpu.memref_slice %arg4[%mul3A_2528] : memref<3276800xi32, #tpu.memory_space<hbm>> -> memref<12800xi32, #tpu.memory_space<hbm>>
        tpu.wait_dma2 semaphore(%run_scoped3A : memref<!tpu.dma_semaphore, #tpu.memory_space<semaphore_mem>>) src(%arg6 : memref<12800xi32, #tpu.memory_space<vmem>>) dst(%dma_wait3A_2532 : memref<12800xi32, #tpu.memory_space<hbm>>)
        tpu.yield
      }) : () -> ()
    }
    %scan3A_7 = arith.constant 8 : i32
    return
  }
}

</mosaic_0001>

<sc_bundles>
// kernel: kernel.3.cloned.1.call-start
scs
__scs_entry_jumppad:
0x0: {  	(pc) =	sbr.rel $0x88, $3  }
0x1: {  	(tag) =	ssettag $0x0;
	lr =	simm.s32 $0x1  }
0x2: {  	[smem:$0x3F9F] =	sst lr;
	_ =	strace $0xD0000000  }
0x3: {  	_ = 	snop  }
0x4: {  	_ = 	snop  }
0x5: {  	_ = 	snop  }
0x6: {  	_ = 	snop  }
0x7: {  	_ = 	snop  }
__scs_overlays_trampoline_lowered:
0x8: {  	[smem:$0x3FAE] =	sst s0  }
0x9: {  	[smem:$0x3FAF] =	sst s1  }
0xa: {  	[smem:$0x3FB0] =	sst s2  }
0xb: {  	[smem:$0x3FB1] =	sst s3  }
0xc: {  	[smem:$0x3FB2] =	sst s4  }
0xd: {  	[smem:$0x3FB3] =	sst s5  }
0xe: {  	[smem:$0x3FB4] =	sst s6  }
0xf: {  	[smem:$0x3FB5] =	sst s7  }
0x10: {  	[smem:$0x3FB6] =	sst s8  }
0x11: {  	[smem:$0x3FB7] =	sst s9;
	s0 =	simm.s32 @!p0 $0x0  }
0x12: {  	s1 =	sld [smem:$0x3F9D];
	s0 =	simm.s32 @p0 $0x1  }
0x13: {  	[smem:$0x3FB8] =	sst s0;
	s0 =	simm.s32 @!p1 $0x0  }
0x14: {  	s2 =	sld [smem:$0x3F9C];
	s0 =	simm.s32 @p1 $0x1  }
0x15: {  	[smem:$0x3FB9] =	sst s0;
	s0 =	simm.s32 @!p2 $0x0  }
0x16: {  	s3 =	sld [smem:$0x3FDB];
	s0 =	simm.s32 @p2 $0x1  }
0x17: {  	s4 =	simm.s32 $0x1BF5;
	[smem:$0x3FBB] =	sst s0  }
0x18: {  	s0 =	sld [smem:$0x3F9E];
	_ =	swait.ge [sflag:s4], $0x0  }
0x19: {  	s7 =	sld [smem:$0x3F9F]  }
0x1a: {  	s8 =	sadd.s32 $0xFFFFE003, lr  }
0x1b: {  	s9 =	sadd.s32 $0xFFFFFEF7, lr;
	s5 =	simm.s32 $0xFFFFFFFF;
	p2 =	slt.u32 s8, $0xFFFFF086  }
0x1c: {  	p1 =	slt.u32 s9, $0xF7A;
	s5 =	simm.s32 @!p2 $0x0  }
0x1d: {  	s5 =	simm.s32 @p1 $0x1;
	p0 =	seq.s32 s7, s2  }
0x1e: {  	s7 =	smul.u32 @!p0 $0xF7A, s2;
	p2 =	seq.s32 @!p0 s5, $0x0  }
0x1f: {  	s9 =	smul.u32 $0xF7A, s1;
	s8 =	simm.s32 @!p0 $0x1BF5;
	p2 =	por !p2, p0  }
0x20: {  	[sflag:s8] =	ssyncset.s32 @!p0 $0xFFFFF086;
	s6 =	sadd.s32 @!p0 s3, s7;
	s7 =	simm.s32 @!p0 $0x108  }
0x21: {  	s3 =	sadd.s32 s3, s9;
	s6 =	sadd.s32 @!p0 $0x88, s6;
	s7 =	simm.s32 @p2 $0x1082  }
0x22: {  	[simem:s7], [sflag:s8] =	dma.local @!p0 [hbm:s6], $0xF7A  }
0x23: {  	s9 =	sor.u32 $0xD0000000, s2;
	s6 =	simm.s32 $0x108;
	_ =	swait.ge @!p0 [sflag:s8], $0x0  }
0x24: {  	s3 =	sadd.s32 $0x88, s3;
	s6 =	simm.s32 @!p1 $0x1082;
	[sflag:s4] =	ssyncset.s32 $0xFFFFF086  }
0x25: {  	[simem:s6], [sflag:s4] =	dma.local [hbm:s3], $0xF7A  }
0x26: {  	[smem:$0x3F9F] =	sst s1;
	(tag) =	ssettag s2;
	_ =	strace s9  }
0x27: {  	s1 =	sld [smem:$0x3FAF]  }
0x28: {  	s2 =	sld [smem:$0x3FB0]  }
0x29: {  	s4 =	sld [smem:$0x3FB2]  }
0x2a: {  	p0 =	seq.s32 s5, $0x0;
	s5 =	sld [smem:$0x3FB3]  }
0x2b: {  	s6 =	sld [smem:$0x3FB4]  }
0x2c: {  	s7 =	sld [smem:$0x3FB5]  }
0x2d: {  	s3 =	simm.s32 $0x108;
	s8 =	sld [smem:$0x3FB6]  }
0x2e: {  	s3 =	simm.s32 @!p0 $0x1082;
	s9 =	sld [smem:$0x3FB7]  }
0x2f: {  	lr =	sadd.s32 s0, s3;
	s0 =	sld [smem:$0x3FAE]  }
0x30: {  	s3 =	sld [smem:$0x3FB1]  }
0x31: {  	[smem:$0x3FBA] =	sst s10  }
0x32: {  	s10 =	sld [smem:$0x3FB8];
	_ =	sdelay $0x3  }
0x33: {  	p0 =	seq.s32 s10, $0x1;
	s10 =	sld [smem:$0x3FBA];
	_ =	sdelay $0x3  }
0x34: {  	[smem:$0x3FBA] =	sst s10  }
0x35: {  	s10 =	sld [smem:$0x3FB9];
	_ =	sdelay $0x3  }
0x36: {  	p1 =	seq.s32 s10, $0x1;
	s10 =	sld [smem:$0x3FBA];
	_ =	sdelay $0x3  }
0x37: {  	[smem:$0x3FBA] =	sst s10  }
0x38: {  	s10 =	sld [smem:$0x3FBB]  }
0x39: {  	_ = 	snop;
	(pc) =	sbr.ind lr, $3  }
0x3a: {  	_ = 	snop  }
0x3b: {  	_ = 	snop  }
0x3c: {  	p2 =	seq.s32 s10, $0x1;
	s10 =	sld [smem:$0x3FBA]  }
0x3d: {  	_ =	shalt  }
0x3e: {  	_ =	shalt  }
0x3f: {  	_ =	shalt  }
0x40: {  	_ =	shalt  }
0x41: {  	_ =	shalt  }
0x42: {  	_ =	shalt  }
0x43: {  	_ =	shalt  }
0x44: {  	_ =	shalt  }
0x45: {  	_ =	shalt  }
0x46: {  	_ =	shalt  }
0x47: {  	_ =	shalt  }
0x48: {  	_ =	shalt  }
0x49: {  	_ =	shalt  }
0x4a: {  	_ =	shalt  }
0x4b: {  	_ =	shalt  }
0x4c: {  	_ =	shalt  }
0x4d: {  	_ =	shalt  }
0x4e: {  	_ =	shalt  }
0x4f: {  	_ =	shalt  }
0x50: {  	_ =	shalt  }
0x51: {  	_ =	shalt  }
0x52: {  	_ =	shalt  }
0x53: {  	_ =	shalt  }
0x54: {  	_ =	shalt  }
0x55: {  	_ =	shalt  }
0x56: {  	_ =	shalt  }
0x57: {  	_ =	shalt  }
0x58: {  	_ =	shalt  }
0x59: {  	_ =	shalt  }
0x5a: {  	_ =	shalt  }
0x5b: {  	_ =	shalt  }
0x5c: {  	_ =	shalt  }
0x5d: {  	_ =	shalt  }
0x5e: {  	_ =	shalt  }
0x5f: {  	_ =	shalt  }
0x60: {  	_ =	shalt  }
0x61: {  	_ =	shalt  }
0x62: {  	_ =	shalt  }
0x63: {  	_ =	shalt  }
0x64: {  	_ =	shalt  }
0x65: {  	_ =	shalt  }
0x66: {  	_ =	shalt  }
0x67: {  	_ =	shalt  }
0x68: {  	_ =	shalt  }
0x69: {  	_ =	shalt  }
0x6a: {  	_ =	shalt  }
0x6b: {  	_ =	shalt  }
0x6c: {  	_ =	shalt  }
0x6d: {  	_ =	shalt  }
0x6e: {  	_ =	shalt  }
0x6f: {  	_ =	shalt  }
0x70: {  	_ =	shalt  }
0x71: {  	_ =	shalt  }
0x72: {  	_ =	shalt  }
0x73: {  	_ =	shalt  }
0x74: {  	_ =	shalt  }
0x75: {  	_ =	shalt  }
0x76: {  	_ =	shalt  }
0x77: {  	_ =	shalt  }
0x78: {  	_ =	shalt  }
0x79: {  	_ =	shalt  }
0x7a: {  	_ =	shalt  }
0x7b: {  	_ =	shalt  }
0x7c: {  	_ =	shalt  }
0x7d: {  	_ =	shalt  }
0x7e: {  	_ =	shalt  }
0x7f: {  	_ =	shalt  }
0x80: {  	_ =	shalt  }
0x81: {  	_ =	shalt  }
0x82: {  	_ =	shalt  }
0x83: {  	_ =	shalt  }
0x84: {  	_ =	shalt  }
0x85: {  	_ =	shalt  }
0x86: {  	_ =	shalt  }
0x87: {  	_ =	shalt  }
.Lfunc_end0:
.L_simem_size_0:
called_computation_lowered:
.L_overlay_start_0:
0x88: {  	s2 =	sld [smem:$0x3FD9]  }
0x89: {  	s3 =	sld [smem:$0x3FFE];
	_ =	sdelay $0x1  }
0x8a: {  	s1 =	srdreg.scid  }
0x8b: {  	s0 =	sand.u32 $0x1, s1  }
0x8c: {  	s17 =	sshll.u32 s0, $0xA;
	s2 =	sadd.s32 s3, s2  }
0x8d: {  	s2 =	sadd.s32 s2, s17  }
0x8e: {  	[smem:$0x3FC6] =	sst s2  }
0x8f: {  	_ = 	snop  }
0x90: {  	s2 =	sld [smem:$0x3FD0];
	(tm) =	ssettm $0x1  }
0x91: {  	s18 =	sld [smem:$0x3FFB];
	_ =	sdelay $0x3  }
0x92: {  	_ =	strace s18  }
0x93: {  	s3 =	sld [smem:$0x3FFC];
	_ =	sdelay $0x3  }
0x94: {  	_ =	strace s3  }
0x95: {  	s3 =	sld [smem:$0x3FFD];
	_ =	sdelay $0x3  }
0x96: {  	_ =	strace s3  }
0x97: {  	_ =	strace $0x8FFFFFFF  }
0x98: {  	s19 =	sld [smem:$0x3FDB];
	_ =	sdelay $0x1  }
0x99: {  	s4 =	simm.s32 $_scs_section_size  }
0x9a: {  	s5 =	simm.s32 $_size__tile_overlayer_lowered;
	s6 =	simm.s32 $_tile_overlayer_lowered  }
0x9b: {  	s22 =	simm.s32 $0x1BFF;
	s21 =	sshll.u32 s6, $0x1;
	s3 =	sadd.s32 s4, s19  }
0x9c: {  	s7 =	simm.s32 $0x0;
	s20 =	sshll.u32 s5, $0x1;
	s5 =	sadd.s32 s21, s3  }
0x9d: {  	[timem:s7], [sflag:s22] =	dma.local [hbm:s5], s20  }
0x9e: {  	_ =	swait.ge [sflag:s22], s20  }
0x9f: {  	s4 =	ssub.s32 $0x0, s20;
	[sflag:s22] =	ssyncset.done $0x0  }
0xa0: {  	[sflag:s22] =	ssyncadd.s32 s4;
	_ =	sdelay $0x1  }
0xa1: {  	s23 =	simm.s32 $0x1B8B  }
0xa2: {  	_ =	swait.ge [sflag:s23], $0x1  }
0xa3: {  	[sflag:s23] =	ssyncset.done $0x0  }
0xa4: {  	s25 =	simm.s32 $0x1B8E;
	s24 =	sld [smem:$0x3FFE];
	[sflag:s23] =	ssyncadd.s32 $0xFFFFFFFF  }
0xa5: {  	s26 =	simm.s32 $execute0_lowered;
	[smem:$0x3FD2] =	sst s25  }
0xa6: {  	s5 =	sshll.u32 s26, $0x1;
	_ =	strace $0x80000046;
	[dreg:$0x1] =	wrdreg $0xFFFFFFFF  }
0xa7: {  	s28 =	simm.s32 $_size_execute0_lowered;
	s3 =	sadd.s32 s3, s5;
	[dreg:$0x0] =	wrdreg $0x0  }
0xa8: {  	s5 =	sshll.u32 s28, $0x1;
	[dreg:$0x2] =	wrdreg s3  }
0xa9: {  	[dreg:$0x3] =	wrdreg s5  }
0xaa: {  	[dreg:$0x4] =	wrdreg $0xC0  }
0xab: {  	_ =	task [dreg:s7], $0x5FFFF  }
0xac: {  	[dreg:$0x1] =	wrdreg $0xFFFFFFFF  }
0xad: {  	[dreg:$0x0] =	wrdreg $0x60  }
0xae: {  	[dreg:$0x2] =	wrdreg s2  }
0xaf: {  	[dreg:$0x3] =	wrdreg s24  }
0xb0: {  	[dreg:$0x4] =	wrdreg $0x8C000  }
0xb1: {  	[dreg:$0x5] =	wrdreg $0x9  }
0xb2: {  	_ =	task.clear_ibuf [dreg:s7], $0x6FFFF;
	_ =	strace $0x90000046  }
0xb3: {  	s29 =	simm.s32 $0x9;
	_ =	strace $0x80000048  }
0xb4: {  	_ =	swait.ge [sflag:s29], $0x1  }
0xb5: {  	[sflag:s29] =	ssyncadd.s32 $0xFFFFFFFF  }
0xb6: {  	_ =	strace $0x90000048  }
0xb7: {  	_ =	sfence  }
0xb8: {  	s30 =	sld [smem:$0x0];
	_ =	sdelay $0x2  }
0xb9: {  	s31 =	sshll.u32 s1, $0xD;
	s1 =	sshrl.u32 s1, $0x2  }
0xba: {  	s3 =	sand.u32 $0x4000, s31;
	s1 =	sadd.s32 s1, s30  }
0xbb: {  	s0 =	sor.u32 s3, s0;
	s1 =	sshll.u32 s1, $0x11  }
0xbc: {  	s0 =	sor.u32 s1, s0  }
0xbd: {  	s0 =	sadd.s32 $0x8F2B, s0  }
0xbe: {  	[sflag:s0] =	ssyncadd.remote.s32 $0x1  }
0xbf: {  	_ =	sfence.sel $0xFFFF  }
0xc0: {  	[dreg:$0x0] =	wrdreg $0xFFFFFFFF;
	(pc) =	sbr.abs _section_cstart, $3  }
0xc1: {  	[dreg:$0x1] =	wrdreg $0xFFFFFFFF  }
0xc2: {  	_ =	task.clear_ibuf [dreg:s7], $0x2FFFF;
	_ =	strace $0x9FFFFFFF  }
0xc3: {  	(tm) =	ssettm $0x7FFFFFFF  }
tec
execute0_lowered:
.L_overlay_start_1:
0x0: {  	(tag) =	ssettag $0x1  }
0x1: {  	s1 =	rddreg [dreg:$0x0]  }
0x2: {  	s5 =	rddreg [dreg:$0x1]  }
0x3: {  	s2 =	rddreg [dreg:$0x2]  }
0x4: {  	s0 =	rddreg [dreg:$0x3];
	s3 =	simm.s32 $0x0;
	s4 =	srdreg.scid  }
0x5: {  	s7 =	stileid.u32;
	s11 =	simm.s32 $0x7300;
	s12 =	simm.s32 $0x68  }
0x6: {  	s13 =	simm.s32 $0x7940;
	s14 =	simm.s32 $0xD0;
	s15 =	simm.s32 $0x7F80  }
0x7: {  	s16 =	simm.s32 $0x138;
	s17 =	simm.s32 $0x85C0;
	s18 =	simm.s32 $0x1  }
0x8: {  	s19 =	simm.s32 $0x2;
	s20 =	simm.s32 $0x3;
	s21 =	simm.s32 $0x4  }
0x9: {  	s22 =	simm.s32 $0x4100;
	s23 =	simm.s32 $0x0;
	[smem:$0x7FF] =	sst s3  }
0xa: {  	s6 =	sand.u32 $0x1, s4;
	s4 =	sadd.s32 $0x200, s5;
	s5 =	sadd.s32 $0xA00, s5  }
0xb: {  	s10 =	sshll.u32 s7, $0x1;
	p0 =	sne.s32 s7, $0x0;
	s8 =	ssub.s32 $0x2, s6  }
0xc: {  	_ =	strace $0x80000047;
	s6 =	sor.u32 s6, s10;
	s9 =	sshrl.u32 s8, $0x1  }
0xd: {  	s10 =	simm.s32 $0x64;
	s6 =	smul.u32 $0x1900, s6;
	s8 =	ssub.s32 s8, s9  }
0xe: {  	s9 =	simm.s32 $0x5;
	s7 =	smax.u32 s8, $0x1;
	s8 =	sshrl.u32 @!p0 s2, $0x3  }
.LBB2_1:
0xf: {  	s24 =	simm.s32 @!p0 $0x1C05  }
0x10: {  	[spmem:s8], [sflag:s24] =	dma.local @!p0 [hbm:s4], $0x7D0  }
0x11: {  	s24 =	simm.s32 @!p0 $0x5  }
0x12: {  	_ =	swait.ge @!p0 [sflag:s24], $0x7D0  }
0x13: {  	[sflag:s24] =	ssyncset.done @!p0 $0x0  }
0x14: {  	[sflag:s24] =	ssyncadd.s32 @!p0 $0xFFFFF830  }
0x15: {  	s24 =	simm.s32 $0x0;
	[bflag:$0x0] =	sbarrier.arrive $0xFFFF  }
.LBB2_2:
0x16: {  	s25 =	smul.u32 $0x320, s24;
	_ =	sdelay $0x1  }
0x17: {  	s25 =	sadd.s32 s6, s25  }
0x18: {  	s26 =	smulhi.u32 $0xCCCCCCCD, s25;
	_ =	sdelay $0x1  }
0x19: {  	s26 =	sshrl.u32 s26, $0x2  }
0x1a: {  	s26 =	smul.u32 $0xD, s26;
	_ =	sdelay $0x1  }
0x1b: {  	s26 =	sadd.s32 s1, s26  }
0x1c: {  	[tilespmem:s3], [sflag:$0x5] =	stream.linear.gather [hbm4b:s26+s3], $0x4100, $0x38;
	[tilespmem:$0x8FE8] =	vst v63  }
0x1d: {  	_ =	swait.ge [sflag:s9], $0x4100  }
0x1e: {  	[sflag:s9] =	ssyncset.done $0x0  }
0x1f: {  	[sflag:s9] =	ssyncadd.s32 $0xFFFFBF00  }
0x20: {  	[tilespmem:s11], [sflag:$0x1] =	stream.indirect.gather [spmem:s2], $0x10, s3, s10, $0xb8;
	[tilespmem:$0x8FE8] =	vst v63  }
0x21: {  	_ = 	snop  }
0x22: {  	[tilespmem:s13], [sflag:$0x2] =	stream.indirect.gather [spmem:s2], $0x10, s12, s10, $0xb8;
	[tilespmem:$0x8FE8] =	vst v63  }
0x23: {  	_ = 	snop  }
0x24: {  	[tilespmem:s15], [sflag:$0x3] =	stream.indirect.gather [spmem:s2], $0x10, s14, s10, $0xb8;
	[tilespmem:$0x8FE8] =	vst v63  }
0x25: {  	s28 =	simm.s32 $0x41A0;
	s26 =	simm.s32 $0xFFFF0280  }
0x26: {  	[tilespmem:s17], [sflag:$0x4] =	stream.indirect.gather [spmem:s2], $0x10, s16, s10, $0xb8;
	[tilespmem:$0x8FE8] =	vst v63  }
.LBB2_3:
0x27: {  	_ =	swait.ge [sflag:s18], $0x640  }
0x28: {  	[sflag:s18] =	ssyncset.done $0x0  }
0x29: {  	[sflag:s18] =	ssyncadd.s32 $0xFFFFF9C0  }
0x2a: {  	v0 =	vld [tilespmem:$0x7300]  }
0x2b: {  	v1 =	vld [tilespmem:$0x7310]  }
0x2c: {  	v2 =	vld [tilespmem:$0x7320]  }
0x2d: {  	v3 =	vld [tilespmem:$0x7330]  }
0x2e: {  	v4 =	vld [tilespmem:$0x7340]  }
0x2f: {  	v5 =	vld [tilespmem:$0x7350]  }
0x30: {  	v6 =	vld [tilespmem:$0x7360]  }
0x31: {  	v7 =	vld [tilespmem:$0x7370]  }
0x32: {  	v8 =	vld [tilespmem:$0x7380]  }
0x33: {  	v9 =	vld [tilespmem:$0x7390]  }
0x34: {  	v10 =	vld [tilespmem:$0x73A0]  }
0x35: {  	v11 =	vld [tilespmem:$0x73B0]  }
0x36: {  	v12 =	vld [tilespmem:$0x73C0]  }
0x37: {  	v13 =	vld [tilespmem:$0x73D0]  }
0x38: {  	v14 =	vld [tilespmem:$0x73E0]  }
0x39: {  	v15 =	vld [tilespmem:$0x73F0]  }
0x3a: {  	v16 =	vld [tilespmem:$0x7400]  }
0x3b: {  	v17 =	vld [tilespmem:$0x7410]  }
0x3c: {  	v18 =	vld [tilespmem:$0x7420];
	v0 =	vadd.bf16 v1, v0;
	v33 =	vadd.bf16 v3, v2  }
0x3d: {  	v34 =	vld [tilespmem:$0x7430];
	v35 =	vadd.bf16 v5, v4;
	v36 =	vadd.bf16 v7, v6  }
0x3e: {  	v37 =	vadd.bf16 v9, v8;
	v38 =	vadd.bf16 v11, v10  }
0x3f: {  	v39 =	vadd.bf16 v13, v12;
	v40 =	vadd.bf16 v15, v14  }
0x40: {  	v0 =	vadd.bf16 v33, v0;
	v41 =	vadd.bf16 v36, v35  }
0x41: {  	v42 =	vadd.bf16 v38, v37;
	v43 =	vadd.bf16 v40, v39  }
0x42: {  	v44 =	vadd.bf16 v17, v16;
	v2 =	vadd.bf16 v34, v18  }
0x43: {  	v0 =	vadd.bf16 v41, v0;
	v45 =	vadd.bf16 v43, v42;
	_ =	sdelay $0x1  }
0x44: {  	v2 =	vadd.bf16 v2, v44;
	v0 =	vadd.bf16 v45, v0;
	_ =	sdelay $0x1  }
0x45: {  	v0 =	vadd.bf16 v2, v0;
	_ =	sdelay $0x1  }
0x46: {  	[tilespmem:s28+$0xFFFFFF60] =	vst v0  }
0x47: {  	v0 =	vld [tilespmem:$0x7440]  }
0x48: {  	v46 =	vld [tilespmem:$0x7450]  }
0x49: {  	v47 =	vld [tilespmem:$0x7460]  }
0x4a: {  	v48 =	vld [tilespmem:$0x7470]  }
0x4b: {  	v49 =	vld [tilespmem:$0x7480]  }
0x4c: {  	v50 =	vld [tilespmem:$0x7490]  }
0x4d: {  	v51 =	vld [tilespmem:$0x74A0]  }
0x4e: {  	v52 =	vld [tilespmem:$0x74B0]  }
0x4f: {  	v53 =	vld [tilespmem:$0x74C0]  }
0x50: {  	v54 =	vld [tilespmem:$0x74D0]  }
0x51: {  	v55 =	vld [tilespmem:$0x74E0]  }
0x52: {  	v56 =	vld [tilespmem:$0x74F0]  }
0x53: {  	v57 =	vld [tilespmem:$0x7500]  }
0x54: {  	v58 =	vld [tilespmem:$0x7510]  }
0x55: {  	v59 =	vld [tilespmem:$0x7520]  }
0x56: {  	v60 =	vld [tilespmem:$0x7530]  }
0x57: {  	v61 =	vld [tilespmem:$0x7540]  }
0x58: {  	v62 =	vld [tilespmem:$0x7550]  }
0x59: {  	v63 =	vld [tilespmem:$0x7560];
	v0 =	vadd.bf16 v46, v0;
	v19 =	vadd.bf16 v48, v47  }
0x5a: {  	v20 =	vld [tilespmem:$0x7570];
	v21 =	vadd.bf16 v50, v49;
	v22 =	vadd.bf16 v52, v51  }
0x5b: {  	v23 =	vadd.bf16 v54, v53;
	v24 =	vadd.bf16 v56, v55  }
0x5c: {  	v25 =	vadd.bf16 v58, v57;
	v26 =	vadd.bf16 v60, v59  }
0x5d: {  	v0 =	vadd.bf16 v19, v0;
	v27 =	vadd.bf16 v22, v21  }
0x5e: {  	v28 =	vadd.bf16 v24, v23;
	v29 =	vadd.bf16 v26, v25  }
0x5f: {  	v30 =	vadd.bf16 v62, v61;
	v2 =	vadd.bf16 v20, v63  }
0x60: {  	v0 =	vadd.bf16 v27, v0;
	v31 =	vadd.bf16 v29, v28;
	_ =	sdelay $0x1  }
0x61: {  	v2 =	vadd.bf16 v2, v30;
	v0 =	vadd.bf16 v31, v0;
	_ =	sdelay $0x1  }
0x62: {  	v0 =	vadd.bf16 v2, v0;
	_ =	sdelay $0x1  }
0x63: {  	[tilespmem:s28+$0xFFFFFF70] =	vst v0  }
0x64: {  	v0 =	vld [tilespmem:$0x7580]  }
0x65: {  	v32 =	vld [tilespmem:$0x7590]  }
0x66: {  	v33 =	vld [tilespmem:$0x75A0]  }
0x67: {  	v34 =	vld [tilespmem:$0x75B0]  }
0x68: {  	v35 =	vld [tilespmem:$0x75C0]  }
0x69: {  	v36 =	vld [tilespmem:$0x75D0]  }
0x6a: {  	v37 =	vld [tilespmem:$0x75E0]  }
0x6b: {  	v38 =	vld [tilespmem:$0x75F0]  }
0x6c: {  	v39 =	vld [tilespmem:$0x7600]  }
0x6d: {  	v40 =	vld [tilespmem:$0x7610]  }
0x6e: {  	v41 =	vld [tilespmem:$0x7620]  }
0x6f: {  	v42 =	vld [tilespmem:$0x7630]  }
0x70: {  	v43 =	vld [tilespmem:$0x7640]  }
0x71: {  	v44 =	vld [tilespmem:$0x7650]  }
0x72: {  	v45 =	vld [tilespmem:$0x7660]  }
0x73: {  	v46 =	vld [tilespmem:$0x7670]  }
0x74: {  	v47 =	vld [tilespmem:$0x7680]  }
0x75: {  	v48 =	vld [tilespmem:$0x7690]  }
0x76: {  	v49 =	vld [tilespmem:$0x76A0];
	v0 =	vadd.bf16 v32, v0;
	v50 =	vadd.bf16 v34, v33  }
0x77: {  	v51 =	vld [tilespmem:$0x76B0];
	v52 =	vadd.bf16 v36, v35;
	v53 =	vadd.bf16 v38, v37  }
0x78: {  	v54 =	vadd.bf16 v40, v39;
	v55 =	vadd.bf16 v42, v41  }
0x79: {  	v56 =	vadd.bf16 v44, v43;
	v57 =	vadd.bf16 v46, v45  }
0x7a: {  	v0 =	vadd.bf16 v50, v0;
	v58 =	vadd.bf16 v53, v52  }
0x7b: {  	v59 =	vadd.bf16 v55, v54;
	v60 =	vadd.bf16 v57, v56  }
0x7c: {  	v61 =	vadd.bf16 v48, v47;
	v2 =	vadd.bf16 v51, v49  }
0x7d: {  	v0 =	vadd.bf16 v58, v0;
	v62 =	vadd.bf16 v60, v59;
	_ =	sdelay $0x1  }
0x7e: {  	v2 =	vadd.bf16 v2, v61;
	v0 =	vadd.bf16 v62, v0;
	_ =	sdelay $0x1  }
0x7f: {  	v0 =	vadd.bf16 v2, v0;
	_ =	sdelay $0x1  }
0x80: {  	[tilespmem:s28+$0xFFFFFF80] =	vst v0  }
0x81: {  	v0 =	vld [tilespmem:$0x76C0]  }
0x82: {  	v63 =	vld [tilespmem:$0x76D0]  }
0x83: {  	v21 =	vld [tilespmem:$0x76E0]  }
0x84: {  	v22 =	vld [tilespmem:$0x76F0]  }
0x85: {  	v23 =	vld [tilespmem:$0x7700]  }
0x86: {  	v24 =	vld [tilespmem:$0x7710]  }
0x87: {  	v25 =	vld [tilespmem:$0x7720]  }
0x88: {  	v26 =	vld [tilespmem:$0x7730]  }
0x89: {  	v27 =	vld [tilespmem:$0x7740]  }
0x8a: {  	v28 =	vld [tilespmem:$0x7750]  }
0x8b: {  	v29 =	vld [tilespmem:$0x7760]  }
0x8c: {  	v30 =	vld [tilespmem:$0x7770]  }
0x8d: {  	v31 =	vld [tilespmem:$0x7780]  }
0x8e: {  	v32 =	vld [tilespmem:$0x7790]  }
0x8f: {  	v33 =	vld [tilespmem:$0x77A0]  }
0x90: {  	v34 =	vld [tilespmem:$0x77B0]  }
0x91: {  	v35 =	vld [tilespmem:$0x77C0]  }
0x92: {  	v36 =	vld [tilespmem:$0x77D0]  }
0x93: {  	v37 =	vld [tilespmem:$0x77E0];
	v0 =	vadd.bf16 v63, v0;
	v38 =	vadd.bf16 v22, v21  }
0x94: {  	v39 =	vld [tilespmem:$0x77F0];
	v40 =	vadd.bf16 v24, v23;
	v41 =	vadd.bf16 v26, v25  }
0x95: {  	v42 =	vadd.bf16 v28, v27;
	v43 =	vadd.bf16 v30, v29  }
0x96: {  	v44 =	vadd.bf16 v32, v31;
	v45 =	vadd.bf16 v34, v33  }
0x97: {  	v0 =	vadd.bf16 v38, v0;
	v46 =	vadd.bf16 v41, v40  }
0x98: {  	v47 =	vadd.bf16 v43, v42;
	v48 =	vadd.bf16 v45, v44  }
0x99: {  	v49 =	vadd.bf16 v36, v35;
	v2 =	vadd.bf16 v39, v37  }
0x9a: {  	v0 =	vadd.bf16 v46, v0;
	v50 =	vadd.bf16 v48, v47;
	_ =	sdelay $0x1  }
0x9b: {  	v2 =	vadd.bf16 v2, v49;
	v0 =	vadd.bf16 v50, v0;
	_ =	sdelay $0x1  }
0x9c: {  	v0 =	vadd.bf16 v2, v0;
	_ =	sdelay $0x1  }
0x9d: {  	[tilespmem:s28+$0xFFFFFF90] =	vst v0  }
0x9e: {  	v0 =	vld [tilespmem:$0x7800]  }
0x9f: {  	v51 =	vld [tilespmem:$0x7810]  }
0xa0: {  	v52 =	vld [tilespmem:$0x7820]  }
0xa1: {  	v53 =	vld [tilespmem:$0x7830]  }
0xa2: {  	v54 =	vld [tilespmem:$0x7840]  }
0xa3: {  	v55 =	vld [tilespmem:$0x7850]  }
0xa4: {  	v56 =	vld [tilespmem:$0x7860]  }
0xa5: {  	v57 =	vld [tilespmem:$0x7870]  }
0xa6: {  	v58 =	vld [tilespmem:$0x7880]  }
0xa7: {  	v59 =	vld [tilespmem:$0x7890]  }
0xa8: {  	v60 =	vld [tilespmem:$0x78A0]  }
0xa9: {  	v61 =	vld [tilespmem:$0x78B0]  }
0xaa: {  	v62 =	vld [tilespmem:$0x78C0]  }
0xab: {  	v63 =	vld [tilespmem:$0x78D0]  }
0xac: {  	v21 =	vld [tilespmem:$0x78E0]  }
0xad: {  	v22 =	vld [tilespmem:$0x78F0]  }
0xae: {  	v23 =	vld [tilespmem:$0x7900]  }
0xaf: {  	v24 =	vld [tilespmem:$0x7910]  }
0xb0: {  	v25 =	vld [tilespmem:$0x7920];
	v0 =	vadd.bf16 v51, v0;
	v26 =	vadd.bf16 v53, v52  }
0xb1: {  	v27 =	vld [tilespmem:$0x7930];
	v28 =	vadd.bf16 v55, v54;
	v29 =	vadd.bf16 v57, v56  }
0xb2: {  	v30 =	vadd.bf16 v59, v58;
	v31 =	vadd.bf16 v61, v60  }
0xb3: {  	v32 =	vadd.bf16 v63, v62;
	v33 =	vadd.bf16 v22, v21  }
0xb4: {  	v0 =	vadd.bf16 v26, v0;
	v34 =	vadd.bf16 v29, v28  }
0xb5: {  	v35 =	vadd.bf16 v31, v30;
	v36 =	vadd.bf16 v33, v32  }
0xb6: {  	v37 =	vadd.bf16 v24, v23;
	v2 =	vadd.bf16 v27, v25  }
0xb7: {  	v0 =	vadd.bf16 v34, v0;
	v38 =	vadd.bf16 v36, v35;
	_ =	sdelay $0x1  }
0xb8: {  	v2 =	vadd.bf16 v2, v37;
	v0 =	vadd.bf16 v38, v0;
	_ =	sdelay $0x1  }
0xb9: {  	v0 =	vadd.bf16 v2, v0  }
0xba: {  	s29 =	sshra.s32 s26, $0x2  }
0xbb: {  	s30 =	sadd.s32 $0x4100, s29;
	[tilespmem:s28+$0xFFFFFFA0] =	vst v0  }
0xbc: {  	[tilespmem:s11], [sflag:$0x1] =	stream.indirect.gather [spmem:s2], $0x10, s30, s10, $0xb8;
	[tilespmem:$0x8FE8] =	vst v63  }
0xbd: {  	_ =	swait.ge [sflag:s19], $0x640  }
0xbe: {  	[sflag:s19] =	ssyncset.done $0x0  }
0xbf: {  	[sflag:s19] =	ssyncadd.s32 $0xFFFFF9C0  }
0xc0: {  	v39 =	vld [tilespmem:$0x7940]  }
0xc1: {  	v40 =	vld [tilespmem:$0x7950]  }
0xc2: {  	v41 =	vld [tilespmem:$0x7960]  }
0xc3: {  	v42 =	vld [tilespmem:$0x7970]  }
0xc4: {  	v43 =	vld [tilespmem:$0x7980]  }
0xc5: {  	v44 =	vld [tilespmem:$0x7990]  }
0xc6: {  	v45 =	vld [tilespmem:$0x79A0]  }
0xc7: {  	v46 =	vld [tilespmem:$0x79B0]  }
0xc8: {  	v47 =	vld [tilespmem:$0x79C0]  }
0xc9: {  	v48 =	vld [tilespmem:$0x79D0]  }
0xca: {  	v49 =	vld [tilespmem:$0x79E0]  }
0xcb: {  	v50 =	vld [tilespmem:$0x79F0]  }
0xcc: {  	v51 =	vld [tilespmem:$0x7A00]  }
0xcd: {  	v52 =	vld [tilespmem:$0x7A10]  }
0xce: {  	v53 =	vld [tilespmem:$0x7A20]  }
0xcf: {  	v54 =	vld [tilespmem:$0x7A30]  }
0xd0: {  	v55 =	vld [tilespmem:$0x7A40]  }
0xd1: {  	v56 =	vld [tilespmem:$0x7A50]  }
0xd2: {  	v57 =	vld [tilespmem:$0x7A60];
	v0 =	vadd.bf16 v40, v39;
	v58 =	vadd.bf16 v42, v41  }
0xd3: {  	v59 =	vld [tilespmem:$0x7A70];
	v60 =	vadd.bf16 v44, v43;
	v61 =	vadd.bf16 v46, v45  }
0xd4: {  	v62 =	vadd.bf16 v48, v47;
	v63 =	vadd.bf16 v50, v49  }
0xd5: {  	v19 =	vadd.bf16 v52, v51;
	v20 =	vadd.bf16 v54, v53  }
0xd6: {  	v0 =	vadd.bf16 v58, v0;
	v21 =	vadd.bf16 v61, v60  }
0xd7: {  	v22 =	vadd.bf16 v63, v62;
	v23 =	vadd.bf16 v20, v19  }
0xd8: {  	v24 =	vadd.bf16 v56, v55;
	v2 =	vadd.bf16 v59, v57  }
0xd9: {  	v0 =	vadd.bf16 v21, v0;
	v25 =	vadd.bf16 v23, v22;
	_ =	sdelay $0x1  }
0xda: {  	v2 =	vadd.bf16 v2, v24;
	v0 =	vadd.bf16 v25, v0;
	_ =	sdelay $0x1  }
0xdb: {  	v0 =	vadd.bf16 v2, v0;
	_ =	sdelay $0x1  }
0xdc: {  	[tilespmem:s28+$0xFFFFFFB0] =	vst v0  }
0xdd: {  	v0 =	vld [tilespmem:$0x7A80]  }
0xde: {  	v26 =	vld [tilespmem:$0x7A90]  }
0xdf: {  	v27 =	vld [tilespmem:$0x7AA0]  }
0xe0: {  	v28 =	vld [tilespmem:$0x7AB0]  }
0xe1: {  	v29 =	vld [tilespmem:$0x7AC0]  }
0xe2: {  	v30 =	vld [tilespmem:$0x7AD0]  }
0xe3: {  	v31 =	vld [tilespmem:$0x7AE0]  }
0xe4: {  	v32 =	vld [tilespmem:$0x7AF0]  }
0xe5: {  	v33 =	vld [tilespmem:$0x7B00]  }
0xe6: {  	v34 =	vld [tilespmem:$0x7B10]  }
0xe7: {  	v35 =	vld [tilespmem:$0x7B20]  }
0xe8: {  	v36 =	vld [tilespmem:$0x7B30]  }
0xe9: {  	v37 =	vld [tilespmem:$0x7B40]  }
0xea: {  	v38 =	vld [tilespmem:$0x7B50]  }
0xeb: {  	v39 =	vld [tilespmem:$0x7B60]  }
0xec: {  	v40 =	vld [tilespmem:$0x7B70]  }
0xed: {  	v41 =	vld [tilespmem:$0x7B80]  }
0xee: {  	v42 =	vld [tilespmem:$0x7B90]  }
0xef: {  	v43 =	vld [tilespmem:$0x7BA0];
	v0 =	vadd.bf16 v26, v0;
	v44 =	vadd.bf16 v28, v27  }
0xf0: {  	v45 =	vld [tilespmem:$0x7BB0];
	v46 =	vadd.bf16 v30, v29;
	v47 =	vadd.bf16 v32, v31  }
0xf1: {  	v48 =	vadd.bf16 v34, v33;
	v49 =	vadd.bf16 v36, v35  }
0xf2: {  	v50 =	vadd.bf16 v38, v37;
	v51 =	vadd.bf16 v40, v39  }
0xf3: {  	v0 =	vadd.bf16 v44, v0;
	v52 =	vadd.bf16 v47, v46  }
0xf4: {  	v53 =	vadd.bf16 v49, v48;
	v54 =	vadd.bf16 v51, v50  }
0xf5: {  	v55 =	vadd.bf16 v42, v41;
	v2 =	vadd.bf16 v45, v43  }
0xf6: {  	v0 =	vadd.bf16 v52, v0;
	v56 =	vadd.bf16 v54, v53;
	_ =	sdelay $0x1  }
0xf7: {  	v2 =	vadd.bf16 v2, v55;
	v0 =	vadd.bf16 v56, v0;
	_ =	sdelay $0x1  }
0xf8: {  	v0 =	vadd.bf16 v2, v0;
	_ =	sdelay $0x1  }
0xf9: {  	[tilespmem:s28+$0xFFFFFFC0] =	vst v0  }
0xfa: {  	v0 =	vld [tilespmem:$0x7BC0]  }
0xfb: {  	v57 =	vld [tilespmem:$0x7BD0]  }
0xfc: {  	v58 =	vld [tilespmem:$0x7BE0]  }
0xfd: {  	v59 =	vld [tilespmem:$0x7BF0]  }
0xfe: {  	v60 =	vld [tilespmem:$0x7C00]  }
0xff: {  	v61 =	vld [tilespmem:$0x7C10]  }
0x100: {  	v62 =	vld [tilespmem:$0x7C20]  }
0x101: {  	v63 =	vld [tilespmem:$0x7C30]  }
0x102: {  	v21 =	vld [tilespmem:$0x7C40]  }
0x103: {  	v22 =	vld [tilespmem:$0x7C50]  }
0x104: {  	v23 =	vld [tilespmem:$0x7C60]  }
0x105: {  	v24 =	vld [tilespmem:$0x7C70]  }
0x106: {  	v25 =	vld [tilespmem:$0x7C80]  }
0x107: {  	v26 =	vld [tilespmem:$0x7C90]  }
0x108: {  	v27 =	vld [tilespmem:$0x7CA0]  }
0x109: {  	v28 =	vld [tilespmem:$0x7CB0]  }
0x10a: {  	v29 =	vld [tilespmem:$0x7CC0]  }
0x10b: {  	v30 =	vld [tilespmem:$0x7CD0]  }
0x10c: {  	v31 =	vld [tilespmem:$0x7CE0];
	v0 =	vadd.bf16 v57, v0;
	v32 =	vadd.bf16 v59, v58  }
0x10d: {  	v33 =	vld [tilespmem:$0x7CF0];
	v34 =	vadd.bf16 v61, v60;
	v35 =	vadd.bf16 v63, v62  }
0x10e: {  	v36 =	vadd.bf16 v22, v21;
	v37 =	vadd.bf16 v24, v23  }
0x10f: {  	v38 =	vadd.bf16 v26, v25;
	v39 =	vadd.bf16 v28, v27  }
0x110: {  	v0 =	vadd.bf16 v32, v0;
	v40 =	vadd.bf16 v35, v34  }
0x111: {  	v41 =	vadd.bf16 v37, v36;
	v42 =	vadd.bf16 v39, v38  }
0x112: {  	v43 =	vadd.bf16 v30, v29;
	v2 =	vadd.bf16 v33, v31  }
0x113: {  	v0 =	vadd.bf16 v40, v0;
	v44 =	vadd.bf16 v42, v41;
	_ =	sdelay $0x1  }
0x114: {  	v2 =	vadd.bf16 v2, v43;
	v0 =	vadd.bf16 v44, v0;
	_ =	sdelay $0x1  }
0x115: {  	v0 =	vadd.bf16 v2, v0;
	_ =	sdelay $0x1  }
0x116: {  	[tilespmem:s28+$0xFFFFFFD0] =	vst v0  }
0x117: {  	v0 =	vld [tilespmem:$0x7D00]  }
0x118: {  	v45 =	vld [tilespmem:$0x7D10]  }
0x119: {  	v46 =	vld [tilespmem:$0x7D20]  }
0x11a: {  	v47 =	vld [tilespmem:$0x7D30]  }
0x11b: {  	v48 =	vld [tilespmem:$0x7D40]  }
0x11c: {  	v49 =	vld [tilespmem:$0x7D50]  }
0x11d: {  	v50 =	vld [tilespmem:$0x7D60]  }
0x11e: {  	v51 =	vld [tilespmem:$0x7D70]  }
0x11f: {  	v52 =	vld [tilespmem:$0x7D80]  }
0x120: {  	v53 =	vld [tilespmem:$0x7D90]  }
0x121: {  	v54 =	vld [tilespmem:$0x7DA0]  }
0x122: {  	v55 =	vld [tilespmem:$0x7DB0]  }
0x123: {  	v56 =	vld [tilespmem:$0x7DC0]  }
0x124: {  	v57 =	vld [tilespmem:$0x7DD0]  }
0x125: {  	v58 =	vld [tilespmem:$0x7DE0]  }
0x126: {  	v59 =	vld [tilespmem:$0x7DF0]  }
0x127: {  	v60 =	vld [tilespmem:$0x7E00]  }
0x128: {  	v61 =	vld [tilespmem:$0x7E10]  }
0x129: {  	v62 =	vld [tilespmem:$0x7E20];
	v0 =	vadd.bf16 v45, v0;
	v63 =	vadd.bf16 v47, v46  }
0x12a: {  	v19 =	vld [tilespmem:$0x7E30];
	v20 =	vadd.bf16 v49, v48;
	v21 =	vadd.bf16 v51, v50  }
0x12b: {  	v22 =	vadd.bf16 v53, v52;
	v23 =	vadd.bf16 v55, v54  }
0x12c: {  	v24 =	vadd.bf16 v57, v56;
	v25 =	vadd.bf16 v59, v58  }
0x12d: {  	v0 =	vadd.bf16 v63, v0;
	v26 =	vadd.bf16 v21, v20  }
0x12e: {  	v27 =	vadd.bf16 v23, v22;
	v28 =	vadd.bf16 v25, v24  }
0x12f: {  	v29 =	vadd.bf16 v61, v60;
	v2 =	vadd.bf16 v19, v62  }
0x130: {  	v0 =	vadd.bf16 v26, v0;
	v30 =	vadd.bf16 v28, v27;
	_ =	sdelay $0x1  }
0x131: {  	v2 =	vadd.bf16 v2, v29;
	v0 =	vadd.bf16 v30, v0;
	_ =	sdelay $0x1  }
0x132: {  	v0 =	vadd.bf16 v2, v0;
	_ =	sdelay $0x1  }
0x133: {  	[tilespmem:s28+$0xFFFFFFE0] =	vst v0  }
0x134: {  	v0 =	vld [tilespmem:$0x7E40]  }
0x135: {  	v31 =	vld [tilespmem:$0x7E50]  }
0x136: {  	v32 =	vld [tilespmem:$0x7E60]  }
0x137: {  	v33 =	vld [tilespmem:$0x7E70]  }
0x138: {  	v34 =	vld [tilespmem:$0x7E80]  }
0x139: {  	v35 =	vld [tilespmem:$0x7E90]  }
0x13a: {  	v36 =	vld [tilespmem:$0x7EA0]  }
0x13b: {  	v37 =	vld [tilespmem:$0x7EB0]  }
0x13c: {  	v38 =	vld [tilespmem:$0x7EC0]  }
0x13d: {  	v39 =	vld [tilespmem:$0x7ED0]  }
0x13e: {  	v40 =	vld [tilespmem:$0x7EE0]  }
0x13f: {  	v41 =	vld [tilespmem:$0x7EF0]  }
0x140: {  	v42 =	vld [tilespmem:$0x7F00]  }
0x141: {  	v43 =	vld [tilespmem:$0x7F10]  }
0x142: {  	v44 =	vld [tilespmem:$0x7F20]  }
0x143: {  	v45 =	vld [tilespmem:$0x7F30]  }
0x144: {  	v46 =	vld [tilespmem:$0x7F40]  }
0x145: {  	v47 =	vld [tilespmem:$0x7F50]  }
0x146: {  	v48 =	vld [tilespmem:$0x7F60];
	v0 =	vadd.bf16 v31, v0;
	v49 =	vadd.bf16 v33, v32  }
0x147: {  	v50 =	vld [tilespmem:$0x7F70];
	v51 =	vadd.bf16 v35, v34;
	v52 =	vadd.bf16 v37, v36  }
0x148: {  	v53 =	vadd.bf16 v39, v38;
	v54 =	vadd.bf16 v41, v40  }
0x149: {  	v55 =	vadd.bf16 v43, v42;
	v56 =	vadd.bf16 v45, v44  }
0x14a: {  	v0 =	vadd.bf16 v49, v0;
	v57 =	vadd.bf16 v52, v51  }
0x14b: {  	v58 =	vadd.bf16 v54, v53;
	v59 =	vadd.bf16 v56, v55  }
0x14c: {  	v60 =	vadd.bf16 v47, v46;
	v2 =	vadd.bf16 v50, v48  }
0x14d: {  	v0 =	vadd.bf16 v57, v0;
	v61 =	vadd.bf16 v59, v58;
	_ =	sdelay $0x1  }
0x14e: {  	v2 =	vadd.bf16 v2, v60;
	v0 =	vadd.bf16 v61, v0;
	_ =	sdelay $0x1  }
0x14f: {  	v0 =	vadd.bf16 v2, v0;
	_ =	sdelay $0x1  }
0x150: {  	s31 =	sadd.s32 $0x4168, s29;
	[tilespmem:s28+$0xFFFFFFF0] =	vst v0  }
0x151: {  	[tilespmem:s13], [sflag:$0x2] =	stream.indirect.gather [spmem:s2], $0x10, s31, s10, $0xb8;
	[tilespmem:$0x8FE8] =	vst v63  }
0x152: {  	_ =	swait.ge [sflag:s20], $0x640  }
0x153: {  	[sflag:s20] =	ssyncset.done $0x0  }
0x154: {  	[sflag:s20] =	ssyncadd.s32 $0xFFFFF9C0  }
0x155: {  	v62 =	vld [tilespmem:$0x7F80]  }
0x156: {  	v63 =	vld [tilespmem:$0x7F90]  }
0x157: {  	v21 =	vld [tilespmem:$0x7FA0]  }
0x158: {  	v22 =	vld [tilespmem:$0x7FB0]  }
0x159: {  	v23 =	vld [tilespmem:$0x7FC0]  }
0x15a: {  	v24 =	vld [tilespmem:$0x7FD0]  }
0x15b: {  	v25 =	vld [tilespmem:$0x7FE0]  }
0x15c: {  	v26 =	vld [tilespmem:$0x7FF0]  }
0x15d: {  	v27 =	vld [tilespmem:$0x8000]  }
0x15e: {  	v28 =	vld [tilespmem:$0x8010]  }
0x15f: {  	v29 =	vld [tilespmem:$0x8020]  }
0x160: {  	v30 =	vld [tilespmem:$0x8030]  }
0x161: {  	v31 =	vld [tilespmem:$0x8040]  }
0x162: {  	v32 =	vld [tilespmem:$0x8050]  }
0x163: {  	v33 =	vld [tilespmem:$0x8060]  }
0x164: {  	v34 =	vld [tilespmem:$0x8070]  }
0x165: {  	v35 =	vld [tilespmem:$0x8080]  }
0x166: {  	v36 =	vld [tilespmem:$0x8090]  }
0x167: {  	v37 =	vld [tilespmem:$0x80A0];
	v0 =	vadd.bf16 v63, v62;
	v38 =	vadd.bf16 v22, v21  }
0x168: {  	v39 =	vld [tilespmem:$0x80B0];
	v40 =	vadd.bf16 v24, v23;
	v41 =	vadd.bf16 v26, v25  }
0x169: {  	v42 =	vadd.bf16 v28, v27;
	v43 =	vadd.bf16 v30, v29  }
0x16a: {  	v44 =	vadd.bf16 v32, v31;
	v45 =	vadd.bf16 v34, v33  }
0x16b: {  	v0 =	vadd.bf16 v38, v0;
	v46 =	vadd.bf16 v41, v40  }
0x16c: {  	v47 =	vadd.bf16 v43, v42;
	v48 =	vadd.bf16 v45, v44  }
0x16d: {  	v49 =	vadd.bf16 v36, v35;
	v2 =	vadd.bf16 v39, v37  }
0x16e: {  	v0 =	vadd.bf16 v46, v0;
	v50 =	vadd.bf16 v48, v47;
	_ =	sdelay $0x1  }
0x16f: {  	v2 =	vadd.bf16 v2, v49;
	v0 =	vadd.bf16 v50, v0;
	_ =	sdelay $0x1  }
0x170: {  	v0 =	vadd.bf16 v2, v0;
	_ =	sdelay $0x1  }
0x171: {  	[tilespmem:s28+$0x0] =	vst v0  }
0x172: {  	v0 =	vld [tilespmem:$0x80C0]  }
0x173: {  	v51 =	vld [tilespmem:$0x80D0]  }
0x174: {  	v52 =	vld [tilespmem:$0x80E0]  }
0x175: {  	v53 =	vld [tilespmem:$0x80F0]  }
0x176: {  	v54 =	vld [tilespmem:$0x8100]  }
0x177: {  	v55 =	vld [tilespmem:$0x8110]  }
0x178: {  	v56 =	vld [tilespmem:$0x8120]  }
0x179: {  	v57 =	vld [tilespmem:$0x8130]  }
0x17a: {  	v58 =	vld [tilespmem:$0x8140]  }
0x17b: {  	v59 =	vld [tilespmem:$0x8150]  }
0x17c: {  	v60 =	vld [tilespmem:$0x8160]  }
0x17d: {  	v61 =	vld [tilespmem:$0x8170]  }
0x17e: {  	v62 =	vld [tilespmem:$0x8180]  }
0x17f: {  	v63 =	vld [tilespmem:$0x8190]  }
0x180: {  	v21 =	vld [tilespmem:$0x81A0]  }
0x181: {  	v22 =	vld [tilespmem:$0x81B0]  }
0x182: {  	v23 =	vld [tilespmem:$0x81C0]  }
0x183: {  	v24 =	vld [tilespmem:$0x81D0]  }
0x184: {  	v25 =	vld [tilespmem:$0x81E0];
	v0 =	vadd.bf16 v51, v0;
	v26 =	vadd.bf16 v53, v52  }
0x185: {  	v27 =	vld [tilespmem:$0x81F0];
	v28 =	vadd.bf16 v55, v54;
	v29 =	vadd.bf16 v57, v56  }
0x186: {  	v30 =	vadd.bf16 v59, v58;
	v31 =	vadd.bf16 v61, v60  }
0x187: {  	v32 =	vadd.bf16 v63, v62;
	v33 =	vadd.bf16 v22, v21  }
0x188: {  	v0 =	vadd.bf16 v26, v0;
	v34 =	vadd.bf16 v29, v28  }
0x189: {  	v35 =	vadd.bf16 v31, v30;
	v36 =	vadd.bf16 v33, v32  }
0x18a: {  	v37 =	vadd.bf16 v24, v23;
	v2 =	vadd.bf16 v27, v25  }
0x18b: {  	v0 =	vadd.bf16 v34, v0;
	v38 =	vadd.bf16 v36, v35;
	_ =	sdelay $0x1  }
0x18c: {  	v2 =	vadd.bf16 v2, v37;
	v0 =	vadd.bf16 v38, v0;
	_ =	sdelay $0x1  }
0x18d: {  	v0 =	vadd.bf16 v2, v0;
	_ =	sdelay $0x1  }
0x18e: {  	[tilespmem:s28+$0x10] =	vst v0  }
0x18f: {  	v0 =	vld [tilespmem:$0x8200]  }
0x190: {  	v39 =	vld [tilespmem:$0x8210]  }
0x191: {  	v40 =	vld [tilespmem:$0x8220]  }
0x192: {  	v41 =	vld [tilespmem:$0x8230]  }
0x193: {  	v42 =	vld [tilespmem:$0x8240]  }
0x194: {  	v43 =	vld [tilespmem:$0x8250]  }
0x195: {  	v44 =	vld [tilespmem:$0x8260]  }
0x196: {  	v45 =	vld [tilespmem:$0x8270]  }
0x197: {  	v46 =	vld [tilespmem:$0x8280]  }
0x198: {  	v47 =	vld [tilespmem:$0x8290]  }
0x199: {  	v48 =	vld [tilespmem:$0x82A0]  }
0x19a: {  	v49 =	vld [tilespmem:$0x82B0]  }
0x19b: {  	v50 =	vld [tilespmem:$0x82C0]  }
0x19c: {  	v51 =	vld [tilespmem:$0x82D0]  }
0x19d: {  	v52 =	vld [tilespmem:$0x82E0]  }
0x19e: {  	v53 =	vld [tilespmem:$0x82F0]  }
0x19f: {  	v54 =	vld [tilespmem:$0x8300]  }
0x1a0: {  	v55 =	vld [tilespmem:$0x8310]  }
0x1a1: {  	v56 =	vld [tilespmem:$0x8320];
	v0 =	vadd.bf16 v39, v0;
	v57 =	vadd.bf16 v41, v40  }
0x1a2: {  	v58 =	vld [tilespmem:$0x8330];
	v59 =	vadd.bf16 v43, v42;
	v60 =	vadd.bf16 v45, v44  }
0x1a3: {  	v61 =	vadd.bf16 v47, v46;
	v62 =	vadd.bf16 v49, v48  }
0x1a4: {  	v63 =	vadd.bf16 v51, v50;
	v12 =	vadd.bf16 v53, v52  }
0x1a5: {  	v0 =	vadd.bf16 v57, v0;
	v13 =	vadd.bf16 v60, v59  }
0x1a6: {  	v14 =	vadd.bf16 v62, v61;
	v15 =	vadd.bf16 v12, v63  }
0x1a7: {  	v19 =	vadd.bf16 v55, v54;
	v2 =	vadd.bf16 v58, v56  }
0x1a8: {  	v0 =	vadd.bf16 v13, v0;
	v20 =	vadd.bf16 v15, v14;
	_ =	sdelay $0x1  }
0x1a9: {  	v2 =	vadd.bf16 v2, v19;
	v0 =	vadd.bf16 v20, v0;
	_ =	sdelay $0x1  }
0x1aa: {  	v0 =	vadd.bf16 v2, v0;
	_ =	sdelay $0x1  }
0x1ab: {  	[tilespmem:s28+$0x20] =	vst v0  }
0x1ac: {  	v0 =	vld [tilespmem:$0x8340]  }
0x1ad: {  	v21 =	vld [tilespmem:$0x8350]  }
0x1ae: {  	v22 =	vld [tilespmem:$0x8360]  }
0x1af: {  	v23 =	vld [tilespmem:$0x8370]  }
0x1b0: {  	v24 =	vld [tilespmem:$0x8380]  }
0x1b1: {  	v25 =	vld [tilespmem:$0x8390]  }
0x1b2: {  	v26 =	vld [tilespmem:$0x83A0]  }
0x1b3: {  	v27 =	vld [tilespmem:$0x83B0]  }
0x1b4: {  	v28 =	vld [tilespmem:$0x83C0]  }
0x1b5: {  	v29 =	vld [tilespmem:$0x83D0]  }
0x1b6: {  	v30 =	vld [tilespmem:$0x83E0]  }
0x1b7: {  	v31 =	vld [tilespmem:$0x83F0]  }
0x1b8: {  	v32 =	vld [tilespmem:$0x8400]  }
0x1b9: {  	v33 =	vld [tilespmem:$0x8410]  }
0x1ba: {  	v34 =	vld [tilespmem:$0x8420]  }
0x1bb: {  	v35 =	vld [tilespmem:$0x8430]  }
0x1bc: {  	v36 =	vld [tilespmem:$0x8440]  }
0x1bd: {  	v37 =	vld [tilespmem:$0x8450]  }
0x1be: {  	v38 =	vld [tilespmem:$0x8460];
	v0 =	vadd.bf16 v21, v0;
	v39 =	vadd.bf16 v23, v22  }
0x1bf: {  	v40 =	vld [tilespmem:$0x8470];
	v41 =	vadd.bf16 v25, v24;
	v42 =	vadd.bf16 v27, v26  }
0x1c0: {  	v43 =	vadd.bf16 v29, v28;
	v44 =	vadd.bf16 v31, v30  }
0x1c1: {  	v45 =	vadd.bf16 v33, v32;
	v46 =	vadd.bf16 v35, v34  }
0x1c2: {  	v0 =	vadd.bf16 v39, v0;
	v47 =	vadd.bf16 v42, v41  }
0x1c3: {  	v48 =	vadd.bf16 v44, v43;
	v49 =	vadd.bf16 v46, v45  }
0x1c4: {  	v50 =	vadd.bf16 v37, v36;
	v2 =	vadd.bf16 v40, v38  }
0x1c5: {  	v0 =	vadd.bf16 v47, v0;
	v51 =	vadd.bf16 v49, v48;
	_ =	sdelay $0x1  }
0x1c6: {  	v2 =	vadd.bf16 v2, v50;
	v0 =	vadd.bf16 v51, v0;
	_ =	sdelay $0x1  }
0x1c7: {  	v0 =	vadd.bf16 v2, v0;
	_ =	sdelay $0x1  }
0x1c8: {  	[tilespmem:s28+$0x30] =	vst v0  }
0x1c9: {  	v0 =	vld [tilespmem:$0x8480]  }
0x1ca: {  	v52 =	vld [tilespmem:$0x8490]  }
0x1cb: {  	v53 =	vld [tilespmem:$0x84A0]  }
0x1cc: {  	v54 =	vld [tilespmem:$0x84B0]  }
0x1cd: {  	v55 =	vld [tilespmem:$0x84C0]  }
0x1ce: {  	v56 =	vld [tilespmem:$0x84D0]  }
0x1cf: {  	v57 =	vld [tilespmem:$0x84E0]  }
0x1d0: {  	v58 =	vld [tilespmem:$0x84F0]  }
0x1d1: {  	v59 =	vld [tilespmem:$0x8500]  }
0x1d2: {  	v60 =	vld [tilespmem:$0x8510]  }
0x1d3: {  	v61 =	vld [tilespmem:$0x8520]  }
0x1d4: {  	v62 =	vld [tilespmem:$0x8530]  }
0x1d5: {  	v63 =	vld [tilespmem:$0x8540]  }
0x1d6: {  	v21 =	vld [tilespmem:$0x8550]  }
0x1d7: {  	v22 =	vld [tilespmem:$0x8560]  }
0x1d8: {  	v23 =	vld [tilespmem:$0x8570]  }
0x1d9: {  	v24 =	vld [tilespmem:$0x8580]  }
0x1da: {  	v25 =	vld [tilespmem:$0x8590]  }
0x1db: {  	v26 =	vld [tilespmem:$0x85A0];
	v0 =	vadd.bf16 v52, v0;
	v27 =	vadd.bf16 v54, v53  }
0x1dc: {  	v28 =	vld [tilespmem:$0x85B0];
	v29 =	vadd.bf16 v56, v55;
	v30 =	vadd.bf16 v58, v57  }
0x1dd: {  	v31 =	vadd.bf16 v60, v59;
	v32 =	vadd.bf16 v62, v61  }
0x1de: {  	v33 =	vadd.bf16 v21, v63;
	v34 =	vadd.bf16 v23, v22  }
0x1df: {  	v0 =	vadd.bf16 v27, v0;
	v35 =	vadd.bf16 v30, v29  }
0x1e0: {  	v36 =	vadd.bf16 v32, v31;
	v37 =	vadd.bf16 v34, v33  }
0x1e1: {  	v38 =	vadd.bf16 v25, v24;
	v2 =	vadd.bf16 v28, v26  }
0x1e2: {  	v0 =	vadd.bf16 v35, v0;
	v39 =	vadd.bf16 v37, v36;
	_ =	sdelay $0x1  }
0x1e3: {  	v2 =	vadd.bf16 v2, v38;
	v0 =	vadd.bf16 v39, v0;
	_ =	sdelay $0x1  }
0x1e4: {  	v0 =	vadd.bf16 v2, v0;
	_ =	sdelay $0x1  }
0x1e5: {  	s31 =	sadd.s32 $0x41D0, s29;
	[tilespmem:s28+$0x40] =	vst v0  }
0x1e6: {  	[tilespmem:s15], [sflag:$0x3] =	stream.indirect.gather [spmem:s2], $0x10, s31, s10, $0xb8;
	[tilespmem:$0x8FE8] =	vst v63  }
0x1e7: {  	_ =	swait.ge [sflag:s21], $0x640  }
0x1e8: {  	[sflag:s21] =	ssyncset.done $0x0  }
0x1e9: {  	[sflag:s21] =	ssyncadd.s32 $0xFFFFF9C0  }
0x1ea: {  	v40 =	vld [tilespmem:$0x85C0]  }
0x1eb: {  	v41 =	vld [tilespmem:$0x85D0]  }
0x1ec: {  	v42 =	vld [tilespmem:$0x85E0]  }
0x1ed: {  	v43 =	vld [tilespmem:$0x85F0]  }
0x1ee: {  	v44 =	vld [tilespmem:$0x8600]  }
0x1ef: {  	v45 =	vld [tilespmem:$0x8610]  }
0x1f0: {  	v46 =	vld [tilespmem:$0x8620]  }
0x1f1: {  	v47 =	vld [tilespmem:$0x8630]  }
0x1f2: {  	v48 =	vld [tilespmem:$0x8640]  }
0x1f3: {  	v49 =	vld [tilespmem:$0x8650]  }
0x1f4: {  	v50 =	vld [tilespmem:$0x8660]  }
0x1f5: {  	v51 =	vld [tilespmem:$0x8670]  }
0x1f6: {  	v52 =	vld [tilespmem:$0x8680]  }
0x1f7: {  	v53 =	vld [tilespmem:$0x8690]  }
0x1f8: {  	v54 =	vld [tilespmem:$0x86A0]  }
0x1f9: {  	v55 =	vld [tilespmem:$0x86B0]  }
0x1fa: {  	v56 =	vld [tilespmem:$0x86C0]  }
0x1fb: {  	v57 =	vld [tilespmem:$0x86D0]  }
0x1fc: {  	v58 =	vld [tilespmem:$0x86E0];
	v0 =	vadd.bf16 v41, v40;
	v59 =	vadd.bf16 v43, v42  }
0x1fd: {  	v60 =	vld [tilespmem:$0x86F0];
	v61 =	vadd.bf16 v45, v44;
	v62 =	vadd.bf16 v47, v46  }
0x1fe: {  	v63 =	vadd.bf16 v49, v48;
	v19 =	vadd.bf16 v51, v50  }
0x1ff: {  	v20 =	vadd.bf16 v53, v52;
	v21 =	vadd.bf16 v55, v54  }
0x200: {  	v0 =	vadd.bf16 v59, v0;
	v22 =	vadd.bf16 v62, v61  }
0x201: {  	v23 =	vadd.bf16 v19, v63;
	v24 =	vadd.bf16 v21, v20  }
0x202: {  	v25 =	vadd.bf16 v57, v56;
	v2 =	vadd.bf16 v60, v58  }
0x203: {  	v0 =	vadd.bf16 v22, v0;
	v26 =	vadd.bf16 v24, v23;
	_ =	sdelay $0x1  }
0x204: {  	v2 =	vadd.bf16 v2, v25;
	v0 =	vadd.bf16 v26, v0;
	_ =	sdelay $0x1  }
0x205: {  	v0 =	vadd.bf16 v2, v0;
	_ =	sdelay $0x1  }
0x206: {  	[tilespmem:s28+$0x50] =	vst v0  }
0x207: {  	v0 =	vld [tilespmem:$0x8700]  }
0x208: {  	v27 =	vld [tilespmem:$0x8710]  }
0x209: {  	v28 =	vld [tilespmem:$0x8720]  }
0x20a: {  	v29 =	vld [tilespmem:$0x8730]  }
0x20b: {  	v30 =	vld [tilespmem:$0x8740]  }
0x20c: {  	v31 =	vld [tilespmem:$0x8750]  }
0x20d: {  	v32 =	vld [tilespmem:$0x8760]  }
0x20e: {  	v33 =	vld [tilespmem:$0x8770]  }
0x20f: {  	v34 =	vld [tilespmem:$0x8780]  }
0x210: {  	v35 =	vld [tilespmem:$0x8790]  }
0x211: {  	v36 =	vld [tilespmem:$0x87A0]  }
0x212: {  	v37 =	vld [tilespmem:$0x87B0]  }
0x213: {  	v38 =	vld [tilespmem:$0x87C0]  }
0x214: {  	v39 =	vld [tilespmem:$0x87D0]  }
0x215: {  	v40 =	vld [tilespmem:$0x87E0]  }
0x216: {  	v41 =	vld [tilespmem:$0x87F0]  }
0x217: {  	v42 =	vld [tilespmem:$0x8800]  }
0x218: {  	v43 =	vld [tilespmem:$0x8810]  }
0x219: {  	v44 =	vld [tilespmem:$0x8820];
	v0 =	vadd.bf16 v27, v0;
	v45 =	vadd.bf16 v29, v28  }
0x21a: {  	v46 =	vld [tilespmem:$0x8830];
	v47 =	vadd.bf16 v31, v30;
	v48 =	vadd.bf16 v33, v32  }
0x21b: {  	v49 =	vadd.bf16 v35, v34;
	v50 =	vadd.bf16 v37, v36  }
0x21c: {  	v51 =	vadd.bf16 v39, v38;
	v52 =	vadd.bf16 v41, v40  }
0x21d: {  	v0 =	vadd.bf16 v45, v0;
	v53 =	vadd.bf16 v48, v47  }
0x21e: {  	v54 =	vadd.bf16 v50, v49;
	v55 =	vadd.bf16 v52, v51  }
0x21f: {  	v56 =	vadd.bf16 v43, v42;
	v2 =	vadd.bf16 v46, v44  }
0x220: {  	v0 =	vadd.bf16 v53, v0;
	v57 =	vadd.bf16 v55, v54;
	_ =	sdelay $0x1  }
0x221: {  	v2 =	vadd.bf16 v2, v56;
	v0 =	vadd.bf16 v57, v0;
	_ =	sdelay $0x1  }
0x222: {  	v0 =	vadd.bf16 v2, v0;
	_ =	sdelay $0x1  }
0x223: {  	[tilespmem:s28+$0x60] =	vst v0  }
0x224: {  	v0 =	vld [tilespmem:$0x8840]  }
0x225: {  	v58 =	vld [tilespmem:$0x8850]  }
0x226: {  	v59 =	vld [tilespmem:$0x8860]  }
0x227: {  	v60 =	vld [tilespmem:$0x8870]  }
0x228: {  	v61 =	vld [tilespmem:$0x8880]  }
0x229: {  	v62 =	vld [tilespmem:$0x8890]  }
0x22a: {  	v63 =	vld [tilespmem:$0x88A0]  }
0x22b: {  	v21 =	vld [tilespmem:$0x88B0]  }
0x22c: {  	v22 =	vld [tilespmem:$0x88C0]  }
0x22d: {  	v23 =	vld [tilespmem:$0x88D0]  }
0x22e: {  	v24 =	vld [tilespmem:$0x88E0]  }
0x22f: {  	v25 =	vld [tilespmem:$0x88F0]  }
0x230: {  	v26 =	vld [tilespmem:$0x8900]  }
0x231: {  	v27 =	vld [tilespmem:$0x8910]  }
0x232: {  	v28 =	vld [tilespmem:$0x8920]  }
0x233: {  	v29 =	vld [tilespmem:$0x8930]  }
0x234: {  	v30 =	vld [tilespmem:$0x8940]  }
0x235: {  	v31 =	vld [tilespmem:$0x8950]  }
0x236: {  	v32 =	vld [tilespmem:$0x8960];
	v0 =	vadd.bf16 v58, v0;
	v33 =	vadd.bf16 v60, v59  }
0x237: {  	v34 =	vld [tilespmem:$0x8970];
	v35 =	vadd.bf16 v62, v61;
	v36 =	vadd.bf16 v21, v63  }
0x238: {  	v37 =	vadd.bf16 v23, v22;
	v38 =	vadd.bf16 v25, v24  }
0x239: {  	v39 =	vadd.bf16 v27, v26;
	v40 =	vadd.bf16 v29, v28  }
0x23a: {  	v0 =	vadd.bf16 v33, v0;
	v41 =	vadd.bf16 v36, v35  }
0x23b: {  	v42 =	vadd.bf16 v38, v37;
	v43 =	vadd.bf16 v40, v39  }
0x23c: {  	v44 =	vadd.bf16 v31, v30;
	v2 =	vadd.bf16 v34, v32  }
0x23d: {  	v0 =	vadd.bf16 v41, v0;
	v45 =	vadd.bf16 v43, v42;
	_ =	sdelay $0x1  }
0x23e: {  	v2 =	vadd.bf16 v2, v44;
	v0 =	vadd.bf16 v45, v0;
	_ =	sdelay $0x1  }
0x23f: {  	v0 =	vadd.bf16 v2, v0;
	_ =	sdelay $0x1  }
0x240: {  	[tilespmem:s28+$0x70] =	vst v0  }
0x241: {  	v0 =	vld [tilespmem:$0x8980]  }
0x242: {  	v46 =	vld [tilespmem:$0x8990]  }
0x243: {  	v47 =	vld [tilespmem:$0x89A0]  }
0x244: {  	v48 =	vld [tilespmem:$0x89B0]  }
0x245: {  	v49 =	vld [tilespmem:$0x89C0]  }
0x246: {  	v50 =	vld [tilespmem:$0x89D0]  }
0x247: {  	v51 =	vld [tilespmem:$0x89E0]  }
0x248: {  	v52 =	vld [tilespmem:$0x89F0]  }
0x249: {  	v53 =	vld [tilespmem:$0x8A00]  }
0x24a: {  	v54 =	vld [tilespmem:$0x8A10]  }
0x24b: {  	v55 =	vld [tilespmem:$0x8A20]  }
0x24c: {  	v56 =	vld [tilespmem:$0x8A30]  }
0x24d: {  	v57 =	vld [tilespmem:$0x8A40]  }
0x24e: {  	v58 =	vld [tilespmem:$0x8A50]  }
0x24f: {  	v59 =	vld [tilespmem:$0x8A60]  }
0x250: {  	v60 =	vld [tilespmem:$0x8A70]  }
0x251: {  	v61 =	vld [tilespmem:$0x8A80]  }
0x252: {  	v62 =	vld [tilespmem:$0x8A90]  }
0x253: {  	v63 =	vld [tilespmem:$0x8AA0];
	v0 =	vadd.bf16 v46, v0;
	v20 =	vadd.bf16 v48, v47  }
0x254: {  	v21 =	vld [tilespmem:$0x8AB0];
	v22 =	vadd.bf16 v50, v49;
	v23 =	vadd.bf16 v52, v51  }
0x255: {  	v24 =	vadd.bf16 v54, v53;
	v25 =	vadd.bf16 v56, v55  }
0x256: {  	v26 =	vadd.bf16 v58, v57;
	v27 =	vadd.bf16 v60, v59  }
0x257: {  	v0 =	vadd.bf16 v20, v0;
	v28 =	vadd.bf16 v23, v22  }
0x258: {  	v29 =	vadd.bf16 v25, v24;
	v30 =	vadd.bf16 v27, v26  }
0x259: {  	v31 =	vadd.bf16 v62, v61;
	v2 =	vadd.bf16 v21, v63  }
0x25a: {  	v0 =	vadd.bf16 v28, v0;
	v32 =	vadd.bf16 v30, v29;
	_ =	sdelay $0x1  }
0x25b: {  	v2 =	vadd.bf16 v2, v31;
	v0 =	vadd.bf16 v32, v0;
	_ =	sdelay $0x1  }
0x25c: {  	v0 =	vadd.bf16 v2, v0;
	_ =	sdelay $0x1  }
0x25d: {  	[tilespmem:s28+$0x80] =	vst v0  }
0x25e: {  	v0 =	vld [tilespmem:$0x8AC0]  }
0x25f: {  	v33 =	vld [tilespmem:$0x8AD0]  }
0x260: {  	v34 =	vld [tilespmem:$0x8AE0]  }
0x261: {  	v35 =	vld [tilespmem:$0x8AF0]  }
0x262: {  	v36 =	vld [tilespmem:$0x8B00]  }
0x263: {  	v37 =	vld [tilespmem:$0x8B10]  }
0x264: {  	v38 =	vld [tilespmem:$0x8B20]  }
0x265: {  	v39 =	vld [tilespmem:$0x8B30]  }
0x266: {  	v40 =	vld [tilespmem:$0x8B40]  }
0x267: {  	v41 =	vld [tilespmem:$0x8B50]  }
0x268: {  	v42 =	vld [tilespmem:$0x8B60]  }
0x269: {  	v43 =	vld [tilespmem:$0x8B70]  }
0x26a: {  	v44 =	vld [tilespmem:$0x8B80]  }
0x26b: {  	v45 =	vld [tilespmem:$0x8B90]  }
0x26c: {  	v46 =	vld [tilespmem:$0x8BA0]  }
0x26d: {  	v47 =	vld [tilespmem:$0x8BB0]  }
0x26e: {  	v48 =	vld [tilespmem:$0x8BC0]  }
0x26f: {  	v49 =	vld [tilespmem:$0x8BD0]  }
0x270: {  	v50 =	vld [tilespmem:$0x8BE0];
	v0 =	vadd.bf16 v33, v0;
	v51 =	vadd.bf16 v35, v34  }
0x271: {  	v52 =	vld [tilespmem:$0x8BF0];
	v53 =	vadd.bf16 v37, v36;
	v54 =	vadd.bf16 v39, v38  }
0x272: {  	v55 =	vadd.bf16 v41, v40;
	v56 =	vadd.bf16 v43, v42  }
0x273: {  	v57 =	vadd.bf16 v45, v44;
	v58 =	vadd.bf16 v47, v46  }
0x274: {  	v0 =	vadd.bf16 v51, v0;
	v59 =	vadd.bf16 v54, v53  }
0x275: {  	v60 =	vadd.bf16 v56, v55;
	v61 =	vadd.bf16 v58, v57  }
0x276: {  	v62 =	vadd.bf16 v49, v48;
	v2 =	vadd.bf16 v52, v50  }
0x277: {  	v0 =	vadd.bf16 v59, v0;
	v63 =	vadd.bf16 v61, v60;
	_ =	sdelay $0x1  }
0x278: {  	p1 =	sne.s32 s26, $0xFFFFF980;
	v2 =	vadd.bf16 v2, v62;
	v0 =	vadd.bf16 v63, v0  }
.Ltmp0:
0x279: {  	_ = 	snop;
	(pc) =	sbr.rel @p1 .LBB2_3-.Ltmp0, $3  }
0x27a: {  	v0 =	vadd.bf16 v2, v0;
	_ =	sdelay $0x1  }
0x27b: {  	s26 =	sadd.s32 $0x680, s26;
	s29 =	sadd.s32 $0x4238, s29;
	[tilespmem:s28+$0x90] =	vst v0;
	s28 =	sadd.s32 $0x140, s28  }
0x27c: {  	[tilespmem:s17], [sflag:$0x4] =	stream.indirect.gather [spmem:s2], $0x10, s29, s10, $0xb8;
	[tilespmem:$0x8FE8] =	vst v63  }
0x27d: {  	_ =	swait.ge [sflag:s18], $0x640  }
0x27e: {  	[sflag:s18] =	ssyncset.done $0x0  }
0x27f: {  	[sflag:s18] =	ssyncadd.s32 $0xFFFFF9C0  }
0x280: {  	v0 =	vld [tilespmem:$0x7300]  }
0x281: {  	v1 =	vld [tilespmem:$0x7310]  }
0x282: {  	v2 =	vld [tilespmem:$0x7320]  }
0x283: {  	v3 =	vld [tilespmem:$0x7330]  }
0x284: {  	v4 =	vld [tilespmem:$0x7340]  }
0x285: {  	v5 =	vld [tilespmem:$0x7350]  }
0x286: {  	v6 =	vld [tilespmem:$0x7360]  }
0x287: {  	v7 =	vld [tilespmem:$0x7370]  }
0x288: {  	v8 =	vld [tilespmem:$0x7380]  }
0x289: {  	v9 =	vld [tilespmem:$0x7390]  }
0x28a: {  	v10 =	vld [tilespmem:$0x73A0]  }
0x28b: {  	v11 =	vld [tilespmem:$0x73B0]  }
0x28c: {  	v12 =	vld [tilespmem:$0x73C0]  }
0x28d: {  	v13 =	vld [tilespmem:$0x73D0]  }
0x28e: {  	v14 =	vld [tilespmem:$0x73E0]  }
0x28f: {  	v15 =	vld [tilespmem:$0x73F0]  }
0x290: {  	v16 =	vld [tilespmem:$0x7400]  }
0x291: {  	v17 =	vld [tilespmem:$0x7410]  }
0x292: {  	v18 =	vld [tilespmem:$0x7420]  }
0x293: {  	v19 =	vld [tilespmem:$0x7430]  }
0x294: {  	v20 =	vld [tilespmem:$0x7440]  }
0x295: {  	v21 =	vld [tilespmem:$0x7450]  }
0x296: {  	v22 =	vld [tilespmem:$0x7460]  }
0x297: {  	v23 =	vld [tilespmem:$0x7470]  }
0x298: {  	v24 =	vld [tilespmem:$0x7480]  }
0x299: {  	v25 =	vld [tilespmem:$0x7490]  }
0x29a: {  	v26 =	vld [tilespmem:$0x74A0]  }
0x29b: {  	v27 =	vld [tilespmem:$0x74B0]  }
0x29c: {  	v28 =	vld [tilespmem:$0x74C0]  }
0x29d: {  	v29 =	vld [tilespmem:$0x74D0]  }
0x29e: {  	v30 =	vld [tilespmem:$0x74E0]  }
0x29f: {  	v31 =	vld [tilespmem:$0x74F0]  }
0x2a0: {  	v32 =	vld [tilespmem:$0x7500]  }
0x2a1: {  	v33 =	vld [tilespmem:$0x7510]  }
0x2a2: {  	v34 =	vld [tilespmem:$0x7520]  }
0x2a3: {  	v35 =	vld [tilespmem:$0x7530]  }
0x2a4: {  	v36 =	vld [tilespmem:$0x7540]  }
0x2a5: {  	v37 =	vld [tilespmem:$0x7550]  }
0x2a6: {  	v38 =	vld [tilespmem:$0x7560]  }
0x2a7: {  	v39 =	vld [tilespmem:$0x7570]  }
0x2a8: {  	v40 =	vld [tilespmem:$0x7580]  }
0x2a9: {  	v41 =	vld [tilespmem:$0x7590]  }
0x2aa: {  	v42 =	vld [tilespmem:$0x75A0]  }
0x2ab: {  	v43 =	vld [tilespmem:$0x75B0]  }
0x2ac: {  	v44 =	vld [tilespmem:$0x75C0]  }
0x2ad: {  	v45 =	vld [tilespmem:$0x75D0]  }
0x2ae: {  	v46 =	vld [tilespmem:$0x75E0]  }
0x2af: {  	v47 =	vld [tilespmem:$0x75F0]  }
0x2b0: {  	v48 =	vld [tilespmem:$0x7600]  }
0x2b1: {  	v49 =	vld [tilespmem:$0x7610]  }
0x2b2: {  	v50 =	vld [tilespmem:$0x7620]  }
0x2b3: {  	v51 =	vld [tilespmem:$0x7630]  }
0x2b4: {  	v52 =	vld [tilespmem:$0x7640]  }
0x2b5: {  	v53 =	vld [tilespmem:$0x7650]  }
0x2b6: {  	v54 =	vld [tilespmem:$0x7660]  }
0x2b7: {  	v55 =	vld [tilespmem:$0x7670]  }
0x2b8: {  	v56 =	vld [tilespmem:$0x7680]  }
0x2b9: {  	v57 =	vld [tilespmem:$0x7690]  }
0x2ba: {  	v58 =	vld [tilespmem:$0x76A0]  }
0x2bb: {  	v59 =	vld [tilespmem:$0x76B0]  }
0x2bc: {  	v0 =	vadd.bf16 v1, v0;
	v1 =	vadd.bf16 v3, v2;
	v2 =	vld [tilespmem:$0x76C0]  }
0x2bd: {  	v3 =	vadd.bf16 v5, v4;
	v5 =	vld [tilespmem:$0x76D0]  }
0x2be: {  	v62 =	vadd.bf16 v9, v8;
	v8 =	vld [tilespmem:$0x76E0]  }
0x2bf: {  	v63 =	vadd.bf16 v11, v10;
	v11 =	vld [tilespmem:$0x76F0]  }
0x2c0: {  	v61 =	vadd.bf16 v7, v6;
	v7 =	vld [tilespmem:$0x7710]  }
0x2c1: {  	v13 =	vadd.bf16 v13, v12;
	v12 =	vld [tilespmem:$0x7720]  }
0x2c2: {  	v60 =	vadd.bf16 v15, v14;
	v17 =	vadd.bf16 v17, v16;
	v4 =	vld [tilespmem:$0x7730]  }
0x2c3: {  	v6 =	vld [tilespmem:$0x7740];
	v25 =	vadd.bf16 v25, v24;
	v27 =	vadd.bf16 v27, v26  }
0x2c4: {  	v14 =	vld [tilespmem:$0x7760];
	v29 =	vadd.bf16 v29, v28;
	v31 =	vadd.bf16 v31, v30  }
0x2c5: {  	v32 =	vadd.bf16 v33, v32;
	v33 =	vadd.bf16 v35, v34;
	v15 =	vld [tilespmem:$0x77A0]  }
0x2c6: {  	v24 =	vld [tilespmem:$0x77C0];
	v41 =	vadd.bf16 v41, v40;
	v43 =	vadd.bf16 v43, v42  }
0x2c7: {  	v16 =	vld [tilespmem:$0x77D0];
	v45 =	vadd.bf16 v45, v44;
	v46 =	vadd.bf16 v47, v46  }
0x2c8: {  	v26 =	vld [tilespmem:$0x77E0];
	v47 =	vadd.bf16 v49, v48;
	v48 =	vadd.bf16 v51, v50  }
0x2c9: {  	v49 =	vadd.bf16 v53, v52;
	v50 =	vadd.bf16 v55, v54;
	v54 =	vld [tilespmem:$0x7830]  }
0x2ca: {  	v55 =	vadd.bf16 v57, v56;
	v56 =	vadd.bf16 v59, v58;
	v57 =	vld [tilespmem:$0x7840]  }
0x2cb: {  	v59 =	vld [tilespmem:$0x7850];
	v0 =	vadd.bf16 v1, v0;
	v61 =	vadd.bf16 v61, v3  }
0x2cc: {  	v30 =	vld [tilespmem:$0x7890];
	v62 =	vadd.bf16 v63, v62;
	v63 =	vadd.bf16 v60, v13  }
0x2cd: {  	v42 =	vld [tilespmem:$0x78D0];
	v60 =	vadd.bf16 v19, v18;
	v34 =	vadd.bf16 v27, v25  }
0x2ce: {  	v3 =	vld [tilespmem:$0x7700];
	v35 =	vadd.bf16 v31, v29;
	v18 =	vadd.bf16 v43, v41  }
0x2cf: {  	v1 =	vld [tilespmem:$0x7750];
	v51 =	vadd.bf16 v46, v45;
	v52 =	vadd.bf16 v48, v47  }
0x2d0: {  	v19 =	vld [tilespmem:$0x77B0];
	v53 =	vadd.bf16 v50, v49;
	v0 =	vadd.bf16 v61, v0  }
0x2d1: {  	v29 =	vld [tilespmem:$0x77F0];
	v61 =	vadd.bf16 v63, v62;
	v9 =	vadd.bf16 v60, v17  }
0x2d2: {  	v27 =	vld [tilespmem:$0x7820];
	v62 =	vadd.bf16 v21, v20;
	v63 =	vadd.bf16 v23, v22  }
0x2d3: {  	v43 =	vld [tilespmem:$0x78E0];
	v60 =	vadd.bf16 v33, v32;
	v18 =	vadd.bf16 v51, v18  }
0x2d4: {  	v45 =	vld [tilespmem:$0x78F0];
	v58 =	vadd.bf16 v53, v52;
	v2 =	vadd.bf16 v5, v2  }
0x2d5: {  	v50 =	vld [tilespmem:$0x7920];
	v33 =	vadd.bf16 v11, v8;
	v4 =	vadd.bf16 v4, v12  }
0x2d6: {  	v17 =	vld [tilespmem:$0x7770];
	v46 =	vadd.bf16 v16, v24;
	v0 =	vadd.bf16 v61, v0  }
0x2d7: {  	v20 =	vld [tilespmem:$0x7780];
	v10 =	vadd.bf16 v63, v62;
	v61 =	vadd.bf16 v37, v36  }
0x2d8: {  	v23 =	vld [tilespmem:$0x7790];
	v62 =	vadd.bf16 v39, v38;
	v63 =	vadd.bf16 v60, v35  }
0x2d9: {  	v32 =	vld [tilespmem:$0x7800];
	v18 =	vadd.bf16 v58, v18;
	v3 =	vadd.bf16 v7, v3  }
0x2da: {  	v53 =	vld [tilespmem:$0x7930];
	v1 =	vadd.bf16 v1, v6;
	v41 =	vadd.bf16 v19, v15  }
0x2db: {  	v35 =	vld [tilespmem:$0x7810];
	v2 =	vadd.bf16 v33, v2;
	v47 =	vadd.bf16 v29, v26  }
0x2dc: {  	v60 =	vld [tilespmem:$0x7860];
	v52 =	vadd.bf16 v54, v27;
	v54 =	vadd.bf16 v59, v57  }
0x2dd: {  	v37 =	vld [tilespmem:$0x78B0];
	v10 =	vadd.bf16 v34, v10;
	v21 =	vadd.bf16 v62, v61  }
0x2de: {  	v39 =	vld [tilespmem:$0x78C0];
	v61 =	vadd.bf16 v56, v55;
	v0 =	vadd.bf16 v9, v0  }
0x2df: {  	v62 =	vld [tilespmem:$0x7870];
	v38 =	vadd.bf16 v17, v14;
	v40 =	vadd.bf16 v23, v20  }
0x2e0: {  	v34 =	vld [tilespmem:$0x78A0];
	v3 =	vadd.bf16 v4, v3;
	v4 =	vadd.bf16 v45, v43  }
0x2e1: {  	v5 =	vadd.bf16 v53, v50;
	v10 =	vadd.bf16 v63, v10;
	v63 =	vld [tilespmem:$0x7880]  }
0x2e2: {  	v58 =	vadd.bf16 v47, v46;
	v18 =	vadd.bf16 v61, v18  }
0x2e3: {  	v48 =	vld [tilespmem:$0x7900];
	v1 =	vadd.bf16 v38, v1;
	v44 =	vadd.bf16 v41, v40  }
0x2e4: {  	v49 =	vld [tilespmem:$0x7910];
	v2 =	vadd.bf16 v3, v2;
	v51 =	vadd.bf16 v35, v32  }
0x2e5: {  	v55 =	vadd.bf16 v42, v39;
	v13 =	vadd.bf16 v62, v60  }
0x2e6: {  	v7 =	vadd.bf16 v37, v34;
	v9 =	vadd.bf16 v30, v63  }
0x2e7: {  	v56 =	vadd.bf16 v52, v51;
	v4 =	vadd.bf16 v4, v55  }
0x2e8: {  	v57 =	vadd.bf16 v13, v54;
	v7 =	vadd.bf16 v7, v9  }
0x2e9: {  	v3 =	vadd.bf16 v49, v48;
	v1 =	vadd.bf16 v44, v1  }
0x2ea: {  	v6 =	vadd.bf16 v57, v56;
	v4 =	vadd.bf16 v4, v7  }
0x2eb: {  	v10 =	vadd.bf16 v21, v10;
	v1 =	vadd.bf16 v1, v2  }
0x2ec: {  	[tilespmem:$0x71C0] =	vst v0;
	v59 =	vadd.bf16 v5, v3;
	v60 =	vadd.bf16 v4, v6  }
0x2ed: {  	[tilespmem:$0x71E0] =	vst v18;
	v1 =	vadd.bf16 v58, v1  }
0x2ee: {  	[tilespmem:$0x71D0] =	vst v10;
	v0 =	vadd.bf16 v59, v60  }
0x2ef: {  	[tilespmem:$0x71F0] =	vst v1  }
0x2f0: {  	[tilespmem:$0x7200] =	vst v0  }
0x2f1: {  	_ =	swait.ge [sflag:s19], $0x640  }
0x2f2: {  	[sflag:s19] =	ssyncset.done $0x0  }
0x2f3: {  	[sflag:s19] =	ssyncadd.s32 $0xFFFFF9C0  }
0x2f4: {  	v0 =	vld [tilespmem:$0x7940]  }
0x2f5: {  	v1 =	vld [tilespmem:$0x7950]  }
0x2f6: {  	v2 =	vld [tilespmem:$0x7960]  }
0x2f7: {  	v3 =	vld [tilespmem:$0x7970]  }
0x2f8: {  	v4 =	vld [tilespmem:$0x7980]  }
0x2f9: {  	v5 =	vld [tilespmem:$0x7990]  }
0x2fa: {  	v6 =	vld [tilespmem:$0x79A0]  }
0x2fb: {  	v61 =	vld [tilespmem:$0x79B0]  }
0x2fc: {  	v8 =	vld [tilespmem:$0x79C0]  }
0x2fd: {  	v62 =	vld [tilespmem:$0x79D0]  }
0x2fe: {  	v10 =	vld [tilespmem:$0x79E0]  }
0x2ff: {  	v63 =	vld [tilespmem:$0x79F0]  }
0x300: {  	v12 =	vld [tilespmem:$0x7A00]  }
0x301: {  	v13 =	vld [tilespmem:$0x7A10]  }
0x302: {  	v14 =	vld [tilespmem:$0x7A20]  }
0x303: {  	v60 =	vld [tilespmem:$0x7A30]  }
0x304: {  	v16 =	vld [tilespmem:$0x7A40]  }
0x305: {  	v17 =	vld [tilespmem:$0x7A50]  }
0x306: {  	v18 =	vld [tilespmem:$0x7A60]  }
0x307: {  	v19 =	vld [tilespmem:$0x7A70]  }
0x308: {  	v20 =	vld [tilespmem:$0x7A80]  }
0x309: {  	v21 =	vld [tilespmem:$0x7A90]  }
0x30a: {  	v22 =	vld [tilespmem:$0x7AA0]  }
0x30b: {  	v23 =	vld [tilespmem:$0x7AB0]  }
0x30c: {  	v24 =	vld [tilespmem:$0x7AC0]  }
0x30d: {  	v25 =	vld [tilespmem:$0x7AD0]  }
0x30e: {  	v26 =	vld [tilespmem:$0x7AE0]  }
0x30f: {  	v27 =	vld [tilespmem:$0x7AF0]  }
0x310: {  	v28 =	vld [tilespmem:$0x7B00]  }
0x311: {  	v29 =	vld [tilespmem:$0x7B10]  }
0x312: {  	v30 =	vld [tilespmem:$0x7B20]  }
0x313: {  	v31 =	vld [tilespmem:$0x7B30]  }
0x314: {  	v32 =	vld [tilespmem:$0x7B40]  }
0x315: {  	v33 =	vld [tilespmem:$0x7B50]  }
0x316: {  	v34 =	vld [tilespmem:$0x7B60]  }
0x317: {  	v35 =	vld [tilespmem:$0x7B70]  }
0x318: {  	v36 =	vld [tilespmem:$0x7B80]  }
0x319: {  	v37 =	vld [tilespmem:$0x7B90]  }
0x31a: {  	v38 =	vld [tilespmem:$0x7BA0]  }
0x31b: {  	v39 =	vld [tilespmem:$0x7BB0]  }
0x31c: {  	v40 =	vld [tilespmem:$0x7BC0]  }
0x31d: {  	v41 =	vld [tilespmem:$0x7BD0]  }
0x31e: {  	v42 =	vld [tilespmem:$0x7BE0]  }
0x31f: {  	v43 =	vld [tilespmem:$0x7BF0]  }
0x320: {  	v44 =	vld [tilespmem:$0x7C00]  }
0x321: {  	v45 =	vld [tilespmem:$0x7C10]  }
0x322: {  	v46 =	vld [tilespmem:$0x7C20]  }
0x323: {  	v47 =	vld [tilespmem:$0x7C30]  }
0x324: {  	v48 =	vld [tilespmem:$0x7C40]  }
0x325: {  	v49 =	vld [tilespmem:$0x7C50]  }
0x326: {  	v50 =	vld [tilespmem:$0x7C60]  }
0x327: {  	v51 =	vld [tilespmem:$0x7C70]  }
0x328: {  	v52 =	vld [tilespmem:$0x7C80]  }
0x329: {  	v53 =	vld [tilespmem:$0x7C90]  }
0x32a: {  	v54 =	vld [tilespmem:$0x7CA0]  }
0x32b: {  	v55 =	vld [tilespmem:$0x7CB0]  }
0x32c: {  	v56 =	vld [tilespmem:$0x7CC0]  }
0x32d: {  	v57 =	vld [tilespmem:$0x7CD0]  }
0x32e: {  	v58 =	vld [tilespmem:$0x7CE0]  }
0x32f: {  	v59 =	vld [tilespmem:$0x7CF0]  }
0x330: {  	v11 =	vld [tilespmem:$0x7D30]  }
0x331: {  	v7 =	vld [tilespmem:$0x7D50]  }
0x332: {  	v15 =	vld [tilespmem:$0x7DE0];
	v0 =	vadd.bf16 v1, v0  }
0x333: {  	v1 =	vadd.bf16 v3, v2;
	v2 =	vld [tilespmem:$0x7D00];
	v3 =	vadd.bf16 v5, v4  }
0x334: {  	v61 =	vadd.bf16 v61, v6;
	v5 =	vld [tilespmem:$0x7D10];
	v62 =	vadd.bf16 v62, v8  }
0x335: {  	v63 =	vadd.bf16 v63, v10;
	v8 =	vld [tilespmem:$0x7D20];
	v13 =	vadd.bf16 v13, v12  }
0x336: {  	v60 =	vadd.bf16 v60, v14;
	v17 =	vadd.bf16 v17, v16;
	v12 =	vld [tilespmem:$0x7D60]  }
0x337: {  	v4 =	vld [tilespmem:$0x7D70];
	v25 =	vadd.bf16 v25, v24;
	v27 =	vadd.bf16 v27, v26  }
0x338: {  	v6 =	vld [tilespmem:$0x7D80];
	v29 =	vadd.bf16 v29, v28;
	v31 =	vadd.bf16 v31, v30  }
0x339: {  	v14 =	vld [tilespmem:$0x7DA0];
	v32 =	vadd.bf16 v33, v32;
	v33 =	vadd.bf16 v35, v34  }
0x33a: {  	v24 =	vld [tilespmem:$0x7E00];
	v41 =	vadd.bf16 v41, v40;
	v43 =	vadd.bf16 v43, v42  }
0x33b: {  	v16 =	vld [tilespmem:$0x7E10];
	v45 =	vadd.bf16 v45, v44;
	v46 =	vadd.bf16 v47, v46  }
0x33c: {  	v26 =	vld [tilespmem:$0x7E20];
	v47 =	vadd.bf16 v49, v48;
	v48 =	vadd.bf16 v51, v50  }
0x33d: {  	v49 =	vadd.bf16 v53, v52;
	v50 =	vadd.bf16 v55, v54;
	v54 =	vld [tilespmem:$0x7E70]  }
0x33e: {  	v55 =	vadd.bf16 v57, v56;
	v56 =	vadd.bf16 v59, v58;
	v57 =	vld [tilespmem:$0x7E80]  }
0x33f: {  	v59 =	vld [tilespmem:$0x7E90];
	v0 =	vadd.bf16 v1, v0;
	v61 =	vadd.bf16 v61, v3  }
0x340: {  	v30 =	vld [tilespmem:$0x7ED0];
	v62 =	vadd.bf16 v63, v62;
	v63 =	vadd.bf16 v60, v13  }
0x341: {  	v42 =	vld [tilespmem:$0x7F10];
	v60 =	vadd.bf16 v19, v18;
	v34 =	vadd.bf16 v27, v25  }
0x342: {  	v3 =	vld [tilespmem:$0x7D40];
	v35 =	vadd.bf16 v31, v29;
	v18 =	vadd.bf16 v43, v41  }
0x343: {  	v1 =	vld [tilespmem:$0x7D90];
	v51 =	vadd.bf16 v46, v45;
	v52 =	vadd.bf16 v48, v47  }
0x344: {  	v19 =	vld [tilespmem:$0x7DF0];
	v53 =	vadd.bf16 v50, v49;
	v0 =	vadd.bf16 v61, v0  }
0x345: {  	v29 =	vld [tilespmem:$0x7E30];
	v61 =	vadd.bf16 v63, v62;
	v9 =	vadd.bf16 v60, v17  }
0x346: {  	v27 =	vld [tilespmem:$0x7E60];
	v62 =	vadd.bf16 v21, v20;
	v63 =	vadd.bf16 v23, v22  }
0x347: {  	v43 =	vld [tilespmem:$0x7F20];
	v60 =	vadd.bf16 v33, v32;
	v18 =	vadd.bf16 v51, v18  }
0x348: {  	v45 =	vld [tilespmem:$0x7F30];
	v58 =	vadd.bf16 v53, v52;
	v2 =	vadd.bf16 v5, v2  }
0x349: {  	v50 =	vld [tilespmem:$0x7F60];
	v33 =	vadd.bf16 v11, v8;
	v4 =	vadd.bf16 v4, v12  }
0x34a: {  	v17 =	vld [tilespmem:$0x7DB0];
	v46 =	vadd.bf16 v16, v24;
	v0 =	vadd.bf16 v61, v0  }
0x34b: {  	v20 =	vld [tilespmem:$0x7DC0];
	v10 =	vadd.bf16 v63, v62;
	v61 =	vadd.bf16 v37, v36  }
0x34c: {  	v23 =	vld [tilespmem:$0x7DD0];
	v62 =	vadd.bf16 v39, v38;
	v63 =	vadd.bf16 v60, v35  }
0x34d: {  	v32 =	vld [tilespmem:$0x7E40];
	v18 =	vadd.bf16 v58, v18;
	v3 =	vadd.bf16 v7, v3  }
0x34e: {  	v53 =	vld [tilespmem:$0x7F70];
	v1 =	vadd.bf16 v1, v6;
	v41 =	vadd.bf16 v19, v15  }
0x34f: {  	v35 =	vld [tilespmem:$0x7E50];
	v2 =	vadd.bf16 v33, v2;
	v47 =	vadd.bf16 v29, v26  }
0x350: {  	v60 =	vld [tilespmem:$0x7EA0];
	v52 =	vadd.bf16 v54, v27;
	v54 =	vadd.bf16 v59, v57  }
0x351: {  	v37 =	vld [tilespmem:$0x7EF0];
	v10 =	vadd.bf16 v34, v10;
	v21 =	vadd.bf16 v62, v61  }
0x352: {  	v39 =	vld [tilespmem:$0x7F00];
	v61 =	vadd.bf16 v56, v55;
	v0 =	vadd.bf16 v9, v0  }
0x353: {  	v62 =	vld [tilespmem:$0x7EB0];
	v38 =	vadd.bf16 v17, v14;
	v40 =	vadd.bf16 v23, v20  }
0x354: {  	v34 =	vld [tilespmem:$0x7EE0];
	v3 =	vadd.bf16 v4, v3;
	v4 =	vadd.bf16 v45, v43  }
0x355: {  	v5 =	vadd.bf16 v53, v50;
	v10 =	vadd.bf16 v63, v10;
	v63 =	vld [tilespmem:$0x7EC0]  }
0x356: {  	v58 =	vadd.bf16 v47, v46;
	v18 =	vadd.bf16 v61, v18  }
0x357: {  	v48 =	vld [tilespmem:$0x7F40];
	v1 =	vadd.bf16 v38, v1;
	v44 =	vadd.bf16 v41, v40  }
0x358: {  	v49 =	vld [tilespmem:$0x7F50];
	v2 =	vadd.bf16 v3, v2;
	v51 =	vadd.bf16 v35, v32  }
0x359: {  	v55 =	vadd.bf16 v42, v39;
	v13 =	vadd.bf16 v62, v60  }
0x35a: {  	v7 =	vadd.bf16 v37, v34;
	v9 =	vadd.bf16 v30, v63  }
0x35b: {  	v56 =	vadd.bf16 v52, v51;
	v4 =	vadd.bf16 v4, v55  }
0x35c: {  	v57 =	vadd.bf16 v13, v54;
	v7 =	vadd.bf16 v7, v9  }
0x35d: {  	v3 =	vadd.bf16 v49, v48;
	v1 =	vadd.bf16 v44, v1  }
0x35e: {  	v6 =	vadd.bf16 v57, v56;
	v4 =	vadd.bf16 v4, v7  }
0x35f: {  	v10 =	vadd.bf16 v21, v10;
	v1 =	vadd.bf16 v1, v2  }
0x360: {  	[tilespmem:$0x7210] =	vst v0;
	v59 =	vadd.bf16 v5, v3;
	v60 =	vadd.bf16 v4, v6  }
0x361: {  	[tilespmem:$0x7230] =	vst v18;
	v1 =	vadd.bf16 v58, v1  }
0x362: {  	[tilespmem:$0x7220] =	vst v10;
	v0 =	vadd.bf16 v59, v60  }
0x363: {  	[tilespmem:$0x7240] =	vst v1  }
0x364: {  	[tilespmem:$0x7250] =	vst v0  }
0x365: {  	_ =	swait.ge [sflag:s20], $0x640  }
0x366: {  	[sflag:s20] =	ssyncset.done $0x0  }
0x367: {  	[sflag:s20] =	ssyncadd.s32 $0xFFFFF9C0  }
0x368: {  	v0 =	vld [tilespmem:$0x7F80]  }
0x369: {  	v1 =	vld [tilespmem:$0x7F90]  }
0x36a: {  	v2 =	vld [tilespmem:$0x7FA0]  }
0x36b: {  	v3 =	vld [tilespmem:$0x7FB0]  }
0x36c: {  	v4 =	vld [tilespmem:$0x7FC0]  }
0x36d: {  	v5 =	vld [tilespmem:$0x7FD0]  }
0x36e: {  	v6 =	vld [tilespmem:$0x7FE0]  }
0x36f: {  	v61 =	vld [tilespmem:$0x7FF0]  }
0x370: {  	v8 =	vld [tilespmem:$0x8000]  }
0x371: {  	v62 =	vld [tilespmem:$0x8010]  }
0x372: {  	v10 =	vld [tilespmem:$0x8020]  }
0x373: {  	v63 =	vld [tilespmem:$0x8030]  }
0x374: {  	v12 =	vld [tilespmem:$0x8040]  }
0x375: {  	v13 =	vld [tilespmem:$0x8050]  }
0x376: {  	v14 =	vld [tilespmem:$0x8060]  }
0x377: {  	v60 =	vld [tilespmem:$0x8070]  }
0x378: {  	v16 =	vld [tilespmem:$0x8080]  }
0x379: {  	v17 =	vld [tilespmem:$0x8090]  }
0x37a: {  	v18 =	vld [tilespmem:$0x80A0]  }
0x37b: {  	v19 =	vld [tilespmem:$0x80B0]  }
0x37c: {  	v20 =	vld [tilespmem:$0x80C0]  }
0x37d: {  	v21 =	vld [tilespmem:$0x80D0]  }
0x37e: {  	v22 =	vld [tilespmem:$0x80E0]  }
0x37f: {  	v23 =	vld [tilespmem:$0x80F0]  }
0x380: {  	v24 =	vld [tilespmem:$0x8100]  }
0x381: {  	v25 =	vld [tilespmem:$0x8110]  }
0x382: {  	v26 =	vld [tilespmem:$0x8120]  }
0x383: {  	v27 =	vld [tilespmem:$0x8130]  }
0x384: {  	v28 =	vld [tilespmem:$0x8140]  }
0x385: {  	v29 =	vld [tilespmem:$0x8150]  }
0x386: {  	v30 =	vld [tilespmem:$0x8160]  }
0x387: {  	v31 =	vld [tilespmem:$0x8170]  }
0x388: {  	v32 =	vld [tilespmem:$0x8180]  }
0x389: {  	v33 =	vld [tilespmem:$0x8190]  }
0x38a: {  	v34 =	vld [tilespmem:$0x81A0]  }
0x38b: {  	v35 =	vld [tilespmem:$0x81B0]  }
0x38c: {  	v36 =	vld [tilespmem:$0x81C0]  }
0x38d: {  	v37 =	vld [tilespmem:$0x81D0]  }
0x38e: {  	v38 =	vld [tilespmem:$0x81E0]  }
0x38f: {  	v39 =	vld [tilespmem:$0x81F0]  }
0x390: {  	v40 =	vld [tilespmem:$0x8200]  }
0x391: {  	v41 =	vld [tilespmem:$0x8210]  }
0x392: {  	v42 =	vld [tilespmem:$0x8220]  }
0x393: {  	v43 =	vld [tilespmem:$0x8230]  }
0x394: {  	v44 =	vld [tilespmem:$0x8240]  }
0x395: {  	v45 =	vld [tilespmem:$0x8250]  }
0x396: {  	v46 =	vld [tilespmem:$0x8260]  }
0x397: {  	v47 =	vld [tilespmem:$0x8270]  }
0x398: {  	v48 =	vld [tilespmem:$0x8280]  }
0x399: {  	v49 =	vld [tilespmem:$0x8290]  }
0x39a: {  	v50 =	vld [tilespmem:$0x82A0]  }
0x39b: {  	v51 =	vld [tilespmem:$0x82B0]  }
0x39c: {  	v52 =	vld [tilespmem:$0x82C0]  }
0x39d: {  	v53 =	vld [tilespmem:$0x82D0]  }
0x39e: {  	v54 =	vld [tilespmem:$0x82E0]  }
0x39f: {  	v55 =	vld [tilespmem:$0x82F0]  }
0x3a0: {  	v56 =	vld [tilespmem:$0x8300]  }
0x3a1: {  	v57 =	vld [tilespmem:$0x8310]  }
0x3a2: {  	v58 =	vld [tilespmem:$0x8320]  }
0x3a3: {  	v59 =	vld [tilespmem:$0x8330]  }
0x3a4: {  	v11 =	vld [tilespmem:$0x8370]  }
0x3a5: {  	v7 =	vld [tilespmem:$0x8390]  }
0x3a6: {  	v15 =	vld [tilespmem:$0x8420];
	v0 =	vadd.bf16 v1, v0  }
0x3a7: {  	v1 =	vadd.bf16 v3, v2;
	v2 =	vld [tilespmem:$0x8340];
	v3 =	vadd.bf16 v5, v4  }
0x3a8: {  	v61 =	vadd.bf16 v61, v6;
	v5 =	vld [tilespmem:$0x8350];
	v62 =	vadd.bf16 v62, v8  }
0x3a9: {  	v63 =	vadd.bf16 v63, v10;
	v8 =	vld [tilespmem:$0x8360];
	v13 =	vadd.bf16 v13, v12  }
0x3aa: {  	v60 =	vadd.bf16 v60, v14;
	v17 =	vadd.bf16 v17, v16;
	v12 =	vld [tilespmem:$0x83A0]  }
0x3ab: {  	v4 =	vld [tilespmem:$0x83B0];
	v25 =	vadd.bf16 v25, v24;
	v27 =	vadd.bf16 v27, v26  }
0x3ac: {  	v6 =	vld [tilespmem:$0x83C0];
	v29 =	vadd.bf16 v29, v28;
	v31 =	vadd.bf16 v31, v30  }
0x3ad: {  	v14 =	vld [tilespmem:$0x83E0];
	v32 =	vadd.bf16 v33, v32;
	v33 =	vadd.bf16 v35, v34  }
0x3ae: {  	v24 =	vld [tilespmem:$0x8440];
	v41 =	vadd.bf16 v41, v40;
	v43 =	vadd.bf16 v43, v42  }
0x3af: {  	v16 =	vld [tilespmem:$0x8450];
	v45 =	vadd.bf16 v45, v44;
	v46 =	vadd.bf16 v47, v46  }
0x3b0: {  	v26 =	vld [tilespmem:$0x8460];
	v47 =	vadd.bf16 v49, v48;
	v48 =	vadd.bf16 v51, v50  }
0x3b1: {  	v49 =	vadd.bf16 v53, v52;
	v50 =	vadd.bf16 v55, v54;
	v54 =	vld [tilespmem:$0x84B0]  }
0x3b2: {  	v55 =	vadd.bf16 v57, v56;
	v56 =	vadd.bf16 v59, v58;
	v57 =	vld [tilespmem:$0x84C0]  }
0x3b3: {  	v59 =	vld [tilespmem:$0x84D0];
	v0 =	vadd.bf16 v1, v0;
	v61 =	vadd.bf16 v61, v3  }
0x3b4: {  	v30 =	vld [tilespmem:$0x8510];
	v62 =	vadd.bf16 v63, v62;
	v63 =	vadd.bf16 v60, v13  }
0x3b5: {  	v42 =	vld [tilespmem:$0x8550];
	v60 =	vadd.bf16 v19, v18;
	v34 =	vadd.bf16 v27, v25  }
0x3b6: {  	v3 =	vld [tilespmem:$0x8380];
	v35 =	vadd.bf16 v31, v29;
	v18 =	vadd.bf16 v43, v41  }
0x3b7: {  	v1 =	vld [tilespmem:$0x83D0];
	v51 =	vadd.bf16 v46, v45;
	v52 =	vadd.bf16 v48, v47  }
0x3b8: {  	v19 =	vld [tilespmem:$0x8430];
	v53 =	vadd.bf16 v50, v49;
	v0 =	vadd.bf16 v61, v0  }
0x3b9: {  	v29 =	vld [tilespmem:$0x8470];
	v61 =	vadd.bf16 v63, v62;
	v9 =	vadd.bf16 v60, v17  }
0x3ba: {  	v27 =	vld [tilespmem:$0x84A0];
	v62 =	vadd.bf16 v21, v20;
	v63 =	vadd.bf16 v23, v22  }
0x3bb: {  	v43 =	vld [tilespmem:$0x8560];
	v60 =	vadd.bf16 v33, v32;
	v18 =	vadd.bf16 v51, v18  }
0x3bc: {  	v45 =	vld [tilespmem:$0x8570];
	v58 =	vadd.bf16 v53, v52;
	v2 =	vadd.bf16 v5, v2  }
0x3bd: {  	v50 =	vld [tilespmem:$0x85A0];
	v33 =	vadd.bf16 v11, v8;
	v4 =	vadd.bf16 v4, v12  }
0x3be: {  	v17 =	vld [tilespmem:$0x83F0];
	v46 =	vadd.bf16 v16, v24;
	v0 =	vadd.bf16 v61, v0  }
0x3bf: {  	v20 =	vld [tilespmem:$0x8400];
	v10 =	vadd.bf16 v63, v62;
	v61 =	vadd.bf16 v37, v36  }
0x3c0: {  	v23 =	vld [tilespmem:$0x8410];
	v62 =	vadd.bf16 v39, v38;
	v63 =	vadd.bf16 v60, v35  }
0x3c1: {  	v32 =	vld [tilespmem:$0x8480];
	v18 =	vadd.bf16 v58, v18;
	v3 =	vadd.bf16 v7, v3  }
0x3c2: {  	v53 =	vld [tilespmem:$0x85B0];
	v1 =	vadd.bf16 v1, v6;
	v41 =	vadd.bf16 v19, v15  }
0x3c3: {  	v35 =	vld [tilespmem:$0x8490];
	v2 =	vadd.bf16 v33, v2;
	v47 =	vadd.bf16 v29, v26  }
0x3c4: {  	v60 =	vld [tilespmem:$0x84E0];
	v52 =	vadd.bf16 v54, v27;
	v54 =	vadd.bf16 v59, v57  }
0x3c5: {  	v37 =	vld [tilespmem:$0x8530];
	v10 =	vadd.bf16 v34, v10;
	v21 =	vadd.bf16 v62, v61  }
0x3c6: {  	v39 =	vld [tilespmem:$0x8540];
	v61 =	vadd.bf16 v56, v55;
	v0 =	vadd.bf16 v9, v0  }
0x3c7: {  	v62 =	vld [tilespmem:$0x84F0];
	v38 =	vadd.bf16 v17, v14;
	v40 =	vadd.bf16 v23, v20  }
0x3c8: {  	v34 =	vld [tilespmem:$0x8520];
	v3 =	vadd.bf16 v4, v3;
	v4 =	vadd.bf16 v45, v43  }
0x3c9: {  	v5 =	vadd.bf16 v53, v50;
	v10 =	vadd.bf16 v63, v10;
	v63 =	vld [tilespmem:$0x8500]  }
0x3ca: {  	v58 =	vadd.bf16 v47, v46;
	v18 =	vadd.bf16 v61, v18  }
0x3cb: {  	v48 =	vld [tilespmem:$0x8580];
	v1 =	vadd.bf16 v38, v1;
	v44 =	vadd.bf16 v41, v40  }
0x3cc: {  	v49 =	vld [tilespmem:$0x8590];
	v2 =	vadd.bf16 v3, v2;
	v51 =	vadd.bf16 v35, v32  }
0x3cd: {  	v55 =	vadd.bf16 v42, v39;
	v13 =	vadd.bf16 v62, v60  }
0x3ce: {  	v7 =	vadd.bf16 v37, v34;
	v9 =	vadd.bf16 v30, v63  }
0x3cf: {  	v56 =	vadd.bf16 v52, v51;
	v4 =	vadd.bf16 v4, v55  }
0x3d0: {  	v57 =	vadd.bf16 v13, v54;
	v7 =	vadd.bf16 v7, v9  }
0x3d1: {  	v3 =	vadd.bf16 v49, v48;
	v1 =	vadd.bf16 v44, v1  }
0x3d2: {  	v6 =	vadd.bf16 v57, v56;
	v4 =	vadd.bf16 v4, v7  }
0x3d3: {  	v10 =	vadd.bf16 v21, v10;
	v1 =	vadd.bf16 v1, v2  }
0x3d4: {  	[tilespmem:$0x7260] =	vst v0;
	v59 =	vadd.bf16 v5, v3;
	v60 =	vadd.bf16 v4, v6  }
0x3d5: {  	[tilespmem:$0x7280] =	vst v18;
	v1 =	vadd.bf16 v58, v1  }
0x3d6: {  	[tilespmem:$0x7270] =	vst v10;
	v0 =	vadd.bf16 v59, v60  }
0x3d7: {  	[tilespmem:$0x7290] =	vst v1  }
0x3d8: {  	[tilespmem:$0x72A0] =	vst v0  }
0x3d9: {  	_ =	swait.ge [sflag:s21], $0x640  }
0x3da: {  	[sflag:s21] =	ssyncset.done $0x0  }
0x3db: {  	[sflag:s21] =	ssyncadd.s32 $0xFFFFF9C0  }
0x3dc: {  	v0 =	vld [tilespmem:$0x85C0]  }
0x3dd: {  	v1 =	vld [tilespmem:$0x85D0]  }
0x3de: {  	v2 =	vld [tilespmem:$0x85E0]  }
0x3df: {  	v3 =	vld [tilespmem:$0x85F0]  }
0x3e0: {  	v4 =	vld [tilespmem:$0x8600]  }
0x3e1: {  	v5 =	vld [tilespmem:$0x8610]  }
0x3e2: {  	v6 =	vld [tilespmem:$0x8620]  }
0x3e3: {  	v61 =	vld [tilespmem:$0x8630]  }
0x3e4: {  	v8 =	vld [tilespmem:$0x8640]  }
0x3e5: {  	v62 =	vld [tilespmem:$0x8650]  }
0x3e6: {  	v10 =	vld [tilespmem:$0x8660]  }
0x3e7: {  	v63 =	vld [tilespmem:$0x8670]  }
0x3e8: {  	v12 =	vld [tilespmem:$0x8680]  }
0x3e9: {  	v13 =	vld [tilespmem:$0x8690]  }
0x3ea: {  	v14 =	vld [tilespmem:$0x86A0]  }
0x3eb: {  	v60 =	vld [tilespmem:$0x86B0]  }
0x3ec: {  	v16 =	vld [tilespmem:$0x86C0]  }
0x3ed: {  	v17 =	vld [tilespmem:$0x86D0]  }
0x3ee: {  	v18 =	vld [tilespmem:$0x86E0]  }
0x3ef: {  	v19 =	vld [tilespmem:$0x86F0]  }
0x3f0: {  	v20 =	vld [tilespmem:$0x8700]  }
0x3f1: {  	v21 =	vld [tilespmem:$0x8710]  }
0x3f2: {  	v22 =	vld [tilespmem:$0x8720]  }
0x3f3: {  	v23 =	vld [tilespmem:$0x8730]  }
0x3f4: {  	v24 =	vld [tilespmem:$0x8740]  }
0x3f5: {  	v25 =	vld [tilespmem:$0x8750]  }
0x3f6: {  	v26 =	vld [tilespmem:$0x8760]  }
0x3f7: {  	v27 =	vld [tilespmem:$0x8770]  }
0x3f8: {  	v28 =	vld [tilespmem:$0x8780]  }
0x3f9: {  	v29 =	vld [tilespmem:$0x8790]  }
0x3fa: {  	v30 =	vld [tilespmem:$0x87A0]  }
0x3fb: {  	v31 =	vld [tilespmem:$0x87B0]  }
0x3fc: {  	v32 =	vld [tilespmem:$0x87C0]  }
0x3fd: {  	v33 =	vld [tilespmem:$0x87D0]  }
0x3fe: {  	v34 =	vld [tilespmem:$0x87E0]  }
0x3ff: {  	v35 =	vld [tilespmem:$0x87F0]  }
0x400: {  	v36 =	vld [tilespmem:$0x8800]  }
0x401: {  	v37 =	vld [tilespmem:$0x8810]  }
0x402: {  	v38 =	vld [tilespmem:$0x8820]  }
0x403: {  	v39 =	vld [tilespmem:$0x8830]  }
0x404: {  	v40 =	vld [tilespmem:$0x8840]  }
0x405: {  	v41 =	vld [tilespmem:$0x8850]  }
0x406: {  	v42 =	vld [tilespmem:$0x8860]  }
0x407: {  	v43 =	vld [tilespmem:$0x8870]  }
0x408: {  	v44 =	vld [tilespmem:$0x8880]  }
0x409: {  	v45 =	vld [tilespmem:$0x8890]  }
0x40a: {  	v46 =	vld [tilespmem:$0x88A0]  }
0x40b: {  	v47 =	vld [tilespmem:$0x88B0]  }
0x40c: {  	v48 =	vld [tilespmem:$0x88C0]  }
0x40d: {  	v49 =	vld [tilespmem:$0x88D0]  }
0x40e: {  	v50 =	vld [tilespmem:$0x88E0]  }
0x40f: {  	v51 =	vld [tilespmem:$0x88F0]  }
0x410: {  	v52 =	vld [tilespmem:$0x8900]  }
0x411: {  	v53 =	vld [tilespmem:$0x8910]  }
0x412: {  	v54 =	vld [tilespmem:$0x8920]  }
0x413: {  	v55 =	vld [tilespmem:$0x8930]  }
0x414: {  	v56 =	vld [tilespmem:$0x8940]  }
0x415: {  	v57 =	vld [tilespmem:$0x8950]  }
0x416: {  	v58 =	vld [tilespmem:$0x8960]  }
0x417: {  	v59 =	vld [tilespmem:$0x8970]  }
0x418: {  	v11 =	vld [tilespmem:$0x89B0]  }
0x419: {  	v7 =	vld [tilespmem:$0x89D0]  }
0x41a: {  	v15 =	vld [tilespmem:$0x8A60];
	v0 =	vadd.bf16 v1, v0  }
0x41b: {  	v1 =	vadd.bf16 v3, v2;
	v2 =	vld [tilespmem:$0x8980];
	v3 =	vadd.bf16 v5, v4  }
0x41c: {  	v61 =	vadd.bf16 v61, v6;
	v5 =	vld [tilespmem:$0x8990];
	v62 =	vadd.bf16 v62, v8  }
0x41d: {  	v63 =	vadd.bf16 v63, v10;
	v8 =	vld [tilespmem:$0x89A0];
	v13 =	vadd.bf16 v13, v12  }
0x41e: {  	v60 =	vadd.bf16 v60, v14;
	v17 =	vadd.bf16 v17, v16;
	v12 =	vld [tilespmem:$0x89E0]  }
0x41f: {  	v4 =	vld [tilespmem:$0x89F0];
	v25 =	vadd.bf16 v25, v24;
	v27 =	vadd.bf16 v27, v26  }
0x420: {  	v6 =	vld [tilespmem:$0x8A00];
	v29 =	vadd.bf16 v29, v28;
	v31 =	vadd.bf16 v31, v30  }
0x421: {  	v14 =	vld [tilespmem:$0x8A20];
	v33 =	vadd.bf16 v33, v32;
	v35 =	vadd.bf16 v35, v34  }
0x422: {  	v24 =	vld [tilespmem:$0x8A80];
	v41 =	vadd.bf16 v41, v40;
	v43 =	vadd.bf16 v43, v42  }
0x423: {  	v16 =	vld [tilespmem:$0x8A90];
	v45 =	vadd.bf16 v45, v44;
	v47 =	vadd.bf16 v47, v46  }
0x424: {  	v26 =	vld [tilespmem:$0x8AA0];
	v48 =	vadd.bf16 v49, v48;
	v49 =	vadd.bf16 v51, v50  }
0x425: {  	v32 =	vld [tilespmem:$0x8AC0];
	v50 =	vadd.bf16 v53, v52;
	v51 =	vadd.bf16 v55, v54  }
0x426: {  	v55 =	vld [tilespmem:$0x8AF0];
	v57 =	vadd.bf16 v57, v56;
	v59 =	vadd.bf16 v59, v58  }
0x427: {  	v34 =	vld [tilespmem:$0x8B40];
	v0 =	vadd.bf16 v1, v0;
	v61 =	vadd.bf16 v61, v3  }
0x428: {  	v40 =	vld [tilespmem:$0x8B70];
	v62 =	vadd.bf16 v63, v62;
	v63 =	vadd.bf16 v60, v13  }
0x429: {  	v42 =	vld [tilespmem:$0x8B80];
	v60 =	vadd.bf16 v19, v18;
	v18 =	vadd.bf16 v43, v41  }
0x42a: {  	v46 =	vld [tilespmem:$0x8BA0];
	v52 =	vadd.bf16 v47, v45;
	v53 =	vadd.bf16 v49, v48  }
0x42b: {  	v3 =	vld [tilespmem:$0x89C0];
	v54 =	vadd.bf16 v51, v50;
	v30 =	vadd.bf16 v59, v57  }
0x42c: {  	v1 =	vld [tilespmem:$0x8A10];
	v0 =	vadd.bf16 v61, v0;
	v61 =	vadd.bf16 v63, v62  }
0x42d: {  	v19 =	vld [tilespmem:$0x8A70];
	v9 =	vadd.bf16 v60, v17;
	v62 =	vadd.bf16 v21, v20  }
0x42e: {  	v45 =	vld [tilespmem:$0x8B90];
	v63 =	vadd.bf16 v23, v22;
	v60 =	vadd.bf16 v27, v25  }
0x42f: {  	v48 =	vld [tilespmem:$0x8BB0];
	v21 =	vadd.bf16 v37, v36;
	v22 =	vadd.bf16 v39, v38  }
0x430: {  	v51 =	vld [tilespmem:$0x8BC0];
	v18 =	vadd.bf16 v52, v18;
	v2 =	vadd.bf16 v5, v2  }
0x431: {  	v17 =	vld [tilespmem:$0x8A30];
	v38 =	vadd.bf16 v11, v8;
	v4 =	vadd.bf16 v4, v12  }
0x432: {  	v20 =	vld [tilespmem:$0x8A40];
	v49 =	vadd.bf16 v16, v24;
	v0 =	vadd.bf16 v61, v0  }
0x433: {  	v23 =	vld [tilespmem:$0x8A50];
	v10 =	vadd.bf16 v63, v62;
	v61 =	vadd.bf16 v31, v29  }
0x434: {  	v27 =	vld [tilespmem:$0x8AE0];
	v62 =	vadd.bf16 v35, v33;
	v21 =	vadd.bf16 v22, v21  }
0x435: {  	v37 =	vld [tilespmem:$0x8B50];
	v3 =	vadd.bf16 v7, v3;
	v1 =	vadd.bf16 v1, v6  }
0x436: {  	v39 =	vld [tilespmem:$0x8B60];
	v44 =	vadd.bf16 v19, v15;
	v2 =	vadd.bf16 v38, v2  }
0x437: {  	v52 =	vld [tilespmem:$0x8BD0];
	v58 =	vadd.bf16 v45, v42;
	v10 =	vadd.bf16 v60, v10  }
0x438: {  	v29 =	vld [tilespmem:$0x8AB0];
	v63 =	vadd.bf16 v62, v61;
	v61 =	vadd.bf16 v54, v53  }
0x439: {  	v35 =	vld [tilespmem:$0x8AD0];
	v0 =	vadd.bf16 v9, v0;
	v41 =	vadd.bf16 v17, v14  }
0x43a: {  	v33 =	vld [tilespmem:$0x8B30];
	v43 =	vadd.bf16 v23, v20;
	v3 =	vadd.bf16 v4, v3  }
0x43b: {  	v60 =	vld [tilespmem:$0x8B00];
	v54 =	vadd.bf16 v55, v27;
	v9 =	vadd.bf16 v37, v34  }
0x43c: {  	v62 =	vld [tilespmem:$0x8B10];
	v7 =	vadd.bf16 v40, v39;
	v4 =	vadd.bf16 v48, v46  }
0x43d: {  	v10 =	vadd.bf16 v63, v10;
	v63 =	vld [tilespmem:$0x8B20];
	v18 =	vadd.bf16 v61, v18  }
0x43e: {  	v1 =	vadd.bf16 v41, v1;
	v47 =	vadd.bf16 v44, v43  }
0x43f: {  	v50 =	vadd.bf16 v29, v26;
	v2 =	vadd.bf16 v3, v2  }
0x440: {  	v57 =	vld [tilespmem:$0x8BF0];
	v53 =	vadd.bf16 v35, v32;
	v7 =	vadd.bf16 v7, v9  }
0x441: {  	v55 =	vld [tilespmem:$0x8BE0];
	v4 =	vadd.bf16 v4, v58;
	v3 =	vadd.bf16 v52, v51  }
0x442: {  	v56 =	vadd.bf16 v62, v60;
	v13 =	vadd.bf16 v33, v63  }
0x443: {  	v10 =	vadd.bf16 v21, v10;
	v18 =	vadd.bf16 v30, v18  }
0x444: {  	v5 =	vadd.bf16 v54, v53;
	v59 =	vadd.bf16 v13, v56  }
0x445: {  	v1 =	vadd.bf16 v47, v1;
	v4 =	vadd.bf16 v4, v7  }
0x446: {  	v60 =	vadd.bf16 v57, v55;
	v5 =	vadd.bf16 v59, v5  }
0x447: {  	v61 =	vadd.bf16 v50, v49;
	v1 =	vadd.bf16 v1, v2  }
0x448: {  	[tilespmem:$0x72B0] =	vst v0;
	v62 =	vadd.bf16 v60, v3;
	v63 =	vadd.bf16 v4, v5  }
0x449: {  	[tilespmem:$0x72C0] =	vst v10;
	v1 =	vadd.bf16 v61, v1  }
0x44a: {  	s24 =	sadd.s32 $0x1, s24;
	[tilespmem:$0x72D0] =	vst v18;
	v0 =	vadd.bf16 v62, v63  }
0x44b: {  	s25 =	sshll.u32 s25, $0x1;
	p1 =	sne.s32 s24, $0x8;
	[tilespmem:$0x72E0] =	vst v1  }
.Ltmp1:
0x44c: {  	s25 =	sadd.s32 s5, s25;
	[tilespmem:$0x72F0] =	vst v0;
	(pc) =	sbr.rel @p1 .LBB2_2-.Ltmp1, $4  }
0x44d: {  	[hbm4b:s25+s3] =	stream.linear.scatter [tilespmem:s22], [sflag:$0x5], $0x3200, $0x38;
	[tilespmem:$0x8FE8] =	vst v63  }
0x44e: {  	_ =	swait.ge [sflag:s9], $0x3200  }
0x44f: {  	[sflag:s9] =	ssyncset.done $0x0  }
0x450: {  	[sflag:s9] =	ssyncadd.s32 $0xFFFFCE00  }
0x451: {  	s23 =	sadd.s32 $0x1, s23  }
0x452: {  	p1 =	sne.s32 s23, s7  }
.Ltmp2:
0x453: {  	_ = 	snop;
	(pc) =	sbr.rel @p1 .LBB2_1-.Ltmp2, $1  }
0x454: {  	_ =	sdelay $0x3  }
0x455: {  	_ =	sfence.sel $0x180000  }
0x456: {  	[bflag:$0x0] =	sbarrier.arrive $0xFFFF  }
0x457: {  	_ =	strace $0x90000047  }
0x458: {  	s0 =	sadd.s32 @!p0 $0x100000, s0;
	[bflag:$0x2] =	sbarrier.arrive $0xFFFF  }
0x459: {  	[sflag:s0] =	ssyncadd.tile.s32 @!p0 $0x1;
	_ =	shalt  }
.Lfunc_end2:
_tile_overlayer_lowered:
.L_overlay_start_2:
0x45a: {  	(tag) =	ssettag $0x2  }
0x45b: {  	s0 =	rddreg [dreg:$0x0];
	s2 =	stileid.u32  }
0x45c: {  	s1 =	rddreg [dreg:$0x1];
	p0 =	sne.s32 s2, $0x0  }
0x45d: {  	s3 =	rddreg [dreg:$0x2];
	[bflag:$0x3] =	sbarrier.arrive $0xFFFF;
	s2 =	simm.s32 @!p0 $0x1C05  }
0x45e: {  	[timem:s3], [sflag:s2] =	dma.local @!p0 [hbm:s0], s1  }
0x45f: {  	s0 =	simm.s32 @!p0 $0x5  }
0x460: {  	_ =	swait.ge @!p0 [sflag:s0], s1  }
0x461: {  	s1 =	ssub.s32 @!p0 $0x0, s1;
	[sflag:s0] =	ssyncset.done @!p0 $0x0  }
0x462: {  	[sflag:s0] =	ssyncadd.s32 @!p0 s1  }
0x463: {  	[bflag:$0x3] =	sbarrier.arrive $0xFFFF  }
0x464: {  	_ =	shalt  }

</sc_bundles>
